<compile_context>
chip_gen: v7x
topology: tpu7x:2x2x1
jax: 0.10.2.dev20260603
libtpu: 0.0.44.dev20260713+nightly
codegen_flags: <defaults>
</compile_context>

<pallas_src>
import functools

import jax
import jax.numpy as jnp
from jax import lax
from jax.experimental import pallas as pl
from jax.experimental.pallas import tpu as pltpu
from jax.experimental.pallas import tpu_sc as plsc

NUM = 100000
DIM = 128
PAD_IDX = 0

_info = plsc.get_sparse_core_info()
_NC, _NS = _info.num_cores, _info.num_subcores
_NW = _NC * _NS

_CHUNK = 256
_STREAMS = _CHUNK // 128


def _body(x_hbm, w_hbm, out_hbm, idx_v, rows_v, gsems, osems):
    wid = lax.axis_index("s") * _NC + lax.axis_index("c")
    n_total = out_hbm.shape[0]
    b_per_w = n_total // _NW
    nchunk = b_per_w // _CHUNK
    base = wid * b_per_w

    def load_idx(g, buf):
        pos = base + g * _CHUNK
        for k in range(_STREAMS):
            pltpu.sync_copy(x_hbm.at[pl.ds(pos + k * 128, 128)],
                            idx_v.at[buf, k])

    def fire_gather(g, buf):
        for k in range(_STREAMS):
            pltpu.async_copy(w_hbm.at[idx_v.at[buf, k]],
                             rows_v.at[buf, pl.ds(k * 128, 128)],
                             gsems[buf])

    def wait_gather(buf):
        for k in range(_STREAMS):
            pltpu.make_async_copy(w_hbm.at[pl.ds(0, 128)],
                                  rows_v.at[buf, pl.ds(k * 128, 128)],
                                  gsems[buf]).wait()

    def fire_out(g, buf):
        pos = base + g * _CHUNK
        pltpu.async_copy(rows_v.at[buf], out_hbm.at[pl.ds(pos, _CHUNK)],
                         osems[buf])

    def wait_out(buf):
        pltpu.make_async_copy(w_hbm.at[pl.ds(0, _CHUNK)],
                              rows_v.at[buf], osems[buf]).wait()

    def fixup(buf):
        zeros = jnp.zeros((16,), jnp.float32)
        acc = idx_v[buf, 0, pl.ds(0, 16)]
        for k in range(_STREAMS):
            for j in range(8):
                if k == 0 and j == 0:
                    continue
                acc = jnp.minimum(acc, idx_v[buf, k, pl.ds(j * 16, 16)])
        m = acc[0]
        for t in range(1, 16):
            m = jnp.minimum(m, acc[t])

        @pl.when(m == PAD_IDX)
        def _():
            def group(s, _):
                k = s // 8
                jbase = (s % 8) * 16
                idxv = idx_v[buf, k, pl.ds(jbase, 16)]
                for t in range(16):
                    @pl.when(idxv[t] == PAD_IDX)
                    def _():
                        for c in range(DIM // 16):
                            rows_v[buf, s * 16 + t, pl.ds(c * 16, 16)] = zeros
                return 0

            lax.fori_loop(0, _CHUNK // 16, group, 0)

    load_idx(0, 0)
    fire_gather(0, 0)

    def pair(p, _):
        for b in range(2):
            g = 2 * p + b
            nb = 1 - b

            @pl.when(g + 1 < nchunk)
            def _():
                @pl.when(g >= 1)
                def _():
                    wait_out(nb)
                load_idx(g + 1, nb)
                fire_gather(g + 1, nb)

            wait_gather(b)
            fixup(b)
            fire_out(g, b)
        return 0

    lax.fori_loop(0, nchunk // 2, pair, 0)
    wait_out(0)
    wait_out(1)


def kernel(x, weight):
    n = x.shape[0] * x.shape[1]
    xf = x.reshape(n).astype(jnp.int32)
    mesh = plsc.VectorSubcoreMesh(core_axis_name="c", subcore_axis_name="s")
    out = pl.kernel(
        _body,
        out_type=jax.ShapeDtypeStruct((n, DIM), jnp.float32),
        mesh=mesh,
        scratch_types=[
            pltpu.VMEM((2, _STREAMS, 128), jnp.int32),
            pltpu.VMEM((2, _CHUNK, DIM), jnp.float32),
            [pltpu.SemaphoreType.DMA, pltpu.SemaphoreType.DMA],
            [pltpu.SemaphoreType.DMA, pltpu.SemaphoreType.DMA],
        ],
    )(xf, weight)
    return out.reshape(x.shape[0], x.shape[1], DIM)

# --- scband reference (transcript-rebuilt; emitter-appended) ---
"""Pipeline reference for scband-embedding-2508260901001 (READ-ONLY COPY).

The authoritative reference and input builder live on the scoring server;
editing this copy changes nothing except your own understanding.
"""

import jax, jax.numpy as jnp
import numpy as np

NUM = 100000
DIM = 128
PAD_IDX = 0

def setup_inputs(seed: int = 0) -> dict:
    key = jax.random.key(seed)
    k1, k2 = jax.random.split(key)
    x = jax.random.randint(k1, (4096, 200), 0, NUM, dtype=jnp.int64 if jax.config.jax_enable_x64 else jnp.int32)
    weight = jax.random.normal(k2, (NUM, DIM), dtype=jnp.float32)
    return {"x": x, "weight": weight}

def reference(x, weight):
    # Zero out the padding row (mirrors the in-place fill_(0) in forward)
    w = weight.at[PAD_IDX].set(0.0)
    # Embedding lookup: gather rows
    return jnp.take(w, x, axis=0)

if __name__ == "__main__":
    import jax
    _d = setup_inputs()
    print(jax.jit(kernel)(*tuple(_d.values())))

</pallas_src>

<mosaic_0001>
#map = affine_map<(d0, d1) -> (0)>
#map1 = affine_map<(d0, d1) -> (0, 0)>
module attributes {stable_mosaic.version = 14 : i64} {
  func.func @_body(%arg0: i32, %arg1: i32, %arg2: memref<819200xi32, #tpu.memory_space<hbm>>, %arg3: memref<100000x128xf32, #tpu.memory_space<hbm>>, %arg4: memref<819200x128xf32, #tpu.memory_space<hbm>>, %arg5: memref<2x2x128xi32, #tpu.memory_space<vmem>>, %arg6: memref<2x256x128xf32, #tpu.memory_space<vmem>>, %arg7: memref<!tpu.dma_semaphore, #tpu.memory_space<semaphore_mem>>, %arg8: memref<!tpu.dma_semaphore, #tpu.memory_space<semaphore_mem>>, %arg9: memref<!tpu.dma_semaphore, #tpu.memory_space<semaphore_mem>>, %arg10: memref<!tpu.dma_semaphore, #tpu.memory_space<semaphore_mem>>) attributes {dimension_semantics = [#tpu.dimension_semantics<core_parallel>, #tpu.dimension_semantics<subcore_parallel>], iteration_bounds = array<i64: 2, 16>, scalar_prefetch = 0 : i64, scratch_operands = 6 : i64, tpu.core_type = #tpu.core_type<sc_vector_subcore>, window_params = [{transform_indices = #map}, {transform_indices = #map1}, {transform_indices = #map1}]} {
    %mul3A = arith.constant 2 : i32
    %mul3A_0 = arith.muli %arg1, %mul3A : i32
    %add3A = arith.addi %mul3A_0, %arg0 : i32
    %mul3A_1 = arith.constant 25600 : i32
    %mul3A_2 = arith.muli %add3A, %mul3A_1 : i32
    %add3A_3 = arith.constant 0 : i32
    %add3A_4 = arith.addi %mul3A_2, %add3A_3 : i32
    %add3A_5 = arith.constant 0 : i32
    %add3A_6 = arith.addi %add3A_4, %add3A_5 : i32
    %run_scoped3A = arith.constant 0 : i32
    %run_scoped3A_7 = arith.constant 0 : i32
    "tpu.region"() ({
      %run_scoped3A_72 = tpu.sem_alloc : memref<!tpu.dma_semaphore, #tpu.memory_space<semaphore_mem>>
      %dma_start3A_73 = arith.constant 0 : i32
      %dma_start3A_74 = tpu.memref_slice %arg5[%run_scoped3A, %run_scoped3A_7, %dma_start3A_73] : memref<2x2x128xi32, #tpu.memory_space<vmem>> -> memref<1x1x128xi32, #tpu.memory_space<vmem>>
      %dma_start3A_75 = tpu.memref_squeeze %dma_start3A_74 : memref<1x1x128xi32, #tpu.memory_space<vmem>> -> memref<128xi32, #tpu.memory_space<vmem>>
      %dma_start3A_76 = tpu.memref_slice %arg2[%add3A_6] : memref<819200xi32, #tpu.memory_space<hbm>> -> memref<128xi32, #tpu.memory_space<hbm>>
      %dma_start3A_77 = arith.constant 0 : i32
      %dma_start3A_78 = tpu.memref_slice %arg5[%run_scoped3A, %run_scoped3A_7, %dma_start3A_77] : memref<2x2x128xi32, #tpu.memory_space<vmem>> -> memref<1x1x128xi32, #tpu.memory_space<vmem>>
      %dma_start3A_79 = tpu.memref_squeeze %dma_start3A_78 : memref<1x1x128xi32, #tpu.memory_space<vmem>> -> memref<128xi32, #tpu.memory_space<vmem>>
      %dma_start3A_80 = tpu.memref_slice %arg2[%add3A_6] : memref<819200xi32, #tpu.memory_space<hbm>> -> memref<128xi32, #tpu.memory_space<hbm>>
      tpu.enqueue_dma source(%dma_start3A_80 : memref<128xi32, #tpu.memory_space<hbm>>) target(%dma_start3A_79 : memref<128xi32, #tpu.memory_space<vmem>>) target_semaphore(%run_scoped3A_72 : memref<!tpu.dma_semaphore, #tpu.memory_space<semaphore_mem>>)
      %dma_wait3A_81 = arith.constant 0 : i32
      %dma_wait3A_82 = tpu.memref_slice %arg5[%run_scoped3A, %run_scoped3A_7, %dma_wait3A_81] : memref<2x2x128xi32, #tpu.memory_space<vmem>> -> memref<1x1x128xi32, #tpu.memory_space<vmem>>
      %dma_wait3A_83 = tpu.memref_squeeze %dma_wait3A_82 : memref<1x1x128xi32, #tpu.memory_space<vmem>> -> memref<128xi32, #tpu.memory_space<vmem>>
      %dma_wait3A_84 = tpu.memref_slice %arg2[%add3A_6] : memref<819200xi32, #tpu.memory_space<hbm>> -> memref<128xi32, #tpu.memory_space<hbm>>
      %dma_wait3A_85 = arith.constant 0 : i32
      %dma_wait3A_86 = tpu.memref_slice %arg5[%run_scoped3A, %run_scoped3A_7, %dma_wait3A_85] : memref<2x2x128xi32, #tpu.memory_space<vmem>> -> memref<1x1x128xi32, #tpu.memory_space<vmem>>
      %dma_wait3A_87 = tpu.memref_squeeze %dma_wait3A_86 : memref<1x1x128xi32, #tpu.memory_space<vmem>> -> memref<128xi32, #tpu.memory_space<vmem>>
      %dma_wait3A_88 = tpu.memref_slice %arg2[%add3A_6] : memref<819200xi32, #tpu.memory_space<hbm>> -> memref<128xi32, #tpu.memory_space<hbm>>
      tpu.wait_dma2 semaphore(%run_scoped3A_72 : memref<!tpu.dma_semaphore, #tpu.memory_space<semaphore_mem>>) src(%dma_wait3A_88 : memref<128xi32, #tpu.memory_space<hbm>>) dst(%dma_wait3A_87 : memref<128xi32, #tpu.memory_space<vmem>>)
      tpu.yield
    }) : () -> ()
    %add3A_8 = arith.constant 128 : i32
    %add3A_9 = arith.addi %add3A_4, %add3A_8 : i32
    %run_scoped3A_10 = arith.constant 0 : i32
    %run_scoped3A_11 = arith.constant 1 : i32
    "tpu.region"() ({
      %run_scoped3A_72 = tpu.sem_alloc : memref<!tpu.dma_semaphore, #tpu.memory_space<semaphore_mem>>
      %dma_start3A_73 = arith.constant 0 : i32
      %dma_start3A_74 = tpu.memref_slice %arg5[%run_scoped3A_10, %run_scoped3A_11, %dma_start3A_73] : memref<2x2x128xi32, #tpu.memory_space<vmem>> -> memref<1x1x128xi32, #tpu.memory_space<vmem>>
      %dma_start3A_75 = tpu.memref_squeeze %dma_start3A_74 : memref<1x1x128xi32, #tpu.memory_space<vmem>> -> memref<128xi32, #tpu.memory_space<vmem>>
      %dma_start3A_76 = tpu.memref_slice %arg2[%add3A_9] : memref<819200xi32, #tpu.memory_space<hbm>> -> memref<128xi32, #tpu.memory_space<hbm>>
      %dma_start3A_77 = arith.constant 0 : i32
      %dma_start3A_78 = tpu.memref_slice %arg5[%run_scoped3A_10, %run_scoped3A_11, %dma_start3A_77] : memref<2x2x128xi32, #tpu.memory_space<vmem>> -> memref<1x1x128xi32, #tpu.memory_space<vmem>>
      %dma_start3A_79 = tpu.memref_squeeze %dma_start3A_78 : memref<1x1x128xi32, #tpu.memory_space<vmem>> -> memref<128xi32, #tpu.memory_space<vmem>>
      %dma_start3A_80 = tpu.memref_slice %arg2[%add3A_9] : memref<819200xi32, #tpu.memory_space<hbm>> -> memref<128xi32, #tpu.memory_space<hbm>>
      tpu.enqueue_dma source(%dma_start3A_80 : memref<128xi32, #tpu.memory_space<hbm>>) target(%dma_start3A_79 : memref<128xi32, #tpu.memory_space<vmem>>) target_semaphore(%run_scoped3A_72 : memref<!tpu.dma_semaphore, #tpu.memory_space<semaphore_mem>>)
      %dma_wait3A_81 = arith.constant 0 : i32
      %dma_wait3A_82 = tpu.memref_slice %arg5[%run_scoped3A_10, %run_scoped3A_11, %dma_wait3A_81] : memref<2x2x128xi32, #tpu.memory_space<vmem>> -> memref<1x1x128xi32, #tpu.memory_space<vmem>>
      %dma_wait3A_83 = tpu.memref_squeeze %dma_wait3A_82 : memref<1x1x128xi32, #tpu.memory_space<vmem>> -> memref<128xi32, #tpu.memory_space<vmem>>
      %dma_wait3A_84 = tpu.memref_slice %arg2[%add3A_9] : memref<819200xi32, #tpu.memory_space<hbm>> -> memref<128xi32, #tpu.memory_space<hbm>>
      %dma_wait3A_85 = arith.constant 0 : i32
      %dma_wait3A_86 = tpu.memref_slice %arg5[%run_scoped3A_10, %run_scoped3A_11, %dma_wait3A_85] : memref<2x2x128xi32, #tpu.memory_space<vmem>> -> memref<1x1x128xi32, #tpu.memory_space<vmem>>
      %dma_wait3A_87 = tpu.memref_squeeze %dma_wait3A_86 : memref<1x1x128xi32, #tpu.memory_space<vmem>> -> memref<128xi32, #tpu.memory_space<vmem>>
      %dma_wait3A_88 = tpu.memref_slice %arg2[%add3A_9] : memref<819200xi32, #tpu.memory_space<hbm>> -> memref<128xi32, #tpu.memory_space<hbm>>
      tpu.wait_dma2 semaphore(%run_scoped3A_72 : memref<!tpu.dma_semaphore, #tpu.memory_space<semaphore_mem>>) src(%dma_wait3A_88 : memref<128xi32, #tpu.memory_space<hbm>>) dst(%dma_wait3A_87 : memref<128xi32, #tpu.memory_space<vmem>>)
      tpu.yield
    }) : () -> ()
    %dma_start3A = arith.constant 0 : i32
    %dma_start3A_12 = arith.constant 0 : i32
    %dma_start3A_13 = arith.constant 0 : i32
    %dma_start3A_14 = arith.constant 0 : i32
    %dma_start3A_15 = arith.constant 0 : i32
    %dma_start3A_16 = tpu.memref_slice %arg6[%dma_start3A_13, %dma_start3A_14, %dma_start3A_15] : memref<2x256x128xf32, #tpu.memory_space<vmem>> -> memref<1x128x128xf32, #tpu.memory_space<vmem>>
    %dma_start3A_17 = tpu.memref_squeeze %dma_start3A_16 : memref<1x128x128xf32, #tpu.memory_space<vmem>> -> memref<128x128xf32, #tpu.memory_space<vmem>>
    %dma_start3A_18 = arith.constant 0 : i32
    %dma_start3A_19 = tpu.memref_slice %arg5[%dma_start3A, %dma_start3A_12, %dma_start3A_18] : memref<2x2x128xi32, #tpu.memory_space<vmem>> -> memref<1x1x128xi32, #tpu.memory_space<vmem>>
    %dma_start3A_20 = tpu.memref_squeeze %dma_start3A_19 : memref<1x1x128xi32, #tpu.memory_space<vmem>> -> memref<128xi32, #tpu.memory_space<vmem>>
    %dma_start3A_21 = arith.constant 0 : i32
    %dma_start3A_22 = arith.constant 0 : i32
    %dma_start3A_23 = tpu.memref_slice %arg3[%dma_start3A_21, %dma_start3A_22] : memref<100000x128xf32, #tpu.memory_space<hbm>> -> memref<100000x128xf32, #tpu.memory_space<hbm>>
    tpu.enqueue_indirect_dma source(%dma_start3A_23 : memref<100000x128xf32, #tpu.memory_space<hbm>>) target(%dma_start3A_17 : memref<128x128xf32, #tpu.memory_space<vmem>>) offsets(%dma_start3A_20 : memref<128xi32, #tpu.memory_space<vmem>>) semaphore(%arg7 : memref<!tpu.dma_semaphore, #tpu.memory_space<semaphore_mem>>)
    %dma_start3A_24 = arith.constant 0 : i32
    %dma_start3A_25 = arith.constant 1 : i32
    %dma_start3A_26 = arith.constant 0 : i32
    %dma_start3A_27 = arith.constant 128 : i32
    %dma_start3A_28 = arith.constant 0 : i32
    %dma_start3A_29 = tpu.memref_slice %arg6[%dma_start3A_26, %dma_start3A_27, %dma_start3A_28] : memref<2x256x128xf32, #tpu.memory_space<vmem>> -> memref<1x128x128xf32, #tpu.memory_space<vmem>>
    %dma_start3A_30 = tpu.memref_squeeze %dma_start3A_29 : memref<1x128x128xf32, #tpu.memory_space<vmem>> -> memref<128x128xf32, #tpu.memory_space<vmem>>
    %dma_start3A_31 = arith.constant 0 : i32
    %dma_start3A_32 = tpu.memref_slice %arg5[%dma_start3A_24, %dma_start3A_25, %dma_start3A_31] : memref<2x2x128xi32, #tpu.memory_space<vmem>> -> memref<1x1x128xi32, #tpu.memory_space<vmem>>
    %dma_start3A_33 = tpu.memref_squeeze %dma_start3A_32 : memref<1x1x128xi32, #tpu.memory_space<vmem>> -> memref<128xi32, #tpu.memory_space<vmem>>
    %dma_start3A_34 = arith.constant 0 : i32
    %dma_start3A_35 = arith.constant 0 : i32
    %dma_start3A_36 = tpu.memref_slice %arg3[%dma_start3A_34, %dma_start3A_35] : memref<100000x128xf32, #tpu.memory_space<hbm>> -> memref<100000x128xf32, #tpu.memory_space<hbm>>
    tpu.enqueue_indirect_dma source(%dma_start3A_36 : memref<100000x128xf32, #tpu.memory_space<hbm>>) target(%dma_start3A_30 : memref<128x128xf32, #tpu.memory_space<vmem>>) offsets(%dma_start3A_33 : memref<128xi32, #tpu.memory_space<vmem>>) semaphore(%arg7 : memref<!tpu.dma_semaphore, #tpu.memory_space<semaphore_mem>>)
    %scan3A = arith.constant 0 : i32
    %scan3A_37 = arith.constant 0 : i32
    %scan3A_38 = arith.constant 50 : i32
    %scan3A_39 = arith.addi %scan3A_37, %scan3A_38 : i32
    %scan3A_40 = arith.constant 1 : i32
    %scan3A_41 = scf.for %scan3A_72 = %scan3A_37 to %scan3A_39 step %scan3A_40 iter_args(%scan3A_73 = %scan3A) -> (i32)  : i32 {
      %mul3A_74 = arith.constant 2 : i32
      %mul3A_75 = arith.muli %mul3A_74, %scan3A_72 : i32
      %add3A_76 = arith.constant 0 : i32
      %add3A_77 = arith.addi %mul3A_75, %add3A_76 : i32
      %add3A_78 = arith.constant 1 : i32
      %add3A_79 = arith.addi %add3A_77, %add3A_78 : i32
      %lt3A = arith.constant 100 : i32
      %lt3A_80 = arith.cmpi slt, %add3A_79, %lt3A : i32
      %convert_element_type3A = arith.extui %lt3A_80 : i1 to i32
      %cond3A = arith.constant 0 : i32
      %cond3A_81 = arith.cmpi ne, %convert_element_type3A, %cond3A : i32
      scf.if %cond3A_81 {
        %ge3A = arith.constant 1 : i32
        %ge3A_542 = arith.cmpi sge, %add3A_77, %ge3A : i32
        %convert_element_type3A_543 = arith.extui %ge3A_542 : i1 to i32
        %cond3A_544 = arith.constant 0 : i32
        %cond3A_545 = arith.cmpi ne, %convert_element_type3A_543, %cond3A_544 : i32
        scf.if %cond3A_545 {
          %dma_wait3A_587 = arith.constant 1 : i32
          %dma_wait3A_588 = arith.constant 0 : i32
          %dma_wait3A_589 = arith.constant 0 : i32
          %dma_wait3A_590 = tpu.memref_slice %arg6[%dma_wait3A_587, %dma_wait3A_588, %dma_wait3A_589] : memref<2x256x128xf32, #tpu.memory_space<vmem>> -> memref<1x256x128xf32, #tpu.memory_space<vmem>>
          %dma_wait3A_591 = tpu.memref_squeeze %dma_wait3A_590 : memref<1x256x128xf32, #tpu.memory_space<vmem>> -> memref<256x128xf32, #tpu.memory_space<vmem>>
          %dma_wait3A_592 = arith.constant 0 : i32
          %dma_wait3A_593 = arith.constant 0 : i32
          %dma_wait3A_594 = tpu.memref_slice %arg3[%dma_wait3A_592, %dma_wait3A_593] : memref<100000x128xf32, #tpu.memory_space<hbm>> -> memref<256x128xf32, #tpu.memory_space<hbm>>
          %dma_wait3A_595 = arith.constant 0 : i32
          %dma_wait3A_596 = arith.constant 0 : i32
          %dma_wait3A_597 = tpu.memref_slice %arg6[%dma_wait3A_587, %dma_wait3A_595, %dma_wait3A_596] : memref<2x256x128xf32, #tpu.memory_space<vmem>> -> memref<1x256x128xf32, #tpu.memory_space<vmem>>
          %dma_wait3A_598 = tpu.memref_squeeze %dma_wait3A_597 : memref<1x256x128xf32, #tpu.memory_space<vmem>> -> memref<256x128xf32, #tpu.memory_space<vmem>>
          %dma_wait3A_599 = arith.constant 0 : i32
          %dma_wait3A_600 = arith.constant 0 : i32
          %dma_wait3A_601 = tpu.memref_slice %arg3[%dma_wait3A_599, %dma_wait3A_600] : memref<100000x128xf32, #tpu.memory_space<hbm>> -> memref<256x128xf32, #tpu.memory_space<hbm>>
          tpu.wait_dma2 semaphore(%arg10 : memref<!tpu.dma_semaphore, #tpu.memory_space<semaphore_mem>>) src(%dma_wait3A_601 : memref<256x128xf32, #tpu.memory_space<hbm>>) dst(%dma_wait3A_598 : memref<256x128xf32, #tpu.memory_space<vmem>>)
        } else {
        }
        %add3A_546 = arith.constant 1 : i32
        %add3A_547 = arith.addi %add3A_77, %add3A_546 : i32
        %mul3A_548 = arith.constant 256 : i32
        %mul3A_549 = arith.muli %add3A_547, %mul3A_548 : i32
        %add3A_550 = arith.addi %mul3A_2, %mul3A_549 : i32
        %add3A_551 = arith.constant 0 : i32
        %add3A_552 = arith.addi %add3A_550, %add3A_551 : i32
        %run_scoped3A_553 = arith.constant 1 : i32
        %run_scoped3A_554 = arith.constant 0 : i32
        "tpu.region"() ({
          %run_scoped3A_587 = tpu.sem_alloc : memref<!tpu.dma_semaphore, #tpu.memory_space<semaphore_mem>>
          %dma_start3A_588 = arith.constant 0 : i32
          %dma_start3A_589 = tpu.memref_slice %arg5[%run_scoped3A_553, %run_scoped3A_554, %dma_start3A_588] : memref<2x2x128xi32, #tpu.memory_space<vmem>> -> memref<1x1x128xi32, #tpu.memory_space<vmem>>
          %dma_start3A_590 = tpu.memref_squeeze %dma_start3A_589 : memref<1x1x128xi32, #tpu.memory_space<vmem>> -> memref<128xi32, #tpu.memory_space<vmem>>
          %dma_start3A_591 = tpu.memref_slice %arg2[%add3A_552] : memref<819200xi32, #tpu.memory_space<hbm>> -> memref<128xi32, #tpu.memory_space<hbm>>
          %dma_start3A_592 = arith.constant 0 : i32
          %dma_start3A_593 = tpu.memref_slice %arg5[%run_scoped3A_553, %run_scoped3A_554, %dma_start3A_592] : memref<2x2x128xi32, #tpu.memory_space<vmem>> -> memref<1x1x128xi32, #tpu.memory_space<vmem>>
          %dma_start3A_594 = tpu.memref_squeeze %dma_start3A_593 : memref<1x1x128xi32, #tpu.memory_space<vmem>> -> memref<128xi32, #tpu.memory_space<vmem>>
          %dma_start3A_595 = tpu.memref_slice %arg2[%add3A_552] : memref<819200xi32, #tpu.memory_space<hbm>> -> memref<128xi32, #tpu.memory_space<hbm>>
          tpu.enqueue_dma source(%dma_start3A_595 : memref<128xi32, #tpu.memory_space<hbm>>) target(%dma_start3A_594 : memref<128xi32, #tpu.memory_space<vmem>>) target_semaphore(%run_scoped3A_587 : memref<!tpu.dma_semaphore, #tpu.memory_space<semaphore_mem>>)
          %dma_wait3A_596 = arith.constant 0 : i32
          %dma_wait3A_597 = tpu.memref_slice %arg5[%run_scoped3A_553, %run_scoped3A_554, %dma_wait3A_596] : memref<2x2x128xi32, #tpu.memory_space<vmem>> -> memref<1x1x128xi32, #tpu.memory_space<vmem>>
          %dma_wait3A_598 = tpu.memref_squeeze %dma_wait3A_597 : memref<1x1x128xi32, #tpu.memory_space<vmem>> -> memref<128xi32, #tpu.memory_space<vmem>>
          %dma_wait3A_599 = tpu.memref_slice %arg2[%add3A_552] : memref<819200xi32, #tpu.memory_space<hbm>> -> memref<128xi32, #tpu.memory_space<hbm>>
          %dma_wait3A_600 = arith.constant 0 : i32
          %dma_wait3A_601 = tpu.memref_slice %arg5[%run_scoped3A_553, %run_scoped3A_554, %dma_wait3A_600] : memref<2x2x128xi32, #tpu.memory_space<vmem>> -> memref<1x1x128xi32, #tpu.memory_space<vmem>>
          %dma_wait3A_602 = tpu.memref_squeeze %dma_wait3A_601 : memref<1x1x128xi32, #tpu.memory_space<vmem>> -> memref<128xi32, #tpu.memory_space<vmem>>
          %dma_wait3A_603 = tpu.memref_slice %arg2[%add3A_552] : memref<819200xi32, #tpu.memory_space<hbm>> -> memref<128xi32, #tpu.memory_space<hbm>>
          tpu.wait_dma2 semaphore(%run_scoped3A_587 : memref<!tpu.dma_semaphore, #tpu.memory_space<semaphore_mem>>) src(%dma_wait3A_603 : memref<128xi32, #tpu.memory_space<hbm>>) dst(%dma_wait3A_602 : memref<128xi32, #tpu.memory_space<vmem>>)
          tpu.yield
        }) : () -> ()
        %add3A_555 = arith.constant 128 : i32
        %add3A_556 = arith.addi %add3A_550, %add3A_555 : i32
        %run_scoped3A_557 = arith.constant 1 : i32
        %run_scoped3A_558 = arith.constant 1 : i32
        "tpu.region"() ({
          %run_scoped3A_587 = tpu.sem_alloc : memref<!tpu.dma_semaphore, #tpu.memory_space<semaphore_mem>>
          %dma_start3A_588 = arith.constant 0 : i32
          %dma_start3A_589 = tpu.memref_slice %arg5[%run_scoped3A_557, %run_scoped3A_558, %dma_start3A_588] : memref<2x2x128xi32, #tpu.memory_space<vmem>> -> memref<1x1x128xi32, #tpu.memory_space<vmem>>
          %dma_start3A_590 = tpu.memref_squeeze %dma_start3A_589 : memref<1x1x128xi32, #tpu.memory_space<vmem>> -> memref<128xi32, #tpu.memory_space<vmem>>
          %dma_start3A_591 = tpu.memref_slice %arg2[%add3A_556] : memref<819200xi32, #tpu.memory_space<hbm>> -> memref<128xi32, #tpu.memory_space<hbm>>
          %dma_start3A_592 = arith.constant 0 : i32
          %dma_start3A_593 = tpu.memref_slice %arg5[%run_scoped3A_557, %run_scoped3A_558, %dma_start3A_592] : memref<2x2x128xi32, #tpu.memory_space<vmem>> -> memref<1x1x128xi32, #tpu.memory_space<vmem>>
          %dma_start3A_594 = tpu.memref_squeeze %dma_start3A_593 : memref<1x1x128xi32, #tpu.memory_space<vmem>> -> memref<128xi32, #tpu.memory_space<vmem>>
          %dma_start3A_595 = tpu.memref_slice %arg2[%add3A_556] : memref<819200xi32, #tpu.memory_space<hbm>> -> memref<128xi32, #tpu.memory_space<hbm>>
          tpu.enqueue_dma source(%dma_start3A_595 : memref<128xi32, #tpu.memory_space<hbm>>) target(%dma_start3A_594 : memref<128xi32, #tpu.memory_space<vmem>>) target_semaphore(%run_scoped3A_587 : memref<!tpu.dma_semaphore, #tpu.memory_space<semaphore_mem>>)
          %dma_wait3A_596 = arith.constant 0 : i32
          %dma_wait3A_597 = tpu.memref_slice %arg5[%run_scoped3A_557, %run_scoped3A_558, %dma_wait3A_596] : memref<2x2x128xi32, #tpu.memory_space<vmem>> -> memref<1x1x128xi32, #tpu.memory_space<vmem>>
          %dma_wait3A_598 = tpu.memref_squeeze %dma_wait3A_597 : memref<1x1x128xi32, #tpu.memory_space<vmem>> -> memref<128xi32, #tpu.memory_space<vmem>>
          %dma_wait3A_599 = tpu.memref_slice %arg2[%add3A_556] : memref<819200xi32, #tpu.memory_space<hbm>> -> memref<128xi32, #tpu.memory_space<hbm>>
          %dma_wait3A_600 = arith.constant 0 : i32
          %dma_wait3A_601 = tpu.memref_slice %arg5[%run_scoped3A_557, %run_scoped3A_558, %dma_wait3A_600] : memref<2x2x128xi32, #tpu.memory_space<vmem>> -> memref<1x1x128xi32, #tpu.memory_space<vmem>>
          %dma_wait3A_602 = tpu.memref_squeeze %dma_wait3A_601 : memref<1x1x128xi32, #tpu.memory_space<vmem>> -> memref<128xi32, #tpu.memory_space<vmem>>
          %dma_wait3A_603 = tpu.memref_slice %arg2[%add3A_556] : memref<819200xi32, #tpu.memory_space<hbm>> -> memref<128xi32, #tpu.memory_space<hbm>>
          tpu.wait_dma2 semaphore(%run_scoped3A_587 : memref<!tpu.dma_semaphore, #tpu.memory_space<semaphore_mem>>) src(%dma_wait3A_603 : memref<128xi32, #tpu.memory_space<hbm>>) dst(%dma_wait3A_602 : memref<128xi32, #tpu.memory_space<vmem>>)
          tpu.yield
        }) : () -> ()
        %add3A_559 = arith.constant 1 : i32
        %add3A_560 = arith.addi %add3A_77, %add3A_559 : i32
        %dma_start3A_561 = arith.constant 1 : i32
        %dma_start3A_562 = arith.constant 0 : i32
        %dma_start3A_563 = arith.constant 1 : i32
        %dma_start3A_564 = arith.constant 0 : i32
        %dma_start3A_565 = arith.constant 0 : i32
        %dma_start3A_566 = tpu.memref_slice %arg6[%dma_start3A_563, %dma_start3A_564, %dma_start3A_565] : memref<2x256x128xf32, #tpu.memory_space<vmem>> -> memref<1x128x128xf32, #tpu.memory_space<vmem>>
        %dma_start3A_567 = tpu.memref_squeeze %dma_start3A_566 : memref<1x128x128xf32, #tpu.memory_space<vmem>> -> memref<128x128xf32, #tpu.memory_space<vmem>>
        %dma_start3A_568 = arith.constant 0 : i32
        %dma_start3A_569 = tpu.memref_slice %arg5[%dma_start3A_561, %dma_start3A_562, %dma_start3A_568] : memref<2x2x128xi32, #tpu.memory_space<vmem>> -> memref<1x1x128xi32, #tpu.memory_space<vmem>>
        %dma_start3A_570 = tpu.memref_squeeze %dma_start3A_569 : memref<1x1x128xi32, #tpu.memory_space<vmem>> -> memref<128xi32, #tpu.memory_space<vmem>>
        %dma_start3A_571 = arith.constant 0 : i32
        %dma_start3A_572 = arith.constant 0 : i32
        %dma_start3A_573 = tpu.memref_slice %arg3[%dma_start3A_571, %dma_start3A_572] : memref<100000x128xf32, #tpu.memory_space<hbm>> -> memref<100000x128xf32, #tpu.memory_space<hbm>>
        tpu.enqueue_indirect_dma source(%dma_start3A_573 : memref<100000x128xf32, #tpu.memory_space<hbm>>) target(%dma_start3A_567 : memref<128x128xf32, #tpu.memory_space<vmem>>) offsets(%dma_start3A_570 : memref<128xi32, #tpu.memory_space<vmem>>) semaphore(%arg8 : memref<!tpu.dma_semaphore, #tpu.memory_space<semaphore_mem>>)
        %dma_start3A_574 = arith.constant 1 : i32
        %dma_start3A_575 = arith.constant 1 : i32
        %dma_start3A_576 = arith.constant 1 : i32
        %dma_start3A_577 = arith.constant 128 : i32
        %dma_start3A_578 = arith.constant 0 : i32
        %dma_start3A_579 = tpu.memref_slice %arg6[%dma_start3A_576, %dma_start3A_577, %dma_start3A_578] : memref<2x256x128xf32, #tpu.memory_space<vmem>> -> memref<1x128x128xf32, #tpu.memory_space<vmem>>
        %dma_start3A_580 = tpu.memref_squeeze %dma_start3A_579 : memref<1x128x128xf32, #tpu.memory_space<vmem>> -> memref<128x128xf32, #tpu.memory_space<vmem>>
        %dma_start3A_581 = arith.constant 0 : i32
        %dma_start3A_582 = tpu.memref_slice %arg5[%dma_start3A_574, %dma_start3A_575, %dma_start3A_581] : memref<2x2x128xi32, #tpu.memory_space<vmem>> -> memref<1x1x128xi32, #tpu.memory_space<vmem>>
        %dma_start3A_583 = tpu.memref_squeeze %dma_start3A_582 : memref<1x1x128xi32, #tpu.memory_space<vmem>> -> memref<128xi32, #tpu.memory_space<vmem>>
        %dma_start3A_584 = arith.constant 0 : i32
        %dma_start3A_585 = arith.constant 0 : i32
        %dma_start3A_586 = tpu.memref_slice %arg3[%dma_start3A_584, %dma_start3A_585] : memref<100000x128xf32, #tpu.memory_space<hbm>> -> memref<100000x128xf32, #tpu.memory_space<hbm>>
        tpu.enqueue_indirect_dma source(%dma_start3A_586 : memref<100000x128xf32, #tpu.memory_space<hbm>>) target(%dma_start3A_580 : memref<128x128xf32, #tpu.memory_space<vmem>>) offsets(%dma_start3A_583 : memref<128xi32, #tpu.memory_space<vmem>>) semaphore(%arg8 : memref<!tpu.dma_semaphore, #tpu.memory_space<semaphore_mem>>)
      } else {
      }
      %dma_wait3A_82 = arith.constant 0 : i32
      %dma_wait3A_83 = arith.constant 0 : i32
      %dma_wait3A_84 = arith.constant 0 : i32
      %dma_wait3A_85 = tpu.memref_slice %arg6[%dma_wait3A_82, %dma_wait3A_83, %dma_wait3A_84] : memref<2x256x128xf32, #tpu.memory_space<vmem>> -> memref<1x128x128xf32, #tpu.memory_space<vmem>>
      %dma_wait3A_86 = tpu.memref_squeeze %dma_wait3A_85 : memref<1x128x128xf32, #tpu.memory_space<vmem>> -> memref<128x128xf32, #tpu.memory_space<vmem>>
      %dma_wait3A_87 = arith.constant 0 : i32
      %dma_wait3A_88 = arith.constant 0 : i32
      %dma_wait3A_89 = tpu.memref_slice %arg3[%dma_wait3A_87, %dma_wait3A_88] : memref<100000x128xf32, #tpu.memory_space<hbm>> -> memref<128x128xf32, #tpu.memory_space<hbm>>
      %dma_wait3A_90 = arith.constant 0 : i32
      %dma_wait3A_91 = arith.constant 0 : i32
      %dma_wait3A_92 = tpu.memref_slice %arg6[%dma_wait3A_82, %dma_wait3A_90, %dma_wait3A_91] : memref<2x256x128xf32, #tpu.memory_space<vmem>> -> memref<1x128x128xf32, #tpu.memory_space<vmem>>
      %dma_wait3A_93 = tpu.memref_squeeze %dma_wait3A_92 : memref<1x128x128xf32, #tpu.memory_space<vmem>> -> memref<128x128xf32, #tpu.memory_space<vmem>>
      %dma_wait3A_94 = arith.constant 0 : i32
      %dma_wait3A_95 = arith.constant 0 : i32
      %dma_wait3A_96 = tpu.memref_slice %arg3[%dma_wait3A_94, %dma_wait3A_95] : memref<100000x128xf32, #tpu.memory_space<hbm>> -> memref<128x128xf32, #tpu.memory_space<hbm>>
      tpu.wait_dma2 semaphore(%arg7 : memref<!tpu.dma_semaphore, #tpu.memory_space<semaphore_mem>>) src(%dma_wait3A_96 : memref<128x128xf32, #tpu.memory_space<hbm>>) dst(%dma_wait3A_93 : memref<128x128xf32, #tpu.memory_space<vmem>>)
      %dma_wait3A_97 = arith.constant 0 : i32
      %dma_wait3A_98 = arith.constant 128 : i32
      %dma_wait3A_99 = arith.constant 0 : i32
      %dma_wait3A_100 = tpu.memref_slice %arg6[%dma_wait3A_97, %dma_wait3A_98, %dma_wait3A_99] : memref<2x256x128xf32, #tpu.memory_space<vmem>> -> memref<1x128x128xf32, #tpu.memory_space<vmem>>
      %dma_wait3A_101 = tpu.memref_squeeze %dma_wait3A_100 : memref<1x128x128xf32, #tpu.memory_space<vmem>> -> memref<128x128xf32, #tpu.memory_space<vmem>>
      %dma_wait3A_102 = arith.constant 0 : i32
      %dma_wait3A_103 = arith.constant 0 : i32
      %dma_wait3A_104 = tpu.memref_slice %arg3[%dma_wait3A_102, %dma_wait3A_103] : memref<100000x128xf32, #tpu.memory_space<hbm>> -> memref<128x128xf32, #tpu.memory_space<hbm>>
      %dma_wait3A_105 = arith.constant 128 : i32
      %dma_wait3A_106 = arith.constant 0 : i32
      %dma_wait3A_107 = tpu.memref_slice %arg6[%dma_wait3A_97, %dma_wait3A_105, %dma_wait3A_106] : memref<2x256x128xf32, #tpu.memory_space<vmem>> -> memref<1x128x128xf32, #tpu.memory_space<vmem>>
      %dma_wait3A_108 = tpu.memref_squeeze %dma_wait3A_107 : memref<1x128x128xf32, #tpu.memory_space<vmem>> -> memref<128x128xf32, #tpu.memory_space<vmem>>
      %dma_wait3A_109 = arith.constant 0 : i32
      %dma_wait3A_110 = arith.constant 0 : i32
      %dma_wait3A_111 = tpu.memref_slice %arg3[%dma_wait3A_109, %dma_wait3A_110] : memref<100000x128xf32, #tpu.memory_space<hbm>> -> memref<128x128xf32, #tpu.memory_space<hbm>>
      tpu.wait_dma2 semaphore(%arg7 : memref<!tpu.dma_semaphore, #tpu.memory_space<semaphore_mem>>) src(%dma_wait3A_111 : memref<128x128xf32, #tpu.memory_space<hbm>>) dst(%dma_wait3A_108 : memref<128x128xf32, #tpu.memory_space<vmem>>)
      %broadcast_in_dim3A = arith.constant 0.000000e+00 : f32
      %broadcast_in_dim3A_112 = vector.broadcast %broadcast_in_dim3A : f32 to vector<16xf32>
      %get3A = arith.constant 0 : i32
      %get3A_113 = arith.constant 0 : i32
      %get3A_114 = arith.index_cast %get3A : i32 to index
      %get3A_115 = arith.index_cast %get3A_113 : i32 to index
      %get3A_116 = arith.constant 0 : index
      %get3A_117 = tpu.vector_load %arg5[%get3A_114, %get3A_115, %get3A_116] {strides = array<i32>} : memref<2x2x128xi32, #tpu.memory_space<vmem>>, vector<1x1x16xi32>,
      %get3A_118 = vector.shape_cast %get3A_117 : vector<1x1x16xi32> to vector<16xi32>
      %get3A_119 = arith.constant 0 : i32
      %get3A_120 = arith.constant 0 : i32
      %get3A_121 = arith.index_cast %get3A_119 : i32 to index
      %get3A_122 = arith.index_cast %get3A_120 : i32 to index
      %get3A_123 = arith.constant 16 : index
      %get3A_124 = tpu.vector_load %arg5[%get3A_121, %get3A_122, %get3A_123] {strides = array<i32>} : memref<2x2x128xi32, #tpu.memory_space<vmem>>, vector<1x1x16xi32>,
      %get3A_125 = vector.shape_cast %get3A_124 : vector<1x1x16xi32> to vector<16xi32>
      %min3A = arith.minsi %get3A_118, %get3A_125 : vector<16xi32>
      %get3A_126 = arith.constant 0 : i32
      %get3A_127 = arith.constant 0 : i32
      %get3A_128 = arith.index_cast %get3A_126 : i32 to index
      %get3A_129 = arith.index_cast %get3A_127 : i32 to index
      %get3A_130 = arith.constant 32 : index
      %get3A_131 = tpu.vector_load %arg5[%get3A_128, %get3A_129, %get3A_130] {strides = array<i32>} : memref<2x2x128xi32, #tpu.memory_space<vmem>>, vector<1x1x16xi32>,
      %get3A_132 = vector.shape_cast %get3A_131 : vector<1x1x16xi32> to vector<16xi32>
      %min3A_133 = arith.minsi %min3A, %get3A_132 : vector<16xi32>
      %get3A_134 = arith.constant 0 : i32
      %get3A_135 = arith.constant 0 : i32
      %get3A_136 = arith.index_cast %get3A_134 : i32 to index
      %get3A_137 = arith.index_cast %get3A_135 : i32 to index
      %get3A_138 = arith.constant 48 : index
      %get3A_139 = tpu.vector_load %arg5[%get3A_136, %get3A_137, %get3A_138] {strides = array<i32>} : memref<2x2x128xi32, #tpu.memory_space<vmem>>, vector<1x1x16xi32>,
      %get3A_140 = vector.shape_cast %get3A_139 : vector<1x1x16xi32> to vector<16xi32>
      %min3A_141 = arith.minsi %min3A_133, %get3A_140 : vector<16xi32>
      %get3A_142 = arith.constant 0 : i32
      %get3A_143 = arith.constant 0 : i32
      %get3A_144 = arith.index_cast %get3A_142 : i32 to index
      %get3A_145 = arith.index_cast %get3A_143 : i32 to index
      %get3A_146 = arith.constant 64 : index
      %get3A_147 = tpu.vector_load %arg5[%get3A_144, %get3A_145, %get3A_146] {strides = array<i32>} : memref<2x2x128xi32, #tpu.memory_space<vmem>>, vector<1x1x16xi32>,
      %get3A_148 = vector.shape_cast %get3A_147 : vector<1x1x16xi32> to vector<16xi32>
      %min3A_149 = arith.minsi %min3A_141, %get3A_148 : vector<16xi32>
      %get3A_150 = arith.constant 0 : i32
      %get3A_151 = arith.constant 0 : i32
      %get3A_152 = arith.index_cast %get3A_150 : i32 to index
      %get3A_153 = arith.index_cast %get3A_151 : i32 to index
      %get3A_154 = arith.constant 80 : index
      %get3A_155 = tpu.vector_load %arg5[%get3A_152, %get3A_153, %get3A_154] {strides = array<i32>} : memref<2x2x128xi32, #tpu.memory_space<vmem>>, vector<1x1x16xi32>,
      %get3A_156 = vector.shape_cast %get3A_155 : vector<1x1x16xi32> to vector<16xi32>
      %min3A_157 = arith.minsi %min3A_149, %get3A_156 : vector<16xi32>
      %get3A_158 = arith.constant 0 : i32
      %get3A_159 = arith.constant 0 : i32
      %get3A_160 = arith.index_cast %get3A_158 : i32 to index
      %get3A_161 = arith.index_cast %get3A_159 : i32 to index
      %get3A_162 = arith.constant 96 : index
      %get3A_163 = tpu.vector_load %arg5[%get3A_160, %get3A_161, %get3A_162] {strides = array<i32>} : memref<2x2x128xi32, #tpu.memory_space<vmem>>, vector<1x1x16xi32>,
      %get3A_164 = vector.shape_cast %get3A_163 : vector<1x1x16xi32> to vector<16xi32>
      %min3A_165 = arith.minsi %min3A_157, %get3A_164 : vector<16xi32>
      %get3A_166 = arith.constant 0 : i32
      %get3A_167 = arith.constant 0 : i32
      %get3A_168 = arith.index_cast %get3A_166 : i32 to index
      %get3A_169 = arith.index_cast %get3A_167 : i32 to index
      %get3A_170 = arith.constant 112 : index
      %get3A_171 = tpu.vector_load %arg5[%get3A_168, %get3A_169, %get3A_170] {strides = array<i32>} : memref<2x2x128xi32, #tpu.memory_space<vmem>>, vector<1x1x16xi32>,
      %get3A_172 = vector.shape_cast %get3A_171 : vector<1x1x16xi32> to vector<16xi32>
      %min3A_173 = arith.minsi %min3A_165, %get3A_172 : vector<16xi32>
      %get3A_174 = arith.constant 0 : i32
      %get3A_175 = arith.constant 1 : i32
      %get3A_176 = arith.index_cast %get3A_174 : i32 to index
      %get3A_177 = arith.index_cast %get3A_175 : i32 to index
      %get3A_178 = arith.constant 0 : index
      %get3A_179 = tpu.vector_load %arg5[%get3A_176, %get3A_177, %get3A_178] {strides = array<i32>} : memref<2x2x128xi32, #tpu.memory_space<vmem>>, vector<1x1x16xi32>,
      %get3A_180 = vector.shape_cast %get3A_179 : vector<1x1x16xi32> to vector<16xi32>
      %min3A_181 = arith.minsi %min3A_173, %get3A_180 : vector<16xi32>
      %get3A_182 = arith.constant 0 : i32
      %get3A_183 = arith.constant 1 : i32
      %get3A_184 = arith.index_cast %get3A_182 : i32 to index
      %get3A_185 = arith.index_cast %get3A_183 : i32 to index
      %get3A_186 = arith.constant 16 : index
      %get3A_187 = tpu.vector_load %arg5[%get3A_184, %get3A_185, %get3A_186] {strides = array<i32>} : memref<2x2x128xi32, #tpu.memory_space<vmem>>, vector<1x1x16xi32>,
      %get3A_188 = vector.shape_cast %get3A_187 : vector<1x1x16xi32> to vector<16xi32>
      %min3A_189 = arith.minsi %min3A_181, %get3A_188 : vector<16xi32>
      %get3A_190 = arith.constant 0 : i32
      %get3A_191 = arith.constant 1 : i32
      %get3A_192 = arith.index_cast %get3A_190 : i32 to index
      %get3A_193 = arith.index_cast %get3A_191 : i32 to index
      %get3A_194 = arith.constant 32 : index
      %get3A_195 = tpu.vector_load %arg5[%get3A_192, %get3A_193, %get3A_194] {strides = array<i32>} : memref<2x2x128xi32, #tpu.memory_space<vmem>>, vector<1x1x16xi32>,
      %get3A_196 = vector.shape_cast %get3A_195 : vector<1x1x16xi32> to vector<16xi32>
      %min3A_197 = arith.minsi %min3A_189, %get3A_196 : vector<16xi32>
      %get3A_198 = arith.constant 0 : i32
      %get3A_199 = arith.constant 1 : i32
      %get3A_200 = arith.index_cast %get3A_198 : i32 to index
      %get3A_201 = arith.index_cast %get3A_199 : i32 to index
      %get3A_202 = arith.constant 48 : index
      %get3A_203 = tpu.vector_load %arg5[%get3A_200, %get3A_201, %get3A_202] {strides = array<i32>} : memref<2x2x128xi32, #tpu.memory_space<vmem>>, vector<1x1x16xi32>,
      %get3A_204 = vector.shape_cast %get3A_203 : vector<1x1x16xi32> to vector<16xi32>
      %min3A_205 = arith.minsi %min3A_197, %get3A_204 : vector<16xi32>
      %get3A_206 = arith.constant 0 : i32
      %get3A_207 = arith.constant 1 : i32
      %get3A_208 = arith.index_cast %get3A_206 : i32 to index
      %get3A_209 = arith.index_cast %get3A_207 : i32 to index
      %get3A_210 = arith.constant 64 : index
      %get3A_211 = tpu.vector_load %arg5[%get3A_208, %get3A_209, %get3A_210] {strides = array<i32>} : memref<2x2x128xi32, #tpu.memory_space<vmem>>, vector<1x1x16xi32>,
      %get3A_212 = vector.shape_cast %get3A_211 : vector<1x1x16xi32> to vector<16xi32>
      %min3A_213 = arith.minsi %min3A_205, %get3A_212 : vector<16xi32>
      %get3A_214 = arith.constant 0 : i32
      %get3A_215 = arith.constant 1 : i32
      %get3A_216 = arith.index_cast %get3A_214 : i32 to index
      %get3A_217 = arith.index_cast %get3A_215 : i32 to index
      %get3A_218 = arith.constant 80 : index
      %get3A_219 = tpu.vector_load %arg5[%get3A_216, %get3A_217, %get3A_218] {strides = array<i32>} : memref<2x2x128xi32, #tpu.memory_space<vmem>>, vector<1x1x16xi32>,
      %get3A_220 = vector.shape_cast %get3A_219 : vector<1x1x16xi32> to vector<16xi32>
      %min3A_221 = arith.minsi %min3A_213, %get3A_220 : vector<16xi32>
      %get3A_222 = arith.constant 0 : i32
      %get3A_223 = arith.constant 1 : i32
      %get3A_224 = arith.index_cast %get3A_222 : i32 to index
      %get3A_225 = arith.index_cast %get3A_223 : i32 to index
      %get3A_226 = arith.constant 96 : index
      %get3A_227 = tpu.vector_load %arg5[%get3A_224, %get3A_225, %get3A_226] {strides = array<i32>} : memref<2x2x128xi32, #tpu.memory_space<vmem>>, vector<1x1x16xi32>,
      %get3A_228 = vector.shape_cast %get3A_227 : vector<1x1x16xi32> to vector<16xi32>
      %min3A_229 = arith.minsi %min3A_221, %get3A_228 : vector<16xi32>
      %get3A_230 = arith.constant 0 : i32
      %get3A_231 = arith.constant 1 : i32
      %get3A_232 = arith.index_cast %get3A_230 : i32 to index
      %get3A_233 = arith.index_cast %get3A_231 : i32 to index
      %get3A_234 = arith.constant 112 : index
      %get3A_235 = tpu.vector_load %arg5[%get3A_232, %get3A_233, %get3A_234] {strides = array<i32>} : memref<2x2x128xi32, #tpu.memory_space<vmem>>, vector<1x1x16xi32>,
      %get3A_236 = vector.shape_cast %get3A_235 : vector<1x1x16xi32> to vector<16xi32>
      %min3A_237 = arith.minsi %min3A_229, %get3A_236 : vector<16xi32>
      %slice3A = vector.extract_strided_slice %min3A_237 {offsets = [0], sizes = [1], strides = [1]} : vector<16xi32> to vector<1xi32>
      %squeeze3A = vector.extract %slice3A[0] : i32 from vector<1xi32>
      %slice3A_238 = vector.extract_strided_slice %min3A_237 {offsets = [1], sizes = [1], strides = [1]} : vector<16xi32> to vector<1xi32>
      %squeeze3A_239 = vector.extract %slice3A_238[0] : i32 from vector<1xi32>
      %min3A_240 = arith.minsi %squeeze3A, %squeeze3A_239 : i32
      %slice3A_241 = vector.extract_strided_slice %min3A_237 {offsets = [2], sizes = [1], strides = [1]} : vector<16xi32> to vector<1xi32>
      %squeeze3A_242 = vector.extract %slice3A_241[0] : i32 from vector<1xi32>
      %min3A_243 = arith.minsi %min3A_240, %squeeze3A_242 : i32
      %slice3A_244 = vector.extract_strided_slice %min3A_237 {offsets = [3], sizes = [1], strides = [1]} : vector<16xi32> to vector<1xi32>
      %squeeze3A_245 = vector.extract %slice3A_244[0] : i32 from vector<1xi32>
      %min3A_246 = arith.minsi %min3A_243, %squeeze3A_245 : i32
      %slice3A_247 = vector.extract_strided_slice %min3A_237 {offsets = [4], sizes = [1], strides = [1]} : vector<16xi32> to vector<1xi32>
      %squeeze3A_248 = vector.extract %slice3A_247[0] : i32 from vector<1xi32>
      %min3A_249 = arith.minsi %min3A_246, %squeeze3A_248 : i32
      %slice3A_250 = vector.extract_strided_slice %min3A_237 {offsets = [5], sizes = [1], strides = [1]} : vector<16xi32> to vector<1xi32>
      %squeeze3A_251 = vector.extract %slice3A_250[0] : i32 from vector<1xi32>
      %min3A_252 = arith.minsi %min3A_249, %squeeze3A_251 : i32
      %slice3A_253 = vector.extract_strided_slice %min3A_237 {offsets = [6], sizes = [1], strides = [1]} : vector<16xi32> to vector<1xi32>
      %squeeze3A_254 = vector.extract %slice3A_253[0] : i32 from vector<1xi32>
      %min3A_255 = arith.minsi %min3A_252, %squeeze3A_254 : i32
      %slice3A_256 = vector.extract_strided_slice %min3A_237 {offsets = [7], sizes = [1], strides = [1]} : vector<16xi32> to vector<1xi32>
      %squeeze3A_257 = vector.extract %slice3A_256[0] : i32 from vector<1xi32>
      %min3A_258 = arith.minsi %min3A_255, %squeeze3A_257 : i32
      %slice3A_259 = vector.extract_strided_slice %min3A_237 {offsets = [8], sizes = [1], strides = [1]} : vector<16xi32> to vector<1xi32>
      %squeeze3A_260 = vector.extract %slice3A_259[0] : i32 from vector<1xi32>
      %min3A_261 = arith.minsi %min3A_258, %squeeze3A_260 : i32
      %slice3A_262 = vector.extract_strided_slice %min3A_237 {offsets = [9], sizes = [1], strides = [1]} : vector<16xi32> to vector<1xi32>
      %squeeze3A_263 = vector.extract %slice3A_262[0] : i32 from vector<1xi32>
      %min3A_264 = arith.minsi %min3A_261, %squeeze3A_263 : i32
      %slice3A_265 = vector.extract_strided_slice %min3A_237 {offsets = [10], sizes = [1], strides = [1]} : vector<16xi32> to vector<1xi32>
      %squeeze3A_266 = vector.extract %slice3A_265[0] : i32 from vector<1xi32>
      %min3A_267 = arith.minsi %min3A_264, %squeeze3A_266 : i32
      %slice3A_268 = vector.extract_strided_slice %min3A_237 {offsets = [11], sizes = [1], strides = [1]} : vector<16xi32> to vector<1xi32>
      %squeeze3A_269 = vector.extract %slice3A_268[0] : i32 from vector<1xi32>
      %min3A_270 = arith.minsi %min3A_267, %squeeze3A_269 : i32
      %slice3A_271 = vector.extract_strided_slice %min3A_237 {offsets = [12], sizes = [1], strides = [1]} : vector<16xi32> to vector<1xi32>
      %squeeze3A_272 = vector.extract %slice3A_271[0] : i32 from vector<1xi32>
      %min3A_273 = arith.minsi %min3A_270, %squeeze3A_272 : i32
      %slice3A_274 = vector.extract_strided_slice %min3A_237 {offsets = [13], sizes = [1], strides = [1]} : vector<16xi32> to vector<1xi32>
      %squeeze3A_275 = vector.extract %slice3A_274[0] : i32 from vector<1xi32>
      %min3A_276 = arith.minsi %min3A_273, %squeeze3A_275 : i32
      %slice3A_277 = vector.extract_strided_slice %min3A_237 {offsets = [14], sizes = [1], strides = [1]} : vector<16xi32> to vector<1xi32>
      %squeeze3A_278 = vector.extract %slice3A_277[0] : i32 from vector<1xi32>
      %min3A_279 = arith.minsi %min3A_276, %squeeze3A_278 : i32
      %slice3A_280 = vector.extract_strided_slice %min3A_237 {offsets = [15], sizes = [1], strides = [1]} : vector<16xi32> to vector<1xi32>
      %squeeze3A_281 = vector.extract %slice3A_280[0] : i32 from vector<1xi32>
      %min3A_282 = arith.minsi %min3A_279, %squeeze3A_281 : i32
      %eq3A = arith.constant 0 : i32
      %eq3A_283 = arith.cmpi eq, %min3A_282, %eq3A : i32
      %convert_element_type3A_284 = arith.extui %eq3A_283 : i1 to i32
      %cond3A_285 = arith.constant 0 : i32
      %cond3A_286 = arith.cmpi ne, %convert_element_type3A_284, %cond3A_285 : i32
      scf.if %cond3A_286 {
        %scan3A_542 = arith.constant 0 : i32
        %scan3A_543 = arith.constant 0 : i32
        %scan3A_544 = arith.constant 16 : i32
        %scan3A_545 = arith.addi %scan3A_543, %scan3A_544 : i32
        %scan3A_546 = arith.constant 1 : i32
        %scan3A_547 = scf.for %scan3A_549 = %scan3A_543 to %scan3A_545 step %scan3A_546 iter_args(%scan3A_550 = %scan3A_542) -> (i32)  : i32 {
          %jit3A = arith.constant 8 : i32
          %div3A = arith.divsi %scan3A_549, %jit3A : i32
          %sign3A = arith.constant 0 : i32
          %sign3A_551 = arith.cmpi sgt, %scan3A_549, %sign3A : i32
          %sign3A_552 = arith.extui %sign3A_551 : i1 to i32
          %sign3A_553 = arith.constant 0 : i32
          %sign3A_554 = arith.cmpi slt, %scan3A_549, %sign3A_553 : i32
          %sign3A_555 = arith.extui %sign3A_554 : i1 to i32
          %sign3A_556 = arith.subi %sign3A_552, %sign3A_555 : i32
          %sign3A_557 = arith.constant 0 : i32
          %sign3A_558 = arith.cmpi sgt, %jit3A, %sign3A_557 : i32
          %sign3A_559 = arith.extui %sign3A_558 : i1 to i32
          %sign3A_560 = arith.constant 0 : i32
          %sign3A_561 = arith.cmpi slt, %jit3A, %sign3A_560 : i32
          %sign3A_562 = arith.extui %sign3A_561 : i1 to i32
          %sign3A_563 = arith.subi %sign3A_559, %sign3A_562 : i32
          %ne3A = arith.cmpi ne, %sign3A_556, %sign3A_563 : i32
          %rem3A = arith.remsi %scan3A_549, %jit3A : i32
          %ne3A_564 = arith.constant 0 : i32
          %ne3A_565 = arith.cmpi ne, %rem3A, %ne3A_564 : i32
          %and3A = arith.andi %ne3A, %ne3A_565 : i1
          %sub3A = arith.constant 1 : i32
          %sub3A_566 = arith.subi %div3A, %sub3A : i32
          %select_n3A = arith.select %and3A, %sub3A_566, %div3A : i32
          %jit3A_567 = arith.constant 8 : i32
          %eq3A_568 = arith.constant 0 : i32
          %eq3A_569 = arith.cmpi eq, %jit3A_567, %eq3A_568 : i32
          %jit3A_570 = arith.constant 1 : i32
          %select_n3A_571 = arith.select %eq3A_569, %jit3A_570, %jit3A_567 : i32
          %rem3A_572 = arith.remsi %scan3A_549, %select_n3A_571 : i32
          %ne3A_573 = arith.constant 0 : i32
          %ne3A_574 = arith.cmpi ne, %rem3A_572, %ne3A_573 : i32
          %lt3A_575 = arith.constant 0 : i32
          %lt3A_576 = arith.cmpi slt, %rem3A_572, %lt3A_575 : i32
          %lt3A_577 = arith.constant 0 : i32
          %lt3A_578 = arith.cmpi slt, %select_n3A_571, %lt3A_577 : i32
          %ne3A_579 = arith.xori %lt3A_576, %lt3A_578 : i1
          %and3A_580 = arith.andi %ne3A_579, %ne3A_574 : i1
          %add3A_581 = arith.addi %rem3A_572, %select_n3A_571 : i32
          %select_n3A_582 = arith.select %and3A_580, %add3A_581, %rem3A_572 : i32
          %mul3A_583 = arith.constant 16 : i32
          %mul3A_584 = arith.muli %select_n3A_582, %mul3A_583 : i32
          %get3A_585 = arith.constant 0 : i32
          %get3A_586 = arith.index_cast %get3A_585 : i32 to index
          %get3A_587 = arith.index_cast %select_n3A : i32 to index
          %get3A_588 = arith.index_cast %mul3A_584 : i32 to index
          %get3A_589 = tpu.vector_load %arg5[%get3A_586, %get3A_587, %get3A_588] {strides = array<i32>} : memref<2x2x128xi32, #tpu.memory_space<vmem>>, vector<1x1x16xi32>,
          %get3A_590 = vector.shape_cast %get3A_589 : vector<1x1x16xi32> to vector<16xi32>
          %slice3A_591 = vector.extract_strided_slice %get3A_590 {offsets = [0], sizes = [1], strides = [1]} : vector<16xi32> to vector<1xi32>
          %squeeze3A_592 = vector.extract %slice3A_591[0] : i32 from vector<1xi32>
          %eq3A_593 = arith.constant 0 : i32
          %eq3A_594 = arith.cmpi eq, %squeeze3A_592, %eq3A_593 : i32
          %convert_element_type3A_595 = arith.extui %eq3A_594 : i1 to i32
          %cond3A_596 = arith.constant 0 : i32
          %cond3A_597 = arith.cmpi ne, %convert_element_type3A_595, %cond3A_596 : i32
          scf.if %cond3A_597 {
            %mul3A_704 = arith.constant 16 : i32
            %mul3A_705 = arith.muli %scan3A_549, %mul3A_704 : i32
            %add3A_706 = arith.constant 0 : i32
            %add3A_707 = arith.addi %mul3A_705, %add3A_706 : i32
            %swap3A = arith.constant 0 : i32
            %swap3A_708 = arith.index_cast %swap3A : i32 to index
            %swap3A_709 = arith.index_cast %add3A_707 : i32 to index
            %swap3A_710 = arith.constant 0 : index
            %swap3A_711 = tpu.vector_load %arg6[%swap3A_708, %swap3A_709, %swap3A_710] {strides = array<i32>} : memref<2x256x128xf32, #tpu.memory_space<vmem>>, vector<1x1x16xf32>,
            %swap3A_712 = vector.shape_cast %swap3A_711 : vector<1x1x16xf32> to vector<16xf32>
            %swap3A_713 = vector.shape_cast %broadcast_in_dim3A_112 : vector<16xf32> to vector<1x1x16xf32>
            tpu.vector_store %arg6[%swap3A_708, %swap3A_709, %swap3A_710], %swap3A_713 {strides = array<i32>} : memref<2x256x128xf32, #tpu.memory_space<vmem>>, vector<1x1x16xf32>,
            %mul3A_714 = arith.constant 16 : i32
            %mul3A_715 = arith.muli %scan3A_549, %mul3A_714 : i32
            %add3A_716 = arith.constant 0 : i32
            %add3A_717 = arith.addi %mul3A_715, %add3A_716 : i32
            %swap3A_718 = arith.constant 0 : i32
            %swap3A_719 = arith.index_cast %swap3A_718 : i32 to index
            %swap3A_720 = arith.index_cast %add3A_717 : i32 to index
            %swap3A_721 = arith.constant 16 : index
            %swap3A_722 = tpu.vector_load %arg6[%swap3A_719, %swap3A_720, %swap3A_721] {strides = array<i32>} : memref<2x256x128xf32, #tpu.memory_space<vmem>>, vector<1x1x16xf32>,
            %swap3A_723 = vector.shape_cast %swap3A_722 : vector<1x1x16xf32> to vector<16xf32>
            %swap3A_724 = vector.shape_cast %broadcast_in_dim3A_112 : vector<16xf32> to vector<1x1x16xf32>
            tpu.vector_store %arg6[%swap3A_719, %swap3A_720, %swap3A_721], %swap3A_724 {strides = array<i32>} : memref<2x256x128xf32, #tpu.memory_space<vmem>>, vector<1x1x16xf32>,
            %mul3A_725 = arith.constant 16 : i32
            %mul3A_726 = arith.muli %scan3A_549, %mul3A_725 : i32
            %add3A_727 = arith.constant 0 : i32
            %add3A_728 = arith.addi %mul3A_726, %add3A_727 : i32
            %swap3A_729 = arith.constant 0 : i32
            %swap3A_730 = arith.index_cast %swap3A_729 : i32 to index
            %swap3A_731 = arith.index_cast %add3A_728 : i32 to index
            %swap3A_732 = arith.constant 32 : index
            %swap3A_733 = tpu.vector_load %arg6[%swap3A_730, %swap3A_731, %swap3A_732] {strides = array<i32>} : memref<2x256x128xf32, #tpu.memory_space<vmem>>, vector<1x1x16xf32>,
            %swap3A_734 = vector.shape_cast %swap3A_733 : vector<1x1x16xf32> to vector<16xf32>
            %swap3A_735 = vector.shape_cast %broadcast_in_dim3A_112 : vector<16xf32> to vector<1x1x16xf32>
            tpu.vector_store %arg6[%swap3A_730, %swap3A_731, %swap3A_732], %swap3A_735 {strides = array<i32>} : memref<2x256x128xf32, #tpu.memory_space<vmem>>, vector<1x1x16xf32>,
            %mul3A_736 = arith.constant 16 : i32
            %mul3A_737 = arith.muli %scan3A_549, %mul3A_736 : i32
            %add3A_738 = arith.constant 0 : i32
            %add3A_739 = arith.addi %mul3A_737, %add3A_738 : i32
            %swap3A_740 = arith.constant 0 : i32
            %swap3A_741 = arith.index_cast %swap3A_740 : i32 to index
            %swap3A_742 = arith.index_cast %add3A_739 : i32 to index
            %swap3A_743 = arith.constant 48 : index
            %swap3A_744 = tpu.vector_load %arg6[%swap3A_741, %swap3A_742, %swap3A_743] {strides = array<i32>} : memref<2x256x128xf32, #tpu.memory_space<vmem>>, vector<1x1x16xf32>,
            %swap3A_745 = vector.shape_cast %swap3A_744 : vector<1x1x16xf32> to vector<16xf32>
            %swap3A_746 = vector.shape_cast %broadcast_in_dim3A_112 : vector<16xf32> to vector<1x1x16xf32>
            tpu.vector_store %arg6[%swap3A_741, %swap3A_742, %swap3A_743], %swap3A_746 {strides = array<i32>} : memref<2x256x128xf32, #tpu.memory_space<vmem>>, vector<1x1x16xf32>,
            %mul3A_747 = arith.constant 16 : i32
            %mul3A_748 = arith.muli %scan3A_549, %mul3A_747 : i32
            %add3A_749 = arith.constant 0 : i32
            %add3A_750 = arith.addi %mul3A_748, %add3A_749 : i32
            %swap3A_751 = arith.constant 0 : i32
            %swap3A_752 = arith.index_cast %swap3A_751 : i32 to index
            %swap3A_753 = arith.index_cast %add3A_750 : i32 to index
            %swap3A_754 = arith.constant 64 : index
            %swap3A_755 = tpu.vector_load %arg6[%swap3A_752, %swap3A_753, %swap3A_754] {strides = array<i32>} : memref<2x256x128xf32, #tpu.memory_space<vmem>>, vector<1x1x16xf32>,
            %swap3A_756 = vector.shape_cast %swap3A_755 : vector<1x1x16xf32> to vector<16xf32>
            %swap3A_757 = vector.shape_cast %broadcast_in_dim3A_112 : vector<16xf32> to vector<1x1x16xf32>
            tpu.vector_store %arg6[%swap3A_752, %swap3A_753, %swap3A_754], %swap3A_757 {strides = array<i32>} : memref<2x256x128xf32, #tpu.memory_space<vmem>>, vector<1x1x16xf32>,
            %mul3A_758 = arith.constant 16 : i32
            %mul3A_759 = arith.muli %scan3A_549, %mul3A_758 : i32
            %add3A_760 = arith.constant 0 : i32
            %add3A_761 = arith.addi %mul3A_759, %add3A_760 : i32
            %swap3A_762 = arith.constant 0 : i32
            %swap3A_763 = arith.index_cast %swap3A_762 : i32 to index
            %swap3A_764 = arith.index_cast %add3A_761 : i32 to index
            %swap3A_765 = arith.constant 80 : index
            %swap3A_766 = tpu.vector_load %arg6[%swap3A_763, %swap3A_764, %swap3A_765] {strides = array<i32>} : memref<2x256x128xf32, #tpu.memory_space<vmem>>, vector<1x1x16xf32>,
            %swap3A_767 = vector.shape_cast %swap3A_766 : vector<1x1x16xf32> to vector<16xf32>
            %swap3A_768 = vector.shape_cast %broadcast_in_dim3A_112 : vector<16xf32> to vector<1x1x16xf32>
            tpu.vector_store %arg6[%swap3A_763, %swap3A_764, %swap3A_765], %swap3A_768 {strides = array<i32>} : memref<2x256x128xf32, #tpu.memory_space<vmem>>, vector<1x1x16xf32>,
            %mul3A_769 = arith.constant 16 : i32
            %mul3A_770 = arith.muli %scan3A_549, %mul3A_769 : i32
            %add3A_771 = arith.constant 0 : i32
            %add3A_772 = arith.addi %mul3A_770, %add3A_771 : i32
            %swap3A_773 = arith.constant 0 : i32
            %swap3A_774 = arith.index_cast %swap3A_773 : i32 to index
            %swap3A_775 = arith.index_cast %add3A_772 : i32 to index
            %swap3A_776 = arith.constant 96 : index
            %swap3A_777 = tpu.vector_load %arg6[%swap3A_774, %swap3A_775, %swap3A_776] {strides = array<i32>} : memref<2x256x128xf32, #tpu.memory_space<vmem>>, vector<1x1x16xf32>,
            %swap3A_778 = vector.shape_cast %swap3A_777 : vector<1x1x16xf32> to vector<16xf32>
            %swap3A_779 = vector.shape_cast %broadcast_in_dim3A_112 : vector<16xf32> to vector<1x1x16xf32>
            tpu.vector_store %arg6[%swap3A_774, %swap3A_775, %swap3A_776], %swap3A_779 {strides = array<i32>} : memref<2x256x128xf32, #tpu.memory_space<vmem>>, vector<1x1x16xf32>,
            %mul3A_780 = arith.constant 16 : i32
            %mul3A_781 = arith.muli %scan3A_549, %mul3A_780 : i32
            %add3A_782 = arith.constant 0 : i32
            %add3A_783 = arith.addi %mul3A_781, %add3A_782 : i32
            %swap3A_784 = arith.constant 0 : i32
            %swap3A_785 = arith.index_cast %swap3A_784 : i32 to index
            %swap3A_786 = arith.index_cast %add3A_783 : i32 to index
            %swap3A_787 = arith.constant 112 : index
            %swap3A_788 = tpu.vector_load %arg6[%swap3A_785, %swap3A_786, %swap3A_787] {strides = array<i32>} : memref<2x256x128xf32, #tpu.memory_space<vmem>>, vector<1x1x16xf32>,
            %swap3A_789 = vector.shape_cast %swap3A_788 : vector<1x1x16xf32> to vector<16xf32>
            %swap3A_790 = vector.shape_cast %broadcast_in_dim3A_112 : vector<16xf32> to vector<1x1x16xf32>
            tpu.vector_store %arg6[%swap3A_785, %swap3A_786, %swap3A_787], %swap3A_790 {strides = array<i32>} : memref<2x256x128xf32, #tpu.memory_space<vmem>>, vector<1x1x16xf32>,
          } else {
          }
          %slice3A_598 = vector.extract_strided_slice %get3A_590 {offsets = [1], sizes = [1], strides = [1]} : vector<16xi32> to vector<1xi32>
          %squeeze3A_599 = vector.extract %slice3A_598[0] : i32 from vector<1xi32>
          %eq3A_600 = arith.constant 0 : i32
          %eq3A_601 = arith.cmpi eq, %squeeze3A_599, %eq3A_600 : i32
          %convert_element_type3A_602 = arith.extui %eq3A_601 : i1 to i32
          %cond3A_603 = arith.constant 0 : i32
          %cond3A_604 = arith.cmpi ne, %convert_element_type3A_602, %cond3A_603 : i32
          scf.if %cond3A_604 {
            %mul3A_704 = arith.constant 16 : i32
            %mul3A_705 = arith.muli %scan3A_549, %mul3A_704 : i32
            %add3A_706 = arith.constant 1 : i32
            %add3A_707 = arith.addi %mul3A_705, %add3A_706 : i32
            %swap3A = arith.constant 0 : i32
            %swap3A_708 = arith.index_cast %swap3A : i32 to index
            %swap3A_709 = arith.index_cast %add3A_707 : i32 to index
            %swap3A_710 = arith.constant 0 : index
            %swap3A_711 = tpu.vector_load %arg6[%swap3A_708, %swap3A_709, %swap3A_710] {strides = array<i32>} : memref<2x256x128xf32, #tpu.memory_space<vmem>>, vector<1x1x16xf32>,
            %swap3A_712 = vector.shape_cast %swap3A_711 : vector<1x1x16xf32> to vector<16xf32>
            %swap3A_713 = vector.shape_cast %broadcast_in_dim3A_112 : vector<16xf32> to vector<1x1x16xf32>
            tpu.vector_store %arg6[%swap3A_708, %swap3A_709, %swap3A_710], %swap3A_713 {strides = array<i32>} : memref<2x256x128xf32, #tpu.memory_space<vmem>>, vector<1x1x16xf32>,
            %mul3A_714 = arith.constant 16 : i32
            %mul3A_715 = arith.muli %scan3A_549, %mul3A_714 : i32
            %add3A_716 = arith.constant 1 : i32
            %add3A_717 = arith.addi %mul3A_715, %add3A_716 : i32
            %swap3A_718 = arith.constant 0 : i32
            %swap3A_719 = arith.index_cast %swap3A_718 : i32 to index
            %swap3A_720 = arith.index_cast %add3A_717 : i32 to index
            %swap3A_721 = arith.constant 16 : index
            %swap3A_722 = tpu.vector_load %arg6[%swap3A_719, %swap3A_720, %swap3A_721] {strides = array<i32>} : memref<2x256x128xf32, #tpu.memory_space<vmem>>, vector<1x1x16xf32>,
            %swap3A_723 = vector.shape_cast %swap3A_722 : vector<1x1x16xf32> to vector<16xf32>
            %swap3A_724 = vector.shape_cast %broadcast_in_dim3A_112 : vector<16xf32> to vector<1x1x16xf32>
            tpu.vector_store %arg6[%swap3A_719, %swap3A_720, %swap3A_721], %swap3A_724 {strides = array<i32>} : memref<2x256x128xf32, #tpu.memory_space<vmem>>, vector<1x1x16xf32>,
            %mul3A_725 = arith.constant 16 : i32
            %mul3A_726 = arith.muli %scan3A_549, %mul3A_725 : i32
            %add3A_727 = arith.constant 1 : i32
            %add3A_728 = arith.addi %mul3A_726, %add3A_727 : i32
            %swap3A_729 = arith.constant 0 : i32
            %swap3A_730 = arith.index_cast %swap3A_729 : i32 to index
            %swap3A_731 = arith.index_cast %add3A_728 : i32 to index
            %swap3A_732 = arith.constant 32 : index
            %swap3A_733 = tpu.vector_load %arg6[%swap3A_730, %swap3A_731, %swap3A_732] {strides = array<i32>} : memref<2x256x128xf32, #tpu.memory_space<vmem>>, vector<1x1x16xf32>,
            %swap3A_734 = vector.shape_cast %swap3A_733 : vector<1x1x16xf32> to vector<16xf32>
            %swap3A_735 = vector.shape_cast %broadcast_in_dim3A_112 : vector<16xf32> to vector<1x1x16xf32>
            tpu.vector_store %arg6[%swap3A_730, %swap3A_731, %swap3A_732], %swap3A_735 {strides = array<i32>} : memref<2x256x128xf32, #tpu.memory_space<vmem>>, vector<1x1x16xf32>,
            %mul3A_736 = arith.constant 16 : i32
            %mul3A_737 = arith.muli %scan3A_549, %mul3A_736 : i32
            %add3A_738 = arith.constant 1 : i32
            %add3A_739 = arith.addi %mul3A_737, %add3A_738 : i32
            %swap3A_740 = arith.constant 0 : i32
            %swap3A_741 = arith.index_cast %swap3A_740 : i32 to index
            %swap3A_742 = arith.index_cast %add3A_739 : i32 to index
            %swap3A_743 = arith.constant 48 : index
            %swap3A_744 = tpu.vector_load %arg6[%swap3A_741, %swap3A_742, %swap3A_743] {strides = array<i32>} : memref<2x256x128xf32, #tpu.memory_space<vmem>>, vector<1x1x16xf32>,
            %swap3A_745 = vector.shape_cast %swap3A_744 : vector<1x1x16xf32> to vector<16xf32>
            %swap3A_746 = vector.shape_cast %broadcast_in_dim3A_112 : vector<16xf32> to vector<1x1x16xf32>
            tpu.vector_store %arg6[%swap3A_741, %swap3A_742, %swap3A_743], %swap3A_746 {strides = array<i32>} : memref<2x256x128xf32, #tpu.memory_space<vmem>>, vector<1x1x16xf32>,
            %mul3A_747 = arith.constant 16 : i32
            %mul3A_748 = arith.muli %scan3A_549, %mul3A_747 : i32
            %add3A_749 = arith.constant 1 : i32
            %add3A_750 = arith.addi %mul3A_748, %add3A_749 : i32
            %swap3A_751 = arith.constant 0 : i32
            %swap3A_752 = arith.index_cast %swap3A_751 : i32 to index
            %swap3A_753 = arith.index_cast %add3A_750 : i32 to index
            %swap3A_754 = arith.constant 64 : index
            %swap3A_755 = tpu.vector_load %arg6[%swap3A_752, %swap3A_753, %swap3A_754] {strides = array<i32>} : memref<2x256x128xf32, #tpu.memory_space<vmem>>, vector<1x1x16xf32>,
            %swap3A_756 = vector.shape_cast %swap3A_755 : vector<1x1x16xf32> to vector<16xf32>
            %swap3A_757 = vector.shape_cast %broadcast_in_dim3A_112 : vector<16xf32> to vector<1x1x16xf32>
            tpu.vector_store %arg6[%swap3A_752, %swap3A_753, %swap3A_754], %swap3A_757 {strides = array<i32>} : memref<2x256x128xf32, #tpu.memory_space<vmem>>, vector<1x1x16xf32>,
            %mul3A_758 = arith.constant 16 : i32
            %mul3A_759 = arith.muli %scan3A_549, %mul3A_758 : i32
            %add3A_760 = arith.constant 1 : i32
            %add3A_761 = arith.addi %mul3A_759, %add3A_760 : i32
            %swap3A_762 = arith.constant 0 : i32
            %swap3A_763 = arith.index_cast %swap3A_762 : i32 to index
            %swap3A_764 = arith.index_cast %add3A_761 : i32 to index
            %swap3A_765 = arith.constant 80 : index
            %swap3A_766 = tpu.vector_load %arg6[%swap3A_763, %swap3A_764, %swap3A_765] {strides = array<i32>} : memref<2x256x128xf32, #tpu.memory_space<vmem>>, vector<1x1x16xf32>,
            %swap3A_767 = vector.shape_cast %swap3A_766 : vector<1x1x16xf32> to vector<16xf32>
            %swap3A_768 = vector.shape_cast %broadcast_in_dim3A_112 : vector<16xf32> to vector<1x1x16xf32>
            tpu.vector_store %arg6[%swap3A_763, %swap3A_764, %swap3A_765], %swap3A_768 {strides = array<i32>} : memref<2x256x128xf32, #tpu.memory_space<vmem>>, vector<1x1x16xf32>,
            %mul3A_769 = arith.constant 16 : i32
            %mul3A_770 = arith.muli %scan3A_549, %mul3A_769 : i32
            %add3A_771 = arith.constant 1 : i32
            %add3A_772 = arith.addi %mul3A_770, %add3A_771 : i32
            %swap3A_773 = arith.constant 0 : i32
            %swap3A_774 = arith.index_cast %swap3A_773 : i32 to index
            %swap3A_775 = arith.index_cast %add3A_772 : i32 to index
            %swap3A_776 = arith.constant 96 : index
            %swap3A_777 = tpu.vector_load %arg6[%swap3A_774, %swap3A_775, %swap3A_776] {strides = array<i32>} : memref<2x256x128xf32, #tpu.memory_space<vmem>>, vector<1x1x16xf32>,
            %swap3A_778 = vector.shape_cast %swap3A_777 : vector<1x1x16xf32> to vector<16xf32>
            %swap3A_779 = vector.shape_cast %broadcast_in_dim3A_112 : vector<16xf32> to vector<1x1x16xf32>
            tpu.vector_store %arg6[%swap3A_774, %swap3A_775, %swap3A_776], %swap3A_779 {strides = array<i32>} : memref<2x256x128xf32, #tpu.memory_space<vmem>>, vector<1x1x16xf32>,
            %mul3A_780 = arith.constant 16 : i32
            %mul3A_781 = arith.muli %scan3A_549, %mul3A_780 : i32
            %add3A_782 = arith.constant 1 : i32
            %add3A_783 = arith.addi %mul3A_781, %add3A_782 : i32
            %swap3A_784 = arith.constant 0 : i32
            %swap3A_785 = arith.index_cast %swap3A_784 : i32 to index
            %swap3A_786 = arith.index_cast %add3A_783 : i32 to index
            %swap3A_787 = arith.constant 112 : index
            %swap3A_788 = tpu.vector_load %arg6[%swap3A_785, %swap3A_786, %swap3A_787] {strides = array<i32>} : memref<2x256x128xf32, #tpu.memory_space<vmem>>, vector<1x1x16xf32>,
            %swap3A_789 = vector.shape_cast %swap3A_788 : vector<1x1x16xf32> to vector<16xf32>
            %swap3A_790 = vector.shape_cast %broadcast_in_dim3A_112 : vector<16xf32> to vector<1x1x16xf32>
            tpu.vector_store %arg6[%swap3A_785, %swap3A_786, %swap3A_787], %swap3A_790 {strides = array<i32>} : memref<2x256x128xf32, #tpu.memory_space<vmem>>, vector<1x1x16xf32>,
          } else {
          }
          %slice3A_605 = vector.extract_strided_slice %get3A_590 {offsets = [2], sizes = [1], strides = [1]} : vector<16xi32> to vector<1xi32>
          %squeeze3A_606 = vector.extract %slice3A_605[0] : i32 from vector<1xi32>
          %eq3A_607 = arith.constant 0 : i32
          %eq3A_608 = arith.cmpi eq, %squeeze3A_606, %eq3A_607 : i32
          %convert_element_type3A_609 = arith.extui %eq3A_608 : i1 to i32
          %cond3A_610 = arith.constant 0 : i32
          %cond3A_611 = arith.cmpi ne, %convert_element_type3A_609, %cond3A_610 : i32
          scf.if %cond3A_611 {
            %mul3A_704 = arith.constant 16 : i32
            %mul3A_705 = arith.muli %scan3A_549, %mul3A_704 : i32
            %add3A_706 = arith.constant 2 : i32
            %add3A_707 = arith.addi %mul3A_705, %add3A_706 : i32
            %swap3A = arith.constant 0 : i32
            %swap3A_708 = arith.index_cast %swap3A : i32 to index
            %swap3A_709 = arith.index_cast %add3A_707 : i32 to index
            %swap3A_710 = arith.constant 0 : index
            %swap3A_711 = tpu.vector_load %arg6[%swap3A_708, %swap3A_709, %swap3A_710] {strides = array<i32>} : memref<2x256x128xf32, #tpu.memory_space<vmem>>, vector<1x1x16xf32>,
            %swap3A_712 = vector.shape_cast %swap3A_711 : vector<1x1x16xf32> to vector<16xf32>
            %swap3A_713 = vector.shape_cast %broadcast_in_dim3A_112 : vector<16xf32> to vector<1x1x16xf32>
            tpu.vector_store %arg6[%swap3A_708, %swap3A_709, %swap3A_710], %swap3A_713 {strides = array<i32>} : memref<2x256x128xf32, #tpu.memory_space<vmem>>, vector<1x1x16xf32>,
            %mul3A_714 = arith.constant 16 : i32
            %mul3A_715 = arith.muli %scan3A_549, %mul3A_714 : i32
            %add3A_716 = arith.constant 2 : i32
            %add3A_717 = arith.addi %mul3A_715, %add3A_716 : i32
            %swap3A_718 = arith.constant 0 : i32
            %swap3A_719 = arith.index_cast %swap3A_718 : i32 to index
            %swap3A_720 = arith.index_cast %add3A_717 : i32 to index
            %swap3A_721 = arith.constant 16 : index
            %swap3A_722 = tpu.vector_load %arg6[%swap3A_719, %swap3A_720, %swap3A_721] {strides = array<i32>} : memref<2x256x128xf32, #tpu.memory_space<vmem>>, vector<1x1x16xf32>,
            %swap3A_723 = vector.shape_cast %swap3A_722 : vector<1x1x16xf32> to vector<16xf32>
            %swap3A_724 = vector.shape_cast %broadcast_in_dim3A_112 : vector<16xf32> to vector<1x1x16xf32>
            tpu.vector_store %arg6[%swap3A_719, %swap3A_720, %swap3A_721], %swap3A_724 {strides = array<i32>} : memref<2x256x128xf32, #tpu.memory_space<vmem>>, vector<1x1x16xf32>,
            %mul3A_725 = arith.constant 16 : i32
            %mul3A_726 = arith.muli %scan3A_549, %mul3A_725 : i32
            %add3A_727 = arith.constant 2 : i32
            %add3A_728 = arith.addi %mul3A_726, %add3A_727 : i32
            %swap3A_729 = arith.constant 0 : i32
            %swap3A_730 = arith.index_cast %swap3A_729 : i32 to index
            %swap3A_731 = arith.index_cast %add3A_728 : i32 to index
            %swap3A_732 = arith.constant 32 : index
            %swap3A_733 = tpu.vector_load %arg6[%swap3A_730, %swap3A_731, %swap3A_732] {strides = array<i32>} : memref<2x256x128xf32, #tpu.memory_space<vmem>>, vector<1x1x16xf32>,
            %swap3A_734 = vector.shape_cast %swap3A_733 : vector<1x1x16xf32> to vector<16xf32>
            %swap3A_735 = vector.shape_cast %broadcast_in_dim3A_112 : vector<16xf32> to vector<1x1x16xf32>
            tpu.vector_store %arg6[%swap3A_730, %swap3A_731, %swap3A_732], %swap3A_735 {strides = array<i32>} : memref<2x256x128xf32, #tpu.memory_space<vmem>>, vector<1x1x16xf32>,
            %mul3A_736 = arith.constant 16 : i32
            %mul3A_737 = arith.muli %scan3A_549, %mul3A_736 : i32
            %add3A_738 = arith.constant 2 : i32
            %add3A_739 = arith.addi %mul3A_737, %add3A_738 : i32
            %swap3A_740 = arith.constant 0 : i32
            %swap3A_741 = arith.index_cast %swap3A_740 : i32 to index
            %swap3A_742 = arith.index_cast %add3A_739 : i32 to index
            %swap3A_743 = arith.constant 48 : index
            %swap3A_744 = tpu.vector_load %arg6[%swap3A_741, %swap3A_742, %swap3A_743] {strides = array<i32>} : memref<2x256x128xf32, #tpu.memory_space<vmem>>, vector<1x1x16xf32>,
            %swap3A_745 = vector.shape_cast %swap3A_744 : vector<1x1x16xf32> to vector<16xf32>
            %swap3A_746 = vector.shape_cast %broadcast_in_dim3A_112 : vector<16xf32> to vector<1x1x16xf32>
            tpu.vector_store %arg6[%swap3A_741, %swap3A_742, %swap3A_743], %swap3A_746 {strides = array<i32>} : memref<2x256x128xf32, #tpu.memory_space<vmem>>, vector<1x1x16xf32>,
            %mul3A_747 = arith.constant 16 : i32
            %mul3A_748 = arith.muli %scan3A_549, %mul3A_747 : i32
            %add3A_749 = arith.constant 2 : i32
            %add3A_750 = arith.addi %mul3A_748, %add3A_749 : i32
            %swap3A_751 = arith.constant 0 : i32
            %swap3A_752 = arith.index_cast %swap3A_751 : i32 to index
            %swap3A_753 = arith.index_cast %add3A_750 : i32 to index
            %swap3A_754 = arith.constant 64 : index
            %swap3A_755 = tpu.vector_load %arg6[%swap3A_752, %swap3A_753, %swap3A_754] {strides = array<i32>} : memref<2x256x128xf32, #tpu.memory_space<vmem>>, vector<1x1x16xf32>,
            %swap3A_756 = vector.shape_cast %swap3A_755 : vector<1x1x16xf32> to vector<16xf32>
            %swap3A_757 = vector.shape_cast %broadcast_in_dim3A_112 : vector<16xf32> to vector<1x1x16xf32>
            tpu.vector_store %arg6[%swap3A_752, %swap3A_753, %swap3A_754], %swap3A_757 {strides = array<i32>} : memref<2x256x128xf32, #tpu.memory_space<vmem>>, vector<1x1x16xf32>,
            %mul3A_758 = arith.constant 16 : i32
            %mul3A_759 = arith.muli %scan3A_549, %mul3A_758 : i32
            %add3A_760 = arith.constant 2 : i32
            %add3A_761 = arith.addi %mul3A_759, %add3A_760 : i32
            %swap3A_762 = arith.constant 0 : i32
            %swap3A_763 = arith.index_cast %swap3A_762 : i32 to index
            %swap3A_764 = arith.index_cast %add3A_761 : i32 to index
            %swap3A_765 = arith.constant 80 : index
            %swap3A_766 = tpu.vector_load %arg6[%swap3A_763, %swap3A_764, %swap3A_765] {strides = array<i32>} : memref<2x256x128xf32, #tpu.memory_space<vmem>>, vector<1x1x16xf32>,
            %swap3A_767 = vector.shape_cast %swap3A_766 : vector<1x1x16xf32> to vector<16xf32>
            %swap3A_768 = vector.shape_cast %broadcast_in_dim3A_112 : vector<16xf32> to vector<1x1x16xf32>
            tpu.vector_store %arg6[%swap3A_763, %swap3A_764, %swap3A_765], %swap3A_768 {strides = array<i32>} : memref<2x256x128xf32, #tpu.memory_space<vmem>>, vector<1x1x16xf32>,
            %mul3A_769 = arith.constant 16 : i32
            %mul3A_770 = arith.muli %scan3A_549, %mul3A_769 : i32
            %add3A_771 = arith.constant 2 : i32
            %add3A_772 = arith.addi %mul3A_770, %add3A_771 : i32
            %swap3A_773 = arith.constant 0 : i32
            %swap3A_774 = arith.index_cast %swap3A_773 : i32 to index
            %swap3A_775 = arith.index_cast %add3A_772 : i32 to index
            %swap3A_776 = arith.constant 96 : index
            %swap3A_777 = tpu.vector_load %arg6[%swap3A_774, %swap3A_775, %swap3A_776] {strides = array<i32>} : memref<2x256x128xf32, #tpu.memory_space<vmem>>, vector<1x1x16xf32>,
            %swap3A_778 = vector.shape_cast %swap3A_777 : vector<1x1x16xf32> to vector<16xf32>
            %swap3A_779 = vector.shape_cast %broadcast_in_dim3A_112 : vector<16xf32> to vector<1x1x16xf32>
            tpu.vector_store %arg6[%swap3A_774, %swap3A_775, %swap3A_776], %swap3A_779 {strides = array<i32>} : memref<2x256x128xf32, #tpu.memory_space<vmem>>, vector<1x1x16xf32>,
            %mul3A_780 = arith.constant 16 : i32
            %mul3A_781 = arith.muli %scan3A_549, %mul3A_780 : i32
            %add3A_782 = arith.constant 2 : i32
            %add3A_783 = arith.addi %mul3A_781, %add3A_782 : i32
            %swap3A_784 = arith.constant 0 : i32
            %swap3A_785 = arith.index_cast %swap3A_784 : i32 to index
            %swap3A_786 = arith.index_cast %add3A_783 : i32 to index
            %swap3A_787 = arith.constant 112 : index
            %swap3A_788 = tpu.vector_load %arg6[%swap3A_785, %swap3A_786, %swap3A_787] {strides = array<i32>} : memref<2x256x128xf32, #tpu.memory_space<vmem>>, vector<1x1x16xf32>,
            %swap3A_789 = vector.shape_cast %swap3A_788 : vector<1x1x16xf32> to vector<16xf32>
            %swap3A_790 = vector.shape_cast %broadcast_in_dim3A_112 : vector<16xf32> to vector<1x1x16xf32>
            tpu.vector_store %arg6[%swap3A_785, %swap3A_786, %swap3A_787], %swap3A_790 {strides = array<i32>} : memref<2x256x128xf32, #tpu.memory_space<vmem>>, vector<1x1x16xf32>,
          } else {
          }
          %slice3A_612 = vector.extract_strided_slice %get3A_590 {offsets = [3], sizes = [1], strides = [1]} : vector<16xi32> to vector<1xi32>
          %squeeze3A_613 = vector.extract %slice3A_612[0] : i32 from vector<1xi32>
          %eq3A_614 = arith.constant 0 : i32
          %eq3A_615 = arith.cmpi eq, %squeeze3A_613, %eq3A_614 : i32
          %convert_element_type3A_616 = arith.extui %eq3A_615 : i1 to i32
          %cond3A_617 = arith.constant 0 : i32
          %cond3A_618 = arith.cmpi ne, %convert_element_type3A_616, %cond3A_617 : i32
          scf.if %cond3A_618 {
            %mul3A_704 = arith.constant 16 : i32
            %mul3A_705 = arith.muli %scan3A_549, %mul3A_704 : i32
            %add3A_706 = arith.constant 3 : i32
            %add3A_707 = arith.addi %mul3A_705, %add3A_706 : i32
            %swap3A = arith.constant 0 : i32
            %swap3A_708 = arith.index_cast %swap3A : i32 to index
            %swap3A_709 = arith.index_cast %add3A_707 : i32 to index
            %swap3A_710 = arith.constant 0 : index
            %swap3A_711 = tpu.vector_load %arg6[%swap3A_708, %swap3A_709, %swap3A_710] {strides = array<i32>} : memref<2x256x128xf32, #tpu.memory_space<vmem>>, vector<1x1x16xf32>,
            %swap3A_712 = vector.shape_cast %swap3A_711 : vector<1x1x16xf32> to vector<16xf32>
            %swap3A_713 = vector.shape_cast %broadcast_in_dim3A_112 : vector<16xf32> to vector<1x1x16xf32>
            tpu.vector_store %arg6[%swap3A_708, %swap3A_709, %swap3A_710], %swap3A_713 {strides = array<i32>} : memref<2x256x128xf32, #tpu.memory_space<vmem>>, vector<1x1x16xf32>,
            %mul3A_714 = arith.constant 16 : i32
            %mul3A_715 = arith.muli %scan3A_549, %mul3A_714 : i32
            %add3A_716 = arith.constant 3 : i32
            %add3A_717 = arith.addi %mul3A_715, %add3A_716 : i32
            %swap3A_718 = arith.constant 0 : i32
            %swap3A_719 = arith.index_cast %swap3A_718 : i32 to index
            %swap3A_720 = arith.index_cast %add3A_717 : i32 to index
            %swap3A_721 = arith.constant 16 : index
            %swap3A_722 = tpu.vector_load %arg6[%swap3A_719, %swap3A_720, %swap3A_721] {strides = array<i32>} : memref<2x256x128xf32, #tpu.memory_space<vmem>>, vector<1x1x16xf32>,
            %swap3A_723 = vector.shape_cast %swap3A_722 : vector<1x1x16xf32> to vector<16xf32>
            %swap3A_724 = vector.shape_cast %broadcast_in_dim3A_112 : vector<16xf32> to vector<1x1x16xf32>
            tpu.vector_store %arg6[%swap3A_719, %swap3A_720, %swap3A_721], %swap3A_724 {strides = array<i32>} : memref<2x256x128xf32, #tpu.memory_space<vmem>>, vector<1x1x16xf32>,
            %mul3A_725 = arith.constant 16 : i32
            %mul3A_726 = arith.muli %scan3A_549, %mul3A_725 : i32
            %add3A_727 = arith.constant 3 : i32
            %add3A_728 = arith.addi %mul3A_726, %add3A_727 : i32
            %swap3A_729 = arith.constant 0 : i32
            %swap3A_730 = arith.index_cast %swap3A_729 : i32 to index
            %swap3A_731 = arith.index_cast %add3A_728 : i32 to index
            %swap3A_732 = arith.constant 32 : index
            %swap3A_733 = tpu.vector_load %arg6[%swap3A_730, %swap3A_731, %swap3A_732] {strides = array<i32>} : memref<2x256x128xf32, #tpu.memory_space<vmem>>, vector<1x1x16xf32>,
            %swap3A_734 = vector.shape_cast %swap3A_733 : vector<1x1x16xf32> to vector<16xf32>
            %swap3A_735 = vector.shape_cast %broadcast_in_dim3A_112 : vector<16xf32> to vector<1x1x16xf32>
            tpu.vector_store %arg6[%swap3A_730, %swap3A_731, %swap3A_732], %swap3A_735 {strides = array<i32>} : memref<2x256x128xf32, #tpu.memory_space<vmem>>, vector<1x1x16xf32>,
            %mul3A_736 = arith.constant 16 : i32
            %mul3A_737 = arith.muli %scan3A_549, %mul3A_736 : i32
            %add3A_738 = arith.constant 3 : i32
            %add3A_739 = arith.addi %mul3A_737, %add3A_738 : i32
            %swap3A_740 = arith.constant 0 : i32
            %swap3A_741 = arith.index_cast %swap3A_740 : i32 to index
            %swap3A_742 = arith.index_cast %add3A_739 : i32 to index
            %swap3A_743 = arith.constant 48 : index
            %swap3A_744 = tpu.vector_load %arg6[%swap3A_741, %swap3A_742, %swap3A_743] {strides = array<i32>} : memref<2x256x128xf32, #tpu.memory_space<vmem>>, vector<1x1x16xf32>,
            %swap3A_745 = vector.shape_cast %swap3A_744 : vector<1x1x16xf32> to vector<16xf32>
            %swap3A_746 = vector.shape_cast %broadcast_in_dim3A_112 : vector<16xf32> to vector<1x1x16xf32>
            tpu.vector_store %arg6[%swap3A_741, %swap3A_742, %swap3A_743], %swap3A_746 {strides = array<i32>} : memref<2x256x128xf32, #tpu.memory_space<vmem>>, vector<1x1x16xf32>,
            %mul3A_747 = arith.constant 16 : i32
            %mul3A_748 = arith.muli %scan3A_549, %mul3A_747 : i32
            %add3A_749 = arith.constant 3 : i32
            %add3A_750 = arith.addi %mul3A_748, %add3A_749 : i32
            %swap3A_751 = arith.constant 0 : i32
            %swap3A_752 = arith.index_cast %swap3A_751 : i32 to index
            %swap3A_753 = arith.index_cast %add3A_750 : i32 to index
            %swap3A_754 = arith.constant 64 : index
            %swap3A_755 = tpu.vector_load %arg6[%swap3A_752, %swap3A_753, %swap3A_754] {strides = array<i32>} : memref<2x256x128xf32, #tpu.memory_space<vmem>>, vector<1x1x16xf32>,
            %swap3A_756 = vector.shape_cast %swap3A_755 : vector<1x1x16xf32> to vector<16xf32>
            %swap3A_757 = vector.shape_cast %broadcast_in_dim3A_112 : vector<16xf32> to vector<1x1x16xf32>
            tpu.vector_store %arg6[%swap3A_752, %swap3A_753, %swap3A_754], %swap3A_757 {strides = array<i32>} : memref<2x256x128xf32, #tpu.memory_space<vmem>>, vector<1x1x16xf32>,
            %mul3A_758 = arith.constant 16 : i32
            %mul3A_759 = arith.muli %scan3A_549, %mul3A_758 : i32
            %add3A_760 = arith.constant 3 : i32
            %add3A_761 = arith.addi %mul3A_759, %add3A_760 : i32
            %swap3A_762 = arith.constant 0 : i32
            %swap3A_763 = arith.index_cast %swap3A_762 : i32 to index
            %swap3A_764 = arith.index_cast %add3A_761 : i32 to index
            %swap3A_765 = arith.constant 80 : index
            %swap3A_766 = tpu.vector_load %arg6[%swap3A_763, %swap3A_764, %swap3A_765] {strides = array<i32>} : memref<2x256x128xf32, #tpu.memory_space<vmem>>, vector<1x1x16xf32>,
            %swap3A_767 = vector.shape_cast %swap3A_766 : vector<1x1x16xf32> to vector<16xf32>
            %swap3A_768 = vector.shape_cast %broadcast_in_dim3A_112 : vector<16xf32> to vector<1x1x16xf32>
            tpu.vector_store %arg6[%swap3A_763, %swap3A_764, %swap3A_765], %swap3A_768 {strides = array<i32>} : memref<2x256x128xf32, #tpu.memory_space<vmem>>, vector<1x1x16xf32>,
            %mul3A_769 = arith.constant 16 : i32
            %mul3A_770 = arith.muli %scan3A_549, %mul3A_769 : i32
            %add3A_771 = arith.constant 3 : i32
            %add3A_772 = arith.addi %mul3A_770, %add3A_771 : i32
            %swap3A_773 = arith.constant 0 : i32
            %swap3A_774 = arith.index_cast %swap3A_773 : i32 to index
            %swap3A_775 = arith.index_cast %add3A_772 : i32 to index
            %swap3A_776 = arith.constant 96 : index
            %swap3A_777 = tpu.vector_load %arg6[%swap3A_774, %swap3A_775, %swap3A_776] {strides = array<i32>} : memref<2x256x128xf32, #tpu.memory_space<vmem>>, vector<1x1x16xf32>,
            %swap3A_778 = vector.shape_cast %swap3A_777 : vector<1x1x16xf32> to vector<16xf32>
            %swap3A_779 = vector.shape_cast %broadcast_in_dim3A_112 : vector<16xf32> to vector<1x1x16xf32>
            tpu.vector_store %arg6[%swap3A_774, %swap3A_775, %swap3A_776], %swap3A_779 {strides = array<i32>} : memref<2x256x128xf32, #tpu.memory_space<vmem>>, vector<1x1x16xf32>,
            %mul3A_780 = arith.constant 16 : i32
            %mul3A_781 = arith.muli %scan3A_549, %mul3A_780 : i32
            %add3A_782 = arith.constant 3 : i32
            %add3A_783 = arith.addi %mul3A_781, %add3A_782 : i32
            %swap3A_784 = arith.constant 0 : i32
            %swap3A_785 = arith.index_cast %swap3A_784 : i32 to index
            %swap3A_786 = arith.index_cast %add3A_783 : i32 to index
            %swap3A_787 = arith.constant 112 : index
            %swap3A_788 = tpu.vector_load %arg6[%swap3A_785, %swap3A_786, %swap3A_787] {strides = array<i32>} : memref<2x256x128xf32, #tpu.memory_space<vmem>>, vector<1x1x16xf32>,
            %swap3A_789 = vector.shape_cast %swap3A_788 : vector<1x1x16xf32> to vector<16xf32>
            %swap3A_790 = vector.shape_cast %broadcast_in_dim3A_112 : vector<16xf32> to vector<1x1x16xf32>
            tpu.vector_store %arg6[%swap3A_785, %swap3A_786, %swap3A_787], %swap3A_790 {strides = array<i32>} : memref<2x256x128xf32, #tpu.memory_space<vmem>>, vector<1x1x16xf32>,
          } else {
          }
          %slice3A_619 = vector.extract_strided_slice %get3A_590 {offsets = [4], sizes = [1], strides = [1]} : vector<16xi32> to vector<1xi32>
          %squeeze3A_620 = vector.extract %slice3A_619[0] : i32 from vector<1xi32>
          %eq3A_621 = arith.constant 0 : i32
          %eq3A_622 = arith.cmpi eq, %squeeze3A_620, %eq3A_621 : i32
          %convert_element_type3A_623 = arith.extui %eq3A_622 : i1 to i32
          %cond3A_624 = arith.constant 0 : i32
          %cond3A_625 = arith.cmpi ne, %convert_element_type3A_623, %cond3A_624 : i32
          scf.if %cond3A_625 {
            %mul3A_704 = arith.constant 16 : i32
            %mul3A_705 = arith.muli %scan3A_549, %mul3A_704 : i32
            %add3A_706 = arith.constant 4 : i32
            %add3A_707 = arith.addi %mul3A_705, %add3A_706 : i32
            %swap3A = arith.constant 0 : i32
            %swap3A_708 = arith.index_cast %swap3A : i32 to index
            %swap3A_709 = arith.index_cast %add3A_707 : i32 to index
            %swap3A_710 = arith.constant 0 : index
            %swap3A_711 = tpu.vector_load %arg6[%swap3A_708, %swap3A_709, %swap3A_710] {strides = array<i32>} : memref<2x256x128xf32, #tpu.memory_space<vmem>>, vector<1x1x16xf32>,
            %swap3A_712 = vector.shape_cast %swap3A_711 : vector<1x1x16xf32> to vector<16xf32>
            %swap3A_713 = vector.shape_cast %broadcast_in_dim3A_112 : vector<16xf32> to vector<1x1x16xf32>
            tpu.vector_store %arg6[%swap3A_708, %swap3A_709, %swap3A_710], %swap3A_713 {strides = array<i32>} : memref<2x256x128xf32, #tpu.memory_space<vmem>>, vector<1x1x16xf32>,
            %mul3A_714 = arith.constant 16 : i32
            %mul3A_715 = arith.muli %scan3A_549, %mul3A_714 : i32
            %add3A_716 = arith.constant 4 : i32
            %add3A_717 = arith.addi %mul3A_715, %add3A_716 : i32
            %swap3A_718 = arith.constant 0 : i32
            %swap3A_719 = arith.index_cast %swap3A_718 : i32 to index
            %swap3A_720 = arith.index_cast %add3A_717 : i32 to index
            %swap3A_721 = arith.constant 16 : index
            %swap3A_722 = tpu.vector_load %arg6[%swap3A_719, %swap3A_720, %swap3A_721] {strides = array<i32>} : memref<2x256x128xf32, #tpu.memory_space<vmem>>, vector<1x1x16xf32>,
            %swap3A_723 = vector.shape_cast %swap3A_722 : vector<1x1x16xf32> to vector<16xf32>
            %swap3A_724 = vector.shape_cast %broadcast_in_dim3A_112 : vector<16xf32> to vector<1x1x16xf32>
            tpu.vector_store %arg6[%swap3A_719, %swap3A_720, %swap3A_721], %swap3A_724 {strides = array<i32>} : memref<2x256x128xf32, #tpu.memory_space<vmem>>, vector<1x1x16xf32>,
            %mul3A_725 = arith.constant 16 : i32
            %mul3A_726 = arith.muli %scan3A_549, %mul3A_725 : i32
            %add3A_727 = arith.constant 4 : i32
            %add3A_728 = arith.addi %mul3A_726, %add3A_727 : i32
            %swap3A_729 = arith.constant 0 : i32
            %swap3A_730 = arith.index_cast %swap3A_729 : i32 to index
            %swap3A_731 = arith.index_cast %add3A_728 : i32 to index
            %swap3A_732 = arith.constant 32 : index
            %swap3A_733 = tpu.vector_load %arg6[%swap3A_730, %swap3A_731, %swap3A_732] {strides = array<i32>} : memref<2x256x128xf32, #tpu.memory_space<vmem>>, vector<1x1x16xf32>,
            %swap3A_734 = vector.shape_cast %swap3A_733 : vector<1x1x16xf32> to vector<16xf32>
            %swap3A_735 = vector.shape_cast %broadcast_in_dim3A_112 : vector<16xf32> to vector<1x1x16xf32>
            tpu.vector_store %arg6[%swap3A_730, %swap3A_731, %swap3A_732], %swap3A_735 {strides = array<i32>} : memref<2x256x128xf32, #tpu.memory_space<vmem>>, vector<1x1x16xf32>,
            %mul3A_736 = arith.constant 16 : i32
            %mul3A_737 = arith.muli %scan3A_549, %mul3A_736 : i32
            %add3A_738 = arith.constant 4 : i32
            %add3A_739 = arith.addi %mul3A_737, %add3A_738 : i32
            %swap3A_740 = arith.constant 0 : i32
            %swap3A_741 = arith.index_cast %swap3A_740 : i32 to index
            %swap3A_742 = arith.index_cast %add3A_739 : i32 to index
            %swap3A_743 = arith.constant 48 : index
            %swap3A_744 = tpu.vector_load %arg6[%swap3A_741, %swap3A_742, %swap3A_743] {strides = array<i32>} : memref<2x256x128xf32, #tpu.memory_space<vmem>>, vector<1x1x16xf32>,
            %swap3A_745 = vector.shape_cast %swap3A_744 : vector<1x1x16xf32> to vector<16xf32>
            %swap3A_746 = vector.shape_cast %broadcast_in_dim3A_112 : vector<16xf32> to vector<1x1x16xf32>
            tpu.vector_store %arg6[%swap3A_741, %swap3A_742, %swap3A_743], %swap3A_746 {strides = array<i32>} : memref<2x256x128xf32, #tpu.memory_space<vmem>>, vector<1x1x16xf32>,
            %mul3A_747 = arith.constant 16 : i32
            %mul3A_748 = arith.muli %scan3A_549, %mul3A_747 : i32
            %add3A_749 = arith.constant 4 : i32
            %add3A_750 = arith.addi %mul3A_748, %add3A_749 : i32
            %swap3A_751 = arith.constant 0 : i32
            %swap3A_752 = arith.index_cast %swap3A_751 : i32 to index
            %swap3A_753 = arith.index_cast %add3A_750 : i32 to index
            %swap3A_754 = arith.constant 64 : index
            %swap3A_755 = tpu.vector_load %arg6[%swap3A_752, %swap3A_753, %swap3A_754] {strides = array<i32>} : memref<2x256x128xf32, #tpu.memory_space<vmem>>, vector<1x1x16xf32>,
            %swap3A_756 = vector.shape_cast %swap3A_755 : vector<1x1x16xf32> to vector<16xf32>
            %swap3A_757 = vector.shape_cast %broadcast_in_dim3A_112 : vector<16xf32> to vector<1x1x16xf32>
            tpu.vector_store %arg6[%swap3A_752, %swap3A_753, %swap3A_754], %swap3A_757 {strides = array<i32>} : memref<2x256x128xf32, #tpu.memory_space<vmem>>, vector<1x1x16xf32>,
            %mul3A_758 = arith.constant 16 : i32
            %mul3A_759 = arith.muli %scan3A_549, %mul3A_758 : i32
            %add3A_760 = arith.constant 4 : i32
            %add3A_761 = arith.addi %mul3A_759, %add3A_760 : i32
            %swap3A_762 = arith.constant 0 : i32
            %swap3A_763 = arith.index_cast %swap3A_762 : i32 to index
            %swap3A_764 = arith.index_cast %add3A_761 : i32 to index
            %swap3A_765 = arith.constant 80 : index
            %swap3A_766 = tpu.vector_load %arg6[%swap3A_763, %swap3A_764, %swap3A_765] {strides = array<i32>} : memref<2x256x128xf32, #tpu.memory_space<vmem>>, vector<1x1x16xf32>,
            %swap3A_767 = vector.shape_cast %swap3A_766 : vector<1x1x16xf32> to vector<16xf32>
            %swap3A_768 = vector.shape_cast %broadcast_in_dim3A_112 : vector<16xf32> to vector<1x1x16xf32>
            tpu.vector_store %arg6[%swap3A_763, %swap3A_764, %swap3A_765], %swap3A_768 {strides = array<i32>} : memref<2x256x128xf32, #tpu.memory_space<vmem>>, vector<1x1x16xf32>,
            %mul3A_769 = arith.constant 16 : i32
            %mul3A_770 = arith.muli %scan3A_549, %mul3A_769 : i32
            %add3A_771 = arith.constant 4 : i32
            %add3A_772 = arith.addi %mul3A_770, %add3A_771 : i32
            %swap3A_773 = arith.constant 0 : i32
            %swap3A_774 = arith.index_cast %swap3A_773 : i32 to index
            %swap3A_775 = arith.index_cast %add3A_772 : i32 to index
            %swap3A_776 = arith.constant 96 : index
            %swap3A_777 = tpu.vector_load %arg6[%swap3A_774, %swap3A_775, %swap3A_776] {strides = array<i32>} : memref<2x256x128xf32, #tpu.memory_space<vmem>>, vector<1x1x16xf32>,
            %swap3A_778 = vector.shape_cast %swap3A_777 : vector<1x1x16xf32> to vector<16xf32>
            %swap3A_779 = vector.shape_cast %broadcast_in_dim3A_112 : vector<16xf32> to vector<1x1x16xf32>
            tpu.vector_store %arg6[%swap3A_774, %swap3A_775, %swap3A_776], %swap3A_779 {strides = array<i32>} : memref<2x256x128xf32, #tpu.memory_space<vmem>>, vector<1x1x16xf32>,
            %mul3A_780 = arith.constant 16 : i32
            %mul3A_781 = arith.muli %scan3A_549, %mul3A_780 : i32
            %add3A_782 = arith.constant 4 : i32
            %add3A_783 = arith.addi %mul3A_781, %add3A_782 : i32
            %swap3A_784 = arith.constant 0 : i32
            %swap3A_785 = arith.index_cast %swap3A_784 : i32 to index
            %swap3A_786 = arith.index_cast %add3A_783 : i32 to index
            %swap3A_787 = arith.constant 112 : index
            %swap3A_788 = tpu.vector_load %arg6[%swap3A_785, %swap3A_786, %swap3A_787] {strides = array<i32>} : memref<2x256x128xf32, #tpu.memory_space<vmem>>, vector<1x1x16xf32>,
            %swap3A_789 = vector.shape_cast %swap3A_788 : vector<1x1x16xf32> to vector<16xf32>
            %swap3A_790 = vector.shape_cast %broadcast_in_dim3A_112 : vector<16xf32> to vector<1x1x16xf32>
            tpu.vector_store %arg6[%swap3A_785, %swap3A_786, %swap3A_787], %swap3A_790 {strides = array<i32>} : memref<2x256x128xf32, #tpu.memory_space<vmem>>, vector<1x1x16xf32>,
          } else {
          }
          %slice3A_626 = vector.extract_strided_slice %get3A_590 {offsets = [5], sizes = [1], strides = [1]} : vector<16xi32> to vector<1xi32>
          %squeeze3A_627 = vector.extract %slice3A_626[0] : i32 from vector<1xi32>
          %eq3A_628 = arith.constant 0 : i32
          %eq3A_629 = arith.cmpi eq, %squeeze3A_627, %eq3A_628 : i32
          %convert_element_type3A_630 = arith.extui %eq3A_629 : i1 to i32
          %cond3A_631 = arith.constant 0 : i32
          %cond3A_632 = arith.cmpi ne, %convert_element_type3A_630, %cond3A_631 : i32
          scf.if %cond3A_632 {
            %mul3A_704 = arith.constant 16 : i32
            %mul3A_705 = arith.muli %scan3A_549, %mul3A_704 : i32
            %add3A_706 = arith.constant 5 : i32
            %add3A_707 = arith.addi %mul3A_705, %add3A_706 : i32
            %swap3A = arith.constant 0 : i32
            %swap3A_708 = arith.index_cast %swap3A : i32 to index
            %swap3A_709 = arith.index_cast %add3A_707 : i32 to index
            %swap3A_710 = arith.constant 0 : index
            %swap3A_711 = tpu.vector_load %arg6[%swap3A_708, %swap3A_709, %swap3A_710] {strides = array<i32>} : memref<2x256x128xf32, #tpu.memory_space<vmem>>, vector<1x1x16xf32>,
            %swap3A_712 = vector.shape_cast %swap3A_711 : vector<1x1x16xf32> to vector<16xf32>
            %swap3A_713 = vector.shape_cast %broadcast_in_dim3A_112 : vector<16xf32> to vector<1x1x16xf32>
            tpu.vector_store %arg6[%swap3A_708, %swap3A_709, %swap3A_710], %swap3A_713 {strides = array<i32>} : memref<2x256x128xf32, #tpu.memory_space<vmem>>, vector<1x1x16xf32>,
            %mul3A_714 = arith.constant 16 : i32
            %mul3A_715 = arith.muli %scan3A_549, %mul3A_714 : i32
            %add3A_716 = arith.constant 5 : i32
            %add3A_717 = arith.addi %mul3A_715, %add3A_716 : i32
            %swap3A_718 = arith.constant 0 : i32
            %swap3A_719 = arith.index_cast %swap3A_718 : i32 to index
            %swap3A_720 = arith.index_cast %add3A_717 : i32 to index
            %swap3A_721 = arith.constant 16 : index
            %swap3A_722 = tpu.vector_load %arg6[%swap3A_719, %swap3A_720, %swap3A_721] {strides = array<i32>} : memref<2x256x128xf32, #tpu.memory_space<vmem>>, vector<1x1x16xf32>,
            %swap3A_723 = vector.shape_cast %swap3A_722 : vector<1x1x16xf32> to vector<16xf32>
            %swap3A_724 = vector.shape_cast %broadcast_in_dim3A_112 : vector<16xf32> to vector<1x1x16xf32>
            tpu.vector_store %arg6[%swap3A_719, %swap3A_720, %swap3A_721], %swap3A_724 {strides = array<i32>} : memref<2x256x128xf32, #tpu.memory_space<vmem>>, vector<1x1x16xf32>,
            %mul3A_725 = arith.constant 16 : i32
            %mul3A_726 = arith.muli %scan3A_549, %mul3A_725 : i32
            %add3A_727 = arith.constant 5 : i32
            %add3A_728 = arith.addi %mul3A_726, %add3A_727 : i32
            %swap3A_729 = arith.constant 0 : i32
            %swap3A_730 = arith.index_cast %swap3A_729 : i32 to index
            %swap3A_731 = arith.index_cast %add3A_728 : i32 to index
            %swap3A_732 = arith.constant 32 : index
            %swap3A_733 = tpu.vector_load %arg6[%swap3A_730, %swap3A_731, %swap3A_732] {strides = array<i32>} : memref<2x256x128xf32, #tpu.memory_space<vmem>>, vector<1x1x16xf32>,
            %swap3A_734 = vector.shape_cast %swap3A_733 : vector<1x1x16xf32> to vector<16xf32>
            %swap3A_735 = vector.shape_cast %broadcast_in_dim3A_112 : vector<16xf32> to vector<1x1x16xf32>
            tpu.vector_store %arg6[%swap3A_730, %swap3A_731, %swap3A_732], %swap3A_735 {strides = array<i32>} : memref<2x256x128xf32, #tpu.memory_space<vmem>>, vector<1x1x16xf32>,
            %mul3A_736 = arith.constant 16 : i32
            %mul3A_737 = arith.muli %scan3A_549, %mul3A_736 : i32
            %add3A_738 = arith.constant 5 : i32
            %add3A_739 = arith.addi %mul3A_737, %add3A_738 : i32
            %swap3A_740 = arith.constant 0 : i32
            %swap3A_741 = arith.index_cast %swap3A_740 : i32 to index
            %swap3A_742 = arith.index_cast %add3A_739 : i32 to index
            %swap3A_743 = arith.constant 48 : index
            %swap3A_744 = tpu.vector_load %arg6[%swap3A_741, %swap3A_742, %swap3A_743] {strides = array<i32>} : memref<2x256x128xf32, #tpu.memory_space<vmem>>, vector<1x1x16xf32>,
            %swap3A_745 = vector.shape_cast %swap3A_744 : vector<1x1x16xf32> to vector<16xf32>
            %swap3A_746 = vector.shape_cast %broadcast_in_dim3A_112 : vector<16xf32> to vector<1x1x16xf32>
            tpu.vector_store %arg6[%swap3A_741, %swap3A_742, %swap3A_743], %swap3A_746 {strides = array<i32>} : memref<2x256x128xf32, #tpu.memory_space<vmem>>, vector<1x1x16xf32>,
            %mul3A_747 = arith.constant 16 : i32
            %mul3A_748 = arith.muli %scan3A_549, %mul3A_747 : i32
            %add3A_749 = arith.constant 5 : i32
            %add3A_750 = arith.addi %mul3A_748, %add3A_749 : i32
            %swap3A_751 = arith.constant 0 : i32
            %swap3A_752 = arith.index_cast %swap3A_751 : i32 to index
            %swap3A_753 = arith.index_cast %add3A_750 : i32 to index
            %swap3A_754 = arith.constant 64 : index
            %swap3A_755 = tpu.vector_load %arg6[%swap3A_752, %swap3A_753, %swap3A_754] {strides = array<i32>} : memref<2x256x128xf32, #tpu.memory_space<vmem>>, vector<1x1x16xf32>,
            %swap3A_756 = vector.shape_cast %swap3A_755 : vector<1x1x16xf32> to vector<16xf32>
            %swap3A_757 = vector.shape_cast %broadcast_in_dim3A_112 : vector<16xf32> to vector<1x1x16xf32>
            tpu.vector_store %arg6[%swap3A_752, %swap3A_753, %swap3A_754], %swap3A_757 {strides = array<i32>} : memref<2x256x128xf32, #tpu.memory_space<vmem>>, vector<1x1x16xf32>,
            %mul3A_758 = arith.constant 16 : i32
            %mul3A_759 = arith.muli %scan3A_549, %mul3A_758 : i32
            %add3A_760 = arith.constant 5 : i32
            %add3A_761 = arith.addi %mul3A_759, %add3A_760 : i32
            %swap3A_762 = arith.constant 0 : i32
            %swap3A_763 = arith.index_cast %swap3A_762 : i32 to index
            %swap3A_764 = arith.index_cast %add3A_761 : i32 to index
            %swap3A_765 = arith.constant 80 : index
            %swap3A_766 = tpu.vector_load %arg6[%swap3A_763, %swap3A_764, %swap3A_765] {strides = array<i32>} : memref<2x256x128xf32, #tpu.memory_space<vmem>>, vector<1x1x16xf32>,
            %swap3A_767 = vector.shape_cast %swap3A_766 : vector<1x1x16xf32> to vector<16xf32>
            %swap3A_768 = vector.shape_cast %broadcast_in_dim3A_112 : vector<16xf32> to vector<1x1x16xf32>
            tpu.vector_store %arg6[%swap3A_763, %swap3A_764, %swap3A_765], %swap3A_768 {strides = array<i32>} : memref<2x256x128xf32, #tpu.memory_space<vmem>>, vector<1x1x16xf32>,
            %mul3A_769 = arith.constant 16 : i32
            %mul3A_770 = arith.muli %scan3A_549, %mul3A_769 : i32
            %add3A_771 = arith.constant 5 : i32
            %add3A_772 = arith.addi %mul3A_770, %add3A_771 : i32
            %swap3A_773 = arith.constant 0 : i32
            %swap3A_774 = arith.index_cast %swap3A_773 : i32 to index
            %swap3A_775 = arith.index_cast %add3A_772 : i32 to index
            %swap3A_776 = arith.constant 96 : index
            %swap3A_777 = tpu.vector_load %arg6[%swap3A_774, %swap3A_775, %swap3A_776] {strides = array<i32>} : memref<2x256x128xf32, #tpu.memory_space<vmem>>, vector<1x1x16xf32>,
            %swap3A_778 = vector.shape_cast %swap3A_777 : vector<1x1x16xf32> to vector<16xf32>
            %swap3A_779 = vector.shape_cast %broadcast_in_dim3A_112 : vector<16xf32> to vector<1x1x16xf32>
            tpu.vector_store %arg6[%swap3A_774, %swap3A_775, %swap3A_776], %swap3A_779 {strides = array<i32>} : memref<2x256x128xf32, #tpu.memory_space<vmem>>, vector<1x1x16xf32>,
            %mul3A_780 = arith.constant 16 : i32
            %mul3A_781 = arith.muli %scan3A_549, %mul3A_780 : i32
            %add3A_782 = arith.constant 5 : i32
            %add3A_783 = arith.addi %mul3A_781, %add3A_782 : i32
            %swap3A_784 = arith.constant 0 : i32
            %swap3A_785 = arith.index_cast %swap3A_784 : i32 to index
            %swap3A_786 = arith.index_cast %add3A_783 : i32 to index
            %swap3A_787 = arith.constant 112 : index
            %swap3A_788 = tpu.vector_load %arg6[%swap3A_785, %swap3A_786, %swap3A_787] {strides = array<i32>} : memref<2x256x128xf32, #tpu.memory_space<vmem>>, vector<1x1x16xf32>,
            %swap3A_789 = vector.shape_cast %swap3A_788 : vector<1x1x16xf32> to vector<16xf32>
            %swap3A_790 = vector.shape_cast %broadcast_in_dim3A_112 : vector<16xf32> to vector<1x1x16xf32>
            tpu.vector_store %arg6[%swap3A_785, %swap3A_786, %swap3A_787], %swap3A_790 {strides = array<i32>} : memref<2x256x128xf32, #tpu.memory_space<vmem>>, vector<1x1x16xf32>,
          } else {
          }
          %slice3A_633 = vector.extract_strided_slice %get3A_590 {offsets = [6], sizes = [1], strides = [1]} : vector<16xi32> to vector<1xi32>
          %squeeze3A_634 = vector.extract %slice3A_633[0] : i32 from vector<1xi32>
          %eq3A_635 = arith.constant 0 : i32
          %eq3A_636 = arith.cmpi eq, %squeeze3A_634, %eq3A_635 : i32
          %convert_element_type3A_637 = arith.extui %eq3A_636 : i1 to i32
          %cond3A_638 = arith.constant 0 : i32
          %cond3A_639 = arith.cmpi ne, %convert_element_type3A_637, %cond3A_638 : i32
          scf.if %cond3A_639 {
            %mul3A_704 = arith.constant 16 : i32
            %mul3A_705 = arith.muli %scan3A_549, %mul3A_704 : i32
            %add3A_706 = arith.constant 6 : i32
            %add3A_707 = arith.addi %mul3A_705, %add3A_706 : i32
            %swap3A = arith.constant 0 : i32
            %swap3A_708 = arith.index_cast %swap3A : i32 to index
            %swap3A_709 = arith.index_cast %add3A_707 : i32 to index
            %swap3A_710 = arith.constant 0 : index
            %swap3A_711 = tpu.vector_load %arg6[%swap3A_708, %swap3A_709, %swap3A_710] {strides = array<i32>} : memref<2x256x128xf32, #tpu.memory_space<vmem>>, vector<1x1x16xf32>,
            %swap3A_712 = vector.shape_cast %swap3A_711 : vector<1x1x16xf32> to vector<16xf32>
            %swap3A_713 = vector.shape_cast %broadcast_in_dim3A_112 : vector<16xf32> to vector<1x1x16xf32>
            tpu.vector_store %arg6[%swap3A_708, %swap3A_709, %swap3A_710], %swap3A_713 {strides = array<i32>} : memref<2x256x128xf32, #tpu.memory_space<vmem>>, vector<1x1x16xf32>,
            %mul3A_714 = arith.constant 16 : i32
            %mul3A_715 = arith.muli %scan3A_549, %mul3A_714 : i32
            %add3A_716 = arith.constant 6 : i32
            %add3A_717 = arith.addi %mul3A_715, %add3A_716 : i32
            %swap3A_718 = arith.constant 0 : i32
            %swap3A_719 = arith.index_cast %swap3A_718 : i32 to index
            %swap3A_720 = arith.index_cast %add3A_717 : i32 to index
            %swap3A_721 = arith.constant 16 : index
            %swap3A_722 = tpu.vector_load %arg6[%swap3A_719, %swap3A_720, %swap3A_721] {strides = array<i32>} : memref<2x256x128xf32, #tpu.memory_space<vmem>>, vector<1x1x16xf32>,
            %swap3A_723 = vector.shape_cast %swap3A_722 : vector<1x1x16xf32> to vector<16xf32>
            %swap3A_724 = vector.shape_cast %broadcast_in_dim3A_112 : vector<16xf32> to vector<1x1x16xf32>
            tpu.vector_store %arg6[%swap3A_719, %swap3A_720, %swap3A_721], %swap3A_724 {strides = array<i32>} : memref<2x256x128xf32, #tpu.memory_space<vmem>>, vector<1x1x16xf32>,
            %mul3A_725 = arith.constant 16 : i32
            %mul3A_726 = arith.muli %scan3A_549, %mul3A_725 : i32
            %add3A_727 = arith.constant 6 : i32
            %add3A_728 = arith.addi %mul3A_726, %add3A_727 : i32
            %swap3A_729 = arith.constant 0 : i32
            %swap3A_730 = arith.index_cast %swap3A_729 : i32 to index
            %swap3A_731 = arith.index_cast %add3A_728 : i32 to index
            %swap3A_732 = arith.constant 32 : index
            %swap3A_733 = tpu.vector_load %arg6[%swap3A_730, %swap3A_731, %swap3A_732] {strides = array<i32>} : memref<2x256x128xf32, #tpu.memory_space<vmem>>, vector<1x1x16xf32>,
            %swap3A_734 = vector.shape_cast %swap3A_733 : vector<1x1x16xf32> to vector<16xf32>
            %swap3A_735 = vector.shape_cast %broadcast_in_dim3A_112 : vector<16xf32> to vector<1x1x16xf32>
            tpu.vector_store %arg6[%swap3A_730, %swap3A_731, %swap3A_732], %swap3A_735 {strides = array<i32>} : memref<2x256x128xf32, #tpu.memory_space<vmem>>, vector<1x1x16xf32>,
            %mul3A_736 = arith.constant 16 : i32
            %mul3A_737 = arith.muli %scan3A_549, %mul3A_736 : i32
            %add3A_738 = arith.constant 6 : i32
            %add3A_739 = arith.addi %mul3A_737, %add3A_738 : i32
            %swap3A_740 = arith.constant 0 : i32
            %swap3A_741 = arith.index_cast %swap3A_740 : i32 to index
            %swap3A_742 = arith.index_cast %add3A_739 : i32 to index
            %swap3A_743 = arith.constant 48 : index
            %swap3A_744 = tpu.vector_load %arg6[%swap3A_741, %swap3A_742, %swap3A_743] {strides = array<i32>} : memref<2x256x128xf32, #tpu.memory_space<vmem>>, vector<1x1x16xf32>,
            %swap3A_745 = vector.shape_cast %swap3A_744 : vector<1x1x16xf32> to vector<16xf32>
            %swap3A_746 = vector.shape_cast %broadcast_in_dim3A_112 : vector<16xf32> to vector<1x1x16xf32>
            tpu.vector_store %arg6[%swap3A_741, %swap3A_742, %swap3A_743], %swap3A_746 {strides = array<i32>} : memref<2x256x128xf32, #tpu.memory_space<vmem>>, vector<1x1x16xf32>,
            %mul3A_747 = arith.constant 16 : i32
            %mul3A_748 = arith.muli %scan3A_549, %mul3A_747 : i32
            %add3A_749 = arith.constant 6 : i32
            %add3A_750 = arith.addi %mul3A_748, %add3A_749 : i32
            %swap3A_751 = arith.constant 0 : i32
            %swap3A_752 = arith.index_cast %swap3A_751 : i32 to index
            %swap3A_753 = arith.index_cast %add3A_750 : i32 to index
            %swap3A_754 = arith.constant 64 : index
            %swap3A_755 = tpu.vector_load %arg6[%swap3A_752, %swap3A_753, %swap3A_754] {strides = array<i32>} : memref<2x256x128xf32, #tpu.memory_space<vmem>>, vector<1x1x16xf32>,
            %swap3A_756 = vector.shape_cast %swap3A_755 : vector<1x1x16xf32> to vector<16xf32>
            %swap3A_757 = vector.shape_cast %broadcast_in_dim3A_112 : vector<16xf32> to vector<1x1x16xf32>
            tpu.vector_store %arg6[%swap3A_752, %swap3A_753, %swap3A_754], %swap3A_757 {strides = array<i32>} : memref<2x256x128xf32, #tpu.memory_space<vmem>>, vector<1x1x16xf32>,
            %mul3A_758 = arith.constant 16 : i32
            %mul3A_759 = arith.muli %scan3A_549, %mul3A_758 : i32
            %add3A_760 = arith.constant 6 : i32
            %add3A_761 = arith.addi %mul3A_759, %add3A_760 : i32
            %swap3A_762 = arith.constant 0 : i32
            %swap3A_763 = arith.index_cast %swap3A_762 : i32 to index
            %swap3A_764 = arith.index_cast %add3A_761 : i32 to index
            %swap3A_765 = arith.constant 80 : index
            %swap3A_766 = tpu.vector_load %arg6[%swap3A_763, %swap3A_764, %swap3A_765] {strides = array<i32>} : memref<2x256x128xf32, #tpu.memory_space<vmem>>, vector<1x1x16xf32>,
            %swap3A_767 = vector.shape_cast %swap3A_766 : vector<1x1x16xf32> to vector<16xf32>
            %swap3A_768 = vector.shape_cast %broadcast_in_dim3A_112 : vector<16xf32> to vector<1x1x16xf32>
            tpu.vector_store %arg6[%swap3A_763, %swap3A_764, %swap3A_765], %swap3A_768 {strides = array<i32>} : memref<2x256x128xf32, #tpu.memory_space<vmem>>, vector<1x1x16xf32>,
            %mul3A_769 = arith.constant 16 : i32
            %mul3A_770 = arith.muli %scan3A_549, %mul3A_769 : i32
            %add3A_771 = arith.constant 6 : i32
            %add3A_772 = arith.addi %mul3A_770, %add3A_771 : i32
            %swap3A_773 = arith.constant 0 : i32
            %swap3A_774 = arith.index_cast %swap3A_773 : i32 to index
            %swap3A_775 = arith.index_cast %add3A_772 : i32 to index
            %swap3A_776 = arith.constant 96 : index
            %swap3A_777 = tpu.vector_load %arg6[%swap3A_774, %swap3A_775, %swap3A_776] {strides = array<i32>} : memref<2x256x128xf32, #tpu.memory_space<vmem>>, vector<1x1x16xf32>,
            %swap3A_778 = vector.shape_cast %swap3A_777 : vector<1x1x16xf32> to vector<16xf32>
            %swap3A_779 = vector.shape_cast %broadcast_in_dim3A_112 : vector<16xf32> to vector<1x1x16xf32>
            tpu.vector_store %arg6[%swap3A_774, %swap3A_775, %swap3A_776], %swap3A_779 {strides = array<i32>} : memref<2x256x128xf32, #tpu.memory_space<vmem>>, vector<1x1x16xf32>,
            %mul3A_780 = arith.constant 16 : i32
            %mul3A_781 = arith.muli %scan3A_549, %mul3A_780 : i32
            %add3A_782 = arith.constant 6 : i32
            %add3A_783 = arith.addi %mul3A_781, %add3A_782 : i32
            %swap3A_784 = arith.constant 0 : i32
            %swap3A_785 = arith.index_cast %swap3A_784 : i32 to index
            %swap3A_786 = arith.index_cast %add3A_783 : i32 to index
            %swap3A_787 = arith.constant 112 : index
            %swap3A_788 = tpu.vector_load %arg6[%swap3A_785, %swap3A_786, %swap3A_787] {strides = array<i32>} : memref<2x256x128xf32, #tpu.memory_space<vmem>>, vector<1x1x16xf32>,
            %swap3A_789 = vector.shape_cast %swap3A_788 : vector<1x1x16xf32> to vector<16xf32>
            %swap3A_790 = vector.shape_cast %broadcast_in_dim3A_112 : vector<16xf32> to vector<1x1x16xf32>
            tpu.vector_store %arg6[%swap3A_785, %swap3A_786, %swap3A_787], %swap3A_790 {strides = array<i32>} : memref<2x256x128xf32, #tpu.memory_space<vmem>>, vector<1x1x16xf32>,
          } else {
          }
          %slice3A_640 = vector.extract_strided_slice %get3A_590 {offsets = [7], sizes = [1], strides = [1]} : vector<16xi32> to vector<1xi32>
          %squeeze3A_641 = vector.extract %slice3A_640[0] : i32 from vector<1xi32>
          %eq3A_642 = arith.constant 0 : i32
          %eq3A_643 = arith.cmpi eq, %squeeze3A_641, %eq3A_642 : i32
          %convert_element_type3A_644 = arith.extui %eq3A_643 : i1 to i32
          %cond3A_645 = arith.constant 0 : i32
          %cond3A_646 = arith.cmpi ne, %convert_element_type3A_644, %cond3A_645 : i32
          scf.if %cond3A_646 {
            %mul3A_704 = arith.constant 16 : i32
            %mul3A_705 = arith.muli %scan3A_549, %mul3A_704 : i32
            %add3A_706 = arith.constant 7 : i32
            %add3A_707 = arith.addi %mul3A_705, %add3A_706 : i32
            %swap3A = arith.constant 0 : i32
            %swap3A_708 = arith.index_cast %swap3A : i32 to index
            %swap3A_709 = arith.index_cast %add3A_707 : i32 to index
            %swap3A_710 = arith.constant 0 : index
            %swap3A_711 = tpu.vector_load %arg6[%swap3A_708, %swap3A_709, %swap3A_710] {strides = array<i32>} : memref<2x256x128xf32, #tpu.memory_space<vmem>>, vector<1x1x16xf32>,
            %swap3A_712 = vector.shape_cast %swap3A_711 : vector<1x1x16xf32> to vector<16xf32>
            %swap3A_713 = vector.shape_cast %broadcast_in_dim3A_112 : vector<16xf32> to vector<1x1x16xf32>
            tpu.vector_store %arg6[%swap3A_708, %swap3A_709, %swap3A_710], %swap3A_713 {strides = array<i32>} : memref<2x256x128xf32, #tpu.memory_space<vmem>>, vector<1x1x16xf32>,
            %mul3A_714 = arith.constant 16 : i32
            %mul3A_715 = arith.muli %scan3A_549, %mul3A_714 : i32
            %add3A_716 = arith.constant 7 : i32
            %add3A_717 = arith.addi %mul3A_715, %add3A_716 : i32
            %swap3A_718 = arith.constant 0 : i32
            %swap3A_719 = arith.index_cast %swap3A_718 : i32 to index
            %swap3A_720 = arith.index_cast %add3A_717 : i32 to index
            %swap3A_721 = arith.constant 16 : index
            %swap3A_722 = tpu.vector_load %arg6[%swap3A_719, %swap3A_720, %swap3A_721] {strides = array<i32>} : memref<2x256x128xf32, #tpu.memory_space<vmem>>, vector<1x1x16xf32>,
            %swap3A_723 = vector.shape_cast %swap3A_722 : vector<1x1x16xf32> to vector<16xf32>
            %swap3A_724 = vector.shape_cast %broadcast_in_dim3A_112 : vector<16xf32> to vector<1x1x16xf32>
            tpu.vector_store %arg6[%swap3A_719, %swap3A_720, %swap3A_721], %swap3A_724 {strides = array<i32>} : memref<2x256x128xf32, #tpu.memory_space<vmem>>, vector<1x1x16xf32>,
            %mul3A_725 = arith.constant 16 : i32
            %mul3A_726 = arith.muli %scan3A_549, %mul3A_725 : i32
            %add3A_727 = arith.constant 7 : i32
            %add3A_728 = arith.addi %mul3A_726, %add3A_727 : i32
            %swap3A_729 = arith.constant 0 : i32
            %swap3A_730 = arith.index_cast %swap3A_729 : i32 to index
            %swap3A_731 = arith.index_cast %add3A_728 : i32 to index
            %swap3A_732 = arith.constant 32 : index
            %swap3A_733 = tpu.vector_load %arg6[%swap3A_730, %swap3A_731, %swap3A_732] {strides = array<i32>} : memref<2x256x128xf32, #tpu.memory_space<vmem>>, vector<1x1x16xf32>,
            %swap3A_734 = vector.shape_cast %swap3A_733 : vector<1x1x16xf32> to vector<16xf32>
            %swap3A_735 = vector.shape_cast %broadcast_in_dim3A_112 : vector<16xf32> to vector<1x1x16xf32>
            tpu.vector_store %arg6[%swap3A_730, %swap3A_731, %swap3A_732], %swap3A_735 {strides = array<i32>} : memref<2x256x128xf32, #tpu.memory_space<vmem>>, vector<1x1x16xf32>,
            %mul3A_736 = arith.constant 16 : i32
            %mul3A_737 = arith.muli %scan3A_549, %mul3A_736 : i32
            %add3A_738 = arith.constant 7 : i32
            %add3A_739 = arith.addi %mul3A_737, %add3A_738 : i32
            %swap3A_740 = arith.constant 0 : i32
            %swap3A_741 = arith.index_cast %swap3A_740 : i32 to index
            %swap3A_742 = arith.index_cast %add3A_739 : i32 to index
            %swap3A_743 = arith.constant 48 : index
            %swap3A_744 = tpu.vector_load %arg6[%swap3A_741, %swap3A_742, %swap3A_743] {strides = array<i32>} : memref<2x256x128xf32, #tpu.memory_space<vmem>>, vector<1x1x16xf32>,
            %swap3A_745 = vector.shape_cast %swap3A_744 : vector<1x1x16xf32> to vector<16xf32>
            %swap3A_746 = vector.shape_cast %broadcast_in_dim3A_112 : vector<16xf32> to vector<1x1x16xf32>
            tpu.vector_store %arg6[%swap3A_741, %swap3A_742, %swap3A_743], %swap3A_746 {strides = array<i32>} : memref<2x256x128xf32, #tpu.memory_space<vmem>>, vector<1x1x16xf32>,
            %mul3A_747 = arith.constant 16 : i32
            %mul3A_748 = arith.muli %scan3A_549, %mul3A_747 : i32
            %add3A_749 = arith.constant 7 : i32
            %add3A_750 = arith.addi %mul3A_748, %add3A_749 : i32
            %swap3A_751 = arith.constant 0 : i32
            %swap3A_752 = arith.index_cast %swap3A_751 : i32 to index
            %swap3A_753 = arith.index_cast %add3A_750 : i32 to index
            %swap3A_754 = arith.constant 64 : index
            %swap3A_755 = tpu.vector_load %arg6[%swap3A_752, %swap3A_753, %swap3A_754] {strides = array<i32>} : memref<2x256x128xf32, #tpu.memory_space<vmem>>, vector<1x1x16xf32>,
            %swap3A_756 = vector.shape_cast %swap3A_755 : vector<1x1x16xf32> to vector<16xf32>
            %swap3A_757 = vector.shape_cast %broadcast_in_dim3A_112 : vector<16xf32> to vector<1x1x16xf32>
            tpu.vector_store %arg6[%swap3A_752, %swap3A_753, %swap3A_754], %swap3A_757 {strides = array<i32>} : memref<2x256x128xf32, #tpu.memory_space<vmem>>, vector<1x1x16xf32>,
            %mul3A_758 = arith.constant 16 : i32
            %mul3A_759 = arith.muli %scan3A_549, %mul3A_758 : i32
            %add3A_760 = arith.constant 7 : i32
            %add3A_761 = arith.addi %mul3A_759, %add3A_760 : i32
            %swap3A_762 = arith.constant 0 : i32
            %swap3A_763 = arith.index_cast %swap3A_762 : i32 to index
            %swap3A_764 = arith.index_cast %add3A_761 : i32 to index
            %swap3A_765 = arith.constant 80 : index
            %swap3A_766 = tpu.vector_load %arg6[%swap3A_763, %swap3A_764, %swap3A_765] {strides = array<i32>} : memref<2x256x128xf32, #tpu.memory_space<vmem>>, vector<1x1x16xf32>,
            %swap3A_767 = vector.shape_cast %swap3A_766 : vector<1x1x16xf32> to vector<16xf32>
            %swap3A_768 = vector.shape_cast %broadcast_in_dim3A_112 : vector<16xf32> to vector<1x1x16xf32>
            tpu.vector_store %arg6[%swap3A_763, %swap3A_764, %swap3A_765], %swap3A_768 {strides = array<i32>} : memref<2x256x128xf32, #tpu.memory_space<vmem>>, vector<1x1x16xf32>,
            %mul3A_769 = arith.constant 16 : i32
            %mul3A_770 = arith.muli %scan3A_549, %mul3A_769 : i32
            %add3A_771 = arith.constant 7 : i32
            %add3A_772 = arith.addi %mul3A_770, %add3A_771 : i32
            %swap3A_773 = arith.constant 0 : i32
            %swap3A_774 = arith.index_cast %swap3A_773 : i32 to index
            %swap3A_775 = arith.index_cast %add3A_772 : i32 to index
            %swap3A_776 = arith.constant 96 : index
            %swap3A_777 = tpu.vector_load %arg6[%swap3A_774, %swap3A_775, %swap3A_776] {strides = array<i32>} : memref<2x256x128xf32, #tpu.memory_space<vmem>>, vector<1x1x16xf32>,
            %swap3A_778 = vector.shape_cast %swap3A_777 : vector<1x1x16xf32> to vector<16xf32>
            %swap3A_779 = vector.shape_cast %broadcast_in_dim3A_112 : vector<16xf32> to vector<1x1x16xf32>
            tpu.vector_store %arg6[%swap3A_774, %swap3A_775, %swap3A_776], %swap3A_779 {strides = array<i32>} : memref<2x256x128xf32, #tpu.memory_space<vmem>>, vector<1x1x16xf32>,
            %mul3A_780 = arith.constant 16 : i32
            %mul3A_781 = arith.muli %scan3A_549, %mul3A_780 : i32
            %add3A_782 = arith.constant 7 : i32
            %add3A_783 = arith.addi %mul3A_781, %add3A_782 : i32
            %swap3A_784 = arith.constant 0 : i32
            %swap3A_785 = arith.index_cast %swap3A_784 : i32 to index
            %swap3A_786 = arith.index_cast %add3A_783 : i32 to index
            %swap3A_787 = arith.constant 112 : index
            %swap3A_788 = tpu.vector_load %arg6[%swap3A_785, %swap3A_786, %swap3A_787] {strides = array<i32>} : memref<2x256x128xf32, #tpu.memory_space<vmem>>, vector<1x1x16xf32>,
            %swap3A_789 = vector.shape_cast %swap3A_788 : vector<1x1x16xf32> to vector<16xf32>
            %swap3A_790 = vector.shape_cast %broadcast_in_dim3A_112 : vector<16xf32> to vector<1x1x16xf32>
            tpu.vector_store %arg6[%swap3A_785, %swap3A_786, %swap3A_787], %swap3A_790 {strides = array<i32>} : memref<2x256x128xf32, #tpu.memory_space<vmem>>, vector<1x1x16xf32>,
          } else {
          }
          %slice3A_647 = vector.extract_strided_slice %get3A_590 {offsets = [8], sizes = [1], strides = [1]} : vector<16xi32> to vector<1xi32>
          %squeeze3A_648 = vector.extract %slice3A_647[0] : i32 from vector<1xi32>
          %eq3A_649 = arith.constant 0 : i32
          %eq3A_650 = arith.cmpi eq, %squeeze3A_648, %eq3A_649 : i32
          %convert_element_type3A_651 = arith.extui %eq3A_650 : i1 to i32
          %cond3A_652 = arith.constant 0 : i32
          %cond3A_653 = arith.cmpi ne, %convert_element_type3A_651, %cond3A_652 : i32
          scf.if %cond3A_653 {
            %mul3A_704 = arith.constant 16 : i32
            %mul3A_705 = arith.muli %scan3A_549, %mul3A_704 : i32
            %add3A_706 = arith.constant 8 : i32
            %add3A_707 = arith.addi %mul3A_705, %add3A_706 : i32
            %swap3A = arith.constant 0 : i32
            %swap3A_708 = arith.index_cast %swap3A : i32 to index
            %swap3A_709 = arith.index_cast %add3A_707 : i32 to index
            %swap3A_710 = arith.constant 0 : index
            %swap3A_711 = tpu.vector_load %arg6[%swap3A_708, %swap3A_709, %swap3A_710] {strides = array<i32>} : memref<2x256x128xf32, #tpu.memory_space<vmem>>, vector<1x1x16xf32>,
            %swap3A_712 = vector.shape_cast %swap3A_711 : vector<1x1x16xf32> to vector<16xf32>
            %swap3A_713 = vector.shape_cast %broadcast_in_dim3A_112 : vector<16xf32> to vector<1x1x16xf32>
            tpu.vector_store %arg6[%swap3A_708, %swap3A_709, %swap3A_710], %swap3A_713 {strides = array<i32>} : memref<2x256x128xf32, #tpu.memory_space<vmem>>, vector<1x1x16xf32>,
            %mul3A_714 = arith.constant 16 : i32
            %mul3A_715 = arith.muli %scan3A_549, %mul3A_714 : i32
            %add3A_716 = arith.constant 8 : i32
            %add3A_717 = arith.addi %mul3A_715, %add3A_716 : i32
            %swap3A_718 = arith.constant 0 : i32
            %swap3A_719 = arith.index_cast %swap3A_718 : i32 to index
            %swap3A_720 = arith.index_cast %add3A_717 : i32 to index
            %swap3A_721 = arith.constant 16 : index
            %swap3A_722 = tpu.vector_load %arg6[%swap3A_719, %swap3A_720, %swap3A_721] {strides = array<i32>} : memref<2x256x128xf32, #tpu.memory_space<vmem>>, vector<1x1x16xf32>,
            %swap3A_723 = vector.shape_cast %swap3A_722 : vector<1x1x16xf32> to vector<16xf32>
            %swap3A_724 = vector.shape_cast %broadcast_in_dim3A_112 : vector<16xf32> to vector<1x1x16xf32>
            tpu.vector_store %arg6[%swap3A_719, %swap3A_720, %swap3A_721], %swap3A_724 {strides = array<i32>} : memref<2x256x128xf32, #tpu.memory_space<vmem>>, vector<1x1x16xf32>,
            %mul3A_725 = arith.constant 16 : i32
            %mul3A_726 = arith.muli %scan3A_549, %mul3A_725 : i32
            %add3A_727 = arith.constant 8 : i32
            %add3A_728 = arith.addi %mul3A_726, %add3A_727 : i32
            %swap3A_729 = arith.constant 0 : i32
            %swap3A_730 = arith.index_cast %swap3A_729 : i32 to index
            %swap3A_731 = arith.index_cast %add3A_728 : i32 to index
            %swap3A_732 = arith.constant 32 : index
            %swap3A_733 = tpu.vector_load %arg6[%swap3A_730, %swap3A_731, %swap3A_732] {strides = array<i32>} : memref<2x256x128xf32, #tpu.memory_space<vmem>>, vector<1x1x16xf32>,
            %swap3A_734 = vector.shape_cast %swap3A_733 : vector<1x1x16xf32> to vector<16xf32>
            %swap3A_735 = vector.shape_cast %broadcast_in_dim3A_112 : vector<16xf32> to vector<1x1x16xf32>
            tpu.vector_store %arg6[%swap3A_730, %swap3A_731, %swap3A_732], %swap3A_735 {strides = array<i32>} : memref<2x256x128xf32, #tpu.memory_space<vmem>>, vector<1x1x16xf32>,
            %mul3A_736 = arith.constant 16 : i32
            %mul3A_737 = arith.muli %scan3A_549, %mul3A_736 : i32
            %add3A_738 = arith.constant 8 : i32
            %add3A_739 = arith.addi %mul3A_737, %add3A_738 : i32
            %swap3A_740 = arith.constant 0 : i32
            %swap3A_741 = arith.index_cast %swap3A_740 : i32 to index
            %swap3A_742 = arith.index_cast %add3A_739 : i32 to index
            %swap3A_743 = arith.constant 48 : index
            %swap3A_744 = tpu.vector_load %arg6[%swap3A_741, %swap3A_742, %swap3A_743] {strides = array<i32>} : memref<2x256x128xf32, #tpu.memory_space<vmem>>, vector<1x1x16xf32>,
            %swap3A_745 = vector.shape_cast %swap3A_744 : vector<1x1x16xf32> to vector<16xf32>
            %swap3A_746 = vector.shape_cast %broadcast_in_dim3A_112 : vector<16xf32> to vector<1x1x16xf32>
            tpu.vector_store %arg6[%swap3A_741, %swap3A_742, %swap3A_743], %swap3A_746 {strides = array<i32>} : memref<2x256x128xf32, #tpu.memory_space<vmem>>, vector<1x1x16xf32>,
            %mul3A_747 = arith.constant 16 : i32
            %mul3A_748 = arith.muli %scan3A_549, %mul3A_747 : i32
            %add3A_749 = arith.constant 8 : i32
            %add3A_750 = arith.addi %mul3A_748, %add3A_749 : i32
            %swap3A_751 = arith.constant 0 : i32
            %swap3A_752 = arith.index_cast %swap3A_751 : i32 to index
            %swap3A_753 = arith.index_cast %add3A_750 : i32 to index
            %swap3A_754 = arith.constant 64 : index
            %swap3A_755 = tpu.vector_load %arg6[%swap3A_752, %swap3A_753, %swap3A_754] {strides = array<i32>} : memref<2x256x128xf32, #tpu.memory_space<vmem>>, vector<1x1x16xf32>,
            %swap3A_756 = vector.shape_cast %swap3A_755 : vector<1x1x16xf32> to vector<16xf32>
            %swap3A_757 = vector.shape_cast %broadcast_in_dim3A_112 : vector<16xf32> to vector<1x1x16xf32>
            tpu.vector_store %arg6[%swap3A_752, %swap3A_753, %swap3A_754], %swap3A_757 {strides = array<i32>} : memref<2x256x128xf32, #tpu.memory_space<vmem>>, vector<1x1x16xf32>,
            %mul3A_758 = arith.constant 16 : i32
            %mul3A_759 = arith.muli %scan3A_549, %mul3A_758 : i32
            %add3A_760 = arith.constant 8 : i32
            %add3A_761 = arith.addi %mul3A_759, %add3A_760 : i32
            %swap3A_762 = arith.constant 0 : i32
            %swap3A_763 = arith.index_cast %swap3A_762 : i32 to index
            %swap3A_764 = arith.index_cast %add3A_761 : i32 to index
            %swap3A_765 = arith.constant 80 : index
            %swap3A_766 = tpu.vector_load %arg6[%swap3A_763, %swap3A_764, %swap3A_765] {strides = array<i32>} : memref<2x256x128xf32, #tpu.memory_space<vmem>>, vector<1x1x16xf32>,
            %swap3A_767 = vector.shape_cast %swap3A_766 : vector<1x1x16xf32> to vector<16xf32>
            %swap3A_768 = vector.shape_cast %broadcast_in_dim3A_112 : vector<16xf32> to vector<1x1x16xf32>
            tpu.vector_store %arg6[%swap3A_763, %swap3A_764, %swap3A_765], %swap3A_768 {strides = array<i32>} : memref<2x256x128xf32, #tpu.memory_space<vmem>>, vector<1x1x16xf32>,
            %mul3A_769 = arith.constant 16 : i32
            %mul3A_770 = arith.muli %scan3A_549, %mul3A_769 : i32
            %add3A_771 = arith.constant 8 : i32
            %add3A_772 = arith.addi %mul3A_770, %add3A_771 : i32
            %swap3A_773 = arith.constant 0 : i32
            %swap3A_774 = arith.index_cast %swap3A_773 : i32 to index
            %swap3A_775 = arith.index_cast %add3A_772 : i32 to index
            %swap3A_776 = arith.constant 96 : index
            %swap3A_777 = tpu.vector_load %arg6[%swap3A_774, %swap3A_775, %swap3A_776] {strides = array<i32>} : memref<2x256x128xf32, #tpu.memory_space<vmem>>, vector<1x1x16xf32>,
            %swap3A_778 = vector.shape_cast %swap3A_777 : vector<1x1x16xf32> to vector<16xf32>
            %swap3A_779 = vector.shape_cast %broadcast_in_dim3A_112 : vector<16xf32> to vector<1x1x16xf32>
            tpu.vector_store %arg6[%swap3A_774, %swap3A_775, %swap3A_776], %swap3A_779 {strides = array<i32>} : memref<2x256x128xf32, #tpu.memory_space<vmem>>, vector<1x1x16xf32>,
            %mul3A_780 = arith.constant 16 : i32
            %mul3A_781 = arith.muli %scan3A_549, %mul3A_780 : i32
            %add3A_782 = arith.constant 8 : i32
            %add3A_783 = arith.addi %mul3A_781, %add3A_782 : i32
            %swap3A_784 = arith.constant 0 : i32
            %swap3A_785 = arith.index_cast %swap3A_784 : i32 to index
            %swap3A_786 = arith.index_cast %add3A_783 : i32 to index
            %swap3A_787 = arith.constant 112 : index
            %swap3A_788 = tpu.vector_load %arg6[%swap3A_785, %swap3A_786, %swap3A_787] {strides = array<i32>} : memref<2x256x128xf32, #tpu.memory_space<vmem>>, vector<1x1x16xf32>,
            %swap3A_789 = vector.shape_cast %swap3A_788 : vector<1x1x16xf32> to vector<16xf32>
            %swap3A_790 = vector.shape_cast %broadcast_in_dim3A_112 : vector<16xf32> to vector<1x1x16xf32>
            tpu.vector_store %arg6[%swap3A_785, %swap3A_786, %swap3A_787], %swap3A_790 {strides = array<i32>} : memref<2x256x128xf32, #tpu.memory_space<vmem>>, vector<1x1x16xf32>,
          } else {
          }
          %slice3A_654 = vector.extract_strided_slice %get3A_590 {offsets = [9], sizes = [1], strides = [1]} : vector<16xi32> to vector<1xi32>
          %squeeze3A_655 = vector.extract %slice3A_654[0] : i32 from vector<1xi32>
          %eq3A_656 = arith.constant 0 : i32
          %eq3A_657 = arith.cmpi eq, %squeeze3A_655, %eq3A_656 : i32
          %convert_element_type3A_658 = arith.extui %eq3A_657 : i1 to i32
          %cond3A_659 = arith.constant 0 : i32
          %cond3A_660 = arith.cmpi ne, %convert_element_type3A_658, %cond3A_659 : i32
          scf.if %cond3A_660 {
            %mul3A_704 = arith.constant 16 : i32
            %mul3A_705 = arith.muli %scan3A_549, %mul3A_704 : i32
            %add3A_706 = arith.constant 9 : i32
            %add3A_707 = arith.addi %mul3A_705, %add3A_706 : i32
            %swap3A = arith.constant 0 : i32
            %swap3A_708 = arith.index_cast %swap3A : i32 to index
            %swap3A_709 = arith.index_cast %add3A_707 : i32 to index
            %swap3A_710 = arith.constant 0 : index
            %swap3A_711 = tpu.vector_load %arg6[%swap3A_708, %swap3A_709, %swap3A_710] {strides = array<i32>} : memref<2x256x128xf32, #tpu.memory_space<vmem>>, vector<1x1x16xf32>,
            %swap3A_712 = vector.shape_cast %swap3A_711 : vector<1x1x16xf32> to vector<16xf32>
            %swap3A_713 = vector.shape_cast %broadcast_in_dim3A_112 : vector<16xf32> to vector<1x1x16xf32>
            tpu.vector_store %arg6[%swap3A_708, %swap3A_709, %swap3A_710], %swap3A_713 {strides = array<i32>} : memref<2x256x128xf32, #tpu.memory_space<vmem>>, vector<1x1x16xf32>,
            %mul3A_714 = arith.constant 16 : i32
            %mul3A_715 = arith.muli %scan3A_549, %mul3A_714 : i32
            %add3A_716 = arith.constant 9 : i32
            %add3A_717 = arith.addi %mul3A_715, %add3A_716 : i32
            %swap3A_718 = arith.constant 0 : i32
            %swap3A_719 = arith.index_cast %swap3A_718 : i32 to index
            %swap3A_720 = arith.index_cast %add3A_717 : i32 to index
            %swap3A_721 = arith.constant 16 : index
            %swap3A_722 = tpu.vector_load %arg6[%swap3A_719, %swap3A_720, %swap3A_721] {strides = array<i32>} : memref<2x256x128xf32, #tpu.memory_space<vmem>>, vector<1x1x16xf32>,
            %swap3A_723 = vector.shape_cast %swap3A_722 : vector<1x1x16xf32> to vector<16xf32>
            %swap3A_724 = vector.shape_cast %broadcast_in_dim3A_112 : vector<16xf32> to vector<1x1x16xf32>
            tpu.vector_store %arg6[%swap3A_719, %swap3A_720, %swap3A_721], %swap3A_724 {strides = array<i32>} : memref<2x256x128xf32, #tpu.memory_space<vmem>>, vector<1x1x16xf32>,
            %mul3A_725 = arith.constant 16 : i32
            %mul3A_726 = arith.muli %scan3A_549, %mul3A_725 : i32
            %add3A_727 = arith.constant 9 : i32
            %add3A_728 = arith.addi %mul3A_726, %add3A_727 : i32
            %swap3A_729 = arith.constant 0 : i32
            %swap3A_730 = arith.index_cast %swap3A_729 : i32 to index
            %swap3A_731 = arith.index_cast %add3A_728 : i32 to index
            %swap3A_732 = arith.constant 32 : index
            %swap3A_733 = tpu.vector_load %arg6[%swap3A_730, %swap3A_731, %swap3A_732] {strides = array<i32>} : memref<2x256x128xf32, #tpu.memory_space<vmem>>, vector<1x1x16xf32>,
            %swap3A_734 = vector.shape_cast %swap3A_733 : vector<1x1x16xf32> to vector<16xf32>
            %swap3A_735 = vector.shape_cast %broadcast_in_dim3A_112 : vector<16xf32> to vector<1x1x16xf32>
            tpu.vector_store %arg6[%swap3A_730, %swap3A_731, %swap3A_732], %swap3A_735 {strides = array<i32>} : memref<2x256x128xf32, #tpu.memory_space<vmem>>, vector<1x1x16xf32>,
            %mul3A_736 = arith.constant 16 : i32
            %mul3A_737 = arith.muli %scan3A_549, %mul3A_736 : i32
            %add3A_738 = arith.constant 9 : i32
            %add3A_739 = arith.addi %mul3A_737, %add3A_738 : i32
            %swap3A_740 = arith.constant 0 : i32
            %swap3A_741 = arith.index_cast %swap3A_740 : i32 to index
            %swap3A_742 = arith.index_cast %add3A_739 : i32 to index
            %swap3A_743 = arith.constant 48 : index
            %swap3A_744 = tpu.vector_load %arg6[%swap3A_741, %swap3A_742, %swap3A_743] {strides = array<i32>} : memref<2x256x128xf32, #tpu.memory_space<vmem>>, vector<1x1x16xf32>,
            %swap3A_745 = vector.shape_cast %swap3A_744 : vector<1x1x16xf32> to vector<16xf32>
            %swap3A_746 = vector.shape_cast %broadcast_in_dim3A_112 : vector<16xf32> to vector<1x1x16xf32>
            tpu.vector_store %arg6[%swap3A_741, %swap3A_742, %swap3A_743], %swap3A_746 {strides = array<i32>} : memref<2x256x128xf32, #tpu.memory_space<vmem>>, vector<1x1x16xf32>,
            %mul3A_747 = arith.constant 16 : i32
            %mul3A_748 = arith.muli %scan3A_549, %mul3A_747 : i32
            %add3A_749 = arith.constant 9 : i32
            %add3A_750 = arith.addi %mul3A_748, %add3A_749 : i32
            %swap3A_751 = arith.constant 0 : i32
            %swap3A_752 = arith.index_cast %swap3A_751 : i32 to index
            %swap3A_753 = arith.index_cast %add3A_750 : i32 to index
            %swap3A_754 = arith.constant 64 : index
            %swap3A_755 = tpu.vector_load %arg6[%swap3A_752, %swap3A_753, %swap3A_754] {strides = array<i32>} : memref<2x256x128xf32, #tpu.memory_space<vmem>>, vector<1x1x16xf32>,
            %swap3A_756 = vector.shape_cast %swap3A_755 : vector<1x1x16xf32> to vector<16xf32>
            %swap3A_757 = vector.shape_cast %broadcast_in_dim3A_112 : vector<16xf32> to vector<1x1x16xf32>
            tpu.vector_store %arg6[%swap3A_752, %swap3A_753, %swap3A_754], %swap3A_757 {strides = array<i32>} : memref<2x256x128xf32, #tpu.memory_space<vmem>>, vector<1x1x16xf32>,
            %mul3A_758 = arith.constant 16 : i32
            %mul3A_759 = arith.muli %scan3A_549, %mul3A_758 : i32
            %add3A_760 = arith.constant 9 : i32
            %add3A_761 = arith.addi %mul3A_759, %add3A_760 : i32
            %swap3A_762 = arith.constant 0 : i32
            %swap3A_763 = arith.index_cast %swap3A_762 : i32 to index
            %swap3A_764 = arith.index_cast %add3A_761 : i32 to index
            %swap3A_765 = arith.constant 80 : index
            %swap3A_766 = tpu.vector_load %arg6[%swap3A_763, %swap3A_764, %swap3A_765] {strides = array<i32>} : memref<2x256x128xf32, #tpu.memory_space<vmem>>, vector<1x1x16xf32>,
            %swap3A_767 = vector.shape_cast %swap3A_766 : vector<1x1x16xf32> to vector<16xf32>
            %swap3A_768 = vector.shape_cast %broadcast_in_dim3A_112 : vector<16xf32> to vector<1x1x16xf32>
            tpu.vector_store %arg6[%swap3A_763, %swap3A_764, %swap3A_765], %swap3A_768 {strides = array<i32>} : memref<2x256x128xf32, #tpu.memory_space<vmem>>, vector<1x1x16xf32>,
            %mul3A_769 = arith.constant 16 : i32
            %mul3A_770 = arith.muli %scan3A_549, %mul3A_769 : i32
            %add3A_771 = arith.constant 9 : i32
            %add3A_772 = arith.addi %mul3A_770, %add3A_771 : i32
            %swap3A_773 = arith.constant 0 : i32
            %swap3A_774 = arith.index_cast %swap3A_773 : i32 to index
            %swap3A_775 = arith.index_cast %add3A_772 : i32 to index
            %swap3A_776 = arith.constant 96 : index
            %swap3A_777 = tpu.vector_load %arg6[%swap3A_774, %swap3A_775, %swap3A_776] {strides = array<i32>} : memref<2x256x128xf32, #tpu.memory_space<vmem>>, vector<1x1x16xf32>,
            %swap3A_778 = vector.shape_cast %swap3A_777 : vector<1x1x16xf32> to vector<16xf32>
            %swap3A_779 = vector.shape_cast %broadcast_in_dim3A_112 : vector<16xf32> to vector<1x1x16xf32>
            tpu.vector_store %arg6[%swap3A_774, %swap3A_775, %swap3A_776], %swap3A_779 {strides = array<i32>} : memref<2x256x128xf32, #tpu.memory_space<vmem>>, vector<1x1x16xf32>,
            %mul3A_780 = arith.constant 16 : i32
            %mul3A_781 = arith.muli %scan3A_549, %mul3A_780 : i32
            %add3A_782 = arith.constant 9 : i32
            %add3A_783 = arith.addi %mul3A_781, %add3A_782 : i32
            %swap3A_784 = arith.constant 0 : i32
            %swap3A_785 = arith.index_cast %swap3A_784 : i32 to index
            %swap3A_786 = arith.index_cast %add3A_783 : i32 to index
            %swap3A_787 = arith.constant 112 : index
            %swap3A_788 = tpu.vector_load %arg6[%swap3A_785, %swap3A_786, %swap3A_787] {strides = array<i32>} : memref<2x256x128xf32, #tpu.memory_space<vmem>>, vector<1x1x16xf32>,
            %swap3A_789 = vector.shape_cast %swap3A_788 : vector<1x1x16xf32> to vector<16xf32>
            %swap3A_790 = vector.shape_cast %broadcast_in_dim3A_112 : vector<16xf32> to vector<1x1x16xf32>
            tpu.vector_store %arg6[%swap3A_785, %swap3A_786, %swap3A_787], %swap3A_790 {strides = array<i32>} : memref<2x256x128xf32, #tpu.memory_space<vmem>>, vector<1x1x16xf32>,
          } else {
          }
          %slice3A_661 = vector.extract_strided_slice %get3A_590 {offsets = [10], sizes = [1], strides = [1]} : vector<16xi32> to vector<1xi32>
          %squeeze3A_662 = vector.extract %slice3A_661[0] : i32 from vector<1xi32>
          %eq3A_663 = arith.constant 0 : i32
          %eq3A_664 = arith.cmpi eq, %squeeze3A_662, %eq3A_663 : i32
          %convert_element_type3A_665 = arith.extui %eq3A_664 : i1 to i32
          %cond3A_666 = arith.constant 0 : i32
          %cond3A_667 = arith.cmpi ne, %convert_element_type3A_665, %cond3A_666 : i32
          scf.if %cond3A_667 {
            %mul3A_704 = arith.constant 16 : i32
            %mul3A_705 = arith.muli %scan3A_549, %mul3A_704 : i32
            %add3A_706 = arith.constant 10 : i32
            %add3A_707 = arith.addi %mul3A_705, %add3A_706 : i32
            %swap3A = arith.constant 0 : i32
            %swap3A_708 = arith.index_cast %swap3A : i32 to index
            %swap3A_709 = arith.index_cast %add3A_707 : i32 to index
            %swap3A_710 = arith.constant 0 : index
            %swap3A_711 = tpu.vector_load %arg6[%swap3A_708, %swap3A_709, %swap3A_710] {strides = array<i32>} : memref<2x256x128xf32, #tpu.memory_space<vmem>>, vector<1x1x16xf32>,
            %swap3A_712 = vector.shape_cast %swap3A_711 : vector<1x1x16xf32> to vector<16xf32>
            %swap3A_713 = vector.shape_cast %broadcast_in_dim3A_112 : vector<16xf32> to vector<1x1x16xf32>
            tpu.vector_store %arg6[%swap3A_708, %swap3A_709, %swap3A_710], %swap3A_713 {strides = array<i32>} : memref<2x256x128xf32, #tpu.memory_space<vmem>>, vector<1x1x16xf32>,
            %mul3A_714 = arith.constant 16 : i32
            %mul3A_715 = arith.muli %scan3A_549, %mul3A_714 : i32
            %add3A_716 = arith.constant 10 : i32
            %add3A_717 = arith.addi %mul3A_715, %add3A_716 : i32
            %swap3A_718 = arith.constant 0 : i32
            %swap3A_719 = arith.index_cast %swap3A_718 : i32 to index
            %swap3A_720 = arith.index_cast %add3A_717 : i32 to index
            %swap3A_721 = arith.constant 16 : index
            %swap3A_722 = tpu.vector_load %arg6[%swap3A_719, %swap3A_720, %swap3A_721] {strides = array<i32>} : memref<2x256x128xf32, #tpu.memory_space<vmem>>, vector<1x1x16xf32>,
            %swap3A_723 = vector.shape_cast %swap3A_722 : vector<1x1x16xf32> to vector<16xf32>
            %swap3A_724 = vector.shape_cast %broadcast_in_dim3A_112 : vector<16xf32> to vector<1x1x16xf32>
            tpu.vector_store %arg6[%swap3A_719, %swap3A_720, %swap3A_721], %swap3A_724 {strides = array<i32>} : memref<2x256x128xf32, #tpu.memory_space<vmem>>, vector<1x1x16xf32>,
            %mul3A_725 = arith.constant 16 : i32
            %mul3A_726 = arith.muli %scan3A_549, %mul3A_725 : i32
            %add3A_727 = arith.constant 10 : i32
            %add3A_728 = arith.addi %mul3A_726, %add3A_727 : i32
            %swap3A_729 = arith.constant 0 : i32
            %swap3A_730 = arith.index_cast %swap3A_729 : i32 to index
            %swap3A_731 = arith.index_cast %add3A_728 : i32 to index
            %swap3A_732 = arith.constant 32 : index
            %swap3A_733 = tpu.vector_load %arg6[%swap3A_730, %swap3A_731, %swap3A_732] {strides = array<i32>} : memref<2x256x128xf32, #tpu.memory_space<vmem>>, vector<1x1x16xf32>,
            %swap3A_734 = vector.shape_cast %swap3A_733 : vector<1x1x16xf32> to vector<16xf32>
            %swap3A_735 = vector.shape_cast %broadcast_in_dim3A_112 : vector<16xf32> to vector<1x1x16xf32>
            tpu.vector_store %arg6[%swap3A_730, %swap3A_731, %swap3A_732], %swap3A_735 {strides = array<i32>} : memref<2x256x128xf32, #tpu.memory_space<vmem>>, vector<1x1x16xf32>,
            %mul3A_736 = arith.constant 16 : i32
            %mul3A_737 = arith.muli %scan3A_549, %mul3A_736 : i32
            %add3A_738 = arith.constant 10 : i32
            %add3A_739 = arith.addi %mul3A_737, %add3A_738 : i32
            %swap3A_740 = arith.constant 0 : i32
            %swap3A_741 = arith.index_cast %swap3A_740 : i32 to index
            %swap3A_742 = arith.index_cast %add3A_739 : i32 to index
            %swap3A_743 = arith.constant 48 : index
            %swap3A_744 = tpu.vector_load %arg6[%swap3A_741, %swap3A_742, %swap3A_743] {strides = array<i32>} : memref<2x256x128xf32, #tpu.memory_space<vmem>>, vector<1x1x16xf32>,
            %swap3A_745 = vector.shape_cast %swap3A_744 : vector<1x1x16xf32> to vector<16xf32>
            %swap3A_746 = vector.shape_cast %broadcast_in_dim3A_112 : vector<16xf32> to vector<1x1x16xf32>
            tpu.vector_store %arg6[%swap3A_741, %swap3A_742, %swap3A_743], %swap3A_746 {strides = array<i32>} : memref<2x256x128xf32, #tpu.memory_space<vmem>>, vector<1x1x16xf32>,
            %mul3A_747 = arith.constant 16 : i32
            %mul3A_748 = arith.muli %scan3A_549, %mul3A_747 : i32
            %add3A_749 = arith.constant 10 : i32
            %add3A_750 = arith.addi %mul3A_748, %add3A_749 : i32
            %swap3A_751 = arith.constant 0 : i32
            %swap3A_752 = arith.index_cast %swap3A_751 : i32 to index
            %swap3A_753 = arith.index_cast %add3A_750 : i32 to index
            %swap3A_754 = arith.constant 64 : index
            %swap3A_755 = tpu.vector_load %arg6[%swap3A_752, %swap3A_753, %swap3A_754] {strides = array<i32>} : memref<2x256x128xf32, #tpu.memory_space<vmem>>, vector<1x1x16xf32>,
            %swap3A_756 = vector.shape_cast %swap3A_755 : vector<1x1x16xf32> to vector<16xf32>
            %swap3A_757 = vector.shape_cast %broadcast_in_dim3A_112 : vector<16xf32> to vector<1x1x16xf32>
            tpu.vector_store %arg6[%swap3A_752, %swap3A_753, %swap3A_754], %swap3A_757 {strides = array<i32>} : memref<2x256x128xf32, #tpu.memory_space<vmem>>, vector<1x1x16xf32>,
            %mul3A_758 = arith.constant 16 : i32
            %mul3A_759 = arith.muli %scan3A_549, %mul3A_758 : i32
            %add3A_760 = arith.constant 10 : i32
            %add3A_761 = arith.addi %mul3A_759, %add3A_760 : i32
            %swap3A_762 = arith.constant 0 : i32
            %swap3A_763 = arith.index_cast %swap3A_762 : i32 to index
            %swap3A_764 = arith.index_cast %add3A_761 : i32 to index
            %swap3A_765 = arith.constant 80 : index
            %swap3A_766 = tpu.vector_load %arg6[%swap3A_763, %swap3A_764, %swap3A_765] {strides = array<i32>} : memref<2x256x128xf32, #tpu.memory_space<vmem>>, vector<1x1x16xf32>,
            %swap3A_767 = vector.shape_cast %swap3A_766 : vector<1x1x16xf32> to vector<16xf32>
            %swap3A_768 = vector.shape_cast %broadcast_in_dim3A_112 : vector<16xf32> to vector<1x1x16xf32>
            tpu.vector_store %arg6[%swap3A_763, %swap3A_764, %swap3A_765], %swap3A_768 {strides = array<i32>} : memref<2x256x128xf32, #tpu.memory_space<vmem>>, vector<1x1x16xf32>,
            %mul3A_769 = arith.constant 16 : i32
            %mul3A_770 = arith.muli %scan3A_549, %mul3A_769 : i32
            %add3A_771 = arith.constant 10 : i32
            %add3A_772 = arith.addi %mul3A_770, %add3A_771 : i32
            %swap3A_773 = arith.constant 0 : i32
            %swap3A_774 = arith.index_cast %swap3A_773 : i32 to index
            %swap3A_775 = arith.index_cast %add3A_772 : i32 to index
            %swap3A_776 = arith.constant 96 : index
            %swap3A_777 = tpu.vector_load %arg6[%swap3A_774, %swap3A_775, %swap3A_776] {strides = array<i32>} : memref<2x256x128xf32, #tpu.memory_space<vmem>>, vector<1x1x16xf32>,
            %swap3A_778 = vector.shape_cast %swap3A_777 : vector<1x1x16xf32> to vector<16xf32>
            %swap3A_779 = vector.shape_cast %broadcast_in_dim3A_112 : vector<16xf32> to vector<1x1x16xf32>
            tpu.vector_store %arg6[%swap3A_774, %swap3A_775, %swap3A_776], %swap3A_779 {strides = array<i32>} : memref<2x256x128xf32, #tpu.memory_space<vmem>>, vector<1x1x16xf32>,
            %mul3A_780 = arith.constant 16 : i32
            %mul3A_781 = arith.muli %scan3A_549, %mul3A_780 : i32
            %add3A_782 = arith.constant 10 : i32
            %add3A_783 = arith.addi %mul3A_781, %add3A_782 : i32
            %swap3A_784 = arith.constant 0 : i32
            %swap3A_785 = arith.index_cast %swap3A_784 : i32 to index
            %swap3A_786 = arith.index_cast %add3A_783 : i32 to index
            %swap3A_787 = arith.constant 112 : index
            %swap3A_788 = tpu.vector_load %arg6[%swap3A_785, %swap3A_786, %swap3A_787] {strides = array<i32>} : memref<2x256x128xf32, #tpu.memory_space<vmem>>, vector<1x1x16xf32>,
            %swap3A_789 = vector.shape_cast %swap3A_788 : vector<1x1x16xf32> to vector<16xf32>
            %swap3A_790 = vector.shape_cast %broadcast_in_dim3A_112 : vector<16xf32> to vector<1x1x16xf32>
            tpu.vector_store %arg6[%swap3A_785, %swap3A_786, %swap3A_787], %swap3A_790 {strides = array<i32>} : memref<2x256x128xf32, #tpu.memory_space<vmem>>, vector<1x1x16xf32>,
          } else {
          }
          %slice3A_668 = vector.extract_strided_slice %get3A_590 {offsets = [11], sizes = [1], strides = [1]} : vector<16xi32> to vector<1xi32>
          %squeeze3A_669 = vector.extract %slice3A_668[0] : i32 from vector<1xi32>
          %eq3A_670 = arith.constant 0 : i32
          %eq3A_671 = arith.cmpi eq, %squeeze3A_669, %eq3A_670 : i32
          %convert_element_type3A_672 = arith.extui %eq3A_671 : i1 to i32
          %cond3A_673 = arith.constant 0 : i32
          %cond3A_674 = arith.cmpi ne, %convert_element_type3A_672, %cond3A_673 : i32
          scf.if %cond3A_674 {
            %mul3A_704 = arith.constant 16 : i32
            %mul3A_705 = arith.muli %scan3A_549, %mul3A_704 : i32
            %add3A_706 = arith.constant 11 : i32
            %add3A_707 = arith.addi %mul3A_705, %add3A_706 : i32
            %swap3A = arith.constant 0 : i32
            %swap3A_708 = arith.index_cast %swap3A : i32 to index
            %swap3A_709 = arith.index_cast %add3A_707 : i32 to index
            %swap3A_710 = arith.constant 0 : index
            %swap3A_711 = tpu.vector_load %arg6[%swap3A_708, %swap3A_709, %swap3A_710] {strides = array<i32>} : memref<2x256x128xf32, #tpu.memory_space<vmem>>, vector<1x1x16xf32>,
            %swap3A_712 = vector.shape_cast %swap3A_711 : vector<1x1x16xf32> to vector<16xf32>
            %swap3A_713 = vector.shape_cast %broadcast_in_dim3A_112 : vector<16xf32> to vector<1x1x16xf32>
            tpu.vector_store %arg6[%swap3A_708, %swap3A_709, %swap3A_710], %swap3A_713 {strides = array<i32>} : memref<2x256x128xf32, #tpu.memory_space<vmem>>, vector<1x1x16xf32>,
            %mul3A_714 = arith.constant 16 : i32
            %mul3A_715 = arith.muli %scan3A_549, %mul3A_714 : i32
            %add3A_716 = arith.constant 11 : i32
            %add3A_717 = arith.addi %mul3A_715, %add3A_716 : i32
            %swap3A_718 = arith.constant 0 : i32
            %swap3A_719 = arith.index_cast %swap3A_718 : i32 to index
            %swap3A_720 = arith.index_cast %add3A_717 : i32 to index
            %swap3A_721 = arith.constant 16 : index
            %swap3A_722 = tpu.vector_load %arg6[%swap3A_719, %swap3A_720, %swap3A_721] {strides = array<i32>} : memref<2x256x128xf32, #tpu.memory_space<vmem>>, vector<1x1x16xf32>,
            %swap3A_723 = vector.shape_cast %swap3A_722 : vector<1x1x16xf32> to vector<16xf32>
            %swap3A_724 = vector.shape_cast %broadcast_in_dim3A_112 : vector<16xf32> to vector<1x1x16xf32>
            tpu.vector_store %arg6[%swap3A_719, %swap3A_720, %swap3A_721], %swap3A_724 {strides = array<i32>} : memref<2x256x128xf32, #tpu.memory_space<vmem>>, vector<1x1x16xf32>,
            %mul3A_725 = arith.constant 16 : i32
            %mul3A_726 = arith.muli %scan3A_549, %mul3A_725 : i32
            %add3A_727 = arith.constant 11 : i32
            %add3A_728 = arith.addi %mul3A_726, %add3A_727 : i32
            %swap3A_729 = arith.constant 0 : i32
            %swap3A_730 = arith.index_cast %swap3A_729 : i32 to index
            %swap3A_731 = arith.index_cast %add3A_728 : i32 to index
            %swap3A_732 = arith.constant 32 : index
            %swap3A_733 = tpu.vector_load %arg6[%swap3A_730, %swap3A_731, %swap3A_732] {strides = array<i32>} : memref<2x256x128xf32, #tpu.memory_space<vmem>>, vector<1x1x16xf32>,
            %swap3A_734 = vector.shape_cast %swap3A_733 : vector<1x1x16xf32> to vector<16xf32>
            %swap3A_735 = vector.shape_cast %broadcast_in_dim3A_112 : vector<16xf32> to vector<1x1x16xf32>
            tpu.vector_store %arg6[%swap3A_730, %swap3A_731, %swap3A_732], %swap3A_735 {strides = array<i32>} : memref<2x256x128xf32, #tpu.memory_space<vmem>>, vector<1x1x16xf32>,
            %mul3A_736 = arith.constant 16 : i32
            %mul3A_737 = arith.muli %scan3A_549, %mul3A_736 : i32
            %add3A_738 = arith.constant 11 : i32
            %add3A_739 = arith.addi %mul3A_737, %add3A_738 : i32
            %swap3A_740 = arith.constant 0 : i32
            %swap3A_741 = arith.index_cast %swap3A_740 : i32 to index
            %swap3A_742 = arith.index_cast %add3A_739 : i32 to index
            %swap3A_743 = arith.constant 48 : index
            %swap3A_744 = tpu.vector_load %arg6[%swap3A_741, %swap3A_742, %swap3A_743] {strides = array<i32>} : memref<2x256x128xf32, #tpu.memory_space<vmem>>, vector<1x1x16xf32>,
            %swap3A_745 = vector.shape_cast %swap3A_744 : vector<1x1x16xf32> to vector<16xf32>
            %swap3A_746 = vector.shape_cast %broadcast_in_dim3A_112 : vector<16xf32> to vector<1x1x16xf32>
            tpu.vector_store %arg6[%swap3A_741, %swap3A_742, %swap3A_743], %swap3A_746 {strides = array<i32>} : memref<2x256x128xf32, #tpu.memory_space<vmem>>, vector<1x1x16xf32>,
            %mul3A_747 = arith.constant 16 : i32
            %mul3A_748 = arith.muli %scan3A_549, %mul3A_747 : i32
            %add3A_749 = arith.constant 11 : i32
            %add3A_750 = arith.addi %mul3A_748, %add3A_749 : i32
            %swap3A_751 = arith.constant 0 : i32
            %swap3A_752 = arith.index_cast %swap3A_751 : i32 to index
            %swap3A_753 = arith.index_cast %add3A_750 : i32 to index
            %swap3A_754 = arith.constant 64 : index
            %swap3A_755 = tpu.vector_load %arg6[%swap3A_752, %swap3A_753, %swap3A_754] {strides = array<i32>} : memref<2x256x128xf32, #tpu.memory_space<vmem>>, vector<1x1x16xf32>,
            %swap3A_756 = vector.shape_cast %swap3A_755 : vector<1x1x16xf32> to vector<16xf32>
            %swap3A_757 = vector.shape_cast %broadcast_in_dim3A_112 : vector<16xf32> to vector<1x1x16xf32>
            tpu.vector_store %arg6[%swap3A_752, %swap3A_753, %swap3A_754], %swap3A_757 {strides = array<i32>} : memref<2x256x128xf32, #tpu.memory_space<vmem>>, vector<1x1x16xf32>,
            %mul3A_758 = arith.constant 16 : i32
            %mul3A_759 = arith.muli %scan3A_549, %mul3A_758 : i32
            %add3A_760 = arith.constant 11 : i32
            %add3A_761 = arith.addi %mul3A_759, %add3A_760 : i32
            %swap3A_762 = arith.constant 0 : i32
            %swap3A_763 = arith.index_cast %swap3A_762 : i32 to index
            %swap3A_764 = arith.index_cast %add3A_761 : i32 to index
            %swap3A_765 = arith.constant 80 : index
            %swap3A_766 = tpu.vector_load %arg6[%swap3A_763, %swap3A_764, %swap3A_765] {strides = array<i32>} : memref<2x256x128xf32, #tpu.memory_space<vmem>>, vector<1x1x16xf32>,
            %swap3A_767 = vector.shape_cast %swap3A_766 : vector<1x1x16xf32> to vector<16xf32>
            %swap3A_768 = vector.shape_cast %broadcast_in_dim3A_112 : vector<16xf32> to vector<1x1x16xf32>
            tpu.vector_store %arg6[%swap3A_763, %swap3A_764, %swap3A_765], %swap3A_768 {strides = array<i32>} : memref<2x256x128xf32, #tpu.memory_space<vmem>>, vector<1x1x16xf32>,
            %mul3A_769 = arith.constant 16 : i32
            %mul3A_770 = arith.muli %scan3A_549, %mul3A_769 : i32
            %add3A_771 = arith.constant 11 : i32
            %add3A_772 = arith.addi %mul3A_770, %add3A_771 : i32
            %swap3A_773 = arith.constant 0 : i32
            %swap3A_774 = arith.index_cast %swap3A_773 : i32 to index
            %swap3A_775 = arith.index_cast %add3A_772 : i32 to index
            %swap3A_776 = arith.constant 96 : index
            %swap3A_777 = tpu.vector_load %arg6[%swap3A_774, %swap3A_775, %swap3A_776] {strides = array<i32>} : memref<2x256x128xf32, #tpu.memory_space<vmem>>, vector<1x1x16xf32>,
            %swap3A_778 = vector.shape_cast %swap3A_777 : vector<1x1x16xf32> to vector<16xf32>
            %swap3A_779 = vector.shape_cast %broadcast_in_dim3A_112 : vector<16xf32> to vector<1x1x16xf32>
            tpu.vector_store %arg6[%swap3A_774, %swap3A_775, %swap3A_776], %swap3A_779 {strides = array<i32>} : memref<2x256x128xf32, #tpu.memory_space<vmem>>, vector<1x1x16xf32>,
            %mul3A_780 = arith.constant 16 : i32
            %mul3A_781 = arith.muli %scan3A_549, %mul3A_780 : i32
            %add3A_782 = arith.constant 11 : i32
            %add3A_783 = arith.addi %mul3A_781, %add3A_782 : i32
            %swap3A_784 = arith.constant 0 : i32
            %swap3A_785 = arith.index_cast %swap3A_784 : i32 to index
            %swap3A_786 = arith.index_cast %add3A_783 : i32 to index
            %swap3A_787 = arith.constant 112 : index
            %swap3A_788 = tpu.vector_load %arg6[%swap3A_785, %swap3A_786, %swap3A_787] {strides = array<i32>} : memref<2x256x128xf32, #tpu.memory_space<vmem>>, vector<1x1x16xf32>,
            %swap3A_789 = vector.shape_cast %swap3A_788 : vector<1x1x16xf32> to vector<16xf32>
            %swap3A_790 = vector.shape_cast %broadcast_in_dim3A_112 : vector<16xf32> to vector<1x1x16xf32>
            tpu.vector_store %arg6[%swap3A_785, %swap3A_786, %swap3A_787], %swap3A_790 {strides = array<i32>} : memref<2x256x128xf32, #tpu.memory_space<vmem>>, vector<1x1x16xf32>,
          } else {
          }
          %slice3A_675 = vector.extract_strided_slice %get3A_590 {offsets = [12], sizes = [1], strides = [1]} : vector<16xi32> to vector<1xi32>
          %squeeze3A_676 = vector.extract %slice3A_675[0] : i32 from vector<1xi32>
          %eq3A_677 = arith.constant 0 : i32
          %eq3A_678 = arith.cmpi eq, %squeeze3A_676, %eq3A_677 : i32
          %convert_element_type3A_679 = arith.extui %eq3A_678 : i1 to i32
          %cond3A_680 = arith.constant 0 : i32
          %cond3A_681 = arith.cmpi ne, %convert_element_type3A_679, %cond3A_680 : i32
          scf.if %cond3A_681 {
            %mul3A_704 = arith.constant 16 : i32
            %mul3A_705 = arith.muli %scan3A_549, %mul3A_704 : i32
            %add3A_706 = arith.constant 12 : i32
            %add3A_707 = arith.addi %mul3A_705, %add3A_706 : i32
            %swap3A = arith.constant 0 : i32
            %swap3A_708 = arith.index_cast %swap3A : i32 to index
            %swap3A_709 = arith.index_cast %add3A_707 : i32 to index
            %swap3A_710 = arith.constant 0 : index
            %swap3A_711 = tpu.vector_load %arg6[%swap3A_708, %swap3A_709, %swap3A_710] {strides = array<i32>} : memref<2x256x128xf32, #tpu.memory_space<vmem>>, vector<1x1x16xf32>,
            %swap3A_712 = vector.shape_cast %swap3A_711 : vector<1x1x16xf32> to vector<16xf32>
            %swap3A_713 = vector.shape_cast %broadcast_in_dim3A_112 : vector<16xf32> to vector<1x1x16xf32>
            tpu.vector_store %arg6[%swap3A_708, %swap3A_709, %swap3A_710], %swap3A_713 {strides = array<i32>} : memref<2x256x128xf32, #tpu.memory_space<vmem>>, vector<1x1x16xf32>,
            %mul3A_714 = arith.constant 16 : i32
            %mul3A_715 = arith.muli %scan3A_549, %mul3A_714 : i32
            %add3A_716 = arith.constant 12 : i32
            %add3A_717 = arith.addi %mul3A_715, %add3A_716 : i32
            %swap3A_718 = arith.constant 0 : i32
            %swap3A_719 = arith.index_cast %swap3A_718 : i32 to index
            %swap3A_720 = arith.index_cast %add3A_717 : i32 to index
            %swap3A_721 = arith.constant 16 : index
            %swap3A_722 = tpu.vector_load %arg6[%swap3A_719, %swap3A_720, %swap3A_721] {strides = array<i32>} : memref<2x256x128xf32, #tpu.memory_space<vmem>>, vector<1x1x16xf32>,
            %swap3A_723 = vector.shape_cast %swap3A_722 : vector<1x1x16xf32> to vector<16xf32>
            %swap3A_724 = vector.shape_cast %broadcast_in_dim3A_112 : vector<16xf32> to vector<1x1x16xf32>
            tpu.vector_store %arg6[%swap3A_719, %swap3A_720, %swap3A_721], %swap3A_724 {strides = array<i32>} : memref<2x256x128xf32, #tpu.memory_space<vmem>>, vector<1x1x16xf32>,
            %mul3A_725 = arith.constant 16 : i32
            %mul3A_726 = arith.muli %scan3A_549, %mul3A_725 : i32
            %add3A_727 = arith.constant 12 : i32
            %add3A_728 = arith.addi %mul3A_726, %add3A_727 : i32
            %swap3A_729 = arith.constant 0 : i32
            %swap3A_730 = arith.index_cast %swap3A_729 : i32 to index
            %swap3A_731 = arith.index_cast %add3A_728 : i32 to index
            %swap3A_732 = arith.constant 32 : index
            %swap3A_733 = tpu.vector_load %arg6[%swap3A_730, %swap3A_731, %swap3A_732] {strides = array<i32>} : memref<2x256x128xf32, #tpu.memory_space<vmem>>, vector<1x1x16xf32>,
            %swap3A_734 = vector.shape_cast %swap3A_733 : vector<1x1x16xf32> to vector<16xf32>
            %swap3A_735 = vector.shape_cast %broadcast_in_dim3A_112 : vector<16xf32> to vector<1x1x16xf32>
            tpu.vector_store %arg6[%swap3A_730, %swap3A_731, %swap3A_732], %swap3A_735 {strides = array<i32>} : memref<2x256x128xf32, #tpu.memory_space<vmem>>, vector<1x1x16xf32>,
            %mul3A_736 = arith.constant 16 : i32
            %mul3A_737 = arith.muli %scan3A_549, %mul3A_736 : i32
            %add3A_738 = arith.constant 12 : i32
            %add3A_739 = arith.addi %mul3A_737, %add3A_738 : i32
            %swap3A_740 = arith.constant 0 : i32
            %swap3A_741 = arith.index_cast %swap3A_740 : i32 to index
            %swap3A_742 = arith.index_cast %add3A_739 : i32 to index
            %swap3A_743 = arith.constant 48 : index
            %swap3A_744 = tpu.vector_load %arg6[%swap3A_741, %swap3A_742, %swap3A_743] {strides = array<i32>} : memref<2x256x128xf32, #tpu.memory_space<vmem>>, vector<1x1x16xf32>,
            %swap3A_745 = vector.shape_cast %swap3A_744 : vector<1x1x16xf32> to vector<16xf32>
            %swap3A_746 = vector.shape_cast %broadcast_in_dim3A_112 : vector<16xf32> to vector<1x1x16xf32>
            tpu.vector_store %arg6[%swap3A_741, %swap3A_742, %swap3A_743], %swap3A_746 {strides = array<i32>} : memref<2x256x128xf32, #tpu.memory_space<vmem>>, vector<1x1x16xf32>,
            %mul3A_747 = arith.constant 16 : i32
            %mul3A_748 = arith.muli %scan3A_549, %mul3A_747 : i32
            %add3A_749 = arith.constant 12 : i32
            %add3A_750 = arith.addi %mul3A_748, %add3A_749 : i32
            %swap3A_751 = arith.constant 0 : i32
            %swap3A_752 = arith.index_cast %swap3A_751 : i32 to index
            %swap3A_753 = arith.index_cast %add3A_750 : i32 to index
            %swap3A_754 = arith.constant 64 : index
            %swap3A_755 = tpu.vector_load %arg6[%swap3A_752, %swap3A_753, %swap3A_754] {strides = array<i32>} : memref<2x256x128xf32, #tpu.memory_space<vmem>>, vector<1x1x16xf32>,
            %swap3A_756 = vector.shape_cast %swap3A_755 : vector<1x1x16xf32> to vector<16xf32>
            %swap3A_757 = vector.shape_cast %broadcast_in_dim3A_112 : vector<16xf32> to vector<1x1x16xf32>
            tpu.vector_store %arg6[%swap3A_752, %swap3A_753, %swap3A_754], %swap3A_757 {strides = array<i32>} : memref<2x256x128xf32, #tpu.memory_space<vmem>>, vector<1x1x16xf32>,
            %mul3A_758 = arith.constant 16 : i32
            %mul3A_759 = arith.muli %scan3A_549, %mul3A_758 : i32
            %add3A_760 = arith.constant 12 : i32
            %add3A_761 = arith.addi %mul3A_759, %add3A_760 : i32
            %swap3A_762 = arith.constant 0 : i32
            %swap3A_763 = arith.index_cast %swap3A_762 : i32 to index
            %swap3A_764 = arith.index_cast %add3A_761 : i32 to index
            %swap3A_765 = arith.constant 80 : index
            %swap3A_766 = tpu.vector_load %arg6[%swap3A_763, %swap3A_764, %swap3A_765] {strides = array<i32>} : memref<2x256x128xf32, #tpu.memory_space<vmem>>, vector<1x1x16xf32>,
            %swap3A_767 = vector.shape_cast %swap3A_766 : vector<1x1x16xf32> to vector<16xf32>
            %swap3A_768 = vector.shape_cast %broadcast_in_dim3A_112 : vector<16xf32> to vector<1x1x16xf32>
            tpu.vector_store %arg6[%swap3A_763, %swap3A_764, %swap3A_765], %swap3A_768 {strides = array<i32>} : memref<2x256x128xf32, #tpu.memory_space<vmem>>, vector<1x1x16xf32>,
            %mul3A_769 = arith.constant 16 : i32
            %mul3A_770 = arith.muli %scan3A_549, %mul3A_769 : i32
            %add3A_771 = arith.constant 12 : i32
            %add3A_772 = arith.addi %mul3A_770, %add3A_771 : i32
            %swap3A_773 = arith.constant 0 : i32
            %swap3A_774 = arith.index_cast %swap3A_773 : i32 to index
            %swap3A_775 = arith.index_cast %add3A_772 : i32 to index
            %swap3A_776 = arith.constant 96 : index
            %swap3A_777 = tpu.vector_load %arg6[%swap3A_774, %swap3A_775, %swap3A_776] {strides = array<i32>} : memref<2x256x128xf32, #tpu.memory_space<vmem>>, vector<1x1x16xf32>,
            %swap3A_778 = vector.shape_cast %swap3A_777 : vector<1x1x16xf32> to vector<16xf32>
            %swap3A_779 = vector.shape_cast %broadcast_in_dim3A_112 : vector<16xf32> to vector<1x1x16xf32>
            tpu.vector_store %arg6[%swap3A_774, %swap3A_775, %swap3A_776], %swap3A_779 {strides = array<i32>} : memref<2x256x128xf32, #tpu.memory_space<vmem>>, vector<1x1x16xf32>,
            %mul3A_780 = arith.constant 16 : i32
            %mul3A_781 = arith.muli %scan3A_549, %mul3A_780 : i32
            %add3A_782 = arith.constant 12 : i32
            %add3A_783 = arith.addi %mul3A_781, %add3A_782 : i32
            %swap3A_784 = arith.constant 0 : i32
            %swap3A_785 = arith.index_cast %swap3A_784 : i32 to index
            %swap3A_786 = arith.index_cast %add3A_783 : i32 to index
            %swap3A_787 = arith.constant 112 : index
            %swap3A_788 = tpu.vector_load %arg6[%swap3A_785, %swap3A_786, %swap3A_787] {strides = array<i32>} : memref<2x256x128xf32, #tpu.memory_space<vmem>>, vector<1x1x16xf32>,
            %swap3A_789 = vector.shape_cast %swap3A_788 : vector<1x1x16xf32> to vector<16xf32>
            %swap3A_790 = vector.shape_cast %broadcast_in_dim3A_112 : vector<16xf32> to vector<1x1x16xf32>
            tpu.vector_store %arg6[%swap3A_785, %swap3A_786, %swap3A_787], %swap3A_790 {strides = array<i32>} : memref<2x256x128xf32, #tpu.memory_space<vmem>>, vector<1x1x16xf32>,
          } else {
          }
          %slice3A_682 = vector.extract_strided_slice %get3A_590 {offsets = [13], sizes = [1], strides = [1]} : vector<16xi32> to vector<1xi32>
          %squeeze3A_683 = vector.extract %slice3A_682[0] : i32 from vector<1xi32>
          %eq3A_684 = arith.constant 0 : i32
          %eq3A_685 = arith.cmpi eq, %squeeze3A_683, %eq3A_684 : i32
          %convert_element_type3A_686 = arith.extui %eq3A_685 : i1 to i32
          %cond3A_687 = arith.constant 0 : i32
          %cond3A_688 = arith.cmpi ne, %convert_element_type3A_686, %cond3A_687 : i32
          scf.if %cond3A_688 {
            %mul3A_704 = arith.constant 16 : i32
            %mul3A_705 = arith.muli %scan3A_549, %mul3A_704 : i32
            %add3A_706 = arith.constant 13 : i32
            %add3A_707 = arith.addi %mul3A_705, %add3A_706 : i32
            %swap3A = arith.constant 0 : i32
            %swap3A_708 = arith.index_cast %swap3A : i32 to index
            %swap3A_709 = arith.index_cast %add3A_707 : i32 to index
            %swap3A_710 = arith.constant 0 : index
            %swap3A_711 = tpu.vector_load %arg6[%swap3A_708, %swap3A_709, %swap3A_710] {strides = array<i32>} : memref<2x256x128xf32, #tpu.memory_space<vmem>>, vector<1x1x16xf32>,
            %swap3A_712 = vector.shape_cast %swap3A_711 : vector<1x1x16xf32> to vector<16xf32>
            %swap3A_713 = vector.shape_cast %broadcast_in_dim3A_112 : vector<16xf32> to vector<1x1x16xf32>
            tpu.vector_store %arg6[%swap3A_708, %swap3A_709, %swap3A_710], %swap3A_713 {strides = array<i32>} : memref<2x256x128xf32, #tpu.memory_space<vmem>>, vector<1x1x16xf32>,
            %mul3A_714 = arith.constant 16 : i32
            %mul3A_715 = arith.muli %scan3A_549, %mul3A_714 : i32
            %add3A_716 = arith.constant 13 : i32
            %add3A_717 = arith.addi %mul3A_715, %add3A_716 : i32
            %swap3A_718 = arith.constant 0 : i32
            %swap3A_719 = arith.index_cast %swap3A_718 : i32 to index
            %swap3A_720 = arith.index_cast %add3A_717 : i32 to index
            %swap3A_721 = arith.constant 16 : index
            %swap3A_722 = tpu.vector_load %arg6[%swap3A_719, %swap3A_720, %swap3A_721] {strides = array<i32>} : memref<2x256x128xf32, #tpu.memory_space<vmem>>, vector<1x1x16xf32>,
            %swap3A_723 = vector.shape_cast %swap3A_722 : vector<1x1x16xf32> to vector<16xf32>
            %swap3A_724 = vector.shape_cast %broadcast_in_dim3A_112 : vector<16xf32> to vector<1x1x16xf32>
            tpu.vector_store %arg6[%swap3A_719, %swap3A_720, %swap3A_721], %swap3A_724 {strides = array<i32>} : memref<2x256x128xf32, #tpu.memory_space<vmem>>, vector<1x1x16xf32>,
            %mul3A_725 = arith.constant 16 : i32
            %mul3A_726 = arith.muli %scan3A_549, %mul3A_725 : i32
            %add3A_727 = arith.constant 13 : i32
            %add3A_728 = arith.addi %mul3A_726, %add3A_727 : i32
            %swap3A_729 = arith.constant 0 : i32
            %swap3A_730 = arith.index_cast %swap3A_729 : i32 to index
            %swap3A_731 = arith.index_cast %add3A_728 : i32 to index
            %swap3A_732 = arith.constant 32 : index
            %swap3A_733 = tpu.vector_load %arg6[%swap3A_730, %swap3A_731, %swap3A_732] {strides = array<i32>} : memref<2x256x128xf32, #tpu.memory_space<vmem>>, vector<1x1x16xf32>,
            %swap3A_734 = vector.shape_cast %swap3A_733 : vector<1x1x16xf32> to vector<16xf32>
            %swap3A_735 = vector.shape_cast %broadcast_in_dim3A_112 : vector<16xf32> to vector<1x1x16xf32>
            tpu.vector_store %arg6[%swap3A_730, %swap3A_731, %swap3A_732], %swap3A_735 {strides = array<i32>} : memref<2x256x128xf32, #tpu.memory_space<vmem>>, vector<1x1x16xf32>,
            %mul3A_736 = arith.constant 16 : i32
            %mul3A_737 = arith.muli %scan3A_549, %mul3A_736 : i32
            %add3A_738 = arith.constant 13 : i32
            %add3A_739 = arith.addi %mul3A_737, %add3A_738 : i32
            %swap3A_740 = arith.constant 0 : i32
            %swap3A_741 = arith.index_cast %swap3A_740 : i32 to index
            %swap3A_742 = arith.index_cast %add3A_739 : i32 to index
            %swap3A_743 = arith.constant 48 : index
            %swap3A_744 = tpu.vector_load %arg6[%swap3A_741, %swap3A_742, %swap3A_743] {strides = array<i32>} : memref<2x256x128xf32, #tpu.memory_space<vmem>>, vector<1x1x16xf32>,
            %swap3A_745 = vector.shape_cast %swap3A_744 : vector<1x1x16xf32> to vector<16xf32>
            %swap3A_746 = vector.shape_cast %broadcast_in_dim3A_112 : vector<16xf32> to vector<1x1x16xf32>
            tpu.vector_store %arg6[%swap3A_741, %swap3A_742, %swap3A_743], %swap3A_746 {strides = array<i32>} : memref<2x256x128xf32, #tpu.memory_space<vmem>>, vector<1x1x16xf32>,
            %mul3A_747 = arith.constant 16 : i32
            %mul3A_748 = arith.muli %scan3A_549, %mul3A_747 : i32
            %add3A_749 = arith.constant 13 : i32
            %add3A_750 = arith.addi %mul3A_748, %add3A_749 : i32
            %swap3A_751 = arith.constant 0 : i32
            %swap3A_752 = arith.index_cast %swap3A_751 : i32 to index
            %swap3A_753 = arith.index_cast %add3A_750 : i32 to index
            %swap3A_754 = arith.constant 64 : index
            %swap3A_755 = tpu.vector_load %arg6[%swap3A_752, %swap3A_753, %swap3A_754] {strides = array<i32>} : memref<2x256x128xf32, #tpu.memory_space<vmem>>, vector<1x1x16xf32>,
            %swap3A_756 = vector.shape_cast %swap3A_755 : vector<1x1x16xf32> to vector<16xf32>
            %swap3A_757 = vector.shape_cast %broadcast_in_dim3A_112 : vector<16xf32> to vector<1x1x16xf32>
            tpu.vector_store %arg6[%swap3A_752, %swap3A_753, %swap3A_754], %swap3A_757 {strides = array<i32>} : memref<2x256x128xf32, #tpu.memory_space<vmem>>, vector<1x1x16xf32>,
            %mul3A_758 = arith.constant 16 : i32
            %mul3A_759 = arith.muli %scan3A_549, %mul3A_758 : i32
            %add3A_760 = arith.constant 13 : i32
            %add3A_761 = arith.addi %mul3A_759, %add3A_760 : i32
            %swap3A_762 = arith.constant 0 : i32
            %swap3A_763 = arith.index_cast %swap3A_762 : i32 to index
            %swap3A_764 = arith.index_cast %add3A_761 : i32 to index
            %swap3A_765 = arith.constant 80 : index
            %swap3A_766 = tpu.vector_load %arg6[%swap3A_763, %swap3A_764, %swap3A_765] {strides = array<i32>} : memref<2x256x128xf32, #tpu.memory_space<vmem>>, vector<1x1x16xf32>,
            %swap3A_767 = vector.shape_cast %swap3A_766 : vector<1x1x16xf32> to vector<16xf32>
            %swap3A_768 = vector.shape_cast %broadcast_in_dim3A_112 : vector<16xf32> to vector<1x1x16xf32>
            tpu.vector_store %arg6[%swap3A_763, %swap3A_764, %swap3A_765], %swap3A_768 {strides = array<i32>} : memref<2x256x128xf32, #tpu.memory_space<vmem>>, vector<1x1x16xf32>,
            %mul3A_769 = arith.constant 16 : i32
            %mul3A_770 = arith.muli %scan3A_549, %mul3A_769 : i32
            %add3A_771 = arith.constant 13 : i32
            %add3A_772 = arith.addi %mul3A_770, %add3A_771 : i32
            %swap3A_773 = arith.constant 0 : i32
            %swap3A_774 = arith.index_cast %swap3A_773 : i32 to index
            %swap3A_775 = arith.index_cast %add3A_772 : i32 to index
            %swap3A_776 = arith.constant 96 : index
            %swap3A_777 = tpu.vector_load %arg6[%swap3A_774, %swap3A_775, %swap3A_776] {strides = array<i32>} : memref<2x256x128xf32, #tpu.memory_space<vmem>>, vector<1x1x16xf32>,
            %swap3A_778 = vector.shape_cast %swap3A_777 : vector<1x1x16xf32> to vector<16xf32>
            %swap3A_779 = vector.shape_cast %broadcast_in_dim3A_112 : vector<16xf32> to vector<1x1x16xf32>
            tpu.vector_store %arg6[%swap3A_774, %swap3A_775, %swap3A_776], %swap3A_779 {strides = array<i32>} : memref<2x256x128xf32, #tpu.memory_space<vmem>>, vector<1x1x16xf32>,
            %mul3A_780 = arith.constant 16 : i32
            %mul3A_781 = arith.muli %scan3A_549, %mul3A_780 : i32
            %add3A_782 = arith.constant 13 : i32
            %add3A_783 = arith.addi %mul3A_781, %add3A_782 : i32
            %swap3A_784 = arith.constant 0 : i32
            %swap3A_785 = arith.index_cast %swap3A_784 : i32 to index
            %swap3A_786 = arith.index_cast %add3A_783 : i32 to index
            %swap3A_787 = arith.constant 112 : index
            %swap3A_788 = tpu.vector_load %arg6[%swap3A_785, %swap3A_786, %swap3A_787] {strides = array<i32>} : memref<2x256x128xf32, #tpu.memory_space<vmem>>, vector<1x1x16xf32>,
            %swap3A_789 = vector.shape_cast %swap3A_788 : vector<1x1x16xf32> to vector<16xf32>
            %swap3A_790 = vector.shape_cast %broadcast_in_dim3A_112 : vector<16xf32> to vector<1x1x16xf32>
            tpu.vector_store %arg6[%swap3A_785, %swap3A_786, %swap3A_787], %swap3A_790 {strides = array<i32>} : memref<2x256x128xf32, #tpu.memory_space<vmem>>, vector<1x1x16xf32>,
          } else {
          }
          %slice3A_689 = vector.extract_strided_slice %get3A_590 {offsets = [14], sizes = [1], strides = [1]} : vector<16xi32> to vector<1xi32>
          %squeeze3A_690 = vector.extract %slice3A_689[0] : i32 from vector<1xi32>
          %eq3A_691 = arith.constant 0 : i32
          %eq3A_692 = arith.cmpi eq, %squeeze3A_690, %eq3A_691 : i32
          %convert_element_type3A_693 = arith.extui %eq3A_692 : i1 to i32
          %cond3A_694 = arith.constant 0 : i32
          %cond3A_695 = arith.cmpi ne, %convert_element_type3A_693, %cond3A_694 : i32
          scf.if %cond3A_695 {
            %mul3A_704 = arith.constant 16 : i32
            %mul3A_705 = arith.muli %scan3A_549, %mul3A_704 : i32
            %add3A_706 = arith.constant 14 : i32
            %add3A_707 = arith.addi %mul3A_705, %add3A_706 : i32
            %swap3A = arith.constant 0 : i32
            %swap3A_708 = arith.index_cast %swap3A : i32 to index
            %swap3A_709 = arith.index_cast %add3A_707 : i32 to index
            %swap3A_710 = arith.constant 0 : index
            %swap3A_711 = tpu.vector_load %arg6[%swap3A_708, %swap3A_709, %swap3A_710] {strides = array<i32>} : memref<2x256x128xf32, #tpu.memory_space<vmem>>, vector<1x1x16xf32>,
            %swap3A_712 = vector.shape_cast %swap3A_711 : vector<1x1x16xf32> to vector<16xf32>
            %swap3A_713 = vector.shape_cast %broadcast_in_dim3A_112 : vector<16xf32> to vector<1x1x16xf32>
            tpu.vector_store %arg6[%swap3A_708, %swap3A_709, %swap3A_710], %swap3A_713 {strides = array<i32>} : memref<2x256x128xf32, #tpu.memory_space<vmem>>, vector<1x1x16xf32>,
            %mul3A_714 = arith.constant 16 : i32
            %mul3A_715 = arith.muli %scan3A_549, %mul3A_714 : i32
            %add3A_716 = arith.constant 14 : i32
            %add3A_717 = arith.addi %mul3A_715, %add3A_716 : i32
            %swap3A_718 = arith.constant 0 : i32
            %swap3A_719 = arith.index_cast %swap3A_718 : i32 to index
            %swap3A_720 = arith.index_cast %add3A_717 : i32 to index
            %swap3A_721 = arith.constant 16 : index
            %swap3A_722 = tpu.vector_load %arg6[%swap3A_719, %swap3A_720, %swap3A_721] {strides = array<i32>} : memref<2x256x128xf32, #tpu.memory_space<vmem>>, vector<1x1x16xf32>,
            %swap3A_723 = vector.shape_cast %swap3A_722 : vector<1x1x16xf32> to vector<16xf32>
            %swap3A_724 = vector.shape_cast %broadcast_in_dim3A_112 : vector<16xf32> to vector<1x1x16xf32>
            tpu.vector_store %arg6[%swap3A_719, %swap3A_720, %swap3A_721], %swap3A_724 {strides = array<i32>} : memref<2x256x128xf32, #tpu.memory_space<vmem>>, vector<1x1x16xf32>,
            %mul3A_725 = arith.constant 16 : i32
            %mul3A_726 = arith.muli %scan3A_549, %mul3A_725 : i32
            %add3A_727 = arith.constant 14 : i32
            %add3A_728 = arith.addi %mul3A_726, %add3A_727 : i32
            %swap3A_729 = arith.constant 0 : i32
            %swap3A_730 = arith.index_cast %swap3A_729 : i32 to index
            %swap3A_731 = arith.index_cast %add3A_728 : i32 to index
            %swap3A_732 = arith.constant 32 : index
            %swap3A_733 = tpu.vector_load %arg6[%swap3A_730, %swap3A_731, %swap3A_732] {strides = array<i32>} : memref<2x256x128xf32, #tpu.memory_space<vmem>>, vector<1x1x16xf32>,
            %swap3A_734 = vector.shape_cast %swap3A_733 : vector<1x1x16xf32> to vector<16xf32>
            %swap3A_735 = vector.shape_cast %broadcast_in_dim3A_112 : vector<16xf32> to vector<1x1x16xf32>
            tpu.vector_store %arg6[%swap3A_730, %swap3A_731, %swap3A_732], %swap3A_735 {strides = array<i32>} : memref<2x256x128xf32, #tpu.memory_space<vmem>>, vector<1x1x16xf32>,
            %mul3A_736 = arith.constant 16 : i32
            %mul3A_737 = arith.muli %scan3A_549, %mul3A_736 : i32
            %add3A_738 = arith.constant 14 : i32
            %add3A_739 = arith.addi %mul3A_737, %add3A_738 : i32
            %swap3A_740 = arith.constant 0 : i32
            %swap3A_741 = arith.index_cast %swap3A_740 : i32 to index
            %swap3A_742 = arith.index_cast %add3A_739 : i32 to index
            %swap3A_743 = arith.constant 48 : index
            %swap3A_744 = tpu.vector_load %arg6[%swap3A_741, %swap3A_742, %swap3A_743] {strides = array<i32>} : memref<2x256x128xf32, #tpu.memory_space<vmem>>, vector<1x1x16xf32>,
            %swap3A_745 = vector.shape_cast %swap3A_744 : vector<1x1x16xf32> to vector<16xf32>
            %swap3A_746 = vector.shape_cast %broadcast_in_dim3A_112 : vector<16xf32> to vector<1x1x16xf32>
            tpu.vector_store %arg6[%swap3A_741, %swap3A_742, %swap3A_743], %swap3A_746 {strides = array<i32>} : memref<2x256x128xf32, #tpu.memory_space<vmem>>, vector<1x1x16xf32>,
            %mul3A_747 = arith.constant 16 : i32
            %mul3A_748 = arith.muli %scan3A_549, %mul3A_747 : i32
            %add3A_749 = arith.constant 14 : i32
            %add3A_750 = arith.addi %mul3A_748, %add3A_749 : i32
            %swap3A_751 = arith.constant 0 : i32
            %swap3A_752 = arith.index_cast %swap3A_751 : i32 to index
            %swap3A_753 = arith.index_cast %add3A_750 : i32 to index
            %swap3A_754 = arith.constant 64 : index
            %swap3A_755 = tpu.vector_load %arg6[%swap3A_752, %swap3A_753, %swap3A_754] {strides = array<i32>} : memref<2x256x128xf32, #tpu.memory_space<vmem>>, vector<1x1x16xf32>,
            %swap3A_756 = vector.shape_cast %swap3A_755 : vector<1x1x16xf32> to vector<16xf32>
            %swap3A_757 = vector.shape_cast %broadcast_in_dim3A_112 : vector<16xf32> to vector<1x1x16xf32>
            tpu.vector_store %arg6[%swap3A_752, %swap3A_753, %swap3A_754], %swap3A_757 {strides = array<i32>} : memref<2x256x128xf32, #tpu.memory_space<vmem>>, vector<1x1x16xf32>,
            %mul3A_758 = arith.constant 16 : i32
            %mul3A_759 = arith.muli %scan3A_549, %mul3A_758 : i32
            %add3A_760 = arith.constant 14 : i32
            %add3A_761 = arith.addi %mul3A_759, %add3A_760 : i32
            %swap3A_762 = arith.constant 0 : i32
            %swap3A_763 = arith.index_cast %swap3A_762 : i32 to index
            %swap3A_764 = arith.index_cast %add3A_761 : i32 to index
            %swap3A_765 = arith.constant 80 : index
            %swap3A_766 = tpu.vector_load %arg6[%swap3A_763, %swap3A_764, %swap3A_765] {strides = array<i32>} : memref<2x256x128xf32, #tpu.memory_space<vmem>>, vector<1x1x16xf32>,
            %swap3A_767 = vector.shape_cast %swap3A_766 : vector<1x1x16xf32> to vector<16xf32>
            %swap3A_768 = vector.shape_cast %broadcast_in_dim3A_112 : vector<16xf32> to vector<1x1x16xf32>
            tpu.vector_store %arg6[%swap3A_763, %swap3A_764, %swap3A_765], %swap3A_768 {strides = array<i32>} : memref<2x256x128xf32, #tpu.memory_space<vmem>>, vector<1x1x16xf32>,
            %mul3A_769 = arith.constant 16 : i32
            %mul3A_770 = arith.muli %scan3A_549, %mul3A_769 : i32
            %add3A_771 = arith.constant 14 : i32
            %add3A_772 = arith.addi %mul3A_770, %add3A_771 : i32
            %swap3A_773 = arith.constant 0 : i32
            %swap3A_774 = arith.index_cast %swap3A_773 : i32 to index
            %swap3A_775 = arith.index_cast %add3A_772 : i32 to index
            %swap3A_776 = arith.constant 96 : index
            %swap3A_777 = tpu.vector_load %arg6[%swap3A_774, %swap3A_775, %swap3A_776] {strides = array<i32>} : memref<2x256x128xf32, #tpu.memory_space<vmem>>, vector<1x1x16xf32>,
            %swap3A_778 = vector.shape_cast %swap3A_777 : vector<1x1x16xf32> to vector<16xf32>
            %swap3A_779 = vector.shape_cast %broadcast_in_dim3A_112 : vector<16xf32> to vector<1x1x16xf32>
            tpu.vector_store %arg6[%swap3A_774, %swap3A_775, %swap3A_776], %swap3A_779 {strides = array<i32>} : memref<2x256x128xf32, #tpu.memory_space<vmem>>, vector<1x1x16xf32>,
            %mul3A_780 = arith.constant 16 : i32
            %mul3A_781 = arith.muli %scan3A_549, %mul3A_780 : i32
            %add3A_782 = arith.constant 14 : i32
            %add3A_783 = arith.addi %mul3A_781, %add3A_782 : i32
            %swap3A_784 = arith.constant 0 : i32
            %swap3A_785 = arith.index_cast %swap3A_784 : i32 to index
            %swap3A_786 = arith.index_cast %add3A_783 : i32 to index
            %swap3A_787 = arith.constant 112 : index
            %swap3A_788 = tpu.vector_load %arg6[%swap3A_785, %swap3A_786, %swap3A_787] {strides = array<i32>} : memref<2x256x128xf32, #tpu.memory_space<vmem>>, vector<1x1x16xf32>,
            %swap3A_789 = vector.shape_cast %swap3A_788 : vector<1x1x16xf32> to vector<16xf32>
            %swap3A_790 = vector.shape_cast %broadcast_in_dim3A_112 : vector<16xf32> to vector<1x1x16xf32>
            tpu.vector_store %arg6[%swap3A_785, %swap3A_786, %swap3A_787], %swap3A_790 {strides = array<i32>} : memref<2x256x128xf32, #tpu.memory_space<vmem>>, vector<1x1x16xf32>,
          } else {
          }
          %slice3A_696 = vector.extract_strided_slice %get3A_590 {offsets = [15], sizes = [1], strides = [1]} : vector<16xi32> to vector<1xi32>
          %squeeze3A_697 = vector.extract %slice3A_696[0] : i32 from vector<1xi32>
          %eq3A_698 = arith.constant 0 : i32
          %eq3A_699 = arith.cmpi eq, %squeeze3A_697, %eq3A_698 : i32
          %convert_element_type3A_700 = arith.extui %eq3A_699 : i1 to i32
          %cond3A_701 = arith.constant 0 : i32
          %cond3A_702 = arith.cmpi ne, %convert_element_type3A_700, %cond3A_701 : i32
          scf.if %cond3A_702 {
            %mul3A_704 = arith.constant 16 : i32
            %mul3A_705 = arith.muli %scan3A_549, %mul3A_704 : i32
            %add3A_706 = arith.constant 15 : i32
            %add3A_707 = arith.addi %mul3A_705, %add3A_706 : i32
            %swap3A = arith.constant 0 : i32
            %swap3A_708 = arith.index_cast %swap3A : i32 to index
            %swap3A_709 = arith.index_cast %add3A_707 : i32 to index
            %swap3A_710 = arith.constant 0 : index
            %swap3A_711 = tpu.vector_load %arg6[%swap3A_708, %swap3A_709, %swap3A_710] {strides = array<i32>} : memref<2x256x128xf32, #tpu.memory_space<vmem>>, vector<1x1x16xf32>,
            %swap3A_712 = vector.shape_cast %swap3A_711 : vector<1x1x16xf32> to vector<16xf32>
            %swap3A_713 = vector.shape_cast %broadcast_in_dim3A_112 : vector<16xf32> to vector<1x1x16xf32>
            tpu.vector_store %arg6[%swap3A_708, %swap3A_709, %swap3A_710], %swap3A_713 {strides = array<i32>} : memref<2x256x128xf32, #tpu.memory_space<vmem>>, vector<1x1x16xf32>,
            %mul3A_714 = arith.constant 16 : i32
            %mul3A_715 = arith.muli %scan3A_549, %mul3A_714 : i32
            %add3A_716 = arith.constant 15 : i32
            %add3A_717 = arith.addi %mul3A_715, %add3A_716 : i32
            %swap3A_718 = arith.constant 0 : i32
            %swap3A_719 = arith.index_cast %swap3A_718 : i32 to index
            %swap3A_720 = arith.index_cast %add3A_717 : i32 to index
            %swap3A_721 = arith.constant 16 : index
            %swap3A_722 = tpu.vector_load %arg6[%swap3A_719, %swap3A_720, %swap3A_721] {strides = array<i32>} : memref<2x256x128xf32, #tpu.memory_space<vmem>>, vector<1x1x16xf32>,
            %swap3A_723 = vector.shape_cast %swap3A_722 : vector<1x1x16xf32> to vector<16xf32>
            %swap3A_724 = vector.shape_cast %broadcast_in_dim3A_112 : vector<16xf32> to vector<1x1x16xf32>
            tpu.vector_store %arg6[%swap3A_719, %swap3A_720, %swap3A_721], %swap3A_724 {strides = array<i32>} : memref<2x256x128xf32, #tpu.memory_space<vmem>>, vector<1x1x16xf32>,
            %mul3A_725 = arith.constant 16 : i32
            %mul3A_726 = arith.muli %scan3A_549, %mul3A_725 : i32
            %add3A_727 = arith.constant 15 : i32
            %add3A_728 = arith.addi %mul3A_726, %add3A_727 : i32
            %swap3A_729 = arith.constant 0 : i32
            %swap3A_730 = arith.index_cast %swap3A_729 : i32 to index
            %swap3A_731 = arith.index_cast %add3A_728 : i32 to index
            %swap3A_732 = arith.constant 32 : index
            %swap3A_733 = tpu.vector_load %arg6[%swap3A_730, %swap3A_731, %swap3A_732] {strides = array<i32>} : memref<2x256x128xf32, #tpu.memory_space<vmem>>, vector<1x1x16xf32>,
            %swap3A_734 = vector.shape_cast %swap3A_733 : vector<1x1x16xf32> to vector<16xf32>
            %swap3A_735 = vector.shape_cast %broadcast_in_dim3A_112 : vector<16xf32> to vector<1x1x16xf32>
            tpu.vector_store %arg6[%swap3A_730, %swap3A_731, %swap3A_732], %swap3A_735 {strides = array<i32>} : memref<2x256x128xf32, #tpu.memory_space<vmem>>, vector<1x1x16xf32>,
            %mul3A_736 = arith.constant 16 : i32
            %mul3A_737 = arith.muli %scan3A_549, %mul3A_736 : i32
            %add3A_738 = arith.constant 15 : i32
            %add3A_739 = arith.addi %mul3A_737, %add3A_738 : i32
            %swap3A_740 = arith.constant 0 : i32
            %swap3A_741 = arith.index_cast %swap3A_740 : i32 to index
            %swap3A_742 = arith.index_cast %add3A_739 : i32 to index
            %swap3A_743 = arith.constant 48 : index
            %swap3A_744 = tpu.vector_load %arg6[%swap3A_741, %swap3A_742, %swap3A_743] {strides = array<i32>} : memref<2x256x128xf32, #tpu.memory_space<vmem>>, vector<1x1x16xf32>,
            %swap3A_745 = vector.shape_cast %swap3A_744 : vector<1x1x16xf32> to vector<16xf32>
            %swap3A_746 = vector.shape_cast %broadcast_in_dim3A_112 : vector<16xf32> to vector<1x1x16xf32>
            tpu.vector_store %arg6[%swap3A_741, %swap3A_742, %swap3A_743], %swap3A_746 {strides = array<i32>} : memref<2x256x128xf32, #tpu.memory_space<vmem>>, vector<1x1x16xf32>,
            %mul3A_747 = arith.constant 16 : i32
            %mul3A_748 = arith.muli %scan3A_549, %mul3A_747 : i32
            %add3A_749 = arith.constant 15 : i32
            %add3A_750 = arith.addi %mul3A_748, %add3A_749 : i32
            %swap3A_751 = arith.constant 0 : i32
            %swap3A_752 = arith.index_cast %swap3A_751 : i32 to index
            %swap3A_753 = arith.index_cast %add3A_750 : i32 to index
            %swap3A_754 = arith.constant 64 : index
            %swap3A_755 = tpu.vector_load %arg6[%swap3A_752, %swap3A_753, %swap3A_754] {strides = array<i32>} : memref<2x256x128xf32, #tpu.memory_space<vmem>>, vector<1x1x16xf32>,
            %swap3A_756 = vector.shape_cast %swap3A_755 : vector<1x1x16xf32> to vector<16xf32>
            %swap3A_757 = vector.shape_cast %broadcast_in_dim3A_112 : vector<16xf32> to vector<1x1x16xf32>
            tpu.vector_store %arg6[%swap3A_752, %swap3A_753, %swap3A_754], %swap3A_757 {strides = array<i32>} : memref<2x256x128xf32, #tpu.memory_space<vmem>>, vector<1x1x16xf32>,
            %mul3A_758 = arith.constant 16 : i32
            %mul3A_759 = arith.muli %scan3A_549, %mul3A_758 : i32
            %add3A_760 = arith.constant 15 : i32
            %add3A_761 = arith.addi %mul3A_759, %add3A_760 : i32
            %swap3A_762 = arith.constant 0 : i32
            %swap3A_763 = arith.index_cast %swap3A_762 : i32 to index
            %swap3A_764 = arith.index_cast %add3A_761 : i32 to index
            %swap3A_765 = arith.constant 80 : index
            %swap3A_766 = tpu.vector_load %arg6[%swap3A_763, %swap3A_764, %swap3A_765] {strides = array<i32>} : memref<2x256x128xf32, #tpu.memory_space<vmem>>, vector<1x1x16xf32>,
            %swap3A_767 = vector.shape_cast %swap3A_766 : vector<1x1x16xf32> to vector<16xf32>
            %swap3A_768 = vector.shape_cast %broadcast_in_dim3A_112 : vector<16xf32> to vector<1x1x16xf32>
            tpu.vector_store %arg6[%swap3A_763, %swap3A_764, %swap3A_765], %swap3A_768 {strides = array<i32>} : memref<2x256x128xf32, #tpu.memory_space<vmem>>, vector<1x1x16xf32>,
            %mul3A_769 = arith.constant 16 : i32
            %mul3A_770 = arith.muli %scan3A_549, %mul3A_769 : i32
            %add3A_771 = arith.constant 15 : i32
            %add3A_772 = arith.addi %mul3A_770, %add3A_771 : i32
            %swap3A_773 = arith.constant 0 : i32
            %swap3A_774 = arith.index_cast %swap3A_773 : i32 to index
            %swap3A_775 = arith.index_cast %add3A_772 : i32 to index
            %swap3A_776 = arith.constant 96 : index
            %swap3A_777 = tpu.vector_load %arg6[%swap3A_774, %swap3A_775, %swap3A_776] {strides = array<i32>} : memref<2x256x128xf32, #tpu.memory_space<vmem>>, vector<1x1x16xf32>,
            %swap3A_778 = vector.shape_cast %swap3A_777 : vector<1x1x16xf32> to vector<16xf32>
            %swap3A_779 = vector.shape_cast %broadcast_in_dim3A_112 : vector<16xf32> to vector<1x1x16xf32>
            tpu.vector_store %arg6[%swap3A_774, %swap3A_775, %swap3A_776], %swap3A_779 {strides = array<i32>} : memref<2x256x128xf32, #tpu.memory_space<vmem>>, vector<1x1x16xf32>,
            %mul3A_780 = arith.constant 16 : i32
            %mul3A_781 = arith.muli %scan3A_549, %mul3A_780 : i32
            %add3A_782 = arith.constant 15 : i32
            %add3A_783 = arith.addi %mul3A_781, %add3A_782 : i32
            %swap3A_784 = arith.constant 0 : i32
            %swap3A_785 = arith.index_cast %swap3A_784 : i32 to index
            %swap3A_786 = arith.index_cast %add3A_783 : i32 to index
            %swap3A_787 = arith.constant 112 : index
            %swap3A_788 = tpu.vector_load %arg6[%swap3A_785, %swap3A_786, %swap3A_787] {strides = array<i32>} : memref<2x256x128xf32, #tpu.memory_space<vmem>>, vector<1x1x16xf32>,
            %swap3A_789 = vector.shape_cast %swap3A_788 : vector<1x1x16xf32> to vector<16xf32>
            %swap3A_790 = vector.shape_cast %broadcast_in_dim3A_112 : vector<16xf32> to vector<1x1x16xf32>
            tpu.vector_store %arg6[%swap3A_785, %swap3A_786, %swap3A_787], %swap3A_790 {strides = array<i32>} : memref<2x256x128xf32, #tpu.memory_space<vmem>>, vector<1x1x16xf32>,
          } else {
          }
          %scan3A_703 = arith.constant 0 : i32
          scf.yield %scan3A_703 : i32
        }
        %scan3A_548 = arith.constant 16 : i32
      } else {
      }
      %mul3A_287 = arith.constant 256 : i32
      %mul3A_288 = arith.muli %add3A_77, %mul3A_287 : i32
      %add3A_289 = arith.addi %mul3A_2, %mul3A_288 : i32
      %dma_start3A_290 = arith.constant 0 : i32
      %dma_start3A_291 = arith.constant 0 : i32
      %dma_start3A_292 = arith.constant 0 : i32
      %dma_start3A_293 = tpu.memref_slice %arg6[%dma_start3A_290, %dma_start3A_291, %dma_start3A_292] : memref<2x256x128xf32, #tpu.memory_space<vmem>> -> memref<1x256x128xf32, #tpu.memory_space<vmem>>
      %dma_start3A_294 = tpu.memref_squeeze %dma_start3A_293 : memref<1x256x128xf32, #tpu.memory_space<vmem>> -> memref<256x128xf32, #tpu.memory_space<vmem>>
      %dma_start3A_295 = arith.constant 0 : i32
      %dma_start3A_296 = tpu.memref_slice %arg4[%add3A_289, %dma_start3A_295] : memref<819200x128xf32, #tpu.memory_space<hbm>> -> memref<256x128xf32, #tpu.memory_space<hbm>>
      %dma_start3A_297 = arith.constant 0 : i32
      %dma_start3A_298 = tpu.memref_slice %arg4[%add3A_289, %dma_start3A_297] : memref<819200x128xf32, #tpu.memory_space<hbm>> -> memref<256x128xf32, #tpu.memory_space<hbm>>
      %dma_start3A_299 = arith.constant 0 : i32
      %dma_start3A_300 = arith.constant 0 : i32
      %dma_start3A_301 = tpu.memref_slice %arg6[%dma_start3A_290, %dma_start3A_299, %dma_start3A_300] : memref<2x256x128xf32, #tpu.memory_space<vmem>> -> memref<1x256x128xf32, #tpu.memory_space<vmem>>
      %dma_start3A_302 = tpu.memref_squeeze %dma_start3A_301 : memref<1x256x128xf32, #tpu.memory_space<vmem>> -> memref<256x128xf32, #tpu.memory_space<vmem>>
      tpu.enqueue_dma source(%dma_start3A_302 : memref<256x128xf32, #tpu.memory_space<vmem>>) target(%dma_start3A_298 : memref<256x128xf32, #tpu.memory_space<hbm>>) target_semaphore(%arg9 : memref<!tpu.dma_semaphore, #tpu.memory_space<semaphore_mem>>)
      %mul3A_303 = arith.constant 2 : i32
      %mul3A_304 = arith.muli %mul3A_303, %scan3A_72 : i32
      %add3A_305 = arith.constant 1 : i32
      %add3A_306 = arith.addi %mul3A_304, %add3A_305 : i32
      %add3A_307 = arith.constant 1 : i32
      %add3A_308 = arith.addi %add3A_306, %add3A_307 : i32
      %lt3A_309 = arith.constant 100 : i32
      %lt3A_310 = arith.cmpi slt, %add3A_308, %lt3A_309 : i32
      %convert_element_type3A_311 = arith.extui %lt3A_310 : i1 to i32
      %cond3A_312 = arith.constant 0 : i32
      %cond3A_313 = arith.cmpi ne, %convert_element_type3A_311, %cond3A_312 : i32
      scf.if %cond3A_313 {
        %ge3A = arith.constant 1 : i32
        %ge3A_542 = arith.cmpi sge, %add3A_306, %ge3A : i32
        %convert_element_type3A_543 = arith.extui %ge3A_542 : i1 to i32
        %cond3A_544 = arith.constant 0 : i32
        %cond3A_545 = arith.cmpi ne, %convert_element_type3A_543, %cond3A_544 : i32
        scf.if %cond3A_545 {
          %dma_wait3A_587 = arith.constant 0 : i32
          %dma_wait3A_588 = arith.constant 0 : i32
          %dma_wait3A_589 = arith.constant 0 : i32
          %dma_wait3A_590 = tpu.memref_slice %arg6[%dma_wait3A_587, %dma_wait3A_588, %dma_wait3A_589] : memref<2x256x128xf32, #tpu.memory_space<vmem>> -> memref<1x256x128xf32, #tpu.memory_space<vmem>>
          %dma_wait3A_591 = tpu.memref_squeeze %dma_wait3A_590 : memref<1x256x128xf32, #tpu.memory_space<vmem>> -> memref<256x128xf32, #tpu.memory_space<vmem>>
          %dma_wait3A_592 = arith.constant 0 : i32
          %dma_wait3A_593 = arith.constant 0 : i32
          %dma_wait3A_594 = tpu.memref_slice %arg3[%dma_wait3A_592, %dma_wait3A_593] : memref<100000x128xf32, #tpu.memory_space<hbm>> -> memref<256x128xf32, #tpu.memory_space<hbm>>
          %dma_wait3A_595 = arith.constant 0 : i32
          %dma_wait3A_596 = arith.constant 0 : i32
          %dma_wait3A_597 = tpu.memref_slice %arg6[%dma_wait3A_587, %dma_wait3A_595, %dma_wait3A_596] : memref<2x256x128xf32, #tpu.memory_space<vmem>> -> memref<1x256x128xf32, #tpu.memory_space<vmem>>
          %dma_wait3A_598 = tpu.memref_squeeze %dma_wait3A_597 : memref<1x256x128xf32, #tpu.memory_space<vmem>> -> memref<256x128xf32, #tpu.memory_space<vmem>>
          %dma_wait3A_599 = arith.constant 0 : i32
          %dma_wait3A_600 = arith.constant 0 : i32
          %dma_wait3A_601 = tpu.memref_slice %arg3[%dma_wait3A_599, %dma_wait3A_600] : memref<100000x128xf32, #tpu.memory_space<hbm>> -> memref<256x128xf32, #tpu.memory_space<hbm>>
          tpu.wait_dma2 semaphore(%arg9 : memref<!tpu.dma_semaphore, #tpu.memory_space<semaphore_mem>>) src(%dma_wait3A_601 : memref<256x128xf32, #tpu.memory_space<hbm>>) dst(%dma_wait3A_598 : memref<256x128xf32, #tpu.memory_space<vmem>>)
        } else {
        }
        %add3A_546 = arith.constant 1 : i32
        %add3A_547 = arith.addi %add3A_306, %add3A_546 : i32
        %mul3A_548 = arith.constant 256 : i32
        %mul3A_549 = arith.muli %add3A_547, %mul3A_548 : i32
        %add3A_550 = arith.addi %mul3A_2, %mul3A_549 : i32
        %add3A_551 = arith.constant 0 : i32
        %add3A_552 = arith.addi %add3A_550, %add3A_551 : i32
        %run_scoped3A_553 = arith.constant 0 : i32
        %run_scoped3A_554 = arith.constant 0 : i32
        "tpu.region"() ({
          %run_scoped3A_587 = tpu.sem_alloc : memref<!tpu.dma_semaphore, #tpu.memory_space<semaphore_mem>>
          %dma_start3A_588 = arith.constant 0 : i32
          %dma_start3A_589 = tpu.memref_slice %arg5[%run_scoped3A_553, %run_scoped3A_554, %dma_start3A_588] : memref<2x2x128xi32, #tpu.memory_space<vmem>> -> memref<1x1x128xi32, #tpu.memory_space<vmem>>
          %dma_start3A_590 = tpu.memref_squeeze %dma_start3A_589 : memref<1x1x128xi32, #tpu.memory_space<vmem>> -> memref<128xi32, #tpu.memory_space<vmem>>
          %dma_start3A_591 = tpu.memref_slice %arg2[%add3A_552] : memref<819200xi32, #tpu.memory_space<hbm>> -> memref<128xi32, #tpu.memory_space<hbm>>
          %dma_start3A_592 = arith.constant 0 : i32
          %dma_start3A_593 = tpu.memref_slice %arg5[%run_scoped3A_553, %run_scoped3A_554, %dma_start3A_592] : memref<2x2x128xi32, #tpu.memory_space<vmem>> -> memref<1x1x128xi32, #tpu.memory_space<vmem>>
          %dma_start3A_594 = tpu.memref_squeeze %dma_start3A_593 : memref<1x1x128xi32, #tpu.memory_space<vmem>> -> memref<128xi32, #tpu.memory_space<vmem>>
          %dma_start3A_595 = tpu.memref_slice %arg2[%add3A_552] : memref<819200xi32, #tpu.memory_space<hbm>> -> memref<128xi32, #tpu.memory_space<hbm>>
          tpu.enqueue_dma source(%dma_start3A_595 : memref<128xi32, #tpu.memory_space<hbm>>) target(%dma_start3A_594 : memref<128xi32, #tpu.memory_space<vmem>>) target_semaphore(%run_scoped3A_587 : memref<!tpu.dma_semaphore, #tpu.memory_space<semaphore_mem>>)
          %dma_wait3A_596 = arith.constant 0 : i32
          %dma_wait3A_597 = tpu.memref_slice %arg5[%run_scoped3A_553, %run_scoped3A_554, %dma_wait3A_596] : memref<2x2x128xi32, #tpu.memory_space<vmem>> -> memref<1x1x128xi32, #tpu.memory_space<vmem>>
          %dma_wait3A_598 = tpu.memref_squeeze %dma_wait3A_597 : memref<1x1x128xi32, #tpu.memory_space<vmem>> -> memref<128xi32, #tpu.memory_space<vmem>>
          %dma_wait3A_599 = tpu.memref_slice %arg2[%add3A_552] : memref<819200xi32, #tpu.memory_space<hbm>> -> memref<128xi32, #tpu.memory_space<hbm>>
          %dma_wait3A_600 = arith.constant 0 : i32
          %dma_wait3A_601 = tpu.memref_slice %arg5[%run_scoped3A_553, %run_scoped3A_554, %dma_wait3A_600] : memref<2x2x128xi32, #tpu.memory_space<vmem>> -> memref<1x1x128xi32, #tpu.memory_space<vmem>>
          %dma_wait3A_602 = tpu.memref_squeeze %dma_wait3A_601 : memref<1x1x128xi32, #tpu.memory_space<vmem>> -> memref<128xi32, #tpu.memory_space<vmem>>
          %dma_wait3A_603 = tpu.memref_slice %arg2[%add3A_552] : memref<819200xi32, #tpu.memory_space<hbm>> -> memref<128xi32, #tpu.memory_space<hbm>>
          tpu.wait_dma2 semaphore(%run_scoped3A_587 : memref<!tpu.dma_semaphore, #tpu.memory_space<semaphore_mem>>) src(%dma_wait3A_603 : memref<128xi32, #tpu.memory_space<hbm>>) dst(%dma_wait3A_602 : memref<128xi32, #tpu.memory_space<vmem>>)
          tpu.yield
        }) : () -> ()
        %add3A_555 = arith.constant 128 : i32
        %add3A_556 = arith.addi %add3A_550, %add3A_555 : i32
        %run_scoped3A_557 = arith.constant 0 : i32
        %run_scoped3A_558 = arith.constant 1 : i32
        "tpu.region"() ({
          %run_scoped3A_587 = tpu.sem_alloc : memref<!tpu.dma_semaphore, #tpu.memory_space<semaphore_mem>>
          %dma_start3A_588 = arith.constant 0 : i32
          %dma_start3A_589 = tpu.memref_slice %arg5[%run_scoped3A_557, %run_scoped3A_558, %dma_start3A_588] : memref<2x2x128xi32, #tpu.memory_space<vmem>> -> memref<1x1x128xi32, #tpu.memory_space<vmem>>
          %dma_start3A_590 = tpu.memref_squeeze %dma_start3A_589 : memref<1x1x128xi32, #tpu.memory_space<vmem>> -> memref<128xi32, #tpu.memory_space<vmem>>
          %dma_start3A_591 = tpu.memref_slice %arg2[%add3A_556] : memref<819200xi32, #tpu.memory_space<hbm>> -> memref<128xi32, #tpu.memory_space<hbm>>
          %dma_start3A_592 = arith.constant 0 : i32
          %dma_start3A_593 = tpu.memref_slice %arg5[%run_scoped3A_557, %run_scoped3A_558, %dma_start3A_592] : memref<2x2x128xi32, #tpu.memory_space<vmem>> -> memref<1x1x128xi32, #tpu.memory_space<vmem>>
          %dma_start3A_594 = tpu.memref_squeeze %dma_start3A_593 : memref<1x1x128xi32, #tpu.memory_space<vmem>> -> memref<128xi32, #tpu.memory_space<vmem>>
          %dma_start3A_595 = tpu.memref_slice %arg2[%add3A_556] : memref<819200xi32, #tpu.memory_space<hbm>> -> memref<128xi32, #tpu.memory_space<hbm>>
          tpu.enqueue_dma source(%dma_start3A_595 : memref<128xi32, #tpu.memory_space<hbm>>) target(%dma_start3A_594 : memref<128xi32, #tpu.memory_space<vmem>>) target_semaphore(%run_scoped3A_587 : memref<!tpu.dma_semaphore, #tpu.memory_space<semaphore_mem>>)
          %dma_wait3A_596 = arith.constant 0 : i32
          %dma_wait3A_597 = tpu.memref_slice %arg5[%run_scoped3A_557, %run_scoped3A_558, %dma_wait3A_596] : memref<2x2x128xi32, #tpu.memory_space<vmem>> -> memref<1x1x128xi32, #tpu.memory_space<vmem>>
          %dma_wait3A_598 = tpu.memref_squeeze %dma_wait3A_597 : memref<1x1x128xi32, #tpu.memory_space<vmem>> -> memref<128xi32, #tpu.memory_space<vmem>>
          %dma_wait3A_599 = tpu.memref_slice %arg2[%add3A_556] : memref<819200xi32, #tpu.memory_space<hbm>> -> memref<128xi32, #tpu.memory_space<hbm>>
          %dma_wait3A_600 = arith.constant 0 : i32
          %dma_wait3A_601 = tpu.memref_slice %arg5[%run_scoped3A_557, %run_scoped3A_558, %dma_wait3A_600] : memref<2x2x128xi32, #tpu.memory_space<vmem>> -> memref<1x1x128xi32, #tpu.memory_space<vmem>>
          %dma_wait3A_602 = tpu.memref_squeeze %dma_wait3A_601 : memref<1x1x128xi32, #tpu.memory_space<vmem>> -> memref<128xi32, #tpu.memory_space<vmem>>
          %dma_wait3A_603 = tpu.memref_slice %arg2[%add3A_556] : memref<819200xi32, #tpu.memory_space<hbm>> -> memref<128xi32, #tpu.memory_space<hbm>>
          tpu.wait_dma2 semaphore(%run_scoped3A_587 : memref<!tpu.dma_semaphore, #tpu.memory_space<semaphore_mem>>) src(%dma_wait3A_603 : memref<128xi32, #tpu.memory_space<hbm>>) dst(%dma_wait3A_602 : memref<128xi32, #tpu.memory_space<vmem>>)
          tpu.yield
        }) : () -> ()
        %add3A_559 = arith.constant 1 : i32
        %add3A_560 = arith.addi %add3A_306, %add3A_559 : i32
        %dma_start3A_561 = arith.constant 0 : i32
        %dma_start3A_562 = arith.constant 0 : i32
        %dma_start3A_563 = arith.constant 0 : i32
        %dma_start3A_564 = arith.constant 0 : i32
        %dma_start3A_565 = arith.constant 0 : i32
        %dma_start3A_566 = tpu.memref_slice %arg6[%dma_start3A_563, %dma_start3A_564, %dma_start3A_565] : memref<2x256x128xf32, #tpu.memory_space<vmem>> -> memref<1x128x128xf32, #tpu.memory_space<vmem>>
        %dma_start3A_567 = tpu.memref_squeeze %dma_start3A_566 : memref<1x128x128xf32, #tpu.memory_space<vmem>> -> memref<128x128xf32, #tpu.memory_space<vmem>>
        %dma_start3A_568 = arith.constant 0 : i32
        %dma_start3A_569 = tpu.memref_slice %arg5[%dma_start3A_561, %dma_start3A_562, %dma_start3A_568] : memref<2x2x128xi32, #tpu.memory_space<vmem>> -> memref<1x1x128xi32, #tpu.memory_space<vmem>>
        %dma_start3A_570 = tpu.memref_squeeze %dma_start3A_569 : memref<1x1x128xi32, #tpu.memory_space<vmem>> -> memref<128xi32, #tpu.memory_space<vmem>>
        %dma_start3A_571 = arith.constant 0 : i32
        %dma_start3A_572 = arith.constant 0 : i32
        %dma_start3A_573 = tpu.memref_slice %arg3[%dma_start3A_571, %dma_start3A_572] : memref<100000x128xf32, #tpu.memory_space<hbm>> -> memref<100000x128xf32, #tpu.memory_space<hbm>>
        tpu.enqueue_indirect_dma source(%dma_start3A_573 : memref<100000x128xf32, #tpu.memory_space<hbm>>) target(%dma_start3A_567 : memref<128x128xf32, #tpu.memory_space<vmem>>) offsets(%dma_start3A_570 : memref<128xi32, #tpu.memory_space<vmem>>) semaphore(%arg7 : memref<!tpu.dma_semaphore, #tpu.memory_space<semaphore_mem>>)
        %dma_start3A_574 = arith.constant 0 : i32
        %dma_start3A_575 = arith.constant 1 : i32
        %dma_start3A_576 = arith.constant 0 : i32
        %dma_start3A_577 = arith.constant 128 : i32
        %dma_start3A_578 = arith.constant 0 : i32
        %dma_start3A_579 = tpu.memref_slice %arg6[%dma_start3A_576, %dma_start3A_577, %dma_start3A_578] : memref<2x256x128xf32, #tpu.memory_space<vmem>> -> memref<1x128x128xf32, #tpu.memory_space<vmem>>
        %dma_start3A_580 = tpu.memref_squeeze %dma_start3A_579 : memref<1x128x128xf32, #tpu.memory_space<vmem>> -> memref<128x128xf32, #tpu.memory_space<vmem>>
        %dma_start3A_581 = arith.constant 0 : i32
        %dma_start3A_582 = tpu.memref_slice %arg5[%dma_start3A_574, %dma_start3A_575, %dma_start3A_581] : memref<2x2x128xi32, #tpu.memory_space<vmem>> -> memref<1x1x128xi32, #tpu.memory_space<vmem>>
        %dma_start3A_583 = tpu.memref_squeeze %dma_start3A_582 : memref<1x1x128xi32, #tpu.memory_space<vmem>> -> memref<128xi32, #tpu.memory_space<vmem>>
        %dma_start3A_584 = arith.constant 0 : i32
        %dma_start3A_585 = arith.constant 0 : i32
        %dma_start3A_586 = tpu.memref_slice %arg3[%dma_start3A_584, %dma_start3A_585] : memref<100000x128xf32, #tpu.memory_space<hbm>> -> memref<100000x128xf32, #tpu.memory_space<hbm>>
        tpu.enqueue_indirect_dma source(%dma_start3A_586 : memref<100000x128xf32, #tpu.memory_space<hbm>>) target(%dma_start3A_580 : memref<128x128xf32, #tpu.memory_space<vmem>>) offsets(%dma_start3A_583 : memref<128xi32, #tpu.memory_space<vmem>>) semaphore(%arg7 : memref<!tpu.dma_semaphore, #tpu.memory_space<semaphore_mem>>)
      } else {
      }
      %dma_wait3A_314 = arith.constant 1 : i32
      %dma_wait3A_315 = arith.constant 0 : i32
      %dma_wait3A_316 = arith.constant 0 : i32
      %dma_wait3A_317 = tpu.memref_slice %arg6[%dma_wait3A_314, %dma_wait3A_315, %dma_wait3A_316] : memref<2x256x128xf32, #tpu.memory_space<vmem>> -> memref<1x128x128xf32, #tpu.memory_space<vmem>>
      %dma_wait3A_318 = tpu.memref_squeeze %dma_wait3A_317 : memref<1x128x128xf32, #tpu.memory_space<vmem>> -> memref<128x128xf32, #tpu.memory_space<vmem>>
      %dma_wait3A_319 = arith.constant 0 : i32
      %dma_wait3A_320 = arith.constant 0 : i32
      %dma_wait3A_321 = tpu.memref_slice %arg3[%dma_wait3A_319, %dma_wait3A_320] : memref<100000x128xf32, #tpu.memory_space<hbm>> -> memref<128x128xf32, #tpu.memory_space<hbm>>
      %dma_wait3A_322 = arith.constant 0 : i32
      %dma_wait3A_323 = arith.constant 0 : i32
      %dma_wait3A_324 = tpu.memref_slice %arg6[%dma_wait3A_314, %dma_wait3A_322, %dma_wait3A_323] : memref<2x256x128xf32, #tpu.memory_space<vmem>> -> memref<1x128x128xf32, #tpu.memory_space<vmem>>
      %dma_wait3A_325 = tpu.memref_squeeze %dma_wait3A_324 : memref<1x128x128xf32, #tpu.memory_space<vmem>> -> memref<128x128xf32, #tpu.memory_space<vmem>>
      %dma_wait3A_326 = arith.constant 0 : i32
      %dma_wait3A_327 = arith.constant 0 : i32
      %dma_wait3A_328 = tpu.memref_slice %arg3[%dma_wait3A_326, %dma_wait3A_327] : memref<100000x128xf32, #tpu.memory_space<hbm>> -> memref<128x128xf32, #tpu.memory_space<hbm>>
      tpu.wait_dma2 semaphore(%arg8 : memref<!tpu.dma_semaphore, #tpu.memory_space<semaphore_mem>>) src(%dma_wait3A_328 : memref<128x128xf32, #tpu.memory_space<hbm>>) dst(%dma_wait3A_325 : memref<128x128xf32, #tpu.memory_space<vmem>>)
      %dma_wait3A_329 = arith.constant 1 : i32
      %dma_wait3A_330 = arith.constant 128 : i32
      %dma_wait3A_331 = arith.constant 0 : i32
      %dma_wait3A_332 = tpu.memref_slice %arg6[%dma_wait3A_329, %dma_wait3A_330, %dma_wait3A_331] : memref<2x256x128xf32, #tpu.memory_space<vmem>> -> memref<1x128x128xf32, #tpu.memory_space<vmem>>
      %dma_wait3A_333 = tpu.memref_squeeze %dma_wait3A_332 : memref<1x128x128xf32, #tpu.memory_space<vmem>> -> memref<128x128xf32, #tpu.memory_space<vmem>>
      %dma_wait3A_334 = arith.constant 0 : i32
      %dma_wait3A_335 = arith.constant 0 : i32
      %dma_wait3A_336 = tpu.memref_slice %arg3[%dma_wait3A_334, %dma_wait3A_335] : memref<100000x128xf32, #tpu.memory_space<hbm>> -> memref<128x128xf32, #tpu.memory_space<hbm>>
      %dma_wait3A_337 = arith.constant 128 : i32
      %dma_wait3A_338 = arith.constant 0 : i32
      %dma_wait3A_339 = tpu.memref_slice %arg6[%dma_wait3A_329, %dma_wait3A_337, %dma_wait3A_338] : memref<2x256x128xf32, #tpu.memory_space<vmem>> -> memref<1x128x128xf32, #tpu.memory_space<vmem>>
      %dma_wait3A_340 = tpu.memref_squeeze %dma_wait3A_339 : memref<1x128x128xf32, #tpu.memory_space<vmem>> -> memref<128x128xf32, #tpu.memory_space<vmem>>
      %dma_wait3A_341 = arith.constant 0 : i32
      %dma_wait3A_342 = arith.constant 0 : i32
      %dma_wait3A_343 = tpu.memref_slice %arg3[%dma_wait3A_341, %dma_wait3A_342] : memref<100000x128xf32, #tpu.memory_space<hbm>> -> memref<128x128xf32, #tpu.memory_space<hbm>>
      tpu.wait_dma2 semaphore(%arg8 : memref<!tpu.dma_semaphore, #tpu.memory_space<semaphore_mem>>) src(%dma_wait3A_343 : memref<128x128xf32, #tpu.memory_space<hbm>>) dst(%dma_wait3A_340 : memref<128x128xf32, #tpu.memory_space<vmem>>)
      %broadcast_in_dim3A_344 = arith.constant 0.000000e+00 : f32
      %broadcast_in_dim3A_345 = vector.broadcast %broadcast_in_dim3A_344 : f32 to vector<16xf32>
      %get3A_346 = arith.constant 1 : i32
      %get3A_347 = arith.constant 0 : i32
      %get3A_348 = arith.index_cast %get3A_346 : i32 to index
      %get3A_349 = arith.index_cast %get3A_347 : i32 to index
      %get3A_350 = arith.constant 0 : index
      %get3A_351 = tpu.vector_load %arg5[%get3A_348, %get3A_349, %get3A_350] {strides = array<i32>} : memref<2x2x128xi32, #tpu.memory_space<vmem>>, vector<1x1x16xi32>,
      %get3A_352 = vector.shape_cast %get3A_351 : vector<1x1x16xi32> to vector<16xi32>
      %get3A_353 = arith.constant 1 : i32
      %get3A_354 = arith.constant 0 : i32
      %get3A_355 = arith.index_cast %get3A_353 : i32 to index
      %get3A_356 = arith.index_cast %get3A_354 : i32 to index
      %get3A_357 = arith.constant 16 : index
      %get3A_358 = tpu.vector_load %arg5[%get3A_355, %get3A_356, %get3A_357] {strides = array<i32>} : memref<2x2x128xi32, #tpu.memory_space<vmem>>, vector<1x1x16xi32>,
      %get3A_359 = vector.shape_cast %get3A_358 : vector<1x1x16xi32> to vector<16xi32>
      %min3A_360 = arith.minsi %get3A_352, %get3A_359 : vector<16xi32>
      %get3A_361 = arith.constant 1 : i32
      %get3A_362 = arith.constant 0 : i32
      %get3A_363 = arith.index_cast %get3A_361 : i32 to index
      %get3A_364 = arith.index_cast %get3A_362 : i32 to index
      %get3A_365 = arith.constant 32 : index
      %get3A_366 = tpu.vector_load %arg5[%get3A_363, %get3A_364, %get3A_365] {strides = array<i32>} : memref<2x2x128xi32, #tpu.memory_space<vmem>>, vector<1x1x16xi32>,
      %get3A_367 = vector.shape_cast %get3A_366 : vector<1x1x16xi32> to vector<16xi32>
      %min3A_368 = arith.minsi %min3A_360, %get3A_367 : vector<16xi32>
      %get3A_369 = arith.constant 1 : i32
      %get3A_370 = arith.constant 0 : i32
      %get3A_371 = arith.index_cast %get3A_369 : i32 to index
      %get3A_372 = arith.index_cast %get3A_370 : i32 to index
      %get3A_373 = arith.constant 48 : index
      %get3A_374 = tpu.vector_load %arg5[%get3A_371, %get3A_372, %get3A_373] {strides = array<i32>} : memref<2x2x128xi32, #tpu.memory_space<vmem>>, vector<1x1x16xi32>,
      %get3A_375 = vector.shape_cast %get3A_374 : vector<1x1x16xi32> to vector<16xi32>
      %min3A_376 = arith.minsi %min3A_368, %get3A_375 : vector<16xi32>
      %get3A_377 = arith.constant 1 : i32
      %get3A_378 = arith.constant 0 : i32
      %get3A_379 = arith.index_cast %get3A_377 : i32 to index
      %get3A_380 = arith.index_cast %get3A_378 : i32 to index
      %get3A_381 = arith.constant 64 : index
      %get3A_382 = tpu.vector_load %arg5[%get3A_379, %get3A_380, %get3A_381] {strides = array<i32>} : memref<2x2x128xi32, #tpu.memory_space<vmem>>, vector<1x1x16xi32>,
      %get3A_383 = vector.shape_cast %get3A_382 : vector<1x1x16xi32> to vector<16xi32>
      %min3A_384 = arith.minsi %min3A_376, %get3A_383 : vector<16xi32>
      %get3A_385 = arith.constant 1 : i32
      %get3A_386 = arith.constant 0 : i32
      %get3A_387 = arith.index_cast %get3A_385 : i32 to index
      %get3A_388 = arith.index_cast %get3A_386 : i32 to index
      %get3A_389 = arith.constant 80 : index
      %get3A_390 = tpu.vector_load %arg5[%get3A_387, %get3A_388, %get3A_389] {strides = array<i32>} : memref<2x2x128xi32, #tpu.memory_space<vmem>>, vector<1x1x16xi32>,
      %get3A_391 = vector.shape_cast %get3A_390 : vector<1x1x16xi32> to vector<16xi32>
      %min3A_392 = arith.minsi %min3A_384, %get3A_391 : vector<16xi32>
      %get3A_393 = arith.constant 1 : i32
      %get3A_394 = arith.constant 0 : i32
      %get3A_395 = arith.index_cast %get3A_393 : i32 to index
      %get3A_396 = arith.index_cast %get3A_394 : i32 to index
      %get3A_397 = arith.constant 96 : index
      %get3A_398 = tpu.vector_load %arg5[%get3A_395, %get3A_396, %get3A_397] {strides = array<i32>} : memref<2x2x128xi32, #tpu.memory_space<vmem>>, vector<1x1x16xi32>,
      %get3A_399 = vector.shape_cast %get3A_398 : vector<1x1x16xi32> to vector<16xi32>
      %min3A_400 = arith.minsi %min3A_392, %get3A_399 : vector<16xi32>
      %get3A_401 = arith.constant 1 : i32
      %get3A_402 = arith.constant 0 : i32
      %get3A_403 = arith.index_cast %get3A_401 : i32 to index
      %get3A_404 = arith.index_cast %get3A_402 : i32 to index
      %get3A_405 = arith.constant 112 : index
      %get3A_406 = tpu.vector_load %arg5[%get3A_403, %get3A_404, %get3A_405] {strides = array<i32>} : memref<2x2x128xi32, #tpu.memory_space<vmem>>, vector<1x1x16xi32>,
      %get3A_407 = vector.shape_cast %get3A_406 : vector<1x1x16xi32> to vector<16xi32>
      %min3A_408 = arith.minsi %min3A_400, %get3A_407 : vector<16xi32>
      %get3A_409 = arith.constant 1 : i32
      %get3A_410 = arith.constant 1 : i32
      %get3A_411 = arith.index_cast %get3A_409 : i32 to index
      %get3A_412 = arith.index_cast %get3A_410 : i32 to index
      %get3A_413 = arith.constant 0 : index
      %get3A_414 = tpu.vector_load %arg5[%get3A_411, %get3A_412, %get3A_413] {strides = array<i32>} : memref<2x2x128xi32, #tpu.memory_space<vmem>>, vector<1x1x16xi32>,
      %get3A_415 = vector.shape_cast %get3A_414 : vector<1x1x16xi32> to vector<16xi32>
      %min3A_416 = arith.minsi %min3A_408, %get3A_415 : vector<16xi32>
      %get3A_417 = arith.constant 1 : i32
      %get3A_418 = arith.constant 1 : i32
      %get3A_419 = arith.index_cast %get3A_417 : i32 to index
      %get3A_420 = arith.index_cast %get3A_418 : i32 to index
      %get3A_421 = arith.constant 16 : index
      %get3A_422 = tpu.vector_load %arg5[%get3A_419, %get3A_420, %get3A_421] {strides = array<i32>} : memref<2x2x128xi32, #tpu.memory_space<vmem>>, vector<1x1x16xi32>,
      %get3A_423 = vector.shape_cast %get3A_422 : vector<1x1x16xi32> to vector<16xi32>
      %min3A_424 = arith.minsi %min3A_416, %get3A_423 : vector<16xi32>
      %get3A_425 = arith.constant 1 : i32
      %get3A_426 = arith.constant 1 : i32
      %get3A_427 = arith.index_cast %get3A_425 : i32 to index
      %get3A_428 = arith.index_cast %get3A_426 : i32 to index
      %get3A_429 = arith.constant 32 : index
      %get3A_430 = tpu.vector_load %arg5[%get3A_427, %get3A_428, %get3A_429] {strides = array<i32>} : memref<2x2x128xi32, #tpu.memory_space<vmem>>, vector<1x1x16xi32>,
      %get3A_431 = vector.shape_cast %get3A_430 : vector<1x1x16xi32> to vector<16xi32>
      %min3A_432 = arith.minsi %min3A_424, %get3A_431 : vector<16xi32>
      %get3A_433 = arith.constant 1 : i32
      %get3A_434 = arith.constant 1 : i32
      %get3A_435 = arith.index_cast %get3A_433 : i32 to index
      %get3A_436 = arith.index_cast %get3A_434 : i32 to index
      %get3A_437 = arith.constant 48 : index
      %get3A_438 = tpu.vector_load %arg5[%get3A_435, %get3A_436, %get3A_437] {strides = array<i32>} : memref<2x2x128xi32, #tpu.memory_space<vmem>>, vector<1x1x16xi32>,
      %get3A_439 = vector.shape_cast %get3A_438 : vector<1x1x16xi32> to vector<16xi32>
      %min3A_440 = arith.minsi %min3A_432, %get3A_439 : vector<16xi32>
      %get3A_441 = arith.constant 1 : i32
      %get3A_442 = arith.constant 1 : i32
      %get3A_443 = arith.index_cast %get3A_441 : i32 to index
      %get3A_444 = arith.index_cast %get3A_442 : i32 to index
      %get3A_445 = arith.constant 64 : index
      %get3A_446 = tpu.vector_load %arg5[%get3A_443, %get3A_444, %get3A_445] {strides = array<i32>} : memref<2x2x128xi32, #tpu.memory_space<vmem>>, vector<1x1x16xi32>,
      %get3A_447 = vector.shape_cast %get3A_446 : vector<1x1x16xi32> to vector<16xi32>
      %min3A_448 = arith.minsi %min3A_440, %get3A_447 : vector<16xi32>
      %get3A_449 = arith.constant 1 : i32
      %get3A_450 = arith.constant 1 : i32
      %get3A_451 = arith.index_cast %get3A_449 : i32 to index
      %get3A_452 = arith.index_cast %get3A_450 : i32 to index
      %get3A_453 = arith.constant 80 : index
      %get3A_454 = tpu.vector_load %arg5[%get3A_451, %get3A_452, %get3A_453] {strides = array<i32>} : memref<2x2x128xi32, #tpu.memory_space<vmem>>, vector<1x1x16xi32>,
      %get3A_455 = vector.shape_cast %get3A_454 : vector<1x1x16xi32> to vector<16xi32>
      %min3A_456 = arith.minsi %min3A_448, %get3A_455 : vector<16xi32>
      %get3A_457 = arith.constant 1 : i32
      %get3A_458 = arith.constant 1 : i32
      %get3A_459 = arith.index_cast %get3A_457 : i32 to index
      %get3A_460 = arith.index_cast %get3A_458 : i32 to index
      %get3A_461 = arith.constant 96 : index
      %get3A_462 = tpu.vector_load %arg5[%get3A_459, %get3A_460, %get3A_461] {strides = array<i32>} : memref<2x2x128xi32, #tpu.memory_space<vmem>>, vector<1x1x16xi32>,
      %get3A_463 = vector.shape_cast %get3A_462 : vector<1x1x16xi32> to vector<16xi32>
      %min3A_464 = arith.minsi %min3A_456, %get3A_463 : vector<16xi32>
      %get3A_465 = arith.constant 1 : i32
      %get3A_466 = arith.constant 1 : i32
      %get3A_467 = arith.index_cast %get3A_465 : i32 to index
      %get3A_468 = arith.index_cast %get3A_466 : i32 to index
      %get3A_469 = arith.constant 112 : index
      %get3A_470 = tpu.vector_load %arg5[%get3A_467, %get3A_468, %get3A_469] {strides = array<i32>} : memref<2x2x128xi32, #tpu.memory_space<vmem>>, vector<1x1x16xi32>,
      %get3A_471 = vector.shape_cast %get3A_470 : vector<1x1x16xi32> to vector<16xi32>
      %min3A_472 = arith.minsi %min3A_464, %get3A_471 : vector<16xi32>
      %slice3A_473 = vector.extract_strided_slice %min3A_472 {offsets = [0], sizes = [1], strides = [1]} : vector<16xi32> to vector<1xi32>
      %squeeze3A_474 = vector.extract %slice3A_473[0] : i32 from vector<1xi32>
      %slice3A_475 = vector.extract_strided_slice %min3A_472 {offsets = [1], sizes = [1], strides = [1]} : vector<16xi32> to vector<1xi32>
      %squeeze3A_476 = vector.extract %slice3A_475[0] : i32 from vector<1xi32>
      %min3A_477 = arith.minsi %squeeze3A_474, %squeeze3A_476 : i32
      %slice3A_478 = vector.extract_strided_slice %min3A_472 {offsets = [2], sizes = [1], strides = [1]} : vector<16xi32> to vector<1xi32>
      %squeeze3A_479 = vector.extract %slice3A_478[0] : i32 from vector<1xi32>
      %min3A_480 = arith.minsi %min3A_477, %squeeze3A_479 : i32
      %slice3A_481 = vector.extract_strided_slice %min3A_472 {offsets = [3], sizes = [1], strides = [1]} : vector<16xi32> to vector<1xi32>
      %squeeze3A_482 = vector.extract %slice3A_481[0] : i32 from vector<1xi32>
      %min3A_483 = arith.minsi %min3A_480, %squeeze3A_482 : i32
      %slice3A_484 = vector.extract_strided_slice %min3A_472 {offsets = [4], sizes = [1], strides = [1]} : vector<16xi32> to vector<1xi32>
      %squeeze3A_485 = vector.extract %slice3A_484[0] : i32 from vector<1xi32>
      %min3A_486 = arith.minsi %min3A_483, %squeeze3A_485 : i32
      %slice3A_487 = vector.extract_strided_slice %min3A_472 {offsets = [5], sizes = [1], strides = [1]} : vector<16xi32> to vector<1xi32>
      %squeeze3A_488 = vector.extract %slice3A_487[0] : i32 from vector<1xi32>
      %min3A_489 = arith.minsi %min3A_486, %squeeze3A_488 : i32
      %slice3A_490 = vector.extract_strided_slice %min3A_472 {offsets = [6], sizes = [1], strides = [1]} : vector<16xi32> to vector<1xi32>
      %squeeze3A_491 = vector.extract %slice3A_490[0] : i32 from vector<1xi32>
      %min3A_492 = arith.minsi %min3A_489, %squeeze3A_491 : i32
      %slice3A_493 = vector.extract_strided_slice %min3A_472 {offsets = [7], sizes = [1], strides = [1]} : vector<16xi32> to vector<1xi32>
      %squeeze3A_494 = vector.extract %slice3A_493[0] : i32 from vector<1xi32>
      %min3A_495 = arith.minsi %min3A_492, %squeeze3A_494 : i32
      %slice3A_496 = vector.extract_strided_slice %min3A_472 {offsets = [8], sizes = [1], strides = [1]} : vector<16xi32> to vector<1xi32>
      %squeeze3A_497 = vector.extract %slice3A_496[0] : i32 from vector<1xi32>
      %min3A_498 = arith.minsi %min3A_495, %squeeze3A_497 : i32
      %slice3A_499 = vector.extract_strided_slice %min3A_472 {offsets = [9], sizes = [1], strides = [1]} : vector<16xi32> to vector<1xi32>
      %squeeze3A_500 = vector.extract %slice3A_499[0] : i32 from vector<1xi32>
      %min3A_501 = arith.minsi %min3A_498, %squeeze3A_500 : i32
      %slice3A_502 = vector.extract_strided_slice %min3A_472 {offsets = [10], sizes = [1], strides = [1]} : vector<16xi32> to vector<1xi32>
      %squeeze3A_503 = vector.extract %slice3A_502[0] : i32 from vector<1xi32>
      %min3A_504 = arith.minsi %min3A_501, %squeeze3A_503 : i32
      %slice3A_505 = vector.extract_strided_slice %min3A_472 {offsets = [11], sizes = [1], strides = [1]} : vector<16xi32> to vector<1xi32>
      %squeeze3A_506 = vector.extract %slice3A_505[0] : i32 from vector<1xi32>
      %min3A_507 = arith.minsi %min3A_504, %squeeze3A_506 : i32
      %slice3A_508 = vector.extract_strided_slice %min3A_472 {offsets = [12], sizes = [1], strides = [1]} : vector<16xi32> to vector<1xi32>
      %squeeze3A_509 = vector.extract %slice3A_508[0] : i32 from vector<1xi32>
      %min3A_510 = arith.minsi %min3A_507, %squeeze3A_509 : i32
      %slice3A_511 = vector.extract_strided_slice %min3A_472 {offsets = [13], sizes = [1], strides = [1]} : vector<16xi32> to vector<1xi32>
      %squeeze3A_512 = vector.extract %slice3A_511[0] : i32 from vector<1xi32>
      %min3A_513 = arith.minsi %min3A_510, %squeeze3A_512 : i32
      %slice3A_514 = vector.extract_strided_slice %min3A_472 {offsets = [14], sizes = [1], strides = [1]} : vector<16xi32> to vector<1xi32>
      %squeeze3A_515 = vector.extract %slice3A_514[0] : i32 from vector<1xi32>
      %min3A_516 = arith.minsi %min3A_513, %squeeze3A_515 : i32
      %slice3A_517 = vector.extract_strided_slice %min3A_472 {offsets = [15], sizes = [1], strides = [1]} : vector<16xi32> to vector<1xi32>
      %squeeze3A_518 = vector.extract %slice3A_517[0] : i32 from vector<1xi32>
      %min3A_519 = arith.minsi %min3A_516, %squeeze3A_518 : i32
      %eq3A_520 = arith.constant 0 : i32
      %eq3A_521 = arith.cmpi eq, %min3A_519, %eq3A_520 : i32
      %convert_element_type3A_522 = arith.extui %eq3A_521 : i1 to i32
      %cond3A_523 = arith.constant 0 : i32
      %cond3A_524 = arith.cmpi ne, %convert_element_type3A_522, %cond3A_523 : i32
      scf.if %cond3A_524 {
        %scan3A_542 = arith.constant 0 : i32
        %scan3A_543 = arith.constant 0 : i32
        %scan3A_544 = arith.constant 16 : i32
        %scan3A_545 = arith.addi %scan3A_543, %scan3A_544 : i32
        %scan3A_546 = arith.constant 1 : i32
        %scan3A_547 = scf.for %scan3A_549 = %scan3A_543 to %scan3A_545 step %scan3A_546 iter_args(%scan3A_550 = %scan3A_542) -> (i32)  : i32 {
          %jit3A = arith.constant 8 : i32
          %div3A = arith.divsi %scan3A_549, %jit3A : i32
          %sign3A = arith.constant 0 : i32
          %sign3A_551 = arith.cmpi sgt, %scan3A_549, %sign3A : i32
          %sign3A_552 = arith.extui %sign3A_551 : i1 to i32
          %sign3A_553 = arith.constant 0 : i32
          %sign3A_554 = arith.cmpi slt, %scan3A_549, %sign3A_553 : i32
          %sign3A_555 = arith.extui %sign3A_554 : i1 to i32
          %sign3A_556 = arith.subi %sign3A_552, %sign3A_555 : i32
          %sign3A_557 = arith.constant 0 : i32
          %sign3A_558 = arith.cmpi sgt, %jit3A, %sign3A_557 : i32
          %sign3A_559 = arith.extui %sign3A_558 : i1 to i32
          %sign3A_560 = arith.constant 0 : i32
          %sign3A_561 = arith.cmpi slt, %jit3A, %sign3A_560 : i32
          %sign3A_562 = arith.extui %sign3A_561 : i1 to i32
          %sign3A_563 = arith.subi %sign3A_559, %sign3A_562 : i32
          %ne3A = arith.cmpi ne, %sign3A_556, %sign3A_563 : i32
          %rem3A = arith.remsi %scan3A_549, %jit3A : i32
          %ne3A_564 = arith.constant 0 : i32
          %ne3A_565 = arith.cmpi ne, %rem3A, %ne3A_564 : i32
          %and3A = arith.andi %ne3A, %ne3A_565 : i1
          %sub3A = arith.constant 1 : i32
          %sub3A_566 = arith.subi %div3A, %sub3A : i32
          %select_n3A = arith.select %and3A, %sub3A_566, %div3A : i32
          %jit3A_567 = arith.constant 8 : i32
          %eq3A_568 = arith.constant 0 : i32
          %eq3A_569 = arith.cmpi eq, %jit3A_567, %eq3A_568 : i32
          %jit3A_570 = arith.constant 1 : i32
          %select_n3A_571 = arith.select %eq3A_569, %jit3A_570, %jit3A_567 : i32
          %rem3A_572 = arith.remsi %scan3A_549, %select_n3A_571 : i32
          %ne3A_573 = arith.constant 0 : i32
          %ne3A_574 = arith.cmpi ne, %rem3A_572, %ne3A_573 : i32
          %lt3A_575 = arith.constant 0 : i32
          %lt3A_576 = arith.cmpi slt, %rem3A_572, %lt3A_575 : i32
          %lt3A_577 = arith.constant 0 : i32
          %lt3A_578 = arith.cmpi slt, %select_n3A_571, %lt3A_577 : i32
          %ne3A_579 = arith.xori %lt3A_576, %lt3A_578 : i1
          %and3A_580 = arith.andi %ne3A_579, %ne3A_574 : i1
          %add3A_581 = arith.addi %rem3A_572, %select_n3A_571 : i32
          %select_n3A_582 = arith.select %and3A_580, %add3A_581, %rem3A_572 : i32
          %mul3A_583 = arith.constant 16 : i32
          %mul3A_584 = arith.muli %select_n3A_582, %mul3A_583 : i32
          %get3A_585 = arith.constant 1 : i32
          %get3A_586 = arith.index_cast %get3A_585 : i32 to index
          %get3A_587 = arith.index_cast %select_n3A : i32 to index
          %get3A_588 = arith.index_cast %mul3A_584 : i32 to index
          %get3A_589 = tpu.vector_load %arg5[%get3A_586, %get3A_587, %get3A_588] {strides = array<i32>} : memref<2x2x128xi32, #tpu.memory_space<vmem>>, vector<1x1x16xi32>,
          %get3A_590 = vector.shape_cast %get3A_589 : vector<1x1x16xi32> to vector<16xi32>
          %slice3A_591 = vector.extract_strided_slice %get3A_590 {offsets = [0], sizes = [1], strides = [1]} : vector<16xi32> to vector<1xi32>
          %squeeze3A_592 = vector.extract %slice3A_591[0] : i32 from vector<1xi32>
          %eq3A_593 = arith.constant 0 : i32
          %eq3A_594 = arith.cmpi eq, %squeeze3A_592, %eq3A_593 : i32
          %convert_element_type3A_595 = arith.extui %eq3A_594 : i1 to i32
          %cond3A_596 = arith.constant 0 : i32
          %cond3A_597 = arith.cmpi ne, %convert_element_type3A_595, %cond3A_596 : i32
          scf.if %cond3A_597 {
            %mul3A_704 = arith.constant 16 : i32
            %mul3A_705 = arith.muli %scan3A_549, %mul3A_704 : i32
            %add3A_706 = arith.constant 0 : i32
            %add3A_707 = arith.addi %mul3A_705, %add3A_706 : i32
            %swap3A = arith.constant 1 : i32
            %swap3A_708 = arith.index_cast %swap3A : i32 to index
            %swap3A_709 = arith.index_cast %add3A_707 : i32 to index
            %swap3A_710 = arith.constant 0 : index
            %swap3A_711 = tpu.vector_load %arg6[%swap3A_708, %swap3A_709, %swap3A_710] {strides = array<i32>} : memref<2x256x128xf32, #tpu.memory_space<vmem>>, vector<1x1x16xf32>,
            %swap3A_712 = vector.shape_cast %swap3A_711 : vector<1x1x16xf32> to vector<16xf32>
            %swap3A_713 = vector.shape_cast %broadcast_in_dim3A_345 : vector<16xf32> to vector<1x1x16xf32>
            tpu.vector_store %arg6[%swap3A_708, %swap3A_709, %swap3A_710], %swap3A_713 {strides = array<i32>} : memref<2x256x128xf32, #tpu.memory_space<vmem>>, vector<1x1x16xf32>,
            %mul3A_714 = arith.constant 16 : i32
            %mul3A_715 = arith.muli %scan3A_549, %mul3A_714 : i32
            %add3A_716 = arith.constant 0 : i32
            %add3A_717 = arith.addi %mul3A_715, %add3A_716 : i32
            %swap3A_718 = arith.constant 1 : i32
            %swap3A_719 = arith.index_cast %swap3A_718 : i32 to index
            %swap3A_720 = arith.index_cast %add3A_717 : i32 to index
            %swap3A_721 = arith.constant 16 : index
            %swap3A_722 = tpu.vector_load %arg6[%swap3A_719, %swap3A_720, %swap3A_721] {strides = array<i32>} : memref<2x256x128xf32, #tpu.memory_space<vmem>>, vector<1x1x16xf32>,
            %swap3A_723 = vector.shape_cast %swap3A_722 : vector<1x1x16xf32> to vector<16xf32>
            %swap3A_724 = vector.shape_cast %broadcast_in_dim3A_345 : vector<16xf32> to vector<1x1x16xf32>
            tpu.vector_store %arg6[%swap3A_719, %swap3A_720, %swap3A_721], %swap3A_724 {strides = array<i32>} : memref<2x256x128xf32, #tpu.memory_space<vmem>>, vector<1x1x16xf32>,
            %mul3A_725 = arith.constant 16 : i32
            %mul3A_726 = arith.muli %scan3A_549, %mul3A_725 : i32
            %add3A_727 = arith.constant 0 : i32
            %add3A_728 = arith.addi %mul3A_726, %add3A_727 : i32
            %swap3A_729 = arith.constant 1 : i32
            %swap3A_730 = arith.index_cast %swap3A_729 : i32 to index
            %swap3A_731 = arith.index_cast %add3A_728 : i32 to index
            %swap3A_732 = arith.constant 32 : index
            %swap3A_733 = tpu.vector_load %arg6[%swap3A_730, %swap3A_731, %swap3A_732] {strides = array<i32>} : memref<2x256x128xf32, #tpu.memory_space<vmem>>, vector<1x1x16xf32>,
            %swap3A_734 = vector.shape_cast %swap3A_733 : vector<1x1x16xf32> to vector<16xf32>
            %swap3A_735 = vector.shape_cast %broadcast_in_dim3A_345 : vector<16xf32> to vector<1x1x16xf32>
            tpu.vector_store %arg6[%swap3A_730, %swap3A_731, %swap3A_732], %swap3A_735 {strides = array<i32>} : memref<2x256x128xf32, #tpu.memory_space<vmem>>, vector<1x1x16xf32>,
            %mul3A_736 = arith.constant 16 : i32
            %mul3A_737 = arith.muli %scan3A_549, %mul3A_736 : i32
            %add3A_738 = arith.constant 0 : i32
            %add3A_739 = arith.addi %mul3A_737, %add3A_738 : i32
            %swap3A_740 = arith.constant 1 : i32
            %swap3A_741 = arith.index_cast %swap3A_740 : i32 to index
            %swap3A_742 = arith.index_cast %add3A_739 : i32 to index
            %swap3A_743 = arith.constant 48 : index
            %swap3A_744 = tpu.vector_load %arg6[%swap3A_741, %swap3A_742, %swap3A_743] {strides = array<i32>} : memref<2x256x128xf32, #tpu.memory_space<vmem>>, vector<1x1x16xf32>,
            %swap3A_745 = vector.shape_cast %swap3A_744 : vector<1x1x16xf32> to vector<16xf32>
            %swap3A_746 = vector.shape_cast %broadcast_in_dim3A_345 : vector<16xf32> to vector<1x1x16xf32>
            tpu.vector_store %arg6[%swap3A_741, %swap3A_742, %swap3A_743], %swap3A_746 {strides = array<i32>} : memref<2x256x128xf32, #tpu.memory_space<vmem>>, vector<1x1x16xf32>,
            %mul3A_747 = arith.constant 16 : i32
            %mul3A_748 = arith.muli %scan3A_549, %mul3A_747 : i32
            %add3A_749 = arith.constant 0 : i32
            %add3A_750 = arith.addi %mul3A_748, %add3A_749 : i32
            %swap3A_751 = arith.constant 1 : i32
            %swap3A_752 = arith.index_cast %swap3A_751 : i32 to index
            %swap3A_753 = arith.index_cast %add3A_750 : i32 to index
            %swap3A_754 = arith.constant 64 : index
            %swap3A_755 = tpu.vector_load %arg6[%swap3A_752, %swap3A_753, %swap3A_754] {strides = array<i32>} : memref<2x256x128xf32, #tpu.memory_space<vmem>>, vector<1x1x16xf32>,
            %swap3A_756 = vector.shape_cast %swap3A_755 : vector<1x1x16xf32> to vector<16xf32>
            %swap3A_757 = vector.shape_cast %broadcast_in_dim3A_345 : vector<16xf32> to vector<1x1x16xf32>
            tpu.vector_store %arg6[%swap3A_752, %swap3A_753, %swap3A_754], %swap3A_757 {strides = array<i32>} : memref<2x256x128xf32, #tpu.memory_space<vmem>>, vector<1x1x16xf32>,
            %mul3A_758 = arith.constant 16 : i32
            %mul3A_759 = arith.muli %scan3A_549, %mul3A_758 : i32
            %add3A_760 = arith.constant 0 : i32
            %add3A_761 = arith.addi %mul3A_759, %add3A_760 : i32
            %swap3A_762 = arith.constant 1 : i32
            %swap3A_763 = arith.index_cast %swap3A_762 : i32 to index
            %swap3A_764 = arith.index_cast %add3A_761 : i32 to index
            %swap3A_765 = arith.constant 80 : index
            %swap3A_766 = tpu.vector_load %arg6[%swap3A_763, %swap3A_764, %swap3A_765] {strides = array<i32>} : memref<2x256x128xf32, #tpu.memory_space<vmem>>, vector<1x1x16xf32>,
            %swap3A_767 = vector.shape_cast %swap3A_766 : vector<1x1x16xf32> to vector<16xf32>
            %swap3A_768 = vector.shape_cast %broadcast_in_dim3A_345 : vector<16xf32> to vector<1x1x16xf32>
            tpu.vector_store %arg6[%swap3A_763, %swap3A_764, %swap3A_765], %swap3A_768 {strides = array<i32>} : memref<2x256x128xf32, #tpu.memory_space<vmem>>, vector<1x1x16xf32>,
            %mul3A_769 = arith.constant 16 : i32
            %mul3A_770 = arith.muli %scan3A_549, %mul3A_769 : i32
            %add3A_771 = arith.constant 0 : i32
            %add3A_772 = arith.addi %mul3A_770, %add3A_771 : i32
            %swap3A_773 = arith.constant 1 : i32
            %swap3A_774 = arith.index_cast %swap3A_773 : i32 to index
            %swap3A_775 = arith.index_cast %add3A_772 : i32 to index
            %swap3A_776 = arith.constant 96 : index
            %swap3A_777 = tpu.vector_load %arg6[%swap3A_774, %swap3A_775, %swap3A_776] {strides = array<i32>} : memref<2x256x128xf32, #tpu.memory_space<vmem>>, vector<1x1x16xf32>,
            %swap3A_778 = vector.shape_cast %swap3A_777 : vector<1x1x16xf32> to vector<16xf32>
            %swap3A_779 = vector.shape_cast %broadcast_in_dim3A_345 : vector<16xf32> to vector<1x1x16xf32>
            tpu.vector_store %arg6[%swap3A_774, %swap3A_775, %swap3A_776], %swap3A_779 {strides = array<i32>} : memref<2x256x128xf32, #tpu.memory_space<vmem>>, vector<1x1x16xf32>,
            %mul3A_780 = arith.constant 16 : i32
            %mul3A_781 = arith.muli %scan3A_549, %mul3A_780 : i32
            %add3A_782 = arith.constant 0 : i32
            %add3A_783 = arith.addi %mul3A_781, %add3A_782 : i32
            %swap3A_784 = arith.constant 1 : i32
            %swap3A_785 = arith.index_cast %swap3A_784 : i32 to index
            %swap3A_786 = arith.index_cast %add3A_783 : i32 to index
            %swap3A_787 = arith.constant 112 : index
            %swap3A_788 = tpu.vector_load %arg6[%swap3A_785, %swap3A_786, %swap3A_787] {strides = array<i32>} : memref<2x256x128xf32, #tpu.memory_space<vmem>>, vector<1x1x16xf32>,
            %swap3A_789 = vector.shape_cast %swap3A_788 : vector<1x1x16xf32> to vector<16xf32>
            %swap3A_790 = vector.shape_cast %broadcast_in_dim3A_345 : vector<16xf32> to vector<1x1x16xf32>
            tpu.vector_store %arg6[%swap3A_785, %swap3A_786, %swap3A_787], %swap3A_790 {strides = array<i32>} : memref<2x256x128xf32, #tpu.memory_space<vmem>>, vector<1x1x16xf32>,
          } else {
          }
          %slice3A_598 = vector.extract_strided_slice %get3A_590 {offsets = [1], sizes = [1], strides = [1]} : vector<16xi32> to vector<1xi32>
          %squeeze3A_599 = vector.extract %slice3A_598[0] : i32 from vector<1xi32>
          %eq3A_600 = arith.constant 0 : i32
          %eq3A_601 = arith.cmpi eq, %squeeze3A_599, %eq3A_600 : i32
          %convert_element_type3A_602 = arith.extui %eq3A_601 : i1 to i32
          %cond3A_603 = arith.constant 0 : i32
          %cond3A_604 = arith.cmpi ne, %convert_element_type3A_602, %cond3A_603 : i32
          scf.if %cond3A_604 {
            %mul3A_704 = arith.constant 16 : i32
            %mul3A_705 = arith.muli %scan3A_549, %mul3A_704 : i32
            %add3A_706 = arith.constant 1 : i32
            %add3A_707 = arith.addi %mul3A_705, %add3A_706 : i32
            %swap3A = arith.constant 1 : i32
            %swap3A_708 = arith.index_cast %swap3A : i32 to index
            %swap3A_709 = arith.index_cast %add3A_707 : i32 to index
            %swap3A_710 = arith.constant 0 : index
            %swap3A_711 = tpu.vector_load %arg6[%swap3A_708, %swap3A_709, %swap3A_710] {strides = array<i32>} : memref<2x256x128xf32, #tpu.memory_space<vmem>>, vector<1x1x16xf32>,
            %swap3A_712 = vector.shape_cast %swap3A_711 : vector<1x1x16xf32> to vector<16xf32>
            %swap3A_713 = vector.shape_cast %broadcast_in_dim3A_345 : vector<16xf32> to vector<1x1x16xf32>
            tpu.vector_store %arg6[%swap3A_708, %swap3A_709, %swap3A_710], %swap3A_713 {strides = array<i32>} : memref<2x256x128xf32, #tpu.memory_space<vmem>>, vector<1x1x16xf32>,
            %mul3A_714 = arith.constant 16 : i32
            %mul3A_715 = arith.muli %scan3A_549, %mul3A_714 : i32
            %add3A_716 = arith.constant 1 : i32
            %add3A_717 = arith.addi %mul3A_715, %add3A_716 : i32
            %swap3A_718 = arith.constant 1 : i32
            %swap3A_719 = arith.index_cast %swap3A_718 : i32 to index
            %swap3A_720 = arith.index_cast %add3A_717 : i32 to index
            %swap3A_721 = arith.constant 16 : index
            %swap3A_722 = tpu.vector_load %arg6[%swap3A_719, %swap3A_720, %swap3A_721] {strides = array<i32>} : memref<2x256x128xf32, #tpu.memory_space<vmem>>, vector<1x1x16xf32>,
            %swap3A_723 = vector.shape_cast %swap3A_722 : vector<1x1x16xf32> to vector<16xf32>
            %swap3A_724 = vector.shape_cast %broadcast_in_dim3A_345 : vector<16xf32> to vector<1x1x16xf32>
            tpu.vector_store %arg6[%swap3A_719, %swap3A_720, %swap3A_721], %swap3A_724 {strides = array<i32>} : memref<2x256x128xf32, #tpu.memory_space<vmem>>, vector<1x1x16xf32>,
            %mul3A_725 = arith.constant 16 : i32
            %mul3A_726 = arith.muli %scan3A_549, %mul3A_725 : i32
            %add3A_727 = arith.constant 1 : i32
            %add3A_728 = arith.addi %mul3A_726, %add3A_727 : i32
            %swap3A_729 = arith.constant 1 : i32
            %swap3A_730 = arith.index_cast %swap3A_729 : i32 to index
            %swap3A_731 = arith.index_cast %add3A_728 : i32 to index
            %swap3A_732 = arith.constant 32 : index
            %swap3A_733 = tpu.vector_load %arg6[%swap3A_730, %swap3A_731, %swap3A_732] {strides = array<i32>} : memref<2x256x128xf32, #tpu.memory_space<vmem>>, vector<1x1x16xf32>,
            %swap3A_734 = vector.shape_cast %swap3A_733 : vector<1x1x16xf32> to vector<16xf32>
            %swap3A_735 = vector.shape_cast %broadcast_in_dim3A_345 : vector<16xf32> to vector<1x1x16xf32>
            tpu.vector_store %arg6[%swap3A_730, %swap3A_731, %swap3A_732], %swap3A_735 {strides = array<i32>} : memref<2x256x128xf32, #tpu.memory_space<vmem>>, vector<1x1x16xf32>,
            %mul3A_736 = arith.constant 16 : i32
            %mul3A_737 = arith.muli %scan3A_549, %mul3A_736 : i32
            %add3A_738 = arith.constant 1 : i32
            %add3A_739 = arith.addi %mul3A_737, %add3A_738 : i32
            %swap3A_740 = arith.constant 1 : i32
            %swap3A_741 = arith.index_cast %swap3A_740 : i32 to index
            %swap3A_742 = arith.index_cast %add3A_739 : i32 to index
            %swap3A_743 = arith.constant 48 : index
            %swap3A_744 = tpu.vector_load %arg6[%swap3A_741, %swap3A_742, %swap3A_743] {strides = array<i32>} : memref<2x256x128xf32, #tpu.memory_space<vmem>>, vector<1x1x16xf32>,
            %swap3A_745 = vector.shape_cast %swap3A_744 : vector<1x1x16xf32> to vector<16xf32>
            %swap3A_746 = vector.shape_cast %broadcast_in_dim3A_345 : vector<16xf32> to vector<1x1x16xf32>
            tpu.vector_store %arg6[%swap3A_741, %swap3A_742, %swap3A_743], %swap3A_746 {strides = array<i32>} : memref<2x256x128xf32, #tpu.memory_space<vmem>>, vector<1x1x16xf32>,
            %mul3A_747 = arith.constant 16 : i32
            %mul3A_748 = arith.muli %scan3A_549, %mul3A_747 : i32
            %add3A_749 = arith.constant 1 : i32
            %add3A_750 = arith.addi %mul3A_748, %add3A_749 : i32
            %swap3A_751 = arith.constant 1 : i32
            %swap3A_752 = arith.index_cast %swap3A_751 : i32 to index
            %swap3A_753 = arith.index_cast %add3A_750 : i32 to index
            %swap3A_754 = arith.constant 64 : index
            %swap3A_755 = tpu.vector_load %arg6[%swap3A_752, %swap3A_753, %swap3A_754] {strides = array<i32>} : memref<2x256x128xf32, #tpu.memory_space<vmem>>, vector<1x1x16xf32>,
            %swap3A_756 = vector.shape_cast %swap3A_755 : vector<1x1x16xf32> to vector<16xf32>
            %swap3A_757 = vector.shape_cast %broadcast_in_dim3A_345 : vector<16xf32> to vector<1x1x16xf32>
            tpu.vector_store %arg6[%swap3A_752, %swap3A_753, %swap3A_754], %swap3A_757 {strides = array<i32>} : memref<2x256x128xf32, #tpu.memory_space<vmem>>, vector<1x1x16xf32>,
            %mul3A_758 = arith.constant 16 : i32
            %mul3A_759 = arith.muli %scan3A_549, %mul3A_758 : i32
            %add3A_760 = arith.constant 1 : i32
            %add3A_761 = arith.addi %mul3A_759, %add3A_760 : i32
            %swap3A_762 = arith.constant 1 : i32
            %swap3A_763 = arith.index_cast %swap3A_762 : i32 to index
            %swap3A_764 = arith.index_cast %add3A_761 : i32 to index
            %swap3A_765 = arith.constant 80 : index
            %swap3A_766 = tpu.vector_load %arg6[%swap3A_763, %swap3A_764, %swap3A_765] {strides = array<i32>} : memref<2x256x128xf32, #tpu.memory_space<vmem>>, vector<1x1x16xf32>,
            %swap3A_767 = vector.shape_cast %swap3A_766 : vector<1x1x16xf32> to vector<16xf32>
            %swap3A_768 = vector.shape_cast %broadcast_in_dim3A_345 : vector<16xf32> to vector<1x1x16xf32>
            tpu.vector_store %arg6[%swap3A_763, %swap3A_764, %swap3A_765], %swap3A_768 {strides = array<i32>} : memref<2x256x128xf32, #tpu.memory_space<vmem>>, vector<1x1x16xf32>,
            %mul3A_769 = arith.constant 16 : i32
            %mul3A_770 = arith.muli %scan3A_549, %mul3A_769 : i32
            %add3A_771 = arith.constant 1 : i32
            %add3A_772 = arith.addi %mul3A_770, %add3A_771 : i32
            %swap3A_773 = arith.constant 1 : i32
            %swap3A_774 = arith.index_cast %swap3A_773 : i32 to index
            %swap3A_775 = arith.index_cast %add3A_772 : i32 to index
            %swap3A_776 = arith.constant 96 : index
            %swap3A_777 = tpu.vector_load %arg6[%swap3A_774, %swap3A_775, %swap3A_776] {strides = array<i32>} : memref<2x256x128xf32, #tpu.memory_space<vmem>>, vector<1x1x16xf32>,
            %swap3A_778 = vector.shape_cast %swap3A_777 : vector<1x1x16xf32> to vector<16xf32>
            %swap3A_779 = vector.shape_cast %broadcast_in_dim3A_345 : vector<16xf32> to vector<1x1x16xf32>
            tpu.vector_store %arg6[%swap3A_774, %swap3A_775, %swap3A_776], %swap3A_779 {strides = array<i32>} : memref<2x256x128xf32, #tpu.memory_space<vmem>>, vector<1x1x16xf32>,
            %mul3A_780 = arith.constant 16 : i32
            %mul3A_781 = arith.muli %scan3A_549, %mul3A_780 : i32
            %add3A_782 = arith.constant 1 : i32
            %add3A_783 = arith.addi %mul3A_781, %add3A_782 : i32
            %swap3A_784 = arith.constant 1 : i32
            %swap3A_785 = arith.index_cast %swap3A_784 : i32 to index
            %swap3A_786 = arith.index_cast %add3A_783 : i32 to index
            %swap3A_787 = arith.constant 112 : index
            %swap3A_788 = tpu.vector_load %arg6[%swap3A_785, %swap3A_786, %swap3A_787] {strides = array<i32>} : memref<2x256x128xf32, #tpu.memory_space<vmem>>, vector<1x1x16xf32>,
            %swap3A_789 = vector.shape_cast %swap3A_788 : vector<1x1x16xf32> to vector<16xf32>
            %swap3A_790 = vector.shape_cast %broadcast_in_dim3A_345 : vector<16xf32> to vector<1x1x16xf32>
            tpu.vector_store %arg6[%swap3A_785, %swap3A_786, %swap3A_787], %swap3A_790 {strides = array<i32>} : memref<2x256x128xf32, #tpu.memory_space<vmem>>, vector<1x1x16xf32>,
          } else {
          }
          %slice3A_605 = vector.extract_strided_slice %get3A_590 {offsets = [2], sizes = [1], strides = [1]} : vector<16xi32> to vector<1xi32>
          %squeeze3A_606 = vector.extract %slice3A_605[0] : i32 from vector<1xi32>
          %eq3A_607 = arith.constant 0 : i32
          %eq3A_608 = arith.cmpi eq, %squeeze3A_606, %eq3A_607 : i32
          %convert_element_type3A_609 = arith.extui %eq3A_608 : i1 to i32
          %cond3A_610 = arith.constant 0 : i32
          %cond3A_611 = arith.cmpi ne, %convert_element_type3A_609, %cond3A_610 : i32
          scf.if %cond3A_611 {
            %mul3A_704 = arith.constant 16 : i32
            %mul3A_705 = arith.muli %scan3A_549, %mul3A_704 : i32
            %add3A_706 = arith.constant 2 : i32
            %add3A_707 = arith.addi %mul3A_705, %add3A_706 : i32
            %swap3A = arith.constant 1 : i32
            %swap3A_708 = arith.index_cast %swap3A : i32 to index
            %swap3A_709 = arith.index_cast %add3A_707 : i32 to index
            %swap3A_710 = arith.constant 0 : index
            %swap3A_711 = tpu.vector_load %arg6[%swap3A_708, %swap3A_709, %swap3A_710] {strides = array<i32>} : memref<2x256x128xf32, #tpu.memory_space<vmem>>, vector<1x1x16xf32>,
            %swap3A_712 = vector.shape_cast %swap3A_711 : vector<1x1x16xf32> to vector<16xf32>
            %swap3A_713 = vector.shape_cast %broadcast_in_dim3A_345 : vector<16xf32> to vector<1x1x16xf32>
            tpu.vector_store %arg6[%swap3A_708, %swap3A_709, %swap3A_710], %swap3A_713 {strides = array<i32>} : memref<2x256x128xf32, #tpu.memory_space<vmem>>, vector<1x1x16xf32>,
            %mul3A_714 = arith.constant 16 : i32
            %mul3A_715 = arith.muli %scan3A_549, %mul3A_714 : i32
            %add3A_716 = arith.constant 2 : i32
            %add3A_717 = arith.addi %mul3A_715, %add3A_716 : i32
            %swap3A_718 = arith.constant 1 : i32
            %swap3A_719 = arith.index_cast %swap3A_718 : i32 to index
            %swap3A_720 = arith.index_cast %add3A_717 : i32 to index
            %swap3A_721 = arith.constant 16 : index
            %swap3A_722 = tpu.vector_load %arg6[%swap3A_719, %swap3A_720, %swap3A_721] {strides = array<i32>} : memref<2x256x128xf32, #tpu.memory_space<vmem>>, vector<1x1x16xf32>,
            %swap3A_723 = vector.shape_cast %swap3A_722 : vector<1x1x16xf32> to vector<16xf32>
            %swap3A_724 = vector.shape_cast %broadcast_in_dim3A_345 : vector<16xf32> to vector<1x1x16xf32>
            tpu.vector_store %arg6[%swap3A_719, %swap3A_720, %swap3A_721], %swap3A_724 {strides = array<i32>} : memref<2x256x128xf32, #tpu.memory_space<vmem>>, vector<1x1x16xf32>,
            %mul3A_725 = arith.constant 16 : i32
            %mul3A_726 = arith.muli %scan3A_549, %mul3A_725 : i32
            %add3A_727 = arith.constant 2 : i32
            %add3A_728 = arith.addi %mul3A_726, %add3A_727 : i32
            %swap3A_729 = arith.constant 1 : i32
            %swap3A_730 = arith.index_cast %swap3A_729 : i32 to index
            %swap3A_731 = arith.index_cast %add3A_728 : i32 to index
            %swap3A_732 = arith.constant 32 : index
            %swap3A_733 = tpu.vector_load %arg6[%swap3A_730, %swap3A_731, %swap3A_732] {strides = array<i32>} : memref<2x256x128xf32, #tpu.memory_space<vmem>>, vector<1x1x16xf32>,
            %swap3A_734 = vector.shape_cast %swap3A_733 : vector<1x1x16xf32> to vector<16xf32>
            %swap3A_735 = vector.shape_cast %broadcast_in_dim3A_345 : vector<16xf32> to vector<1x1x16xf32>
            tpu.vector_store %arg6[%swap3A_730, %swap3A_731, %swap3A_732], %swap3A_735 {strides = array<i32>} : memref<2x256x128xf32, #tpu.memory_space<vmem>>, vector<1x1x16xf32>,
            %mul3A_736 = arith.constant 16 : i32
            %mul3A_737 = arith.muli %scan3A_549, %mul3A_736 : i32
            %add3A_738 = arith.constant 2 : i32
            %add3A_739 = arith.addi %mul3A_737, %add3A_738 : i32
            %swap3A_740 = arith.constant 1 : i32
            %swap3A_741 = arith.index_cast %swap3A_740 : i32 to index
            %swap3A_742 = arith.index_cast %add3A_739 : i32 to index
            %swap3A_743 = arith.constant 48 : index
            %swap3A_744 = tpu.vector_load %arg6[%swap3A_741, %swap3A_742, %swap3A_743] {strides = array<i32>} : memref<2x256x128xf32, #tpu.memory_space<vmem>>, vector<1x1x16xf32>,
            %swap3A_745 = vector.shape_cast %swap3A_744 : vector<1x1x16xf32> to vector<16xf32>
            %swap3A_746 = vector.shape_cast %broadcast_in_dim3A_345 : vector<16xf32> to vector<1x1x16xf32>
            tpu.vector_store %arg6[%swap3A_741, %swap3A_742, %swap3A_743], %swap3A_746 {strides = array<i32>} : memref<2x256x128xf32, #tpu.memory_space<vmem>>, vector<1x1x16xf32>,
            %mul3A_747 = arith.constant 16 : i32
            %mul3A_748 = arith.muli %scan3A_549, %mul3A_747 : i32
            %add3A_749 = arith.constant 2 : i32
            %add3A_750 = arith.addi %mul3A_748, %add3A_749 : i32
            %swap3A_751 = arith.constant 1 : i32
            %swap3A_752 = arith.index_cast %swap3A_751 : i32 to index
            %swap3A_753 = arith.index_cast %add3A_750 : i32 to index
            %swap3A_754 = arith.constant 64 : index
            %swap3A_755 = tpu.vector_load %arg6[%swap3A_752, %swap3A_753, %swap3A_754] {strides = array<i32>} : memref<2x256x128xf32, #tpu.memory_space<vmem>>, vector<1x1x16xf32>,
            %swap3A_756 = vector.shape_cast %swap3A_755 : vector<1x1x16xf32> to vector<16xf32>
            %swap3A_757 = vector.shape_cast %broadcast_in_dim3A_345 : vector<16xf32> to vector<1x1x16xf32>
            tpu.vector_store %arg6[%swap3A_752, %swap3A_753, %swap3A_754], %swap3A_757 {strides = array<i32>} : memref<2x256x128xf32, #tpu.memory_space<vmem>>, vector<1x1x16xf32>,
            %mul3A_758 = arith.constant 16 : i32
            %mul3A_759 = arith.muli %scan3A_549, %mul3A_758 : i32
            %add3A_760 = arith.constant 2 : i32
            %add3A_761 = arith.addi %mul3A_759, %add3A_760 : i32
            %swap3A_762 = arith.constant 1 : i32
            %swap3A_763 = arith.index_cast %swap3A_762 : i32 to index
            %swap3A_764 = arith.index_cast %add3A_761 : i32 to index
            %swap3A_765 = arith.constant 80 : index
            %swap3A_766 = tpu.vector_load %arg6[%swap3A_763, %swap3A_764, %swap3A_765] {strides = array<i32>} : memref<2x256x128xf32, #tpu.memory_space<vmem>>, vector<1x1x16xf32>,
            %swap3A_767 = vector.shape_cast %swap3A_766 : vector<1x1x16xf32> to vector<16xf32>
            %swap3A_768 = vector.shape_cast %broadcast_in_dim3A_345 : vector<16xf32> to vector<1x1x16xf32>
            tpu.vector_store %arg6[%swap3A_763, %swap3A_764, %swap3A_765], %swap3A_768 {strides = array<i32>} : memref<2x256x128xf32, #tpu.memory_space<vmem>>, vector<1x1x16xf32>,
            %mul3A_769 = arith.constant 16 : i32
            %mul3A_770 = arith.muli %scan3A_549, %mul3A_769 : i32
            %add3A_771 = arith.constant 2 : i32
            %add3A_772 = arith.addi %mul3A_770, %add3A_771 : i32
            %swap3A_773 = arith.constant 1 : i32
            %swap3A_774 = arith.index_cast %swap3A_773 : i32 to index
            %swap3A_775 = arith.index_cast %add3A_772 : i32 to index
            %swap3A_776 = arith.constant 96 : index
            %swap3A_777 = tpu.vector_load %arg6[%swap3A_774, %swap3A_775, %swap3A_776] {strides = array<i32>} : memref<2x256x128xf32, #tpu.memory_space<vmem>>, vector<1x1x16xf32>,
            %swap3A_778 = vector.shape_cast %swap3A_777 : vector<1x1x16xf32> to vector<16xf32>
            %swap3A_779 = vector.shape_cast %broadcast_in_dim3A_345 : vector<16xf32> to vector<1x1x16xf32>
            tpu.vector_store %arg6[%swap3A_774, %swap3A_775, %swap3A_776], %swap3A_779 {strides = array<i32>} : memref<2x256x128xf32, #tpu.memory_space<vmem>>, vector<1x1x16xf32>,
            %mul3A_780 = arith.constant 16 : i32
            %mul3A_781 = arith.muli %scan3A_549, %mul3A_780 : i32
            %add3A_782 = arith.constant 2 : i32
            %add3A_783 = arith.addi %mul3A_781, %add3A_782 : i32
            %swap3A_784 = arith.constant 1 : i32
            %swap3A_785 = arith.index_cast %swap3A_784 : i32 to index
            %swap3A_786 = arith.index_cast %add3A_783 : i32 to index
            %swap3A_787 = arith.constant 112 : index
            %swap3A_788 = tpu.vector_load %arg6[%swap3A_785, %swap3A_786, %swap3A_787] {strides = array<i32>} : memref<2x256x128xf32, #tpu.memory_space<vmem>>, vector<1x1x16xf32>,
            %swap3A_789 = vector.shape_cast %swap3A_788 : vector<1x1x16xf32> to vector<16xf32>
            %swap3A_790 = vector.shape_cast %broadcast_in_dim3A_345 : vector<16xf32> to vector<1x1x16xf32>
            tpu.vector_store %arg6[%swap3A_785, %swap3A_786, %swap3A_787], %swap3A_790 {strides = array<i32>} : memref<2x256x128xf32, #tpu.memory_space<vmem>>, vector<1x1x16xf32>,
          } else {
          }
          %slice3A_612 = vector.extract_strided_slice %get3A_590 {offsets = [3], sizes = [1], strides = [1]} : vector<16xi32> to vector<1xi32>
          %squeeze3A_613 = vector.extract %slice3A_612[0] : i32 from vector<1xi32>
          %eq3A_614 = arith.constant 0 : i32
          %eq3A_615 = arith.cmpi eq, %squeeze3A_613, %eq3A_614 : i32
          %convert_element_type3A_616 = arith.extui %eq3A_615 : i1 to i32
          %cond3A_617 = arith.constant 0 : i32
          %cond3A_618 = arith.cmpi ne, %convert_element_type3A_616, %cond3A_617 : i32
          scf.if %cond3A_618 {
            %mul3A_704 = arith.constant 16 : i32
            %mul3A_705 = arith.muli %scan3A_549, %mul3A_704 : i32
            %add3A_706 = arith.constant 3 : i32
            %add3A_707 = arith.addi %mul3A_705, %add3A_706 : i32
            %swap3A = arith.constant 1 : i32
            %swap3A_708 = arith.index_cast %swap3A : i32 to index
            %swap3A_709 = arith.index_cast %add3A_707 : i32 to index
            %swap3A_710 = arith.constant 0 : index
            %swap3A_711 = tpu.vector_load %arg6[%swap3A_708, %swap3A_709, %swap3A_710] {strides = array<i32>} : memref<2x256x128xf32, #tpu.memory_space<vmem>>, vector<1x1x16xf32>,
            %swap3A_712 = vector.shape_cast %swap3A_711 : vector<1x1x16xf32> to vector<16xf32>
            %swap3A_713 = vector.shape_cast %broadcast_in_dim3A_345 : vector<16xf32> to vector<1x1x16xf32>
            tpu.vector_store %arg6[%swap3A_708, %swap3A_709, %swap3A_710], %swap3A_713 {strides = array<i32>} : memref<2x256x128xf32, #tpu.memory_space<vmem>>, vector<1x1x16xf32>,
            %mul3A_714 = arith.constant 16 : i32
            %mul3A_715 = arith.muli %scan3A_549, %mul3A_714 : i32
            %add3A_716 = arith.constant 3 : i32
            %add3A_717 = arith.addi %mul3A_715, %add3A_716 : i32
            %swap3A_718 = arith.constant 1 : i32
            %swap3A_719 = arith.index_cast %swap3A_718 : i32 to index
            %swap3A_720 = arith.index_cast %add3A_717 : i32 to index
            %swap3A_721 = arith.constant 16 : index
            %swap3A_722 = tpu.vector_load %arg6[%swap3A_719, %swap3A_720, %swap3A_721] {strides = array<i32>} : memref<2x256x128xf32, #tpu.memory_space<vmem>>, vector<1x1x16xf32>,
            %swap3A_723 = vector.shape_cast %swap3A_722 : vector<1x1x16xf32> to vector<16xf32>
            %swap3A_724 = vector.shape_cast %broadcast_in_dim3A_345 : vector<16xf32> to vector<1x1x16xf32>
            tpu.vector_store %arg6[%swap3A_719, %swap3A_720, %swap3A_721], %swap3A_724 {strides = array<i32>} : memref<2x256x128xf32, #tpu.memory_space<vmem>>, vector<1x1x16xf32>,
            %mul3A_725 = arith.constant 16 : i32
            %mul3A_726 = arith.muli %scan3A_549, %mul3A_725 : i32
            %add3A_727 = arith.constant 3 : i32
            %add3A_728 = arith.addi %mul3A_726, %add3A_727 : i32
            %swap3A_729 = arith.constant 1 : i32
            %swap3A_730 = arith.index_cast %swap3A_729 : i32 to index
            %swap3A_731 = arith.index_cast %add3A_728 : i32 to index
            %swap3A_732 = arith.constant 32 : index
            %swap3A_733 = tpu.vector_load %arg6[%swap3A_730, %swap3A_731, %swap3A_732] {strides = array<i32>} : memref<2x256x128xf32, #tpu.memory_space<vmem>>, vector<1x1x16xf32>,
            %swap3A_734 = vector.shape_cast %swap3A_733 : vector<1x1x16xf32> to vector<16xf32>
            %swap3A_735 = vector.shape_cast %broadcast_in_dim3A_345 : vector<16xf32> to vector<1x1x16xf32>
            tpu.vector_store %arg6[%swap3A_730, %swap3A_731, %swap3A_732], %swap3A_735 {strides = array<i32>} : memref<2x256x128xf32, #tpu.memory_space<vmem>>, vector<1x1x16xf32>,
            %mul3A_736 = arith.constant 16 : i32
            %mul3A_737 = arith.muli %scan3A_549, %mul3A_736 : i32
            %add3A_738 = arith.constant 3 : i32
            %add3A_739 = arith.addi %mul3A_737, %add3A_738 : i32
            %swap3A_740 = arith.constant 1 : i32
            %swap3A_741 = arith.index_cast %swap3A_740 : i32 to index
            %swap3A_742 = arith.index_cast %add3A_739 : i32 to index
            %swap3A_743 = arith.constant 48 : index
            %swap3A_744 = tpu.vector_load %arg6[%swap3A_741, %swap3A_742, %swap3A_743] {strides = array<i32>} : memref<2x256x128xf32, #tpu.memory_space<vmem>>, vector<1x1x16xf32>,
            %swap3A_745 = vector.shape_cast %swap3A_744 : vector<1x1x16xf32> to vector<16xf32>
            %swap3A_746 = vector.shape_cast %broadcast_in_dim3A_345 : vector<16xf32> to vector<1x1x16xf32>
            tpu.vector_store %arg6[%swap3A_741, %swap3A_742, %swap3A_743], %swap3A_746 {strides = array<i32>} : memref<2x256x128xf32, #tpu.memory_space<vmem>>, vector<1x1x16xf32>,
            %mul3A_747 = arith.constant 16 : i32
            %mul3A_748 = arith.muli %scan3A_549, %mul3A_747 : i32
            %add3A_749 = arith.constant 3 : i32
            %add3A_750 = arith.addi %mul3A_748, %add3A_749 : i32
            %swap3A_751 = arith.constant 1 : i32
            %swap3A_752 = arith.index_cast %swap3A_751 : i32 to index
            %swap3A_753 = arith.index_cast %add3A_750 : i32 to index
            %swap3A_754 = arith.constant 64 : index
            %swap3A_755 = tpu.vector_load %arg6[%swap3A_752, %swap3A_753, %swap3A_754] {strides = array<i32>} : memref<2x256x128xf32, #tpu.memory_space<vmem>>, vector<1x1x16xf32>,
            %swap3A_756 = vector.shape_cast %swap3A_755 : vector<1x1x16xf32> to vector<16xf32>
            %swap3A_757 = vector.shape_cast %broadcast_in_dim3A_345 : vector<16xf32> to vector<1x1x16xf32>
            tpu.vector_store %arg6[%swap3A_752, %swap3A_753, %swap3A_754], %swap3A_757 {strides = array<i32>} : memref<2x256x128xf32, #tpu.memory_space<vmem>>, vector<1x1x16xf32>,
            %mul3A_758 = arith.constant 16 : i32
            %mul3A_759 = arith.muli %scan3A_549, %mul3A_758 : i32
            %add3A_760 = arith.constant 3 : i32
            %add3A_761 = arith.addi %mul3A_759, %add3A_760 : i32
            %swap3A_762 = arith.constant 1 : i32
            %swap3A_763 = arith.index_cast %swap3A_762 : i32 to index
            %swap3A_764 = arith.index_cast %add3A_761 : i32 to index
            %swap3A_765 = arith.constant 80 : index
            %swap3A_766 = tpu.vector_load %arg6[%swap3A_763, %swap3A_764, %swap3A_765] {strides = array<i32>} : memref<2x256x128xf32, #tpu.memory_space<vmem>>, vector<1x1x16xf32>,
            %swap3A_767 = vector.shape_cast %swap3A_766 : vector<1x1x16xf32> to vector<16xf32>
            %swap3A_768 = vector.shape_cast %broadcast_in_dim3A_345 : vector<16xf32> to vector<1x1x16xf32>
            tpu.vector_store %arg6[%swap3A_763, %swap3A_764, %swap3A_765], %swap3A_768 {strides = array<i32>} : memref<2x256x128xf32, #tpu.memory_space<vmem>>, vector<1x1x16xf32>,
            %mul3A_769 = arith.constant 16 : i32
            %mul3A_770 = arith.muli %scan3A_549, %mul3A_769 : i32
            %add3A_771 = arith.constant 3 : i32
            %add3A_772 = arith.addi %mul3A_770, %add3A_771 : i32
            %swap3A_773 = arith.constant 1 : i32
            %swap3A_774 = arith.index_cast %swap3A_773 : i32 to index
            %swap3A_775 = arith.index_cast %add3A_772 : i32 to index
            %swap3A_776 = arith.constant 96 : index
            %swap3A_777 = tpu.vector_load %arg6[%swap3A_774, %swap3A_775, %swap3A_776] {strides = array<i32>} : memref<2x256x128xf32, #tpu.memory_space<vmem>>, vector<1x1x16xf32>,
            %swap3A_778 = vector.shape_cast %swap3A_777 : vector<1x1x16xf32> to vector<16xf32>
            %swap3A_779 = vector.shape_cast %broadcast_in_dim3A_345 : vector<16xf32> to vector<1x1x16xf32>
            tpu.vector_store %arg6[%swap3A_774, %swap3A_775, %swap3A_776], %swap3A_779 {strides = array<i32>} : memref<2x256x128xf32, #tpu.memory_space<vmem>>, vector<1x1x16xf32>,
            %mul3A_780 = arith.constant 16 : i32
            %mul3A_781 = arith.muli %scan3A_549, %mul3A_780 : i32
            %add3A_782 = arith.constant 3 : i32
            %add3A_783 = arith.addi %mul3A_781, %add3A_782 : i32
            %swap3A_784 = arith.constant 1 : i32
            %swap3A_785 = arith.index_cast %swap3A_784 : i32 to index
            %swap3A_786 = arith.index_cast %add3A_783 : i32 to index
            %swap3A_787 = arith.constant 112 : index
            %swap3A_788 = tpu.vector_load %arg6[%swap3A_785, %swap3A_786, %swap3A_787] {strides = array<i32>} : memref<2x256x128xf32, #tpu.memory_space<vmem>>, vector<1x1x16xf32>,
            %swap3A_789 = vector.shape_cast %swap3A_788 : vector<1x1x16xf32> to vector<16xf32>
            %swap3A_790 = vector.shape_cast %broadcast_in_dim3A_345 : vector<16xf32> to vector<1x1x16xf32>
            tpu.vector_store %arg6[%swap3A_785, %swap3A_786, %swap3A_787], %swap3A_790 {strides = array<i32>} : memref<2x256x128xf32, #tpu.memory_space<vmem>>, vector<1x1x16xf32>,
          } else {
          }
          %slice3A_619 = vector.extract_strided_slice %get3A_590 {offsets = [4], sizes = [1], strides = [1]} : vector<16xi32> to vector<1xi32>
          %squeeze3A_620 = vector.extract %slice3A_619[0] : i32 from vector<1xi32>
          %eq3A_621 = arith.constant 0 : i32
          %eq3A_622 = arith.cmpi eq, %squeeze3A_620, %eq3A_621 : i32
          %convert_element_type3A_623 = arith.extui %eq3A_622 : i1 to i32
          %cond3A_624 = arith.constant 0 : i32
          %cond3A_625 = arith.cmpi ne, %convert_element_type3A_623, %cond3A_624 : i32
          scf.if %cond3A_625 {
            %mul3A_704 = arith.constant 16 : i32
            %mul3A_705 = arith.muli %scan3A_549, %mul3A_704 : i32
            %add3A_706 = arith.constant 4 : i32
            %add3A_707 = arith.addi %mul3A_705, %add3A_706 : i32
            %swap3A = arith.constant 1 : i32
            %swap3A_708 = arith.index_cast %swap3A : i32 to index
            %swap3A_709 = arith.index_cast %add3A_707 : i32 to index
            %swap3A_710 = arith.constant 0 : index
            %swap3A_711 = tpu.vector_load %arg6[%swap3A_708, %swap3A_709, %swap3A_710] {strides = array<i32>} : memref<2x256x128xf32, #tpu.memory_space<vmem>>, vector<1x1x16xf32>,
            %swap3A_712 = vector.shape_cast %swap3A_711 : vector<1x1x16xf32> to vector<16xf32>
            %swap3A_713 = vector.shape_cast %broadcast_in_dim3A_345 : vector<16xf32> to vector<1x1x16xf32>
            tpu.vector_store %arg6[%swap3A_708, %swap3A_709, %swap3A_710], %swap3A_713 {strides = array<i32>} : memref<2x256x128xf32, #tpu.memory_space<vmem>>, vector<1x1x16xf32>,
            %mul3A_714 = arith.constant 16 : i32
            %mul3A_715 = arith.muli %scan3A_549, %mul3A_714 : i32
            %add3A_716 = arith.constant 4 : i32
            %add3A_717 = arith.addi %mul3A_715, %add3A_716 : i32
            %swap3A_718 = arith.constant 1 : i32
            %swap3A_719 = arith.index_cast %swap3A_718 : i32 to index
            %swap3A_720 = arith.index_cast %add3A_717 : i32 to index
            %swap3A_721 = arith.constant 16 : index
            %swap3A_722 = tpu.vector_load %arg6[%swap3A_719, %swap3A_720, %swap3A_721] {strides = array<i32>} : memref<2x256x128xf32, #tpu.memory_space<vmem>>, vector<1x1x16xf32>,
            %swap3A_723 = vector.shape_cast %swap3A_722 : vector<1x1x16xf32> to vector<16xf32>
            %swap3A_724 = vector.shape_cast %broadcast_in_dim3A_345 : vector<16xf32> to vector<1x1x16xf32>
            tpu.vector_store %arg6[%swap3A_719, %swap3A_720, %swap3A_721], %swap3A_724 {strides = array<i32>} : memref<2x256x128xf32, #tpu.memory_space<vmem>>, vector<1x1x16xf32>,
            %mul3A_725 = arith.constant 16 : i32
            %mul3A_726 = arith.muli %scan3A_549, %mul3A_725 : i32
            %add3A_727 = arith.constant 4 : i32
            %add3A_728 = arith.addi %mul3A_726, %add3A_727 : i32
            %swap3A_729 = arith.constant 1 : i32
            %swap3A_730 = arith.index_cast %swap3A_729 : i32 to index
            %swap3A_731 = arith.index_cast %add3A_728 : i32 to index
            %swap3A_732 = arith.constant 32 : index
            %swap3A_733 = tpu.vector_load %arg6[%swap3A_730, %swap3A_731, %swap3A_732] {strides = array<i32>} : memref<2x256x128xf32, #tpu.memory_space<vmem>>, vector<1x1x16xf32>,
            %swap3A_734 = vector.shape_cast %swap3A_733 : vector<1x1x16xf32> to vector<16xf32>
            %swap3A_735 = vector.shape_cast %broadcast_in_dim3A_345 : vector<16xf32> to vector<1x1x16xf32>
            tpu.vector_store %arg6[%swap3A_730, %swap3A_731, %swap3A_732], %swap3A_735 {strides = array<i32>} : memref<2x256x128xf32, #tpu.memory_space<vmem>>, vector<1x1x16xf32>,
            %mul3A_736 = arith.constant 16 : i32
            %mul3A_737 = arith.muli %scan3A_549, %mul3A_736 : i32
            %add3A_738 = arith.constant 4 : i32
            %add3A_739 = arith.addi %mul3A_737, %add3A_738 : i32
            %swap3A_740 = arith.constant 1 : i32
            %swap3A_741 = arith.index_cast %swap3A_740 : i32 to index
            %swap3A_742 = arith.index_cast %add3A_739 : i32 to index
            %swap3A_743 = arith.constant 48 : index
            %swap3A_744 = tpu.vector_load %arg6[%swap3A_741, %swap3A_742, %swap3A_743] {strides = array<i32>} : memref<2x256x128xf32, #tpu.memory_space<vmem>>, vector<1x1x16xf32>,
            %swap3A_745 = vector.shape_cast %swap3A_744 : vector<1x1x16xf32> to vector<16xf32>
            %swap3A_746 = vector.shape_cast %broadcast_in_dim3A_345 : vector<16xf32> to vector<1x1x16xf32>
            tpu.vector_store %arg6[%swap3A_741, %swap3A_742, %swap3A_743], %swap3A_746 {strides = array<i32>} : memref<2x256x128xf32, #tpu.memory_space<vmem>>, vector<1x1x16xf32>,
            %mul3A_747 = arith.constant 16 : i32
            %mul3A_748 = arith.muli %scan3A_549, %mul3A_747 : i32
            %add3A_749 = arith.constant 4 : i32
            %add3A_750 = arith.addi %mul3A_748, %add3A_749 : i32
            %swap3A_751 = arith.constant 1 : i32
            %swap3A_752 = arith.index_cast %swap3A_751 : i32 to index
            %swap3A_753 = arith.index_cast %add3A_750 : i32 to index
            %swap3A_754 = arith.constant 64 : index
            %swap3A_755 = tpu.vector_load %arg6[%swap3A_752, %swap3A_753, %swap3A_754] {strides = array<i32>} : memref<2x256x128xf32, #tpu.memory_space<vmem>>, vector<1x1x16xf32>,
            %swap3A_756 = vector.shape_cast %swap3A_755 : vector<1x1x16xf32> to vector<16xf32>
            %swap3A_757 = vector.shape_cast %broadcast_in_dim3A_345 : vector<16xf32> to vector<1x1x16xf32>
            tpu.vector_store %arg6[%swap3A_752, %swap3A_753, %swap3A_754], %swap3A_757 {strides = array<i32>} : memref<2x256x128xf32, #tpu.memory_space<vmem>>, vector<1x1x16xf32>,
            %mul3A_758 = arith.constant 16 : i32
            %mul3A_759 = arith.muli %scan3A_549, %mul3A_758 : i32
            %add3A_760 = arith.constant 4 : i32
            %add3A_761 = arith.addi %mul3A_759, %add3A_760 : i32
            %swap3A_762 = arith.constant 1 : i32
            %swap3A_763 = arith.index_cast %swap3A_762 : i32 to index
            %swap3A_764 = arith.index_cast %add3A_761 : i32 to index
            %swap3A_765 = arith.constant 80 : index
            %swap3A_766 = tpu.vector_load %arg6[%swap3A_763, %swap3A_764, %swap3A_765] {strides = array<i32>} : memref<2x256x128xf32, #tpu.memory_space<vmem>>, vector<1x1x16xf32>,
            %swap3A_767 = vector.shape_cast %swap3A_766 : vector<1x1x16xf32> to vector<16xf32>
            %swap3A_768 = vector.shape_cast %broadcast_in_dim3A_345 : vector<16xf32> to vector<1x1x16xf32>
            tpu.vector_store %arg6[%swap3A_763, %swap3A_764, %swap3A_765], %swap3A_768 {strides = array<i32>} : memref<2x256x128xf32, #tpu.memory_space<vmem>>, vector<1x1x16xf32>,
            %mul3A_769 = arith.constant 16 : i32
            %mul3A_770 = arith.muli %scan3A_549, %mul3A_769 : i32
            %add3A_771 = arith.constant 4 : i32
            %add3A_772 = arith.addi %mul3A_770, %add3A_771 : i32
            %swap3A_773 = arith.constant 1 : i32
            %swap3A_774 = arith.index_cast %swap3A_773 : i32 to index
            %swap3A_775 = arith.index_cast %add3A_772 : i32 to index
            %swap3A_776 = arith.constant 96 : index
            %swap3A_777 = tpu.vector_load %arg6[%swap3A_774, %swap3A_775, %swap3A_776] {strides = array<i32>} : memref<2x256x128xf32, #tpu.memory_space<vmem>>, vector<1x1x16xf32>,
            %swap3A_778 = vector.shape_cast %swap3A_777 : vector<1x1x16xf32> to vector<16xf32>
            %swap3A_779 = vector.shape_cast %broadcast_in_dim3A_345 : vector<16xf32> to vector<1x1x16xf32>
            tpu.vector_store %arg6[%swap3A_774, %swap3A_775, %swap3A_776], %swap3A_779 {strides = array<i32>} : memref<2x256x128xf32, #tpu.memory_space<vmem>>, vector<1x1x16xf32>,
            %mul3A_780 = arith.constant 16 : i32
            %mul3A_781 = arith.muli %scan3A_549, %mul3A_780 : i32
            %add3A_782 = arith.constant 4 : i32
            %add3A_783 = arith.addi %mul3A_781, %add3A_782 : i32
            %swap3A_784 = arith.constant 1 : i32
            %swap3A_785 = arith.index_cast %swap3A_784 : i32 to index
            %swap3A_786 = arith.index_cast %add3A_783 : i32 to index
            %swap3A_787 = arith.constant 112 : index
            %swap3A_788 = tpu.vector_load %arg6[%swap3A_785, %swap3A_786, %swap3A_787] {strides = array<i32>} : memref<2x256x128xf32, #tpu.memory_space<vmem>>, vector<1x1x16xf32>,
            %swap3A_789 = vector.shape_cast %swap3A_788 : vector<1x1x16xf32> to vector<16xf32>
            %swap3A_790 = vector.shape_cast %broadcast_in_dim3A_345 : vector<16xf32> to vector<1x1x16xf32>
            tpu.vector_store %arg6[%swap3A_785, %swap3A_786, %swap3A_787], %swap3A_790 {strides = array<i32>} : memref<2x256x128xf32, #tpu.memory_space<vmem>>, vector<1x1x16xf32>,
          } else {
          }
          %slice3A_626 = vector.extract_strided_slice %get3A_590 {offsets = [5], sizes = [1], strides = [1]} : vector<16xi32> to vector<1xi32>
          %squeeze3A_627 = vector.extract %slice3A_626[0] : i32 from vector<1xi32>
          %eq3A_628 = arith.constant 0 : i32
          %eq3A_629 = arith.cmpi eq, %squeeze3A_627, %eq3A_628 : i32
          %convert_element_type3A_630 = arith.extui %eq3A_629 : i1 to i32
          %cond3A_631 = arith.constant 0 : i32
          %cond3A_632 = arith.cmpi ne, %convert_element_type3A_630, %cond3A_631 : i32
          scf.if %cond3A_632 {
            %mul3A_704 = arith.constant 16 : i32
            %mul3A_705 = arith.muli %scan3A_549, %mul3A_704 : i32
            %add3A_706 = arith.constant 5 : i32
            %add3A_707 = arith.addi %mul3A_705, %add3A_706 : i32
            %swap3A = arith.constant 1 : i32
            %swap3A_708 = arith.index_cast %swap3A : i32 to index
            %swap3A_709 = arith.index_cast %add3A_707 : i32 to index
            %swap3A_710 = arith.constant 0 : index
            %swap3A_711 = tpu.vector_load %arg6[%swap3A_708, %swap3A_709, %swap3A_710] {strides = array<i32>} : memref<2x256x128xf32, #tpu.memory_space<vmem>>, vector<1x1x16xf32>,
            %swap3A_712 = vector.shape_cast %swap3A_711 : vector<1x1x16xf32> to vector<16xf32>
            %swap3A_713 = vector.shape_cast %broadcast_in_dim3A_345 : vector<16xf32> to vector<1x1x16xf32>
            tpu.vector_store %arg6[%swap3A_708, %swap3A_709, %swap3A_710], %swap3A_713 {strides = array<i32>} : memref<2x256x128xf32, #tpu.memory_space<vmem>>, vector<1x1x16xf32>,
            %mul3A_714 = arith.constant 16 : i32
            %mul3A_715 = arith.muli %scan3A_549, %mul3A_714 : i32
            %add3A_716 = arith.constant 5 : i32
            %add3A_717 = arith.addi %mul3A_715, %add3A_716 : i32
            %swap3A_718 = arith.constant 1 : i32
            %swap3A_719 = arith.index_cast %swap3A_718 : i32 to index
            %swap3A_720 = arith.index_cast %add3A_717 : i32 to index
            %swap3A_721 = arith.constant 16 : index
            %swap3A_722 = tpu.vector_load %arg6[%swap3A_719, %swap3A_720, %swap3A_721] {strides = array<i32>} : memref<2x256x128xf32, #tpu.memory_space<vmem>>, vector<1x1x16xf32>,
            %swap3A_723 = vector.shape_cast %swap3A_722 : vector<1x1x16xf32> to vector<16xf32>
            %swap3A_724 = vector.shape_cast %broadcast_in_dim3A_345 : vector<16xf32> to vector<1x1x16xf32>
            tpu.vector_store %arg6[%swap3A_719, %swap3A_720, %swap3A_721], %swap3A_724 {strides = array<i32>} : memref<2x256x128xf32, #tpu.memory_space<vmem>>, vector<1x1x16xf32>,
            %mul3A_725 = arith.constant 16 : i32
            %mul3A_726 = arith.muli %scan3A_549, %mul3A_725 : i32
            %add3A_727 = arith.constant 5 : i32
            %add3A_728 = arith.addi %mul3A_726, %add3A_727 : i32
            %swap3A_729 = arith.constant 1 : i32
            %swap3A_730 = arith.index_cast %swap3A_729 : i32 to index
            %swap3A_731 = arith.index_cast %add3A_728 : i32 to index
            %swap3A_732 = arith.constant 32 : index
            %swap3A_733 = tpu.vector_load %arg6[%swap3A_730, %swap3A_731, %swap3A_732] {strides = array<i32>} : memref<2x256x128xf32, #tpu.memory_space<vmem>>, vector<1x1x16xf32>,
            %swap3A_734 = vector.shape_cast %swap3A_733 : vector<1x1x16xf32> to vector<16xf32>
            %swap3A_735 = vector.shape_cast %broadcast_in_dim3A_345 : vector<16xf32> to vector<1x1x16xf32>
            tpu.vector_store %arg6[%swap3A_730, %swap3A_731, %swap3A_732], %swap3A_735 {strides = array<i32>} : memref<2x256x128xf32, #tpu.memory_space<vmem>>, vector<1x1x16xf32>,
            %mul3A_736 = arith.constant 16 : i32
            %mul3A_737 = arith.muli %scan3A_549, %mul3A_736 : i32
            %add3A_738 = arith.constant 5 : i32
            %add3A_739 = arith.addi %mul3A_737, %add3A_738 : i32
            %swap3A_740 = arith.constant 1 : i32
            %swap3A_741 = arith.index_cast %swap3A_740 : i32 to index
            %swap3A_742 = arith.index_cast %add3A_739 : i32 to index
            %swap3A_743 = arith.constant 48 : index
            %swap3A_744 = tpu.vector_load %arg6[%swap3A_741, %swap3A_742, %swap3A_743] {strides = array<i32>} : memref<2x256x128xf32, #tpu.memory_space<vmem>>, vector<1x1x16xf32>,
            %swap3A_745 = vector.shape_cast %swap3A_744 : vector<1x1x16xf32> to vector<16xf32>
            %swap3A_746 = vector.shape_cast %broadcast_in_dim3A_345 : vector<16xf32> to vector<1x1x16xf32>
            tpu.vector_store %arg6[%swap3A_741, %swap3A_742, %swap3A_743], %swap3A_746 {strides = array<i32>} : memref<2x256x128xf32, #tpu.memory_space<vmem>>, vector<1x1x16xf32>,
            %mul3A_747 = arith.constant 16 : i32
            %mul3A_748 = arith.muli %scan3A_549, %mul3A_747 : i32
            %add3A_749 = arith.constant 5 : i32
            %add3A_750 = arith.addi %mul3A_748, %add3A_749 : i32
            %swap3A_751 = arith.constant 1 : i32
            %swap3A_752 = arith.index_cast %swap3A_751 : i32 to index
            %swap3A_753 = arith.index_cast %add3A_750 : i32 to index
            %swap3A_754 = arith.constant 64 : index
            %swap3A_755 = tpu.vector_load %arg6[%swap3A_752, %swap3A_753, %swap3A_754] {strides = array<i32>} : memref<2x256x128xf32, #tpu.memory_space<vmem>>, vector<1x1x16xf32>,
            %swap3A_756 = vector.shape_cast %swap3A_755 : vector<1x1x16xf32> to vector<16xf32>
            %swap3A_757 = vector.shape_cast %broadcast_in_dim3A_345 : vector<16xf32> to vector<1x1x16xf32>
            tpu.vector_store %arg6[%swap3A_752, %swap3A_753, %swap3A_754], %swap3A_757 {strides = array<i32>} : memref<2x256x128xf32, #tpu.memory_space<vmem>>, vector<1x1x16xf32>,
            %mul3A_758 = arith.constant 16 : i32
            %mul3A_759 = arith.muli %scan3A_549, %mul3A_758 : i32
            %add3A_760 = arith.constant 5 : i32
            %add3A_761 = arith.addi %mul3A_759, %add3A_760 : i32
            %swap3A_762 = arith.constant 1 : i32
            %swap3A_763 = arith.index_cast %swap3A_762 : i32 to index
            %swap3A_764 = arith.index_cast %add3A_761 : i32 to index
            %swap3A_765 = arith.constant 80 : index
            %swap3A_766 = tpu.vector_load %arg6[%swap3A_763, %swap3A_764, %swap3A_765] {strides = array<i32>} : memref<2x256x128xf32, #tpu.memory_space<vmem>>, vector<1x1x16xf32>,
            %swap3A_767 = vector.shape_cast %swap3A_766 : vector<1x1x16xf32> to vector<16xf32>
            %swap3A_768 = vector.shape_cast %broadcast_in_dim3A_345 : vector<16xf32> to vector<1x1x16xf32>
            tpu.vector_store %arg6[%swap3A_763, %swap3A_764, %swap3A_765], %swap3A_768 {strides = array<i32>} : memref<2x256x128xf32, #tpu.memory_space<vmem>>, vector<1x1x16xf32>,
            %mul3A_769 = arith.constant 16 : i32
            %mul3A_770 = arith.muli %scan3A_549, %mul3A_769 : i32
            %add3A_771 = arith.constant 5 : i32
            %add3A_772 = arith.addi %mul3A_770, %add3A_771 : i32
            %swap3A_773 = arith.constant 1 : i32
            %swap3A_774 = arith.index_cast %swap3A_773 : i32 to index
            %swap3A_775 = arith.index_cast %add3A_772 : i32 to index
            %swap3A_776 = arith.constant 96 : index
            %swap3A_777 = tpu.vector_load %arg6[%swap3A_774, %swap3A_775, %swap3A_776] {strides = array<i32>} : memref<2x256x128xf32, #tpu.memory_space<vmem>>, vector<1x1x16xf32>,
            %swap3A_778 = vector.shape_cast %swap3A_777 : vector<1x1x16xf32> to vector<16xf32>
            %swap3A_779 = vector.shape_cast %broadcast_in_dim3A_345 : vector<16xf32> to vector<1x1x16xf32>
            tpu.vector_store %arg6[%swap3A_774, %swap3A_775, %swap3A_776], %swap3A_779 {strides = array<i32>} : memref<2x256x128xf32, #tpu.memory_space<vmem>>, vector<1x1x16xf32>,
            %mul3A_780 = arith.constant 16 : i32
            %mul3A_781 = arith.muli %scan3A_549, %mul3A_780 : i32
            %add3A_782 = arith.constant 5 : i32
            %add3A_783 = arith.addi %mul3A_781, %add3A_782 : i32
            %swap3A_784 = arith.constant 1 : i32
            %swap3A_785 = arith.index_cast %swap3A_784 : i32 to index
            %swap3A_786 = arith.index_cast %add3A_783 : i32 to index
            %swap3A_787 = arith.constant 112 : index
            %swap3A_788 = tpu.vector_load %arg6[%swap3A_785, %swap3A_786, %swap3A_787] {strides = array<i32>} : memref<2x256x128xf32, #tpu.memory_space<vmem>>, vector<1x1x16xf32>,
            %swap3A_789 = vector.shape_cast %swap3A_788 : vector<1x1x16xf32> to vector<16xf32>
            %swap3A_790 = vector.shape_cast %broadcast_in_dim3A_345 : vector<16xf32> to vector<1x1x16xf32>
            tpu.vector_store %arg6[%swap3A_785, %swap3A_786, %swap3A_787], %swap3A_790 {strides = array<i32>} : memref<2x256x128xf32, #tpu.memory_space<vmem>>, vector<1x1x16xf32>,
          } else {
          }
          %slice3A_633 = vector.extract_strided_slice %get3A_590 {offsets = [6], sizes = [1], strides = [1]} : vector<16xi32> to vector<1xi32>
          %squeeze3A_634 = vector.extract %slice3A_633[0] : i32 from vector<1xi32>
          %eq3A_635 = arith.constant 0 : i32
          %eq3A_636 = arith.cmpi eq, %squeeze3A_634, %eq3A_635 : i32
          %convert_element_type3A_637 = arith.extui %eq3A_636 : i1 to i32
          %cond3A_638 = arith.constant 0 : i32
          %cond3A_639 = arith.cmpi ne, %convert_element_type3A_637, %cond3A_638 : i32
          scf.if %cond3A_639 {
            %mul3A_704 = arith.constant 16 : i32
            %mul3A_705 = arith.muli %scan3A_549, %mul3A_704 : i32
            %add3A_706 = arith.constant 6 : i32
            %add3A_707 = arith.addi %mul3A_705, %add3A_706 : i32
            %swap3A = arith.constant 1 : i32
            %swap3A_708 = arith.index_cast %swap3A : i32 to index
            %swap3A_709 = arith.index_cast %add3A_707 : i32 to index
            %swap3A_710 = arith.constant 0 : index
            %swap3A_711 = tpu.vector_load %arg6[%swap3A_708, %swap3A_709, %swap3A_710] {strides = array<i32>} : memref<2x256x128xf32, #tpu.memory_space<vmem>>, vector<1x1x16xf32>,
            %swap3A_712 = vector.shape_cast %swap3A_711 : vector<1x1x16xf32> to vector<16xf32>
            %swap3A_713 = vector.shape_cast %broadcast_in_dim3A_345 : vector<16xf32> to vector<1x1x16xf32>
            tpu.vector_store %arg6[%swap3A_708, %swap3A_709, %swap3A_710], %swap3A_713 {strides = array<i32>} : memref<2x256x128xf32, #tpu.memory_space<vmem>>, vector<1x1x16xf32>,
            %mul3A_714 = arith.constant 16 : i32
            %mul3A_715 = arith.muli %scan3A_549, %mul3A_714 : i32
            %add3A_716 = arith.constant 6 : i32
            %add3A_717 = arith.addi %mul3A_715, %add3A_716 : i32
            %swap3A_718 = arith.constant 1 : i32
            %swap3A_719 = arith.index_cast %swap3A_718 : i32 to index
            %swap3A_720 = arith.index_cast %add3A_717 : i32 to index
            %swap3A_721 = arith.constant 16 : index
            %swap3A_722 = tpu.vector_load %arg6[%swap3A_719, %swap3A_720, %swap3A_721] {strides = array<i32>} : memref<2x256x128xf32, #tpu.memory_space<vmem>>, vector<1x1x16xf32>,
            %swap3A_723 = vector.shape_cast %swap3A_722 : vector<1x1x16xf32> to vector<16xf32>
            %swap3A_724 = vector.shape_cast %broadcast_in_dim3A_345 : vector<16xf32> to vector<1x1x16xf32>
            tpu.vector_store %arg6[%swap3A_719, %swap3A_720, %swap3A_721], %swap3A_724 {strides = array<i32>} : memref<2x256x128xf32, #tpu.memory_space<vmem>>, vector<1x1x16xf32>,
            %mul3A_725 = arith.constant 16 : i32
            %mul3A_726 = arith.muli %scan3A_549, %mul3A_725 : i32
            %add3A_727 = arith.constant 6 : i32
            %add3A_728 = arith.addi %mul3A_726, %add3A_727 : i32
            %swap3A_729 = arith.constant 1 : i32
            %swap3A_730 = arith.index_cast %swap3A_729 : i32 to index
            %swap3A_731 = arith.index_cast %add3A_728 : i32 to index
            %swap3A_732 = arith.constant 32 : index
            %swap3A_733 = tpu.vector_load %arg6[%swap3A_730, %swap3A_731, %swap3A_732] {strides = array<i32>} : memref<2x256x128xf32, #tpu.memory_space<vmem>>, vector<1x1x16xf32>,
            %swap3A_734 = vector.shape_cast %swap3A_733 : vector<1x1x16xf32> to vector<16xf32>
            %swap3A_735 = vector.shape_cast %broadcast_in_dim3A_345 : vector<16xf32> to vector<1x1x16xf32>
            tpu.vector_store %arg6[%swap3A_730, %swap3A_731, %swap3A_732], %swap3A_735 {strides = array<i32>} : memref<2x256x128xf32, #tpu.memory_space<vmem>>, vector<1x1x16xf32>,
            %mul3A_736 = arith.constant 16 : i32
            %mul3A_737 = arith.muli %scan3A_549, %mul3A_736 : i32
            %add3A_738 = arith.constant 6 : i32
            %add3A_739 = arith.addi %mul3A_737, %add3A_738 : i32
            %swap3A_740 = arith.constant 1 : i32
            %swap3A_741 = arith.index_cast %swap3A_740 : i32 to index
            %swap3A_742 = arith.index_cast %add3A_739 : i32 to index
            %swap3A_743 = arith.constant 48 : index
            %swap3A_744 = tpu.vector_load %arg6[%swap3A_741, %swap3A_742, %swap3A_743] {strides = array<i32>} : memref<2x256x128xf32, #tpu.memory_space<vmem>>, vector<1x1x16xf32>,
            %swap3A_745 = vector.shape_cast %swap3A_744 : vector<1x1x16xf32> to vector<16xf32>
            %swap3A_746 = vector.shape_cast %broadcast_in_dim3A_345 : vector<16xf32> to vector<1x1x16xf32>
            tpu.vector_store %arg6[%swap3A_741, %swap3A_742, %swap3A_743], %swap3A_746 {strides = array<i32>} : memref<2x256x128xf32, #tpu.memory_space<vmem>>, vector<1x1x16xf32>,
            %mul3A_747 = arith.constant 16 : i32
            %mul3A_748 = arith.muli %scan3A_549, %mul3A_747 : i32
            %add3A_749 = arith.constant 6 : i32
            %add3A_750 = arith.addi %mul3A_748, %add3A_749 : i32
            %swap3A_751 = arith.constant 1 : i32
            %swap3A_752 = arith.index_cast %swap3A_751 : i32 to index
            %swap3A_753 = arith.index_cast %add3A_750 : i32 to index
            %swap3A_754 = arith.constant 64 : index
            %swap3A_755 = tpu.vector_load %arg6[%swap3A_752, %swap3A_753, %swap3A_754] {strides = array<i32>} : memref<2x256x128xf32, #tpu.memory_space<vmem>>, vector<1x1x16xf32>,
            %swap3A_756 = vector.shape_cast %swap3A_755 : vector<1x1x16xf32> to vector<16xf32>
            %swap3A_757 = vector.shape_cast %broadcast_in_dim3A_345 : vector<16xf32> to vector<1x1x16xf32>
            tpu.vector_store %arg6[%swap3A_752, %swap3A_753, %swap3A_754], %swap3A_757 {strides = array<i32>} : memref<2x256x128xf32, #tpu.memory_space<vmem>>, vector<1x1x16xf32>,
            %mul3A_758 = arith.constant 16 : i32
            %mul3A_759 = arith.muli %scan3A_549, %mul3A_758 : i32
            %add3A_760 = arith.constant 6 : i32
            %add3A_761 = arith.addi %mul3A_759, %add3A_760 : i32
            %swap3A_762 = arith.constant 1 : i32
            %swap3A_763 = arith.index_cast %swap3A_762 : i32 to index
            %swap3A_764 = arith.index_cast %add3A_761 : i32 to index
            %swap3A_765 = arith.constant 80 : index
            %swap3A_766 = tpu.vector_load %arg6[%swap3A_763, %swap3A_764, %swap3A_765] {strides = array<i32>} : memref<2x256x128xf32, #tpu.memory_space<vmem>>, vector<1x1x16xf32>,
            %swap3A_767 = vector.shape_cast %swap3A_766 : vector<1x1x16xf32> to vector<16xf32>
            %swap3A_768 = vector.shape_cast %broadcast_in_dim3A_345 : vector<16xf32> to vector<1x1x16xf32>
            tpu.vector_store %arg6[%swap3A_763, %swap3A_764, %swap3A_765], %swap3A_768 {strides = array<i32>} : memref<2x256x128xf32, #tpu.memory_space<vmem>>, vector<1x1x16xf32>,
            %mul3A_769 = arith.constant 16 : i32
            %mul3A_770 = arith.muli %scan3A_549, %mul3A_769 : i32
            %add3A_771 = arith.constant 6 : i32
            %add3A_772 = arith.addi %mul3A_770, %add3A_771 : i32
            %swap3A_773 = arith.constant 1 : i32
            %swap3A_774 = arith.index_cast %swap3A_773 : i32 to index
            %swap3A_775 = arith.index_cast %add3A_772 : i32 to index
            %swap3A_776 = arith.constant 96 : index
            %swap3A_777 = tpu.vector_load %arg6[%swap3A_774, %swap3A_775, %swap3A_776] {strides = array<i32>} : memref<2x256x128xf32, #tpu.memory_space<vmem>>, vector<1x1x16xf32>,
            %swap3A_778 = vector.shape_cast %swap3A_777 : vector<1x1x16xf32> to vector<16xf32>
            %swap3A_779 = vector.shape_cast %broadcast_in_dim3A_345 : vector<16xf32> to vector<1x1x16xf32>
            tpu.vector_store %arg6[%swap3A_774, %swap3A_775, %swap3A_776], %swap3A_779 {strides = array<i32>} : memref<2x256x128xf32, #tpu.memory_space<vmem>>, vector<1x1x16xf32>,
            %mul3A_780 = arith.constant 16 : i32
            %mul3A_781 = arith.muli %scan3A_549, %mul3A_780 : i32
            %add3A_782 = arith.constant 6 : i32
            %add3A_783 = arith.addi %mul3A_781, %add3A_782 : i32
            %swap3A_784 = arith.constant 1 : i32
            %swap3A_785 = arith.index_cast %swap3A_784 : i32 to index
            %swap3A_786 = arith.index_cast %add3A_783 : i32 to index
            %swap3A_787 = arith.constant 112 : index
            %swap3A_788 = tpu.vector_load %arg6[%swap3A_785, %swap3A_786, %swap3A_787] {strides = array<i32>} : memref<2x256x128xf32, #tpu.memory_space<vmem>>, vector<1x1x16xf32>,
            %swap3A_789 = vector.shape_cast %swap3A_788 : vector<1x1x16xf32> to vector<16xf32>
            %swap3A_790 = vector.shape_cast %broadcast_in_dim3A_345 : vector<16xf32> to vector<1x1x16xf32>
            tpu.vector_store %arg6[%swap3A_785, %swap3A_786, %swap3A_787], %swap3A_790 {strides = array<i32>} : memref<2x256x128xf32, #tpu.memory_space<vmem>>, vector<1x1x16xf32>,
          } else {
          }
          %slice3A_640 = vector.extract_strided_slice %get3A_590 {offsets = [7], sizes = [1], strides = [1]} : vector<16xi32> to vector<1xi32>
          %squeeze3A_641 = vector.extract %slice3A_640[0] : i32 from vector<1xi32>
          %eq3A_642 = arith.constant 0 : i32
          %eq3A_643 = arith.cmpi eq, %squeeze3A_641, %eq3A_642 : i32
          %convert_element_type3A_644 = arith.extui %eq3A_643 : i1 to i32
          %cond3A_645 = arith.constant 0 : i32
          %cond3A_646 = arith.cmpi ne, %convert_element_type3A_644, %cond3A_645 : i32
          scf.if %cond3A_646 {
            %mul3A_704 = arith.constant 16 : i32
            %mul3A_705 = arith.muli %scan3A_549, %mul3A_704 : i32
            %add3A_706 = arith.constant 7 : i32
            %add3A_707 = arith.addi %mul3A_705, %add3A_706 : i32
            %swap3A = arith.constant 1 : i32
            %swap3A_708 = arith.index_cast %swap3A : i32 to index
            %swap3A_709 = arith.index_cast %add3A_707 : i32 to index
            %swap3A_710 = arith.constant 0 : index
            %swap3A_711 = tpu.vector_load %arg6[%swap3A_708, %swap3A_709, %swap3A_710] {strides = array<i32>} : memref<2x256x128xf32, #tpu.memory_space<vmem>>, vector<1x1x16xf32>,
            %swap3A_712 = vector.shape_cast %swap3A_711 : vector<1x1x16xf32> to vector<16xf32>
            %swap3A_713 = vector.shape_cast %broadcast_in_dim3A_345 : vector<16xf32> to vector<1x1x16xf32>
            tpu.vector_store %arg6[%swap3A_708, %swap3A_709, %swap3A_710], %swap3A_713 {strides = array<i32>} : memref<2x256x128xf32, #tpu.memory_space<vmem>>, vector<1x1x16xf32>,
            %mul3A_714 = arith.constant 16 : i32
            %mul3A_715 = arith.muli %scan3A_549, %mul3A_714 : i32
            %add3A_716 = arith.constant 7 : i32
            %add3A_717 = arith.addi %mul3A_715, %add3A_716 : i32
            %swap3A_718 = arith.constant 1 : i32
            %swap3A_719 = arith.index_cast %swap3A_718 : i32 to index
            %swap3A_720 = arith.index_cast %add3A_717 : i32 to index
            %swap3A_721 = arith.constant 16 : index
            %swap3A_722 = tpu.vector_load %arg6[%swap3A_719, %swap3A_720, %swap3A_721] {strides = array<i32>} : memref<2x256x128xf32, #tpu.memory_space<vmem>>, vector<1x1x16xf32>,
            %swap3A_723 = vector.shape_cast %swap3A_722 : vector<1x1x16xf32> to vector<16xf32>
            %swap3A_724 = vector.shape_cast %broadcast_in_dim3A_345 : vector<16xf32> to vector<1x1x16xf32>
            tpu.vector_store %arg6[%swap3A_719, %swap3A_720, %swap3A_721], %swap3A_724 {strides = array<i32>} : memref<2x256x128xf32, #tpu.memory_space<vmem>>, vector<1x1x16xf32>,
            %mul3A_725 = arith.constant 16 : i32
            %mul3A_726 = arith.muli %scan3A_549, %mul3A_725 : i32
            %add3A_727 = arith.constant 7 : i32
            %add3A_728 = arith.addi %mul3A_726, %add3A_727 : i32
            %swap3A_729 = arith.constant 1 : i32
            %swap3A_730 = arith.index_cast %swap3A_729 : i32 to index
            %swap3A_731 = arith.index_cast %add3A_728 : i32 to index
            %swap3A_732 = arith.constant 32 : index
            %swap3A_733 = tpu.vector_load %arg6[%swap3A_730, %swap3A_731, %swap3A_732] {strides = array<i32>} : memref<2x256x128xf32, #tpu.memory_space<vmem>>, vector<1x1x16xf32>,
            %swap3A_734 = vector.shape_cast %swap3A_733 : vector<1x1x16xf32> to vector<16xf32>
            %swap3A_735 = vector.shape_cast %broadcast_in_dim3A_345 : vector<16xf32> to vector<1x1x16xf32>
            tpu.vector_store %arg6[%swap3A_730, %swap3A_731, %swap3A_732], %swap3A_735 {strides = array<i32>} : memref<2x256x128xf32, #tpu.memory_space<vmem>>, vector<1x1x16xf32>,
            %mul3A_736 = arith.constant 16 : i32
            %mul3A_737 = arith.muli %scan3A_549, %mul3A_736 : i32
            %add3A_738 = arith.constant 7 : i32
            %add3A_739 = arith.addi %mul3A_737, %add3A_738 : i32
            %swap3A_740 = arith.constant 1 : i32
            %swap3A_741 = arith.index_cast %swap3A_740 : i32 to index
            %swap3A_742 = arith.index_cast %add3A_739 : i32 to index
            %swap3A_743 = arith.constant 48 : index
            %swap3A_744 = tpu.vector_load %arg6[%swap3A_741, %swap3A_742, %swap3A_743] {strides = array<i32>} : memref<2x256x128xf32, #tpu.memory_space<vmem>>, vector<1x1x16xf32>,
            %swap3A_745 = vector.shape_cast %swap3A_744 : vector<1x1x16xf32> to vector<16xf32>
            %swap3A_746 = vector.shape_cast %broadcast_in_dim3A_345 : vector<16xf32> to vector<1x1x16xf32>
            tpu.vector_store %arg6[%swap3A_741, %swap3A_742, %swap3A_743], %swap3A_746 {strides = array<i32>} : memref<2x256x128xf32, #tpu.memory_space<vmem>>, vector<1x1x16xf32>,
            %mul3A_747 = arith.constant 16 : i32
            %mul3A_748 = arith.muli %scan3A_549, %mul3A_747 : i32
            %add3A_749 = arith.constant 7 : i32
            %add3A_750 = arith.addi %mul3A_748, %add3A_749 : i32
            %swap3A_751 = arith.constant 1 : i32
            %swap3A_752 = arith.index_cast %swap3A_751 : i32 to index
            %swap3A_753 = arith.index_cast %add3A_750 : i32 to index
            %swap3A_754 = arith.constant 64 : index
            %swap3A_755 = tpu.vector_load %arg6[%swap3A_752, %swap3A_753, %swap3A_754] {strides = array<i32>} : memref<2x256x128xf32, #tpu.memory_space<vmem>>, vector<1x1x16xf32>,
            %swap3A_756 = vector.shape_cast %swap3A_755 : vector<1x1x16xf32> to vector<16xf32>
            %swap3A_757 = vector.shape_cast %broadcast_in_dim3A_345 : vector<16xf32> to vector<1x1x16xf32>
            tpu.vector_store %arg6[%swap3A_752, %swap3A_753, %swap3A_754], %swap3A_757 {strides = array<i32>} : memref<2x256x128xf32, #tpu.memory_space<vmem>>, vector<1x1x16xf32>,
            %mul3A_758 = arith.constant 16 : i32
            %mul3A_759 = arith.muli %scan3A_549, %mul3A_758 : i32
            %add3A_760 = arith.constant 7 : i32
            %add3A_761 = arith.addi %mul3A_759, %add3A_760 : i32
            %swap3A_762 = arith.constant 1 : i32
            %swap3A_763 = arith.index_cast %swap3A_762 : i32 to index
            %swap3A_764 = arith.index_cast %add3A_761 : i32 to index
            %swap3A_765 = arith.constant 80 : index
            %swap3A_766 = tpu.vector_load %arg6[%swap3A_763, %swap3A_764, %swap3A_765] {strides = array<i32>} : memref<2x256x128xf32, #tpu.memory_space<vmem>>, vector<1x1x16xf32>,
            %swap3A_767 = vector.shape_cast %swap3A_766 : vector<1x1x16xf32> to vector<16xf32>
            %swap3A_768 = vector.shape_cast %broadcast_in_dim3A_345 : vector<16xf32> to vector<1x1x16xf32>
            tpu.vector_store %arg6[%swap3A_763, %swap3A_764, %swap3A_765], %swap3A_768 {strides = array<i32>} : memref<2x256x128xf32, #tpu.memory_space<vmem>>, vector<1x1x16xf32>,
            %mul3A_769 = arith.constant 16 : i32
            %mul3A_770 = arith.muli %scan3A_549, %mul3A_769 : i32
            %add3A_771 = arith.constant 7 : i32
            %add3A_772 = arith.addi %mul3A_770, %add3A_771 : i32
            %swap3A_773 = arith.constant 1 : i32
            %swap3A_774 = arith.index_cast %swap3A_773 : i32 to index
            %swap3A_775 = arith.index_cast %add3A_772 : i32 to index
            %swap3A_776 = arith.constant 96 : index
            %swap3A_777 = tpu.vector_load %arg6[%swap3A_774, %swap3A_775, %swap3A_776] {strides = array<i32>} : memref<2x256x128xf32, #tpu.memory_space<vmem>>, vector<1x1x16xf32>,
            %swap3A_778 = vector.shape_cast %swap3A_777 : vector<1x1x16xf32> to vector<16xf32>
            %swap3A_779 = vector.shape_cast %broadcast_in_dim3A_345 : vector<16xf32> to vector<1x1x16xf32>
            tpu.vector_store %arg6[%swap3A_774, %swap3A_775, %swap3A_776], %swap3A_779 {strides = array<i32>} : memref<2x256x128xf32, #tpu.memory_space<vmem>>, vector<1x1x16xf32>,
            %mul3A_780 = arith.constant 16 : i32
            %mul3A_781 = arith.muli %scan3A_549, %mul3A_780 : i32
            %add3A_782 = arith.constant 7 : i32
            %add3A_783 = arith.addi %mul3A_781, %add3A_782 : i32
            %swap3A_784 = arith.constant 1 : i32
            %swap3A_785 = arith.index_cast %swap3A_784 : i32 to index
            %swap3A_786 = arith.index_cast %add3A_783 : i32 to index
            %swap3A_787 = arith.constant 112 : index
            %swap3A_788 = tpu.vector_load %arg6[%swap3A_785, %swap3A_786, %swap3A_787] {strides = array<i32>} : memref<2x256x128xf32, #tpu.memory_space<vmem>>, vector<1x1x16xf32>,
            %swap3A_789 = vector.shape_cast %swap3A_788 : vector<1x1x16xf32> to vector<16xf32>
            %swap3A_790 = vector.shape_cast %broadcast_in_dim3A_345 : vector<16xf32> to vector<1x1x16xf32>
            tpu.vector_store %arg6[%swap3A_785, %swap3A_786, %swap3A_787], %swap3A_790 {strides = array<i32>} : memref<2x256x128xf32, #tpu.memory_space<vmem>>, vector<1x1x16xf32>,
          } else {
          }
          %slice3A_647 = vector.extract_strided_slice %get3A_590 {offsets = [8], sizes = [1], strides = [1]} : vector<16xi32> to vector<1xi32>
          %squeeze3A_648 = vector.extract %slice3A_647[0] : i32 from vector<1xi32>
          %eq3A_649 = arith.constant 0 : i32
          %eq3A_650 = arith.cmpi eq, %squeeze3A_648, %eq3A_649 : i32
          %convert_element_type3A_651 = arith.extui %eq3A_650 : i1 to i32
          %cond3A_652 = arith.constant 0 : i32
          %cond3A_653 = arith.cmpi ne, %convert_element_type3A_651, %cond3A_652 : i32
          scf.if %cond3A_653 {
            %mul3A_704 = arith.constant 16 : i32
            %mul3A_705 = arith.muli %scan3A_549, %mul3A_704 : i32
            %add3A_706 = arith.constant 8 : i32
            %add3A_707 = arith.addi %mul3A_705, %add3A_706 : i32
            %swap3A = arith.constant 1 : i32
            %swap3A_708 = arith.index_cast %swap3A : i32 to index
            %swap3A_709 = arith.index_cast %add3A_707 : i32 to index
            %swap3A_710 = arith.constant 0 : index
            %swap3A_711 = tpu.vector_load %arg6[%swap3A_708, %swap3A_709, %swap3A_710] {strides = array<i32>} : memref<2x256x128xf32, #tpu.memory_space<vmem>>, vector<1x1x16xf32>,
            %swap3A_712 = vector.shape_cast %swap3A_711 : vector<1x1x16xf32> to vector<16xf32>
            %swap3A_713 = vector.shape_cast %broadcast_in_dim3A_345 : vector<16xf32> to vector<1x1x16xf32>
            tpu.vector_store %arg6[%swap3A_708, %swap3A_709, %swap3A_710], %swap3A_713 {strides = array<i32>} : memref<2x256x128xf32, #tpu.memory_space<vmem>>, vector<1x1x16xf32>,
            %mul3A_714 = arith.constant 16 : i32
            %mul3A_715 = arith.muli %scan3A_549, %mul3A_714 : i32
            %add3A_716 = arith.constant 8 : i32
            %add3A_717 = arith.addi %mul3A_715, %add3A_716 : i32
            %swap3A_718 = arith.constant 1 : i32
            %swap3A_719 = arith.index_cast %swap3A_718 : i32 to index
            %swap3A_720 = arith.index_cast %add3A_717 : i32 to index
            %swap3A_721 = arith.constant 16 : index
            %swap3A_722 = tpu.vector_load %arg6[%swap3A_719, %swap3A_720, %swap3A_721] {strides = array<i32>} : memref<2x256x128xf32, #tpu.memory_space<vmem>>, vector<1x1x16xf32>,
            %swap3A_723 = vector.shape_cast %swap3A_722 : vector<1x1x16xf32> to vector<16xf32>
            %swap3A_724 = vector.shape_cast %broadcast_in_dim3A_345 : vector<16xf32> to vector<1x1x16xf32>
            tpu.vector_store %arg6[%swap3A_719, %swap3A_720, %swap3A_721], %swap3A_724 {strides = array<i32>} : memref<2x256x128xf32, #tpu.memory_space<vmem>>, vector<1x1x16xf32>,
            %mul3A_725 = arith.constant 16 : i32
            %mul3A_726 = arith.muli %scan3A_549, %mul3A_725 : i32
            %add3A_727 = arith.constant 8 : i32
            %add3A_728 = arith.addi %mul3A_726, %add3A_727 : i32
            %swap3A_729 = arith.constant 1 : i32
            %swap3A_730 = arith.index_cast %swap3A_729 : i32 to index
            %swap3A_731 = arith.index_cast %add3A_728 : i32 to index
            %swap3A_732 = arith.constant 32 : index
            %swap3A_733 = tpu.vector_load %arg6[%swap3A_730, %swap3A_731, %swap3A_732] {strides = array<i32>} : memref<2x256x128xf32, #tpu.memory_space<vmem>>, vector<1x1x16xf32>,
            %swap3A_734 = vector.shape_cast %swap3A_733 : vector<1x1x16xf32> to vector<16xf32>
            %swap3A_735 = vector.shape_cast %broadcast_in_dim3A_345 : vector<16xf32> to vector<1x1x16xf32>
            tpu.vector_store %arg6[%swap3A_730, %swap3A_731, %swap3A_732], %swap3A_735 {strides = array<i32>} : memref<2x256x128xf32, #tpu.memory_space<vmem>>, vector<1x1x16xf32>,
            %mul3A_736 = arith.constant 16 : i32
            %mul3A_737 = arith.muli %scan3A_549, %mul3A_736 : i32
            %add3A_738 = arith.constant 8 : i32
            %add3A_739 = arith.addi %mul3A_737, %add3A_738 : i32
            %swap3A_740 = arith.constant 1 : i32
            %swap3A_741 = arith.index_cast %swap3A_740 : i32 to index
            %swap3A_742 = arith.index_cast %add3A_739 : i32 to index
            %swap3A_743 = arith.constant 48 : index
            %swap3A_744 = tpu.vector_load %arg6[%swap3A_741, %swap3A_742, %swap3A_743] {strides = array<i32>} : memref<2x256x128xf32, #tpu.memory_space<vmem>>, vector<1x1x16xf32>,
            %swap3A_745 = vector.shape_cast %swap3A_744 : vector<1x1x16xf32> to vector<16xf32>
            %swap3A_746 = vector.shape_cast %broadcast_in_dim3A_345 : vector<16xf32> to vector<1x1x16xf32>
            tpu.vector_store %arg6[%swap3A_741, %swap3A_742, %swap3A_743], %swap3A_746 {strides = array<i32>} : memref<2x256x128xf32, #tpu.memory_space<vmem>>, vector<1x1x16xf32>,
            %mul3A_747 = arith.constant 16 : i32
            %mul3A_748 = arith.muli %scan3A_549, %mul3A_747 : i32
            %add3A_749 = arith.constant 8 : i32
            %add3A_750 = arith.addi %mul3A_748, %add3A_749 : i32
            %swap3A_751 = arith.constant 1 : i32
            %swap3A_752 = arith.index_cast %swap3A_751 : i32 to index
            %swap3A_753 = arith.index_cast %add3A_750 : i32 to index
            %swap3A_754 = arith.constant 64 : index
            %swap3A_755 = tpu.vector_load %arg6[%swap3A_752, %swap3A_753, %swap3A_754] {strides = array<i32>} : memref<2x256x128xf32, #tpu.memory_space<vmem>>, vector<1x1x16xf32>,
            %swap3A_756 = vector.shape_cast %swap3A_755 : vector<1x1x16xf32> to vector<16xf32>
            %swap3A_757 = vector.shape_cast %broadcast_in_dim3A_345 : vector<16xf32> to vector<1x1x16xf32>
            tpu.vector_store %arg6[%swap3A_752, %swap3A_753, %swap3A_754], %swap3A_757 {strides = array<i32>} : memref<2x256x128xf32, #tpu.memory_space<vmem>>, vector<1x1x16xf32>,
            %mul3A_758 = arith.constant 16 : i32
            %mul3A_759 = arith.muli %scan3A_549, %mul3A_758 : i32
            %add3A_760 = arith.constant 8 : i32
            %add3A_761 = arith.addi %mul3A_759, %add3A_760 : i32
            %swap3A_762 = arith.constant 1 : i32
            %swap3A_763 = arith.index_cast %swap3A_762 : i32 to index
            %swap3A_764 = arith.index_cast %add3A_761 : i32 to index
            %swap3A_765 = arith.constant 80 : index
            %swap3A_766 = tpu.vector_load %arg6[%swap3A_763, %swap3A_764, %swap3A_765] {strides = array<i32>} : memref<2x256x128xf32, #tpu.memory_space<vmem>>, vector<1x1x16xf32>,
            %swap3A_767 = vector.shape_cast %swap3A_766 : vector<1x1x16xf32> to vector<16xf32>
            %swap3A_768 = vector.shape_cast %broadcast_in_dim3A_345 : vector<16xf32> to vector<1x1x16xf32>
            tpu.vector_store %arg6[%swap3A_763, %swap3A_764, %swap3A_765], %swap3A_768 {strides = array<i32>} : memref<2x256x128xf32, #tpu.memory_space<vmem>>, vector<1x1x16xf32>,
            %mul3A_769 = arith.constant 16 : i32
            %mul3A_770 = arith.muli %scan3A_549, %mul3A_769 : i32
            %add3A_771 = arith.constant 8 : i32
            %add3A_772 = arith.addi %mul3A_770, %add3A_771 : i32
            %swap3A_773 = arith.constant 1 : i32
            %swap3A_774 = arith.index_cast %swap3A_773 : i32 to index
            %swap3A_775 = arith.index_cast %add3A_772 : i32 to index
            %swap3A_776 = arith.constant 96 : index
            %swap3A_777 = tpu.vector_load %arg6[%swap3A_774, %swap3A_775, %swap3A_776] {strides = array<i32>} : memref<2x256x128xf32, #tpu.memory_space<vmem>>, vector<1x1x16xf32>,
            %swap3A_778 = vector.shape_cast %swap3A_777 : vector<1x1x16xf32> to vector<16xf32>
            %swap3A_779 = vector.shape_cast %broadcast_in_dim3A_345 : vector<16xf32> to vector<1x1x16xf32>
            tpu.vector_store %arg6[%swap3A_774, %swap3A_775, %swap3A_776], %swap3A_779 {strides = array<i32>} : memref<2x256x128xf32, #tpu.memory_space<vmem>>, vector<1x1x16xf32>,
            %mul3A_780 = arith.constant 16 : i32
            %mul3A_781 = arith.muli %scan3A_549, %mul3A_780 : i32
            %add3A_782 = arith.constant 8 : i32
            %add3A_783 = arith.addi %mul3A_781, %add3A_782 : i32
            %swap3A_784 = arith.constant 1 : i32
            %swap3A_785 = arith.index_cast %swap3A_784 : i32 to index
            %swap3A_786 = arith.index_cast %add3A_783 : i32 to index
            %swap3A_787 = arith.constant 112 : index
            %swap3A_788 = tpu.vector_load %arg6[%swap3A_785, %swap3A_786, %swap3A_787] {strides = array<i32>} : memref<2x256x128xf32, #tpu.memory_space<vmem>>, vector<1x1x16xf32>,
            %swap3A_789 = vector.shape_cast %swap3A_788 : vector<1x1x16xf32> to vector<16xf32>
            %swap3A_790 = vector.shape_cast %broadcast_in_dim3A_345 : vector<16xf32> to vector<1x1x16xf32>
            tpu.vector_store %arg6[%swap3A_785, %swap3A_786, %swap3A_787], %swap3A_790 {strides = array<i32>} : memref<2x256x128xf32, #tpu.memory_space<vmem>>, vector<1x1x16xf32>,
          } else {
          }
          %slice3A_654 = vector.extract_strided_slice %get3A_590 {offsets = [9], sizes = [1], strides = [1]} : vector<16xi32> to vector<1xi32>
          %squeeze3A_655 = vector.extract %slice3A_654[0] : i32 from vector<1xi32>
          %eq3A_656 = arith.constant 0 : i32
          %eq3A_657 = arith.cmpi eq, %squeeze3A_655, %eq3A_656 : i32
          %convert_element_type3A_658 = arith.extui %eq3A_657 : i1 to i32
          %cond3A_659 = arith.constant 0 : i32
          %cond3A_660 = arith.cmpi ne, %convert_element_type3A_658, %cond3A_659 : i32
          scf.if %cond3A_660 {
            %mul3A_704 = arith.constant 16 : i32
            %mul3A_705 = arith.muli %scan3A_549, %mul3A_704 : i32
            %add3A_706 = arith.constant 9 : i32
            %add3A_707 = arith.addi %mul3A_705, %add3A_706 : i32
            %swap3A = arith.constant 1 : i32
            %swap3A_708 = arith.index_cast %swap3A : i32 to index
            %swap3A_709 = arith.index_cast %add3A_707 : i32 to index
            %swap3A_710 = arith.constant 0 : index
            %swap3A_711 = tpu.vector_load %arg6[%swap3A_708, %swap3A_709, %swap3A_710] {strides = array<i32>} : memref<2x256x128xf32, #tpu.memory_space<vmem>>, vector<1x1x16xf32>,
            %swap3A_712 = vector.shape_cast %swap3A_711 : vector<1x1x16xf32> to vector<16xf32>
            %swap3A_713 = vector.shape_cast %broadcast_in_dim3A_345 : vector<16xf32> to vector<1x1x16xf32>
            tpu.vector_store %arg6[%swap3A_708, %swap3A_709, %swap3A_710], %swap3A_713 {strides = array<i32>} : memref<2x256x128xf32, #tpu.memory_space<vmem>>, vector<1x1x16xf32>,
            %mul3A_714 = arith.constant 16 : i32
            %mul3A_715 = arith.muli %scan3A_549, %mul3A_714 : i32
            %add3A_716 = arith.constant 9 : i32
            %add3A_717 = arith.addi %mul3A_715, %add3A_716 : i32
            %swap3A_718 = arith.constant 1 : i32
            %swap3A_719 = arith.index_cast %swap3A_718 : i32 to index
            %swap3A_720 = arith.index_cast %add3A_717 : i32 to index
            %swap3A_721 = arith.constant 16 : index
            %swap3A_722 = tpu.vector_load %arg6[%swap3A_719, %swap3A_720, %swap3A_721] {strides = array<i32>} : memref<2x256x128xf32, #tpu.memory_space<vmem>>, vector<1x1x16xf32>,
            %swap3A_723 = vector.shape_cast %swap3A_722 : vector<1x1x16xf32> to vector<16xf32>
            %swap3A_724 = vector.shape_cast %broadcast_in_dim3A_345 : vector<16xf32> to vector<1x1x16xf32>
            tpu.vector_store %arg6[%swap3A_719, %swap3A_720, %swap3A_721], %swap3A_724 {strides = array<i32>} : memref<2x256x128xf32, #tpu.memory_space<vmem>>, vector<1x1x16xf32>,
            %mul3A_725 = arith.constant 16 : i32
            %mul3A_726 = arith.muli %scan3A_549, %mul3A_725 : i32
            %add3A_727 = arith.constant 9 : i32
            %add3A_728 = arith.addi %mul3A_726, %add3A_727 : i32
            %swap3A_729 = arith.constant 1 : i32
            %swap3A_730 = arith.index_cast %swap3A_729 : i32 to index
            %swap3A_731 = arith.index_cast %add3A_728 : i32 to index
            %swap3A_732 = arith.constant 32 : index
            %swap3A_733 = tpu.vector_load %arg6[%swap3A_730, %swap3A_731, %swap3A_732] {strides = array<i32>} : memref<2x256x128xf32, #tpu.memory_space<vmem>>, vector<1x1x16xf32>,
            %swap3A_734 = vector.shape_cast %swap3A_733 : vector<1x1x16xf32> to vector<16xf32>
            %swap3A_735 = vector.shape_cast %broadcast_in_dim3A_345 : vector<16xf32> to vector<1x1x16xf32>
            tpu.vector_store %arg6[%swap3A_730, %swap3A_731, %swap3A_732], %swap3A_735 {strides = array<i32>} : memref<2x256x128xf32, #tpu.memory_space<vmem>>, vector<1x1x16xf32>,
            %mul3A_736 = arith.constant 16 : i32
            %mul3A_737 = arith.muli %scan3A_549, %mul3A_736 : i32
            %add3A_738 = arith.constant 9 : i32
            %add3A_739 = arith.addi %mul3A_737, %add3A_738 : i32
            %swap3A_740 = arith.constant 1 : i32
            %swap3A_741 = arith.index_cast %swap3A_740 : i32 to index
            %swap3A_742 = arith.index_cast %add3A_739 : i32 to index
            %swap3A_743 = arith.constant 48 : index
            %swap3A_744 = tpu.vector_load %arg6[%swap3A_741, %swap3A_742, %swap3A_743] {strides = array<i32>} : memref<2x256x128xf32, #tpu.memory_space<vmem>>, vector<1x1x16xf32>,
            %swap3A_745 = vector.shape_cast %swap3A_744 : vector<1x1x16xf32> to vector<16xf32>
            %swap3A_746 = vector.shape_cast %broadcast_in_dim3A_345 : vector<16xf32> to vector<1x1x16xf32>
            tpu.vector_store %arg6[%swap3A_741, %swap3A_742, %swap3A_743], %swap3A_746 {strides = array<i32>} : memref<2x256x128xf32, #tpu.memory_space<vmem>>, vector<1x1x16xf32>,
            %mul3A_747 = arith.constant 16 : i32
            %mul3A_748 = arith.muli %scan3A_549, %mul3A_747 : i32
            %add3A_749 = arith.constant 9 : i32
            %add3A_750 = arith.addi %mul3A_748, %add3A_749 : i32
            %swap3A_751 = arith.constant 1 : i32
            %swap3A_752 = arith.index_cast %swap3A_751 : i32 to index
            %swap3A_753 = arith.index_cast %add3A_750 : i32 to index
            %swap3A_754 = arith.constant 64 : index
            %swap3A_755 = tpu.vector_load %arg6[%swap3A_752, %swap3A_753, %swap3A_754] {strides = array<i32>} : memref<2x256x128xf32, #tpu.memory_space<vmem>>, vector<1x1x16xf32>,
            %swap3A_756 = vector.shape_cast %swap3A_755 : vector<1x1x16xf32> to vector<16xf32>
            %swap3A_757 = vector.shape_cast %broadcast_in_dim3A_345 : vector<16xf32> to vector<1x1x16xf32>
            tpu.vector_store %arg6[%swap3A_752, %swap3A_753, %swap3A_754], %swap3A_757 {strides = array<i32>} : memref<2x256x128xf32, #tpu.memory_space<vmem>>, vector<1x1x16xf32>,
            %mul3A_758 = arith.constant 16 : i32
            %mul3A_759 = arith.muli %scan3A_549, %mul3A_758 : i32
            %add3A_760 = arith.constant 9 : i32
            %add3A_761 = arith.addi %mul3A_759, %add3A_760 : i32
            %swap3A_762 = arith.constant 1 : i32
            %swap3A_763 = arith.index_cast %swap3A_762 : i32 to index
            %swap3A_764 = arith.index_cast %add3A_761 : i32 to index
            %swap3A_765 = arith.constant 80 : index
            %swap3A_766 = tpu.vector_load %arg6[%swap3A_763, %swap3A_764, %swap3A_765] {strides = array<i32>} : memref<2x256x128xf32, #tpu.memory_space<vmem>>, vector<1x1x16xf32>,
            %swap3A_767 = vector.shape_cast %swap3A_766 : vector<1x1x16xf32> to vector<16xf32>
            %swap3A_768 = vector.shape_cast %broadcast_in_dim3A_345 : vector<16xf32> to vector<1x1x16xf32>
            tpu.vector_store %arg6[%swap3A_763, %swap3A_764, %swap3A_765], %swap3A_768 {strides = array<i32>} : memref<2x256x128xf32, #tpu.memory_space<vmem>>, vector<1x1x16xf32>,
            %mul3A_769 = arith.constant 16 : i32
            %mul3A_770 = arith.muli %scan3A_549, %mul3A_769 : i32
            %add3A_771 = arith.constant 9 : i32
            %add3A_772 = arith.addi %mul3A_770, %add3A_771 : i32
            %swap3A_773 = arith.constant 1 : i32
            %swap3A_774 = arith.index_cast %swap3A_773 : i32 to index
            %swap3A_775 = arith.index_cast %add3A_772 : i32 to index
            %swap3A_776 = arith.constant 96 : index
            %swap3A_777 = tpu.vector_load %arg6[%swap3A_774, %swap3A_775, %swap3A_776] {strides = array<i32>} : memref<2x256x128xf32, #tpu.memory_space<vmem>>, vector<1x1x16xf32>,
            %swap3A_778 = vector.shape_cast %swap3A_777 : vector<1x1x16xf32> to vector<16xf32>
            %swap3A_779 = vector.shape_cast %broadcast_in_dim3A_345 : vector<16xf32> to vector<1x1x16xf32>
            tpu.vector_store %arg6[%swap3A_774, %swap3A_775, %swap3A_776], %swap3A_779 {strides = array<i32>} : memref<2x256x128xf32, #tpu.memory_space<vmem>>, vector<1x1x16xf32>,
            %mul3A_780 = arith.constant 16 : i32
            %mul3A_781 = arith.muli %scan3A_549, %mul3A_780 : i32
            %add3A_782 = arith.constant 9 : i32
            %add3A_783 = arith.addi %mul3A_781, %add3A_782 : i32
            %swap3A_784 = arith.constant 1 : i32
            %swap3A_785 = arith.index_cast %swap3A_784 : i32 to index
            %swap3A_786 = arith.index_cast %add3A_783 : i32 to index
            %swap3A_787 = arith.constant 112 : index
            %swap3A_788 = tpu.vector_load %arg6[%swap3A_785, %swap3A_786, %swap3A_787] {strides = array<i32>} : memref<2x256x128xf32, #tpu.memory_space<vmem>>, vector<1x1x16xf32>,
            %swap3A_789 = vector.shape_cast %swap3A_788 : vector<1x1x16xf32> to vector<16xf32>
            %swap3A_790 = vector.shape_cast %broadcast_in_dim3A_345 : vector<16xf32> to vector<1x1x16xf32>
            tpu.vector_store %arg6[%swap3A_785, %swap3A_786, %swap3A_787], %swap3A_790 {strides = array<i32>} : memref<2x256x128xf32, #tpu.memory_space<vmem>>, vector<1x1x16xf32>,
          } else {
          }
          %slice3A_661 = vector.extract_strided_slice %get3A_590 {offsets = [10], sizes = [1], strides = [1]} : vector<16xi32> to vector<1xi32>
          %squeeze3A_662 = vector.extract %slice3A_661[0] : i32 from vector<1xi32>
          %eq3A_663 = arith.constant 0 : i32
          %eq3A_664 = arith.cmpi eq, %squeeze3A_662, %eq3A_663 : i32
          %convert_element_type3A_665 = arith.extui %eq3A_664 : i1 to i32
          %cond3A_666 = arith.constant 0 : i32
          %cond3A_667 = arith.cmpi ne, %convert_element_type3A_665, %cond3A_666 : i32
          scf.if %cond3A_667 {
            %mul3A_704 = arith.constant 16 : i32
            %mul3A_705 = arith.muli %scan3A_549, %mul3A_704 : i32
            %add3A_706 = arith.constant 10 : i32
            %add3A_707 = arith.addi %mul3A_705, %add3A_706 : i32
            %swap3A = arith.constant 1 : i32
            %swap3A_708 = arith.index_cast %swap3A : i32 to index
            %swap3A_709 = arith.index_cast %add3A_707 : i32 to index
            %swap3A_710 = arith.constant 0 : index
            %swap3A_711 = tpu.vector_load %arg6[%swap3A_708, %swap3A_709, %swap3A_710] {strides = array<i32>} : memref<2x256x128xf32, #tpu.memory_space<vmem>>, vector<1x1x16xf32>,
            %swap3A_712 = vector.shape_cast %swap3A_711 : vector<1x1x16xf32> to vector<16xf32>
            %swap3A_713 = vector.shape_cast %broadcast_in_dim3A_345 : vector<16xf32> to vector<1x1x16xf32>
            tpu.vector_store %arg6[%swap3A_708, %swap3A_709, %swap3A_710], %swap3A_713 {strides = array<i32>} : memref<2x256x128xf32, #tpu.memory_space<vmem>>, vector<1x1x16xf32>,
            %mul3A_714 = arith.constant 16 : i32
            %mul3A_715 = arith.muli %scan3A_549, %mul3A_714 : i32
            %add3A_716 = arith.constant 10 : i32
            %add3A_717 = arith.addi %mul3A_715, %add3A_716 : i32
            %swap3A_718 = arith.constant 1 : i32
            %swap3A_719 = arith.index_cast %swap3A_718 : i32 to index
            %swap3A_720 = arith.index_cast %add3A_717 : i32 to index
            %swap3A_721 = arith.constant 16 : index
            %swap3A_722 = tpu.vector_load %arg6[%swap3A_719, %swap3A_720, %swap3A_721] {strides = array<i32>} : memref<2x256x128xf32, #tpu.memory_space<vmem>>, vector<1x1x16xf32>,
            %swap3A_723 = vector.shape_cast %swap3A_722 : vector<1x1x16xf32> to vector<16xf32>
            %swap3A_724 = vector.shape_cast %broadcast_in_dim3A_345 : vector<16xf32> to vector<1x1x16xf32>
            tpu.vector_store %arg6[%swap3A_719, %swap3A_720, %swap3A_721], %swap3A_724 {strides = array<i32>} : memref<2x256x128xf32, #tpu.memory_space<vmem>>, vector<1x1x16xf32>,
            %mul3A_725 = arith.constant 16 : i32
            %mul3A_726 = arith.muli %scan3A_549, %mul3A_725 : i32
            %add3A_727 = arith.constant 10 : i32
            %add3A_728 = arith.addi %mul3A_726, %add3A_727 : i32
            %swap3A_729 = arith.constant 1 : i32
            %swap3A_730 = arith.index_cast %swap3A_729 : i32 to index
            %swap3A_731 = arith.index_cast %add3A_728 : i32 to index
            %swap3A_732 = arith.constant 32 : index
            %swap3A_733 = tpu.vector_load %arg6[%swap3A_730, %swap3A_731, %swap3A_732] {strides = array<i32>} : memref<2x256x128xf32, #tpu.memory_space<vmem>>, vector<1x1x16xf32>,
            %swap3A_734 = vector.shape_cast %swap3A_733 : vector<1x1x16xf32> to vector<16xf32>
            %swap3A_735 = vector.shape_cast %broadcast_in_dim3A_345 : vector<16xf32> to vector<1x1x16xf32>
            tpu.vector_store %arg6[%swap3A_730, %swap3A_731, %swap3A_732], %swap3A_735 {strides = array<i32>} : memref<2x256x128xf32, #tpu.memory_space<vmem>>, vector<1x1x16xf32>,
            %mul3A_736 = arith.constant 16 : i32
            %mul3A_737 = arith.muli %scan3A_549, %mul3A_736 : i32
            %add3A_738 = arith.constant 10 : i32
            %add3A_739 = arith.addi %mul3A_737, %add3A_738 : i32
            %swap3A_740 = arith.constant 1 : i32
            %swap3A_741 = arith.index_cast %swap3A_740 : i32 to index
            %swap3A_742 = arith.index_cast %add3A_739 : i32 to index
            %swap3A_743 = arith.constant 48 : index
            %swap3A_744 = tpu.vector_load %arg6[%swap3A_741, %swap3A_742, %swap3A_743] {strides = array<i32>} : memref<2x256x128xf32, #tpu.memory_space<vmem>>, vector<1x1x16xf32>,
            %swap3A_745 = vector.shape_cast %swap3A_744 : vector<1x1x16xf32> to vector<16xf32>
            %swap3A_746 = vector.shape_cast %broadcast_in_dim3A_345 : vector<16xf32> to vector<1x1x16xf32>
            tpu.vector_store %arg6[%swap3A_741, %swap3A_742, %swap3A_743], %swap3A_746 {strides = array<i32>} : memref<2x256x128xf32, #tpu.memory_space<vmem>>, vector<1x1x16xf32>,
            %mul3A_747 = arith.constant 16 : i32
            %mul3A_748 = arith.muli %scan3A_549, %mul3A_747 : i32
            %add3A_749 = arith.constant 10 : i32
            %add3A_750 = arith.addi %mul3A_748, %add3A_749 : i32
            %swap3A_751 = arith.constant 1 : i32
            %swap3A_752 = arith.index_cast %swap3A_751 : i32 to index
            %swap3A_753 = arith.index_cast %add3A_750 : i32 to index
            %swap3A_754 = arith.constant 64 : index
            %swap3A_755 = tpu.vector_load %arg6[%swap3A_752, %swap3A_753, %swap3A_754] {strides = array<i32>} : memref<2x256x128xf32, #tpu.memory_space<vmem>>, vector<1x1x16xf32>,
            %swap3A_756 = vector.shape_cast %swap3A_755 : vector<1x1x16xf32> to vector<16xf32>
            %swap3A_757 = vector.shape_cast %broadcast_in_dim3A_345 : vector<16xf32> to vector<1x1x16xf32>
            tpu.vector_store %arg6[%swap3A_752, %swap3A_753, %swap3A_754], %swap3A_757 {strides = array<i32>} : memref<2x256x128xf32, #tpu.memory_space<vmem>>, vector<1x1x16xf32>,
            %mul3A_758 = arith.constant 16 : i32
            %mul3A_759 = arith.muli %scan3A_549, %mul3A_758 : i32
            %add3A_760 = arith.constant 10 : i32
            %add3A_761 = arith.addi %mul3A_759, %add3A_760 : i32
            %swap3A_762 = arith.constant 1 : i32
            %swap3A_763 = arith.index_cast %swap3A_762 : i32 to index
            %swap3A_764 = arith.index_cast %add3A_761 : i32 to index
            %swap3A_765 = arith.constant 80 : index
            %swap3A_766 = tpu.vector_load %arg6[%swap3A_763, %swap3A_764, %swap3A_765] {strides = array<i32>} : memref<2x256x128xf32, #tpu.memory_space<vmem>>, vector<1x1x16xf32>,
            %swap3A_767 = vector.shape_cast %swap3A_766 : vector<1x1x16xf32> to vector<16xf32>
            %swap3A_768 = vector.shape_cast %broadcast_in_dim3A_345 : vector<16xf32> to vector<1x1x16xf32>
            tpu.vector_store %arg6[%swap3A_763, %swap3A_764, %swap3A_765], %swap3A_768 {strides = array<i32>} : memref<2x256x128xf32, #tpu.memory_space<vmem>>, vector<1x1x16xf32>,
            %mul3A_769 = arith.constant 16 : i32
            %mul3A_770 = arith.muli %scan3A_549, %mul3A_769 : i32
            %add3A_771 = arith.constant 10 : i32
            %add3A_772 = arith.addi %mul3A_770, %add3A_771 : i32
            %swap3A_773 = arith.constant 1 : i32
            %swap3A_774 = arith.index_cast %swap3A_773 : i32 to index
            %swap3A_775 = arith.index_cast %add3A_772 : i32 to index
            %swap3A_776 = arith.constant 96 : index
            %swap3A_777 = tpu.vector_load %arg6[%swap3A_774, %swap3A_775, %swap3A_776] {strides = array<i32>} : memref<2x256x128xf32, #tpu.memory_space<vmem>>, vector<1x1x16xf32>,
            %swap3A_778 = vector.shape_cast %swap3A_777 : vector<1x1x16xf32> to vector<16xf32>
            %swap3A_779 = vector.shape_cast %broadcast_in_dim3A_345 : vector<16xf32> to vector<1x1x16xf32>
            tpu.vector_store %arg6[%swap3A_774, %swap3A_775, %swap3A_776], %swap3A_779 {strides = array<i32>} : memref<2x256x128xf32, #tpu.memory_space<vmem>>, vector<1x1x16xf32>,
            %mul3A_780 = arith.constant 16 : i32
            %mul3A_781 = arith.muli %scan3A_549, %mul3A_780 : i32
            %add3A_782 = arith.constant 10 : i32
            %add3A_783 = arith.addi %mul3A_781, %add3A_782 : i32
            %swap3A_784 = arith.constant 1 : i32
            %swap3A_785 = arith.index_cast %swap3A_784 : i32 to index
            %swap3A_786 = arith.index_cast %add3A_783 : i32 to index
            %swap3A_787 = arith.constant 112 : index
            %swap3A_788 = tpu.vector_load %arg6[%swap3A_785, %swap3A_786, %swap3A_787] {strides = array<i32>} : memref<2x256x128xf32, #tpu.memory_space<vmem>>, vector<1x1x16xf32>,
            %swap3A_789 = vector.shape_cast %swap3A_788 : vector<1x1x16xf32> to vector<16xf32>
            %swap3A_790 = vector.shape_cast %broadcast_in_dim3A_345 : vector<16xf32> to vector<1x1x16xf32>
            tpu.vector_store %arg6[%swap3A_785, %swap3A_786, %swap3A_787], %swap3A_790 {strides = array<i32>} : memref<2x256x128xf32, #tpu.memory_space<vmem>>, vector<1x1x16xf32>,
          } else {
          }
          %slice3A_668 = vector.extract_strided_slice %get3A_590 {offsets = [11], sizes = [1], strides = [1]} : vector<16xi32> to vector<1xi32>
          %squeeze3A_669 = vector.extract %slice3A_668[0] : i32 from vector<1xi32>
          %eq3A_670 = arith.constant 0 : i32
          %eq3A_671 = arith.cmpi eq, %squeeze3A_669, %eq3A_670 : i32
          %convert_element_type3A_672 = arith.extui %eq3A_671 : i1 to i32
          %cond3A_673 = arith.constant 0 : i32
          %cond3A_674 = arith.cmpi ne, %convert_element_type3A_672, %cond3A_673 : i32
          scf.if %cond3A_674 {
            %mul3A_704 = arith.constant 16 : i32
            %mul3A_705 = arith.muli %scan3A_549, %mul3A_704 : i32
            %add3A_706 = arith.constant 11 : i32
            %add3A_707 = arith.addi %mul3A_705, %add3A_706 : i32
            %swap3A = arith.constant 1 : i32
            %swap3A_708 = arith.index_cast %swap3A : i32 to index
            %swap3A_709 = arith.index_cast %add3A_707 : i32 to index
            %swap3A_710 = arith.constant 0 : index
            %swap3A_711 = tpu.vector_load %arg6[%swap3A_708, %swap3A_709, %swap3A_710] {strides = array<i32>} : memref<2x256x128xf32, #tpu.memory_space<vmem>>, vector<1x1x16xf32>,
            %swap3A_712 = vector.shape_cast %swap3A_711 : vector<1x1x16xf32> to vector<16xf32>
            %swap3A_713 = vector.shape_cast %broadcast_in_dim3A_345 : vector<16xf32> to vector<1x1x16xf32>
            tpu.vector_store %arg6[%swap3A_708, %swap3A_709, %swap3A_710], %swap3A_713 {strides = array<i32>} : memref<2x256x128xf32, #tpu.memory_space<vmem>>, vector<1x1x16xf32>,
            %mul3A_714 = arith.constant 16 : i32
            %mul3A_715 = arith.muli %scan3A_549, %mul3A_714 : i32
            %add3A_716 = arith.constant 11 : i32
            %add3A_717 = arith.addi %mul3A_715, %add3A_716 : i32
            %swap3A_718 = arith.constant 1 : i32
            %swap3A_719 = arith.index_cast %swap3A_718 : i32 to index
            %swap3A_720 = arith.index_cast %add3A_717 : i32 to index
            %swap3A_721 = arith.constant 16 : index
            %swap3A_722 = tpu.vector_load %arg6[%swap3A_719, %swap3A_720, %swap3A_721] {strides = array<i32>} : memref<2x256x128xf32, #tpu.memory_space<vmem>>, vector<1x1x16xf32>,
            %swap3A_723 = vector.shape_cast %swap3A_722 : vector<1x1x16xf32> to vector<16xf32>
            %swap3A_724 = vector.shape_cast %broadcast_in_dim3A_345 : vector<16xf32> to vector<1x1x16xf32>
            tpu.vector_store %arg6[%swap3A_719, %swap3A_720, %swap3A_721], %swap3A_724 {strides = array<i32>} : memref<2x256x128xf32, #tpu.memory_space<vmem>>, vector<1x1x16xf32>,
            %mul3A_725 = arith.constant 16 : i32
            %mul3A_726 = arith.muli %scan3A_549, %mul3A_725 : i32
            %add3A_727 = arith.constant 11 : i32
            %add3A_728 = arith.addi %mul3A_726, %add3A_727 : i32
            %swap3A_729 = arith.constant 1 : i32
            %swap3A_730 = arith.index_cast %swap3A_729 : i32 to index
            %swap3A_731 = arith.index_cast %add3A_728 : i32 to index
            %swap3A_732 = arith.constant 32 : index
            %swap3A_733 = tpu.vector_load %arg6[%swap3A_730, %swap3A_731, %swap3A_732] {strides = array<i32>} : memref<2x256x128xf32, #tpu.memory_space<vmem>>, vector<1x1x16xf32>,
            %swap3A_734 = vector.shape_cast %swap3A_733 : vector<1x1x16xf32> to vector<16xf32>
            %swap3A_735 = vector.shape_cast %broadcast_in_dim3A_345 : vector<16xf32> to vector<1x1x16xf32>
            tpu.vector_store %arg6[%swap3A_730, %swap3A_731, %swap3A_732], %swap3A_735 {strides = array<i32>} : memref<2x256x128xf32, #tpu.memory_space<vmem>>, vector<1x1x16xf32>,
            %mul3A_736 = arith.constant 16 : i32
            %mul3A_737 = arith.muli %scan3A_549, %mul3A_736 : i32
            %add3A_738 = arith.constant 11 : i32
            %add3A_739 = arith.addi %mul3A_737, %add3A_738 : i32
            %swap3A_740 = arith.constant 1 : i32
            %swap3A_741 = arith.index_cast %swap3A_740 : i32 to index
            %swap3A_742 = arith.index_cast %add3A_739 : i32 to index
            %swap3A_743 = arith.constant 48 : index
            %swap3A_744 = tpu.vector_load %arg6[%swap3A_741, %swap3A_742, %swap3A_743] {strides = array<i32>} : memref<2x256x128xf32, #tpu.memory_space<vmem>>, vector<1x1x16xf32>,
            %swap3A_745 = vector.shape_cast %swap3A_744 : vector<1x1x16xf32> to vector<16xf32>
            %swap3A_746 = vector.shape_cast %broadcast_in_dim3A_345 : vector<16xf32> to vector<1x1x16xf32>
            tpu.vector_store %arg6[%swap3A_741, %swap3A_742, %swap3A_743], %swap3A_746 {strides = array<i32>} : memref<2x256x128xf32, #tpu.memory_space<vmem>>, vector<1x1x16xf32>,
            %mul3A_747 = arith.constant 16 : i32
            %mul3A_748 = arith.muli %scan3A_549, %mul3A_747 : i32
            %add3A_749 = arith.constant 11 : i32
            %add3A_750 = arith.addi %mul3A_748, %add3A_749 : i32
            %swap3A_751 = arith.constant 1 : i32
            %swap3A_752 = arith.index_cast %swap3A_751 : i32 to index
            %swap3A_753 = arith.index_cast %add3A_750 : i32 to index
            %swap3A_754 = arith.constant 64 : index
            %swap3A_755 = tpu.vector_load %arg6[%swap3A_752, %swap3A_753, %swap3A_754] {strides = array<i32>} : memref<2x256x128xf32, #tpu.memory_space<vmem>>, vector<1x1x16xf32>,
            %swap3A_756 = vector.shape_cast %swap3A_755 : vector<1x1x16xf32> to vector<16xf32>
            %swap3A_757 = vector.shape_cast %broadcast_in_dim3A_345 : vector<16xf32> to vector<1x1x16xf32>
            tpu.vector_store %arg6[%swap3A_752, %swap3A_753, %swap3A_754], %swap3A_757 {strides = array<i32>} : memref<2x256x128xf32, #tpu.memory_space<vmem>>, vector<1x1x16xf32>,
            %mul3A_758 = arith.constant 16 : i32
            %mul3A_759 = arith.muli %scan3A_549, %mul3A_758 : i32
            %add3A_760 = arith.constant 11 : i32
            %add3A_761 = arith.addi %mul3A_759, %add3A_760 : i32
            %swap3A_762 = arith.constant 1 : i32
            %swap3A_763 = arith.index_cast %swap3A_762 : i32 to index
            %swap3A_764 = arith.index_cast %add3A_761 : i32 to index
            %swap3A_765 = arith.constant 80 : index
            %swap3A_766 = tpu.vector_load %arg6[%swap3A_763, %swap3A_764, %swap3A_765] {strides = array<i32>} : memref<2x256x128xf32, #tpu.memory_space<vmem>>, vector<1x1x16xf32>,
            %swap3A_767 = vector.shape_cast %swap3A_766 : vector<1x1x16xf32> to vector<16xf32>
            %swap3A_768 = vector.shape_cast %broadcast_in_dim3A_345 : vector<16xf32> to vector<1x1x16xf32>
            tpu.vector_store %arg6[%swap3A_763, %swap3A_764, %swap3A_765], %swap3A_768 {strides = array<i32>} : memref<2x256x128xf32, #tpu.memory_space<vmem>>, vector<1x1x16xf32>,
            %mul3A_769 = arith.constant 16 : i32
            %mul3A_770 = arith.muli %scan3A_549, %mul3A_769 : i32
            %add3A_771 = arith.constant 11 : i32
            %add3A_772 = arith.addi %mul3A_770, %add3A_771 : i32
            %swap3A_773 = arith.constant 1 : i32
            %swap3A_774 = arith.index_cast %swap3A_773 : i32 to index
            %swap3A_775 = arith.index_cast %add3A_772 : i32 to index
            %swap3A_776 = arith.constant 96 : index
            %swap3A_777 = tpu.vector_load %arg6[%swap3A_774, %swap3A_775, %swap3A_776] {strides = array<i32>} : memref<2x256x128xf32, #tpu.memory_space<vmem>>, vector<1x1x16xf32>,
            %swap3A_778 = vector.shape_cast %swap3A_777 : vector<1x1x16xf32> to vector<16xf32>
            %swap3A_779 = vector.shape_cast %broadcast_in_dim3A_345 : vector<16xf32> to vector<1x1x16xf32>
            tpu.vector_store %arg6[%swap3A_774, %swap3A_775, %swap3A_776], %swap3A_779 {strides = array<i32>} : memref<2x256x128xf32, #tpu.memory_space<vmem>>, vector<1x1x16xf32>,
            %mul3A_780 = arith.constant 16 : i32
            %mul3A_781 = arith.muli %scan3A_549, %mul3A_780 : i32
            %add3A_782 = arith.constant 11 : i32
            %add3A_783 = arith.addi %mul3A_781, %add3A_782 : i32
            %swap3A_784 = arith.constant 1 : i32
            %swap3A_785 = arith.index_cast %swap3A_784 : i32 to index
            %swap3A_786 = arith.index_cast %add3A_783 : i32 to index
            %swap3A_787 = arith.constant 112 : index
            %swap3A_788 = tpu.vector_load %arg6[%swap3A_785, %swap3A_786, %swap3A_787] {strides = array<i32>} : memref<2x256x128xf32, #tpu.memory_space<vmem>>, vector<1x1x16xf32>,
            %swap3A_789 = vector.shape_cast %swap3A_788 : vector<1x1x16xf32> to vector<16xf32>
            %swap3A_790 = vector.shape_cast %broadcast_in_dim3A_345 : vector<16xf32> to vector<1x1x16xf32>
            tpu.vector_store %arg6[%swap3A_785, %swap3A_786, %swap3A_787], %swap3A_790 {strides = array<i32>} : memref<2x256x128xf32, #tpu.memory_space<vmem>>, vector<1x1x16xf32>,
          } else {
          }
          %slice3A_675 = vector.extract_strided_slice %get3A_590 {offsets = [12], sizes = [1], strides = [1]} : vector<16xi32> to vector<1xi32>
          %squeeze3A_676 = vector.extract %slice3A_675[0] : i32 from vector<1xi32>
          %eq3A_677 = arith.constant 0 : i32
          %eq3A_678 = arith.cmpi eq, %squeeze3A_676, %eq3A_677 : i32
          %convert_element_type3A_679 = arith.extui %eq3A_678 : i1 to i32
          %cond3A_680 = arith.constant 0 : i32
          %cond3A_681 = arith.cmpi ne, %convert_element_type3A_679, %cond3A_680 : i32
          scf.if %cond3A_681 {
            %mul3A_704 = arith.constant 16 : i32
            %mul3A_705 = arith.muli %scan3A_549, %mul3A_704 : i32
            %add3A_706 = arith.constant 12 : i32
            %add3A_707 = arith.addi %mul3A_705, %add3A_706 : i32
            %swap3A = arith.constant 1 : i32
            %swap3A_708 = arith.index_cast %swap3A : i32 to index
            %swap3A_709 = arith.index_cast %add3A_707 : i32 to index
            %swap3A_710 = arith.constant 0 : index
            %swap3A_711 = tpu.vector_load %arg6[%swap3A_708, %swap3A_709, %swap3A_710] {strides = array<i32>} : memref<2x256x128xf32, #tpu.memory_space<vmem>>, vector<1x1x16xf32>,
            %swap3A_712 = vector.shape_cast %swap3A_711 : vector<1x1x16xf32> to vector<16xf32>
            %swap3A_713 = vector.shape_cast %broadcast_in_dim3A_345 : vector<16xf32> to vector<1x1x16xf32>
            tpu.vector_store %arg6[%swap3A_708, %swap3A_709, %swap3A_710], %swap3A_713 {strides = array<i32>} : memref<2x256x128xf32, #tpu.memory_space<vmem>>, vector<1x1x16xf32>,
            %mul3A_714 = arith.constant 16 : i32
            %mul3A_715 = arith.muli %scan3A_549, %mul3A_714 : i32
            %add3A_716 = arith.constant 12 : i32
            %add3A_717 = arith.addi %mul3A_715, %add3A_716 : i32
            %swap3A_718 = arith.constant 1 : i32
            %swap3A_719 = arith.index_cast %swap3A_718 : i32 to index
            %swap3A_720 = arith.index_cast %add3A_717 : i32 to index
            %swap3A_721 = arith.constant 16 : index
            %swap3A_722 = tpu.vector_load %arg6[%swap3A_719, %swap3A_720, %swap3A_721] {strides = array<i32>} : memref<2x256x128xf32, #tpu.memory_space<vmem>>, vector<1x1x16xf32>,
            %swap3A_723 = vector.shape_cast %swap3A_722 : vector<1x1x16xf32> to vector<16xf32>
            %swap3A_724 = vector.shape_cast %broadcast_in_dim3A_345 : vector<16xf32> to vector<1x1x16xf32>
            tpu.vector_store %arg6[%swap3A_719, %swap3A_720, %swap3A_721], %swap3A_724 {strides = array<i32>} : memref<2x256x128xf32, #tpu.memory_space<vmem>>, vector<1x1x16xf32>,
            %mul3A_725 = arith.constant 16 : i32
            %mul3A_726 = arith.muli %scan3A_549, %mul3A_725 : i32
            %add3A_727 = arith.constant 12 : i32
            %add3A_728 = arith.addi %mul3A_726, %add3A_727 : i32
            %swap3A_729 = arith.constant 1 : i32
            %swap3A_730 = arith.index_cast %swap3A_729 : i32 to index
            %swap3A_731 = arith.index_cast %add3A_728 : i32 to index
            %swap3A_732 = arith.constant 32 : index
            %swap3A_733 = tpu.vector_load %arg6[%swap3A_730, %swap3A_731, %swap3A_732] {strides = array<i32>} : memref<2x256x128xf32, #tpu.memory_space<vmem>>, vector<1x1x16xf32>,
            %swap3A_734 = vector.shape_cast %swap3A_733 : vector<1x1x16xf32> to vector<16xf32>
            %swap3A_735 = vector.shape_cast %broadcast_in_dim3A_345 : vector<16xf32> to vector<1x1x16xf32>
            tpu.vector_store %arg6[%swap3A_730, %swap3A_731, %swap3A_732], %swap3A_735 {strides = array<i32>} : memref<2x256x128xf32, #tpu.memory_space<vmem>>, vector<1x1x16xf32>,
            %mul3A_736 = arith.constant 16 : i32
            %mul3A_737 = arith.muli %scan3A_549, %mul3A_736 : i32
            %add3A_738 = arith.constant 12 : i32
            %add3A_739 = arith.addi %mul3A_737, %add3A_738 : i32
            %swap3A_740 = arith.constant 1 : i32
            %swap3A_741 = arith.index_cast %swap3A_740 : i32 to index
            %swap3A_742 = arith.index_cast %add3A_739 : i32 to index
            %swap3A_743 = arith.constant 48 : index
            %swap3A_744 = tpu.vector_load %arg6[%swap3A_741, %swap3A_742, %swap3A_743] {strides = array<i32>} : memref<2x256x128xf32, #tpu.memory_space<vmem>>, vector<1x1x16xf32>,
            %swap3A_745 = vector.shape_cast %swap3A_744 : vector<1x1x16xf32> to vector<16xf32>
            %swap3A_746 = vector.shape_cast %broadcast_in_dim3A_345 : vector<16xf32> to vector<1x1x16xf32>
            tpu.vector_store %arg6[%swap3A_741, %swap3A_742, %swap3A_743], %swap3A_746 {strides = array<i32>} : memref<2x256x128xf32, #tpu.memory_space<vmem>>, vector<1x1x16xf32>,
            %mul3A_747 = arith.constant 16 : i32
            %mul3A_748 = arith.muli %scan3A_549, %mul3A_747 : i32
            %add3A_749 = arith.constant 12 : i32
            %add3A_750 = arith.addi %mul3A_748, %add3A_749 : i32
            %swap3A_751 = arith.constant 1 : i32
            %swap3A_752 = arith.index_cast %swap3A_751 : i32 to index
            %swap3A_753 = arith.index_cast %add3A_750 : i32 to index
            %swap3A_754 = arith.constant 64 : index
            %swap3A_755 = tpu.vector_load %arg6[%swap3A_752, %swap3A_753, %swap3A_754] {strides = array<i32>} : memref<2x256x128xf32, #tpu.memory_space<vmem>>, vector<1x1x16xf32>,
            %swap3A_756 = vector.shape_cast %swap3A_755 : vector<1x1x16xf32> to vector<16xf32>
            %swap3A_757 = vector.shape_cast %broadcast_in_dim3A_345 : vector<16xf32> to vector<1x1x16xf32>
            tpu.vector_store %arg6[%swap3A_752, %swap3A_753, %swap3A_754], %swap3A_757 {strides = array<i32>} : memref<2x256x128xf32, #tpu.memory_space<vmem>>, vector<1x1x16xf32>,
            %mul3A_758 = arith.constant 16 : i32
            %mul3A_759 = arith.muli %scan3A_549, %mul3A_758 : i32
            %add3A_760 = arith.constant 12 : i32
            %add3A_761 = arith.addi %mul3A_759, %add3A_760 : i32
            %swap3A_762 = arith.constant 1 : i32
            %swap3A_763 = arith.index_cast %swap3A_762 : i32 to index
            %swap3A_764 = arith.index_cast %add3A_761 : i32 to index
            %swap3A_765 = arith.constant 80 : index
            %swap3A_766 = tpu.vector_load %arg6[%swap3A_763, %swap3A_764, %swap3A_765] {strides = array<i32>} : memref<2x256x128xf32, #tpu.memory_space<vmem>>, vector<1x1x16xf32>,
            %swap3A_767 = vector.shape_cast %swap3A_766 : vector<1x1x16xf32> to vector<16xf32>
            %swap3A_768 = vector.shape_cast %broadcast_in_dim3A_345 : vector<16xf32> to vector<1x1x16xf32>
            tpu.vector_store %arg6[%swap3A_763, %swap3A_764, %swap3A_765], %swap3A_768 {strides = array<i32>} : memref<2x256x128xf32, #tpu.memory_space<vmem>>, vector<1x1x16xf32>,
            %mul3A_769 = arith.constant 16 : i32
            %mul3A_770 = arith.muli %scan3A_549, %mul3A_769 : i32
            %add3A_771 = arith.constant 12 : i32
            %add3A_772 = arith.addi %mul3A_770, %add3A_771 : i32
            %swap3A_773 = arith.constant 1 : i32
            %swap3A_774 = arith.index_cast %swap3A_773 : i32 to index
            %swap3A_775 = arith.index_cast %add3A_772 : i32 to index
            %swap3A_776 = arith.constant 96 : index
            %swap3A_777 = tpu.vector_load %arg6[%swap3A_774, %swap3A_775, %swap3A_776] {strides = array<i32>} : memref<2x256x128xf32, #tpu.memory_space<vmem>>, vector<1x1x16xf32>,
            %swap3A_778 = vector.shape_cast %swap3A_777 : vector<1x1x16xf32> to vector<16xf32>
            %swap3A_779 = vector.shape_cast %broadcast_in_dim3A_345 : vector<16xf32> to vector<1x1x16xf32>
            tpu.vector_store %arg6[%swap3A_774, %swap3A_775, %swap3A_776], %swap3A_779 {strides = array<i32>} : memref<2x256x128xf32, #tpu.memory_space<vmem>>, vector<1x1x16xf32>,
            %mul3A_780 = arith.constant 16 : i32
            %mul3A_781 = arith.muli %scan3A_549, %mul3A_780 : i32
            %add3A_782 = arith.constant 12 : i32
            %add3A_783 = arith.addi %mul3A_781, %add3A_782 : i32
            %swap3A_784 = arith.constant 1 : i32
            %swap3A_785 = arith.index_cast %swap3A_784 : i32 to index
            %swap3A_786 = arith.index_cast %add3A_783 : i32 to index
            %swap3A_787 = arith.constant 112 : index
            %swap3A_788 = tpu.vector_load %arg6[%swap3A_785, %swap3A_786, %swap3A_787] {strides = array<i32>} : memref<2x256x128xf32, #tpu.memory_space<vmem>>, vector<1x1x16xf32>,
            %swap3A_789 = vector.shape_cast %swap3A_788 : vector<1x1x16xf32> to vector<16xf32>
            %swap3A_790 = vector.shape_cast %broadcast_in_dim3A_345 : vector<16xf32> to vector<1x1x16xf32>
            tpu.vector_store %arg6[%swap3A_785, %swap3A_786, %swap3A_787], %swap3A_790 {strides = array<i32>} : memref<2x256x128xf32, #tpu.memory_space<vmem>>, vector<1x1x16xf32>,
          } else {
          }
          %slice3A_682 = vector.extract_strided_slice %get3A_590 {offsets = [13], sizes = [1], strides = [1]} : vector<16xi32> to vector<1xi32>
          %squeeze3A_683 = vector.extract %slice3A_682[0] : i32 from vector<1xi32>
          %eq3A_684 = arith.constant 0 : i32
          %eq3A_685 = arith.cmpi eq, %squeeze3A_683, %eq3A_684 : i32
          %convert_element_type3A_686 = arith.extui %eq3A_685 : i1 to i32
          %cond3A_687 = arith.constant 0 : i32
          %cond3A_688 = arith.cmpi ne, %convert_element_type3A_686, %cond3A_687 : i32
          scf.if %cond3A_688 {
            %mul3A_704 = arith.constant 16 : i32
            %mul3A_705 = arith.muli %scan3A_549, %mul3A_704 : i32
            %add3A_706 = arith.constant 13 : i32
            %add3A_707 = arith.addi %mul3A_705, %add3A_706 : i32
            %swap3A = arith.constant 1 : i32
            %swap3A_708 = arith.index_cast %swap3A : i32 to index
            %swap3A_709 = arith.index_cast %add3A_707 : i32 to index
            %swap3A_710 = arith.constant 0 : index
            %swap3A_711 = tpu.vector_load %arg6[%swap3A_708, %swap3A_709, %swap3A_710] {strides = array<i32>} : memref<2x256x128xf32, #tpu.memory_space<vmem>>, vector<1x1x16xf32>,
            %swap3A_712 = vector.shape_cast %swap3A_711 : vector<1x1x16xf32> to vector<16xf32>
            %swap3A_713 = vector.shape_cast %broadcast_in_dim3A_345 : vector<16xf32> to vector<1x1x16xf32>
            tpu.vector_store %arg6[%swap3A_708, %swap3A_709, %swap3A_710], %swap3A_713 {strides = array<i32>} : memref<2x256x128xf32, #tpu.memory_space<vmem>>, vector<1x1x16xf32>,
            %mul3A_714 = arith.constant 16 : i32
            %mul3A_715 = arith.muli %scan3A_549, %mul3A_714 : i32
            %add3A_716 = arith.constant 13 : i32
            %add3A_717 = arith.addi %mul3A_715, %add3A_716 : i32
            %swap3A_718 = arith.constant 1 : i32
            %swap3A_719 = arith.index_cast %swap3A_718 : i32 to index
            %swap3A_720 = arith.index_cast %add3A_717 : i32 to index
            %swap3A_721 = arith.constant 16 : index
            %swap3A_722 = tpu.vector_load %arg6[%swap3A_719, %swap3A_720, %swap3A_721] {strides = array<i32>} : memref<2x256x128xf32, #tpu.memory_space<vmem>>, vector<1x1x16xf32>,
            %swap3A_723 = vector.shape_cast %swap3A_722 : vector<1x1x16xf32> to vector<16xf32>
            %swap3A_724 = vector.shape_cast %broadcast_in_dim3A_345 : vector<16xf32> to vector<1x1x16xf32>
            tpu.vector_store %arg6[%swap3A_719, %swap3A_720, %swap3A_721], %swap3A_724 {strides = array<i32>} : memref<2x256x128xf32, #tpu.memory_space<vmem>>, vector<1x1x16xf32>,
            %mul3A_725 = arith.constant 16 : i32
            %mul3A_726 = arith.muli %scan3A_549, %mul3A_725 : i32
            %add3A_727 = arith.constant 13 : i32
            %add3A_728 = arith.addi %mul3A_726, %add3A_727 : i32
            %swap3A_729 = arith.constant 1 : i32
            %swap3A_730 = arith.index_cast %swap3A_729 : i32 to index
            %swap3A_731 = arith.index_cast %add3A_728 : i32 to index
            %swap3A_732 = arith.constant 32 : index
            %swap3A_733 = tpu.vector_load %arg6[%swap3A_730, %swap3A_731, %swap3A_732] {strides = array<i32>} : memref<2x256x128xf32, #tpu.memory_space<vmem>>, vector<1x1x16xf32>,
            %swap3A_734 = vector.shape_cast %swap3A_733 : vector<1x1x16xf32> to vector<16xf32>
            %swap3A_735 = vector.shape_cast %broadcast_in_dim3A_345 : vector<16xf32> to vector<1x1x16xf32>
            tpu.vector_store %arg6[%swap3A_730, %swap3A_731, %swap3A_732], %swap3A_735 {strides = array<i32>} : memref<2x256x128xf32, #tpu.memory_space<vmem>>, vector<1x1x16xf32>,
            %mul3A_736 = arith.constant 16 : i32
            %mul3A_737 = arith.muli %scan3A_549, %mul3A_736 : i32
            %add3A_738 = arith.constant 13 : i32
            %add3A_739 = arith.addi %mul3A_737, %add3A_738 : i32
            %swap3A_740 = arith.constant 1 : i32
            %swap3A_741 = arith.index_cast %swap3A_740 : i32 to index
            %swap3A_742 = arith.index_cast %add3A_739 : i32 to index
            %swap3A_743 = arith.constant 48 : index
            %swap3A_744 = tpu.vector_load %arg6[%swap3A_741, %swap3A_742, %swap3A_743] {strides = array<i32>} : memref<2x256x128xf32, #tpu.memory_space<vmem>>, vector<1x1x16xf32>,
            %swap3A_745 = vector.shape_cast %swap3A_744 : vector<1x1x16xf32> to vector<16xf32>
            %swap3A_746 = vector.shape_cast %broadcast_in_dim3A_345 : vector<16xf32> to vector<1x1x16xf32>
            tpu.vector_store %arg6[%swap3A_741, %swap3A_742, %swap3A_743], %swap3A_746 {strides = array<i32>} : memref<2x256x128xf32, #tpu.memory_space<vmem>>, vector<1x1x16xf32>,
            %mul3A_747 = arith.constant 16 : i32
            %mul3A_748 = arith.muli %scan3A_549, %mul3A_747 : i32
            %add3A_749 = arith.constant 13 : i32
            %add3A_750 = arith.addi %mul3A_748, %add3A_749 : i32
            %swap3A_751 = arith.constant 1 : i32
            %swap3A_752 = arith.index_cast %swap3A_751 : i32 to index
            %swap3A_753 = arith.index_cast %add3A_750 : i32 to index
            %swap3A_754 = arith.constant 64 : index
            %swap3A_755 = tpu.vector_load %arg6[%swap3A_752, %swap3A_753, %swap3A_754] {strides = array<i32>} : memref<2x256x128xf32, #tpu.memory_space<vmem>>, vector<1x1x16xf32>,
            %swap3A_756 = vector.shape_cast %swap3A_755 : vector<1x1x16xf32> to vector<16xf32>
            %swap3A_757 = vector.shape_cast %broadcast_in_dim3A_345 : vector<16xf32> to vector<1x1x16xf32>
            tpu.vector_store %arg6[%swap3A_752, %swap3A_753, %swap3A_754], %swap3A_757 {strides = array<i32>} : memref<2x256x128xf32, #tpu.memory_space<vmem>>, vector<1x1x16xf32>,
            %mul3A_758 = arith.constant 16 : i32
            %mul3A_759 = arith.muli %scan3A_549, %mul3A_758 : i32
            %add3A_760 = arith.constant 13 : i32
            %add3A_761 = arith.addi %mul3A_759, %add3A_760 : i32
            %swap3A_762 = arith.constant 1 : i32
            %swap3A_763 = arith.index_cast %swap3A_762 : i32 to index
            %swap3A_764 = arith.index_cast %add3A_761 : i32 to index
            %swap3A_765 = arith.constant 80 : index
            %swap3A_766 = tpu.vector_load %arg6[%swap3A_763, %swap3A_764, %swap3A_765] {strides = array<i32>} : memref<2x256x128xf32, #tpu.memory_space<vmem>>, vector<1x1x16xf32>,
            %swap3A_767 = vector.shape_cast %swap3A_766 : vector<1x1x16xf32> to vector<16xf32>
            %swap3A_768 = vector.shape_cast %broadcast_in_dim3A_345 : vector<16xf32> to vector<1x1x16xf32>
            tpu.vector_store %arg6[%swap3A_763, %swap3A_764, %swap3A_765], %swap3A_768 {strides = array<i32>} : memref<2x256x128xf32, #tpu.memory_space<vmem>>, vector<1x1x16xf32>,
            %mul3A_769 = arith.constant 16 : i32
            %mul3A_770 = arith.muli %scan3A_549, %mul3A_769 : i32
            %add3A_771 = arith.constant 13 : i32
            %add3A_772 = arith.addi %mul3A_770, %add3A_771 : i32
            %swap3A_773 = arith.constant 1 : i32
            %swap3A_774 = arith.index_cast %swap3A_773 : i32 to index
            %swap3A_775 = arith.index_cast %add3A_772 : i32 to index
            %swap3A_776 = arith.constant 96 : index
            %swap3A_777 = tpu.vector_load %arg6[%swap3A_774, %swap3A_775, %swap3A_776] {strides = array<i32>} : memref<2x256x128xf32, #tpu.memory_space<vmem>>, vector<1x1x16xf32>,
            %swap3A_778 = vector.shape_cast %swap3A_777 : vector<1x1x16xf32> to vector<16xf32>
            %swap3A_779 = vector.shape_cast %broadcast_in_dim3A_345 : vector<16xf32> to vector<1x1x16xf32>
            tpu.vector_store %arg6[%swap3A_774, %swap3A_775, %swap3A_776], %swap3A_779 {strides = array<i32>} : memref<2x256x128xf32, #tpu.memory_space<vmem>>, vector<1x1x16xf32>,
            %mul3A_780 = arith.constant 16 : i32
            %mul3A_781 = arith.muli %scan3A_549, %mul3A_780 : i32
            %add3A_782 = arith.constant 13 : i32
            %add3A_783 = arith.addi %mul3A_781, %add3A_782 : i32
            %swap3A_784 = arith.constant 1 : i32
            %swap3A_785 = arith.index_cast %swap3A_784 : i32 to index
            %swap3A_786 = arith.index_cast %add3A_783 : i32 to index
            %swap3A_787 = arith.constant 112 : index
            %swap3A_788 = tpu.vector_load %arg6[%swap3A_785, %swap3A_786, %swap3A_787] {strides = array<i32>} : memref<2x256x128xf32, #tpu.memory_space<vmem>>, vector<1x1x16xf32>,
            %swap3A_789 = vector.shape_cast %swap3A_788 : vector<1x1x16xf32> to vector<16xf32>
            %swap3A_790 = vector.shape_cast %broadcast_in_dim3A_345 : vector<16xf32> to vector<1x1x16xf32>
            tpu.vector_store %arg6[%swap3A_785, %swap3A_786, %swap3A_787], %swap3A_790 {strides = array<i32>} : memref<2x256x128xf32, #tpu.memory_space<vmem>>, vector<1x1x16xf32>,
          } else {
          }
          %slice3A_689 = vector.extract_strided_slice %get3A_590 {offsets = [14], sizes = [1], strides = [1]} : vector<16xi32> to vector<1xi32>
          %squeeze3A_690 = vector.extract %slice3A_689[0] : i32 from vector<1xi32>
          %eq3A_691 = arith.constant 0 : i32
          %eq3A_692 = arith.cmpi eq, %squeeze3A_690, %eq3A_691 : i32
          %convert_element_type3A_693 = arith.extui %eq3A_692 : i1 to i32
          %cond3A_694 = arith.constant 0 : i32
          %cond3A_695 = arith.cmpi ne, %convert_element_type3A_693, %cond3A_694 : i32
          scf.if %cond3A_695 {
            %mul3A_704 = arith.constant 16 : i32
            %mul3A_705 = arith.muli %scan3A_549, %mul3A_704 : i32
            %add3A_706 = arith.constant 14 : i32
            %add3A_707 = arith.addi %mul3A_705, %add3A_706 : i32
            %swap3A = arith.constant 1 : i32
            %swap3A_708 = arith.index_cast %swap3A : i32 to index
            %swap3A_709 = arith.index_cast %add3A_707 : i32 to index
            %swap3A_710 = arith.constant 0 : index
            %swap3A_711 = tpu.vector_load %arg6[%swap3A_708, %swap3A_709, %swap3A_710] {strides = array<i32>} : memref<2x256x128xf32, #tpu.memory_space<vmem>>, vector<1x1x16xf32>,
            %swap3A_712 = vector.shape_cast %swap3A_711 : vector<1x1x16xf32> to vector<16xf32>
            %swap3A_713 = vector.shape_cast %broadcast_in_dim3A_345 : vector<16xf32> to vector<1x1x16xf32>
            tpu.vector_store %arg6[%swap3A_708, %swap3A_709, %swap3A_710], %swap3A_713 {strides = array<i32>} : memref<2x256x128xf32, #tpu.memory_space<vmem>>, vector<1x1x16xf32>,
            %mul3A_714 = arith.constant 16 : i32
            %mul3A_715 = arith.muli %scan3A_549, %mul3A_714 : i32
            %add3A_716 = arith.constant 14 : i32
            %add3A_717 = arith.addi %mul3A_715, %add3A_716 : i32
            %swap3A_718 = arith.constant 1 : i32
            %swap3A_719 = arith.index_cast %swap3A_718 : i32 to index
            %swap3A_720 = arith.index_cast %add3A_717 : i32 to index
            %swap3A_721 = arith.constant 16 : index
            %swap3A_722 = tpu.vector_load %arg6[%swap3A_719, %swap3A_720, %swap3A_721] {strides = array<i32>} : memref<2x256x128xf32, #tpu.memory_space<vmem>>, vector<1x1x16xf32>,
            %swap3A_723 = vector.shape_cast %swap3A_722 : vector<1x1x16xf32> to vector<16xf32>
            %swap3A_724 = vector.shape_cast %broadcast_in_dim3A_345 : vector<16xf32> to vector<1x1x16xf32>
            tpu.vector_store %arg6[%swap3A_719, %swap3A_720, %swap3A_721], %swap3A_724 {strides = array<i32>} : memref<2x256x128xf32, #tpu.memory_space<vmem>>, vector<1x1x16xf32>,
            %mul3A_725 = arith.constant 16 : i32
            %mul3A_726 = arith.muli %scan3A_549, %mul3A_725 : i32
            %add3A_727 = arith.constant 14 : i32
            %add3A_728 = arith.addi %mul3A_726, %add3A_727 : i32
            %swap3A_729 = arith.constant 1 : i32
            %swap3A_730 = arith.index_cast %swap3A_729 : i32 to index
            %swap3A_731 = arith.index_cast %add3A_728 : i32 to index
            %swap3A_732 = arith.constant 32 : index
            %swap3A_733 = tpu.vector_load %arg6[%swap3A_730, %swap3A_731, %swap3A_732] {strides = array<i32>} : memref<2x256x128xf32, #tpu.memory_space<vmem>>, vector<1x1x16xf32>,
            %swap3A_734 = vector.shape_cast %swap3A_733 : vector<1x1x16xf32> to vector<16xf32>
            %swap3A_735 = vector.shape_cast %broadcast_in_dim3A_345 : vector<16xf32> to vector<1x1x16xf32>
            tpu.vector_store %arg6[%swap3A_730, %swap3A_731, %swap3A_732], %swap3A_735 {strides = array<i32>} : memref<2x256x128xf32, #tpu.memory_space<vmem>>, vector<1x1x16xf32>,
            %mul3A_736 = arith.constant 16 : i32
            %mul3A_737 = arith.muli %scan3A_549, %mul3A_736 : i32
            %add3A_738 = arith.constant 14 : i32
            %add3A_739 = arith.addi %mul3A_737, %add3A_738 : i32
            %swap3A_740 = arith.constant 1 : i32
            %swap3A_741 = arith.index_cast %swap3A_740 : i32 to index
            %swap3A_742 = arith.index_cast %add3A_739 : i32 to index
            %swap3A_743 = arith.constant 48 : index
            %swap3A_744 = tpu.vector_load %arg6[%swap3A_741, %swap3A_742, %swap3A_743] {strides = array<i32>} : memref<2x256x128xf32, #tpu.memory_space<vmem>>, vector<1x1x16xf32>,
            %swap3A_745 = vector.shape_cast %swap3A_744 : vector<1x1x16xf32> to vector<16xf32>
            %swap3A_746 = vector.shape_cast %broadcast_in_dim3A_345 : vector<16xf32> to vector<1x1x16xf32>
            tpu.vector_store %arg6[%swap3A_741, %swap3A_742, %swap3A_743], %swap3A_746 {strides = array<i32>} : memref<2x256x128xf32, #tpu.memory_space<vmem>>, vector<1x1x16xf32>,
            %mul3A_747 = arith.constant 16 : i32
            %mul3A_748 = arith.muli %scan3A_549, %mul3A_747 : i32
            %add3A_749 = arith.constant 14 : i32
            %add3A_750 = arith.addi %mul3A_748, %add3A_749 : i32
            %swap3A_751 = arith.constant 1 : i32
            %swap3A_752 = arith.index_cast %swap3A_751 : i32 to index
            %swap3A_753 = arith.index_cast %add3A_750 : i32 to index
            %swap3A_754 = arith.constant 64 : index
            %swap3A_755 = tpu.vector_load %arg6[%swap3A_752, %swap3A_753, %swap3A_754] {strides = array<i32>} : memref<2x256x128xf32, #tpu.memory_space<vmem>>, vector<1x1x16xf32>,
            %swap3A_756 = vector.shape_cast %swap3A_755 : vector<1x1x16xf32> to vector<16xf32>
            %swap3A_757 = vector.shape_cast %broadcast_in_dim3A_345 : vector<16xf32> to vector<1x1x16xf32>
            tpu.vector_store %arg6[%swap3A_752, %swap3A_753, %swap3A_754], %swap3A_757 {strides = array<i32>} : memref<2x256x128xf32, #tpu.memory_space<vmem>>, vector<1x1x16xf32>,
            %mul3A_758 = arith.constant 16 : i32
            %mul3A_759 = arith.muli %scan3A_549, %mul3A_758 : i32
            %add3A_760 = arith.constant 14 : i32
            %add3A_761 = arith.addi %mul3A_759, %add3A_760 : i32
            %swap3A_762 = arith.constant 1 : i32
            %swap3A_763 = arith.index_cast %swap3A_762 : i32 to index
            %swap3A_764 = arith.index_cast %add3A_761 : i32 to index
            %swap3A_765 = arith.constant 80 : index
            %swap3A_766 = tpu.vector_load %arg6[%swap3A_763, %swap3A_764, %swap3A_765] {strides = array<i32>} : memref<2x256x128xf32, #tpu.memory_space<vmem>>, vector<1x1x16xf32>,
            %swap3A_767 = vector.shape_cast %swap3A_766 : vector<1x1x16xf32> to vector<16xf32>
            %swap3A_768 = vector.shape_cast %broadcast_in_dim3A_345 : vector<16xf32> to vector<1x1x16xf32>
            tpu.vector_store %arg6[%swap3A_763, %swap3A_764, %swap3A_765], %swap3A_768 {strides = array<i32>} : memref<2x256x128xf32, #tpu.memory_space<vmem>>, vector<1x1x16xf32>,
            %mul3A_769 = arith.constant 16 : i32
            %mul3A_770 = arith.muli %scan3A_549, %mul3A_769 : i32
            %add3A_771 = arith.constant 14 : i32
            %add3A_772 = arith.addi %mul3A_770, %add3A_771 : i32
            %swap3A_773 = arith.constant 1 : i32
            %swap3A_774 = arith.index_cast %swap3A_773 : i32 to index
            %swap3A_775 = arith.index_cast %add3A_772 : i32 to index
            %swap3A_776 = arith.constant 96 : index
            %swap3A_777 = tpu.vector_load %arg6[%swap3A_774, %swap3A_775, %swap3A_776] {strides = array<i32>} : memref<2x256x128xf32, #tpu.memory_space<vmem>>, vector<1x1x16xf32>,
            %swap3A_778 = vector.shape_cast %swap3A_777 : vector<1x1x16xf32> to vector<16xf32>
            %swap3A_779 = vector.shape_cast %broadcast_in_dim3A_345 : vector<16xf32> to vector<1x1x16xf32>
            tpu.vector_store %arg6[%swap3A_774, %swap3A_775, %swap3A_776], %swap3A_779 {strides = array<i32>} : memref<2x256x128xf32, #tpu.memory_space<vmem>>, vector<1x1x16xf32>,
            %mul3A_780 = arith.constant 16 : i32
            %mul3A_781 = arith.muli %scan3A_549, %mul3A_780 : i32
            %add3A_782 = arith.constant 14 : i32
            %add3A_783 = arith.addi %mul3A_781, %add3A_782 : i32
            %swap3A_784 = arith.constant 1 : i32
            %swap3A_785 = arith.index_cast %swap3A_784 : i32 to index
            %swap3A_786 = arith.index_cast %add3A_783 : i32 to index
            %swap3A_787 = arith.constant 112 : index
            %swap3A_788 = tpu.vector_load %arg6[%swap3A_785, %swap3A_786, %swap3A_787] {strides = array<i32>} : memref<2x256x128xf32, #tpu.memory_space<vmem>>, vector<1x1x16xf32>,
            %swap3A_789 = vector.shape_cast %swap3A_788 : vector<1x1x16xf32> to vector<16xf32>
            %swap3A_790 = vector.shape_cast %broadcast_in_dim3A_345 : vector<16xf32> to vector<1x1x16xf32>
            tpu.vector_store %arg6[%swap3A_785, %swap3A_786, %swap3A_787], %swap3A_790 {strides = array<i32>} : memref<2x256x128xf32, #tpu.memory_space<vmem>>, vector<1x1x16xf32>,
          } else {
          }
          %slice3A_696 = vector.extract_strided_slice %get3A_590 {offsets = [15], sizes = [1], strides = [1]} : vector<16xi32> to vector<1xi32>
          %squeeze3A_697 = vector.extract %slice3A_696[0] : i32 from vector<1xi32>
          %eq3A_698 = arith.constant 0 : i32
          %eq3A_699 = arith.cmpi eq, %squeeze3A_697, %eq3A_698 : i32
          %convert_element_type3A_700 = arith.extui %eq3A_699 : i1 to i32
          %cond3A_701 = arith.constant 0 : i32
          %cond3A_702 = arith.cmpi ne, %convert_element_type3A_700, %cond3A_701 : i32
          scf.if %cond3A_702 {
            %mul3A_704 = arith.constant 16 : i32
            %mul3A_705 = arith.muli %scan3A_549, %mul3A_704 : i32
            %add3A_706 = arith.constant 15 : i32
            %add3A_707 = arith.addi %mul3A_705, %add3A_706 : i32
            %swap3A = arith.constant 1 : i32
            %swap3A_708 = arith.index_cast %swap3A : i32 to index
            %swap3A_709 = arith.index_cast %add3A_707 : i32 to index
            %swap3A_710 = arith.constant 0 : index
            %swap3A_711 = tpu.vector_load %arg6[%swap3A_708, %swap3A_709, %swap3A_710] {strides = array<i32>} : memref<2x256x128xf32, #tpu.memory_space<vmem>>, vector<1x1x16xf32>,
            %swap3A_712 = vector.shape_cast %swap3A_711 : vector<1x1x16xf32> to vector<16xf32>
            %swap3A_713 = vector.shape_cast %broadcast_in_dim3A_345 : vector<16xf32> to vector<1x1x16xf32>
            tpu.vector_store %arg6[%swap3A_708, %swap3A_709, %swap3A_710], %swap3A_713 {strides = array<i32>} : memref<2x256x128xf32, #tpu.memory_space<vmem>>, vector<1x1x16xf32>,
            %mul3A_714 = arith.constant 16 : i32
            %mul3A_715 = arith.muli %scan3A_549, %mul3A_714 : i32
            %add3A_716 = arith.constant 15 : i32
            %add3A_717 = arith.addi %mul3A_715, %add3A_716 : i32
            %swap3A_718 = arith.constant 1 : i32
            %swap3A_719 = arith.index_cast %swap3A_718 : i32 to index
            %swap3A_720 = arith.index_cast %add3A_717 : i32 to index
            %swap3A_721 = arith.constant 16 : index
            %swap3A_722 = tpu.vector_load %arg6[%swap3A_719, %swap3A_720, %swap3A_721] {strides = array<i32>} : memref<2x256x128xf32, #tpu.memory_space<vmem>>, vector<1x1x16xf32>,
            %swap3A_723 = vector.shape_cast %swap3A_722 : vector<1x1x16xf32> to vector<16xf32>
            %swap3A_724 = vector.shape_cast %broadcast_in_dim3A_345 : vector<16xf32> to vector<1x1x16xf32>
            tpu.vector_store %arg6[%swap3A_719, %swap3A_720, %swap3A_721], %swap3A_724 {strides = array<i32>} : memref<2x256x128xf32, #tpu.memory_space<vmem>>, vector<1x1x16xf32>,
            %mul3A_725 = arith.constant 16 : i32
            %mul3A_726 = arith.muli %scan3A_549, %mul3A_725 : i32
            %add3A_727 = arith.constant 15 : i32
            %add3A_728 = arith.addi %mul3A_726, %add3A_727 : i32
            %swap3A_729 = arith.constant 1 : i32
            %swap3A_730 = arith.index_cast %swap3A_729 : i32 to index
            %swap3A_731 = arith.index_cast %add3A_728 : i32 to index
            %swap3A_732 = arith.constant 32 : index
            %swap3A_733 = tpu.vector_load %arg6[%swap3A_730, %swap3A_731, %swap3A_732] {strides = array<i32>} : memref<2x256x128xf32, #tpu.memory_space<vmem>>, vector<1x1x16xf32>,
            %swap3A_734 = vector.shape_cast %swap3A_733 : vector<1x1x16xf32> to vector<16xf32>
            %swap3A_735 = vector.shape_cast %broadcast_in_dim3A_345 : vector<16xf32> to vector<1x1x16xf32>
            tpu.vector_store %arg6[%swap3A_730, %swap3A_731, %swap3A_732], %swap3A_735 {strides = array<i32>} : memref<2x256x128xf32, #tpu.memory_space<vmem>>, vector<1x1x16xf32>,
            %mul3A_736 = arith.constant 16 : i32
            %mul3A_737 = arith.muli %scan3A_549, %mul3A_736 : i32
            %add3A_738 = arith.constant 15 : i32
            %add3A_739 = arith.addi %mul3A_737, %add3A_738 : i32
            %swap3A_740 = arith.constant 1 : i32
            %swap3A_741 = arith.index_cast %swap3A_740 : i32 to index
            %swap3A_742 = arith.index_cast %add3A_739 : i32 to index
            %swap3A_743 = arith.constant 48 : index
            %swap3A_744 = tpu.vector_load %arg6[%swap3A_741, %swap3A_742, %swap3A_743] {strides = array<i32>} : memref<2x256x128xf32, #tpu.memory_space<vmem>>, vector<1x1x16xf32>,
            %swap3A_745 = vector.shape_cast %swap3A_744 : vector<1x1x16xf32> to vector<16xf32>
            %swap3A_746 = vector.shape_cast %broadcast_in_dim3A_345 : vector<16xf32> to vector<1x1x16xf32>
            tpu.vector_store %arg6[%swap3A_741, %swap3A_742, %swap3A_743], %swap3A_746 {strides = array<i32>} : memref<2x256x128xf32, #tpu.memory_space<vmem>>, vector<1x1x16xf32>,
            %mul3A_747 = arith.constant 16 : i32
            %mul3A_748 = arith.muli %scan3A_549, %mul3A_747 : i32
            %add3A_749 = arith.constant 15 : i32
            %add3A_750 = arith.addi %mul3A_748, %add3A_749 : i32
            %swap3A_751 = arith.constant 1 : i32
            %swap3A_752 = arith.index_cast %swap3A_751 : i32 to index
            %swap3A_753 = arith.index_cast %add3A_750 : i32 to index
            %swap3A_754 = arith.constant 64 : index
            %swap3A_755 = tpu.vector_load %arg6[%swap3A_752, %swap3A_753, %swap3A_754] {strides = array<i32>} : memref<2x256x128xf32, #tpu.memory_space<vmem>>, vector<1x1x16xf32>,
            %swap3A_756 = vector.shape_cast %swap3A_755 : vector<1x1x16xf32> to vector<16xf32>
            %swap3A_757 = vector.shape_cast %broadcast_in_dim3A_345 : vector<16xf32> to vector<1x1x16xf32>
            tpu.vector_store %arg6[%swap3A_752, %swap3A_753, %swap3A_754], %swap3A_757 {strides = array<i32>} : memref<2x256x128xf32, #tpu.memory_space<vmem>>, vector<1x1x16xf32>,
            %mul3A_758 = arith.constant 16 : i32
            %mul3A_759 = arith.muli %scan3A_549, %mul3A_758 : i32
            %add3A_760 = arith.constant 15 : i32
            %add3A_761 = arith.addi %mul3A_759, %add3A_760 : i32
            %swap3A_762 = arith.constant 1 : i32
            %swap3A_763 = arith.index_cast %swap3A_762 : i32 to index
            %swap3A_764 = arith.index_cast %add3A_761 : i32 to index
            %swap3A_765 = arith.constant 80 : index
            %swap3A_766 = tpu.vector_load %arg6[%swap3A_763, %swap3A_764, %swap3A_765] {strides = array<i32>} : memref<2x256x128xf32, #tpu.memory_space<vmem>>, vector<1x1x16xf32>,
            %swap3A_767 = vector.shape_cast %swap3A_766 : vector<1x1x16xf32> to vector<16xf32>
            %swap3A_768 = vector.shape_cast %broadcast_in_dim3A_345 : vector<16xf32> to vector<1x1x16xf32>
            tpu.vector_store %arg6[%swap3A_763, %swap3A_764, %swap3A_765], %swap3A_768 {strides = array<i32>} : memref<2x256x128xf32, #tpu.memory_space<vmem>>, vector<1x1x16xf32>,
            %mul3A_769 = arith.constant 16 : i32
            %mul3A_770 = arith.muli %scan3A_549, %mul3A_769 : i32
            %add3A_771 = arith.constant 15 : i32
            %add3A_772 = arith.addi %mul3A_770, %add3A_771 : i32
            %swap3A_773 = arith.constant 1 : i32
            %swap3A_774 = arith.index_cast %swap3A_773 : i32 to index
            %swap3A_775 = arith.index_cast %add3A_772 : i32 to index
            %swap3A_776 = arith.constant 96 : index
            %swap3A_777 = tpu.vector_load %arg6[%swap3A_774, %swap3A_775, %swap3A_776] {strides = array<i32>} : memref<2x256x128xf32, #tpu.memory_space<vmem>>, vector<1x1x16xf32>,
            %swap3A_778 = vector.shape_cast %swap3A_777 : vector<1x1x16xf32> to vector<16xf32>
            %swap3A_779 = vector.shape_cast %broadcast_in_dim3A_345 : vector<16xf32> to vector<1x1x16xf32>
            tpu.vector_store %arg6[%swap3A_774, %swap3A_775, %swap3A_776], %swap3A_779 {strides = array<i32>} : memref<2x256x128xf32, #tpu.memory_space<vmem>>, vector<1x1x16xf32>,
            %mul3A_780 = arith.constant 16 : i32
            %mul3A_781 = arith.muli %scan3A_549, %mul3A_780 : i32
            %add3A_782 = arith.constant 15 : i32
            %add3A_783 = arith.addi %mul3A_781, %add3A_782 : i32
            %swap3A_784 = arith.constant 1 : i32
            %swap3A_785 = arith.index_cast %swap3A_784 : i32 to index
            %swap3A_786 = arith.index_cast %add3A_783 : i32 to index
            %swap3A_787 = arith.constant 112 : index
            %swap3A_788 = tpu.vector_load %arg6[%swap3A_785, %swap3A_786, %swap3A_787] {strides = array<i32>} : memref<2x256x128xf32, #tpu.memory_space<vmem>>, vector<1x1x16xf32>,
            %swap3A_789 = vector.shape_cast %swap3A_788 : vector<1x1x16xf32> to vector<16xf32>
            %swap3A_790 = vector.shape_cast %broadcast_in_dim3A_345 : vector<16xf32> to vector<1x1x16xf32>
            tpu.vector_store %arg6[%swap3A_785, %swap3A_786, %swap3A_787], %swap3A_790 {strides = array<i32>} : memref<2x256x128xf32, #tpu.memory_space<vmem>>, vector<1x1x16xf32>,
          } else {
          }
          %scan3A_703 = arith.constant 0 : i32
          scf.yield %scan3A_703 : i32
        }
        %scan3A_548 = arith.constant 16 : i32
      } else {
      }
      %mul3A_525 = arith.constant 256 : i32
      %mul3A_526 = arith.muli %add3A_306, %mul3A_525 : i32
      %add3A_527 = arith.addi %mul3A_2, %mul3A_526 : i32
      %dma_start3A_528 = arith.constant 1 : i32
      %dma_start3A_529 = arith.constant 0 : i32
      %dma_start3A_530 = arith.constant 0 : i32
      %dma_start3A_531 = tpu.memref_slice %arg6[%dma_start3A_528, %dma_start3A_529, %dma_start3A_530] : memref<2x256x128xf32, #tpu.memory_space<vmem>> -> memref<1x256x128xf32, #tpu.memory_space<vmem>>
      %dma_start3A_532 = tpu.memref_squeeze %dma_start3A_531 : memref<1x256x128xf32, #tpu.memory_space<vmem>> -> memref<256x128xf32, #tpu.memory_space<vmem>>
      %dma_start3A_533 = arith.constant 0 : i32
      %dma_start3A_534 = tpu.memref_slice %arg4[%add3A_527, %dma_start3A_533] : memref<819200x128xf32, #tpu.memory_space<hbm>> -> memref<256x128xf32, #tpu.memory_space<hbm>>
      %dma_start3A_535 = arith.constant 0 : i32
      %dma_start3A_536 = tpu.memref_slice %arg4[%add3A_527, %dma_start3A_535] : memref<819200x128xf32, #tpu.memory_space<hbm>> -> memref<256x128xf32, #tpu.memory_space<hbm>>
      %dma_start3A_537 = arith.constant 0 : i32
      %dma_start3A_538 = arith.constant 0 : i32
      %dma_start3A_539 = tpu.memref_slice %arg6[%dma_start3A_528, %dma_start3A_537, %dma_start3A_538] : memref<2x256x128xf32, #tpu.memory_space<vmem>> -> memref<1x256x128xf32, #tpu.memory_space<vmem>>
      %dma_start3A_540 = tpu.memref_squeeze %dma_start3A_539 : memref<1x256x128xf32, #tpu.memory_space<vmem>> -> memref<256x128xf32, #tpu.memory_space<vmem>>
      tpu.enqueue_dma source(%dma_start3A_540 : memref<256x128xf32, #tpu.memory_space<vmem>>) target(%dma_start3A_536 : memref<256x128xf32, #tpu.memory_space<hbm>>) target_semaphore(%arg10 : memref<!tpu.dma_semaphore, #tpu.memory_space<semaphore_mem>>)
      %scan3A_541 = arith.constant 0 : i32
      scf.yield %scan3A_541 : i32
    }
    %scan3A_42 = arith.constant 50 : i32
    %dma_wait3A = arith.constant 0 : i32
    %dma_wait3A_43 = arith.constant 0 : i32
    %dma_wait3A_44 = arith.constant 0 : i32
    %dma_wait3A_45 = tpu.memref_slice %arg6[%dma_wait3A, %dma_wait3A_43, %dma_wait3A_44] : memref<2x256x128xf32, #tpu.memory_space<vmem>> -> memref<1x256x128xf32, #tpu.memory_space<vmem>>
    %dma_wait3A_46 = tpu.memref_squeeze %dma_wait3A_45 : memref<1x256x128xf32, #tpu.memory_space<vmem>> -> memref<256x128xf32, #tpu.memory_space<vmem>>
    %dma_wait3A_47 = arith.constant 0 : i32
    %dma_wait3A_48 = arith.constant 0 : i32
    %dma_wait3A_49 = tpu.memref_slice %arg3[%dma_wait3A_47, %dma_wait3A_48] : memref<100000x128xf32, #tpu.memory_space<hbm>> -> memref<256x128xf32, #tpu.memory_space<hbm>>
    %dma_wait3A_50 = arith.constant 0 : i32
    %dma_wait3A_51 = arith.constant 0 : i32
    %dma_wait3A_52 = tpu.memref_slice %arg6[%dma_wait3A, %dma_wait3A_50, %dma_wait3A_51] : memref<2x256x128xf32, #tpu.memory_space<vmem>> -> memref<1x256x128xf32, #tpu.memory_space<vmem>>
    %dma_wait3A_53 = tpu.memref_squeeze %dma_wait3A_52 : memref<1x256x128xf32, #tpu.memory_space<vmem>> -> memref<256x128xf32, #tpu.memory_space<vmem>>
    %dma_wait3A_54 = arith.constant 0 : i32
    %dma_wait3A_55 = arith.constant 0 : i32
    %dma_wait3A_56 = tpu.memref_slice %arg3[%dma_wait3A_54, %dma_wait3A_55] : memref<100000x128xf32, #tpu.memory_space<hbm>> -> memref<256x128xf32, #tpu.memory_space<hbm>>
    tpu.wait_dma2 semaphore(%arg9 : memref<!tpu.dma_semaphore, #tpu.memory_space<semaphore_mem>>) src(%dma_wait3A_56 : memref<256x128xf32, #tpu.memory_space<hbm>>) dst(%dma_wait3A_53 : memref<256x128xf32, #tpu.memory_space<vmem>>)
    %dma_wait3A_57 = arith.constant 1 : i32
    %dma_wait3A_58 = arith.constant 0 : i32
    %dma_wait3A_59 = arith.constant 0 : i32
    %dma_wait3A_60 = tpu.memref_slice %arg6[%dma_wait3A_57, %dma_wait3A_58, %dma_wait3A_59] : memref<2x256x128xf32, #tpu.memory_space<vmem>> -> memref<1x256x128xf32, #tpu.memory_space<vmem>>
    %dma_wait3A_61 = tpu.memref_squeeze %dma_wait3A_60 : memref<1x256x128xf32, #tpu.memory_space<vmem>> -> memref<256x128xf32, #tpu.memory_space<vmem>>
    %dma_wait3A_62 = arith.constant 0 : i32
    %dma_wait3A_63 = arith.constant 0 : i32
    %dma_wait3A_64 = tpu.memref_slice %arg3[%dma_wait3A_62, %dma_wait3A_63] : memref<100000x128xf32, #tpu.memory_space<hbm>> -> memref<256x128xf32, #tpu.memory_space<hbm>>
    %dma_wait3A_65 = arith.constant 0 : i32
    %dma_wait3A_66 = arith.constant 0 : i32
    %dma_wait3A_67 = tpu.memref_slice %arg6[%dma_wait3A_57, %dma_wait3A_65, %dma_wait3A_66] : memref<2x256x128xf32, #tpu.memory_space<vmem>> -> memref<1x256x128xf32, #tpu.memory_space<vmem>>
    %dma_wait3A_68 = tpu.memref_squeeze %dma_wait3A_67 : memref<1x256x128xf32, #tpu.memory_space<vmem>> -> memref<256x128xf32, #tpu.memory_space<vmem>>
    %dma_wait3A_69 = arith.constant 0 : i32
    %dma_wait3A_70 = arith.constant 0 : i32
    %dma_wait3A_71 = tpu.memref_slice %arg3[%dma_wait3A_69, %dma_wait3A_70] : memref<100000x128xf32, #tpu.memory_space<hbm>> -> memref<256x128xf32, #tpu.memory_space<hbm>>
    tpu.wait_dma2 semaphore(%arg10 : memref<!tpu.dma_semaphore, #tpu.memory_space<semaphore_mem>>) src(%dma_wait3A_71 : memref<256x128xf32, #tpu.memory_space<hbm>>) dst(%dma_wait3A_68 : memref<256x128xf32, #tpu.memory_space<vmem>>)
    return
  }
}

</mosaic_0001>

<sc_bundles>
// kernel: kernel.3.cloned.1.call-start
scs
__scs_entry_jumppad:
0x0: {  	(pc) =	sbr.rel $0x88, $3  }
0x1: {  	(tag) =	ssettag $0x0;
	lr =	simm.s32 $0x1  }
0x2: {  	[smem:$0x3F9F] =	sst lr;
	_ =	strace $0xD0000000  }
0x3: {  	_ = 	snop  }
0x4: {  	_ = 	snop  }
0x5: {  	_ = 	snop  }
0x6: {  	_ = 	snop  }
0x7: {  	_ = 	snop  }
__scs_overlays_trampoline_lowered:
0x8: {  	[smem:$0x3FAE] =	sst s0  }
0x9: {  	[smem:$0x3FAF] =	sst s1  }
0xa: {  	[smem:$0x3FB0] =	sst s2  }
0xb: {  	[smem:$0x3FB1] =	sst s3  }
0xc: {  	[smem:$0x3FB2] =	sst s4  }
0xd: {  	[smem:$0x3FB3] =	sst s5  }
0xe: {  	[smem:$0x3FB4] =	sst s6  }
0xf: {  	[smem:$0x3FB5] =	sst s7  }
0x10: {  	[smem:$0x3FB6] =	sst s8  }
0x11: {  	[smem:$0x3FB7] =	sst s9;
	s0 =	simm.s32 @!p0 $0x0  }
0x12: {  	s1 =	sld [smem:$0x3F9D];
	s0 =	simm.s32 @p0 $0x1  }
0x13: {  	[smem:$0x3FB8] =	sst s0;
	s0 =	simm.s32 @!p1 $0x0  }
0x14: {  	s2 =	sld [smem:$0x3F9C];
	s0 =	simm.s32 @p1 $0x1  }
0x15: {  	[smem:$0x3FB9] =	sst s0;
	s0 =	simm.s32 @!p2 $0x0  }
0x16: {  	s3 =	sld [smem:$0x3FDB];
	s0 =	simm.s32 @p2 $0x1  }
0x17: {  	s4 =	simm.s32 $0x1BF5;
	[smem:$0x3FBB] =	sst s0  }
0x18: {  	s0 =	sld [smem:$0x3F9E];
	_ =	swait.ge [sflag:s4], $0x0  }
0x19: {  	s7 =	sld [smem:$0x3F9F]  }
0x1a: {  	s8 =	sadd.s32 $0xFFFFE003, lr  }
0x1b: {  	s9 =	sadd.s32 $0xFFFFFEF7, lr;
	s5 =	simm.s32 $0xFFFFFFFF;
	p2 =	slt.u32 s8, $0xFFFFF086  }
0x1c: {  	p1 =	slt.u32 s9, $0xF7A;
	s5 =	simm.s32 @!p2 $0x0  }
0x1d: {  	s5 =	simm.s32 @p1 $0x1;
	p0 =	seq.s32 s7, s2  }
0x1e: {  	s7 =	smul.u32 @!p0 $0xF7A, s2;
	p2 =	seq.s32 @!p0 s5, $0x0  }
0x1f: {  	s9 =	smul.u32 $0xF7A, s1;
	s8 =	simm.s32 @!p0 $0x1BF5;
	p2 =	por !p2, p0  }
0x20: {  	[sflag:s8] =	ssyncset.s32 @!p0 $0xFFFFF086;
	s6 =	sadd.s32 @!p0 s3, s7;
	s7 =	simm.s32 @!p0 $0x108  }
0x21: {  	s3 =	sadd.s32 s3, s9;
	s6 =	sadd.s32 @!p0 $0x88, s6;
	s7 =	simm.s32 @p2 $0x1082  }
0x22: {  	[simem:s7], [sflag:s8] =	dma.local @!p0 [hbm:s6], $0xF7A  }
0x23: {  	s9 =	sor.u32 $0xD0000000, s2;
	s6 =	simm.s32 $0x108;
	_ =	swait.ge @!p0 [sflag:s8], $0x0  }
0x24: {  	s3 =	sadd.s32 $0x88, s3;
	s6 =	simm.s32 @!p1 $0x1082;
	[sflag:s4] =	ssyncset.s32 $0xFFFFF086  }
0x25: {  	[simem:s6], [sflag:s4] =	dma.local [hbm:s3], $0xF7A  }
0x26: {  	[smem:$0x3F9F] =	sst s1;
	(tag) =	ssettag s2;
	_ =	strace s9  }
0x27: {  	s1 =	sld [smem:$0x3FAF]  }
0x28: {  	s2 =	sld [smem:$0x3FB0]  }
0x29: {  	s4 =	sld [smem:$0x3FB2]  }
0x2a: {  	p0 =	seq.s32 s5, $0x0;
	s5 =	sld [smem:$0x3FB3]  }
0x2b: {  	s6 =	sld [smem:$0x3FB4]  }
0x2c: {  	s7 =	sld [smem:$0x3FB5]  }
0x2d: {  	s3 =	simm.s32 $0x108;
	s8 =	sld [smem:$0x3FB6]  }
0x2e: {  	s3 =	simm.s32 @!p0 $0x1082;
	s9 =	sld [smem:$0x3FB7]  }
0x2f: {  	lr =	sadd.s32 s0, s3;
	s0 =	sld [smem:$0x3FAE]  }
0x30: {  	s3 =	sld [smem:$0x3FB1]  }
0x31: {  	[smem:$0x3FBA] =	sst s10  }
0x32: {  	s10 =	sld [smem:$0x3FB8];
	_ =	sdelay $0x3  }
0x33: {  	p0 =	seq.s32 s10, $0x1;
	s10 =	sld [smem:$0x3FBA];
	_ =	sdelay $0x3  }
0x34: {  	[smem:$0x3FBA] =	sst s10  }
0x35: {  	s10 =	sld [smem:$0x3FB9];
	_ =	sdelay $0x3  }
0x36: {  	p1 =	seq.s32 s10, $0x1;
	s10 =	sld [smem:$0x3FBA];
	_ =	sdelay $0x3  }
0x37: {  	[smem:$0x3FBA] =	sst s10  }
0x38: {  	s10 =	sld [smem:$0x3FBB]  }
0x39: {  	_ = 	snop;
	(pc) =	sbr.ind lr, $3  }
0x3a: {  	_ = 	snop  }
0x3b: {  	_ = 	snop  }
0x3c: {  	p2 =	seq.s32 s10, $0x1;
	s10 =	sld [smem:$0x3FBA]  }
0x3d: {  	_ =	shalt  }
0x3e: {  	_ =	shalt  }
0x3f: {  	_ =	shalt  }
0x40: {  	_ =	shalt  }
0x41: {  	_ =	shalt  }
0x42: {  	_ =	shalt  }
0x43: {  	_ =	shalt  }
0x44: {  	_ =	shalt  }
0x45: {  	_ =	shalt  }
0x46: {  	_ =	shalt  }
0x47: {  	_ =	shalt  }
0x48: {  	_ =	shalt  }
0x49: {  	_ =	shalt  }
0x4a: {  	_ =	shalt  }
0x4b: {  	_ =	shalt  }
0x4c: {  	_ =	shalt  }
0x4d: {  	_ =	shalt  }
0x4e: {  	_ =	shalt  }
0x4f: {  	_ =	shalt  }
0x50: {  	_ =	shalt  }
0x51: {  	_ =	shalt  }
0x52: {  	_ =	shalt  }
0x53: {  	_ =	shalt  }
0x54: {  	_ =	shalt  }
0x55: {  	_ =	shalt  }
0x56: {  	_ =	shalt  }
0x57: {  	_ =	shalt  }
0x58: {  	_ =	shalt  }
0x59: {  	_ =	shalt  }
0x5a: {  	_ =	shalt  }
0x5b: {  	_ =	shalt  }
0x5c: {  	_ =	shalt  }
0x5d: {  	_ =	shalt  }
0x5e: {  	_ =	shalt  }
0x5f: {  	_ =	shalt  }
0x60: {  	_ =	shalt  }
0x61: {  	_ =	shalt  }
0x62: {  	_ =	shalt  }
0x63: {  	_ =	shalt  }
0x64: {  	_ =	shalt  }
0x65: {  	_ =	shalt  }
0x66: {  	_ =	shalt  }
0x67: {  	_ =	shalt  }
0x68: {  	_ =	shalt  }
0x69: {  	_ =	shalt  }
0x6a: {  	_ =	shalt  }
0x6b: {  	_ =	shalt  }
0x6c: {  	_ =	shalt  }
0x6d: {  	_ =	shalt  }
0x6e: {  	_ =	shalt  }
0x6f: {  	_ =	shalt  }
0x70: {  	_ =	shalt  }
0x71: {  	_ =	shalt  }
0x72: {  	_ =	shalt  }
0x73: {  	_ =	shalt  }
0x74: {  	_ =	shalt  }
0x75: {  	_ =	shalt  }
0x76: {  	_ =	shalt  }
0x77: {  	_ =	shalt  }
0x78: {  	_ =	shalt  }
0x79: {  	_ =	shalt  }
0x7a: {  	_ =	shalt  }
0x7b: {  	_ =	shalt  }
0x7c: {  	_ =	shalt  }
0x7d: {  	_ =	shalt  }
0x7e: {  	_ =	shalt  }
0x7f: {  	_ =	shalt  }
0x80: {  	_ =	shalt  }
0x81: {  	_ =	shalt  }
0x82: {  	_ =	shalt  }
0x83: {  	_ =	shalt  }
0x84: {  	_ =	shalt  }
0x85: {  	_ =	shalt  }
0x86: {  	_ =	shalt  }
0x87: {  	_ =	shalt  }
.Lfunc_end0:
.L_simem_size_0:
called_computation_lowered:
.L_overlay_start_0:
0x88: {  	s2 =	sld [smem:$0x3FD9]  }
0x89: {  	s3 =	sld [smem:$0x3FFE];
	_ =	sdelay $0x1  }
0x8a: {  	s1 =	srdreg.scid  }
0x8b: {  	s0 =	sand.u32 $0x1, s1  }
0x8c: {  	s17 =	sshll.u32 s0, $0xA;
	s2 =	sadd.s32 s3, s2  }
0x8d: {  	s2 =	sadd.s32 s2, s17  }
0x8e: {  	[smem:$0x3FC6] =	sst s2  }
0x8f: {  	_ = 	snop  }
0x90: {  	s2 =	sld [smem:$0x3FC8]  }
0x91: {  	s18 =	sld [smem:$0x3FD0];
	(tm) =	ssettm $0x1  }
0x92: {  	s4 =	sld [smem:$0x3FFB];
	_ =	sdelay $0x3  }
0x93: {  	_ =	strace s4  }
0x94: {  	s4 =	sld [smem:$0x3FFC];
	_ =	sdelay $0x3  }
0x95: {  	_ =	strace s4  }
0x96: {  	s4 =	sld [smem:$0x3FFD];
	_ =	sdelay $0x3  }
0x97: {  	_ =	strace s4  }
0x98: {  	_ =	strace $0x8FFFFFFF  }
0x99: {  	s19 =	sld [smem:$0x3FDB];
	_ =	sdelay $0x1  }
0x9a: {  	s5 =	simm.s32 $_scs_section_size  }
0x9b: {  	s6 =	simm.s32 $_size__tile_overlayer_lowered;
	s7 =	simm.s32 $_tile_overlayer_lowered  }
0x9c: {  	s22 =	simm.s32 $0x1BFF;
	s21 =	sshll.u32 s7, $0x1;
	s4 =	sadd.s32 s5, s19  }
0x9d: {  	s8 =	simm.s32 $0x0;
	s20 =	sshll.u32 s6, $0x1;
	s6 =	sadd.s32 s21, s4  }
0x9e: {  	[timem:s8], [sflag:s22] =	dma.local [hbm:s6], s20  }
0x9f: {  	_ =	swait.ge [sflag:s22], s20  }
0xa0: {  	s5 =	ssub.s32 $0x0, s20;
	[sflag:s22] =	ssyncset.done $0x0  }
0xa1: {  	[sflag:s22] =	ssyncadd.s32 s5;
	_ =	sdelay $0x1  }
0xa2: {  	s23 =	simm.s32 $0x1B8B  }
0xa3: {  	_ =	swait.ge [sflag:s23], $0x1  }
0xa4: {  	[sflag:s23] =	ssyncset.done $0x0  }
0xa5: {  	s25 =	simm.s32 $0x1B8E;
	s24 =	sld [smem:$0x3FFE];
	[sflag:s23] =	ssyncadd.s32 $0xFFFFFFFF  }
0xa6: {  	s26 =	simm.s32 $execute0_lowered;
	[smem:$0x3FD2] =	sst s25  }
0xa7: {  	s6 =	sshll.u32 s26, $0x1;
	_ =	strace $0x80000046;
	[dreg:$0x1] =	wrdreg $0xFFFFFFFF  }
0xa8: {  	s28 =	simm.s32 $_size_execute0_lowered;
	s4 =	sadd.s32 s4, s6;
	[dreg:$0x0] =	wrdreg $0x0  }
0xa9: {  	s6 =	sshll.u32 s28, $0x1;
	[dreg:$0x2] =	wrdreg s4  }
0xaa: {  	[dreg:$0x3] =	wrdreg s6  }
0xab: {  	[dreg:$0x4] =	wrdreg $0xC0  }
0xac: {  	_ =	task [dreg:s8], $0x5FFFF  }
0xad: {  	[dreg:$0x1] =	wrdreg $0xFFFFFFFF  }
0xae: {  	[dreg:$0x0] =	wrdreg $0x60  }
0xaf: {  	[dreg:$0x2] =	wrdreg s24  }
0xb0: {  	[dreg:$0x3] =	wrdreg s2  }
0xb1: {  	[dreg:$0x4] =	wrdreg s18  }
0xb2: {  	[dreg:$0x5] =	wrdreg $0x9  }
0xb3: {  	_ =	task.clear_ibuf [dreg:s8], $0x6FFFF;
	_ =	strace $0x90000046  }
0xb4: {  	s29 =	simm.s32 $0x9;
	_ =	strace $0x80000048  }
0xb5: {  	_ =	swait.ge [sflag:s29], $0x1  }
0xb6: {  	[sflag:s29] =	ssyncadd.s32 $0xFFFFFFFF  }
0xb7: {  	_ =	strace $0x90000048  }
0xb8: {  	_ =	sfence  }
0xb9: {  	s30 =	sld [smem:$0x0];
	_ =	sdelay $0x2  }
0xba: {  	s31 =	sshll.u32 s1, $0xD;
	s1 =	sshrl.u32 s1, $0x2  }
0xbb: {  	s3 =	sand.u32 $0x4000, s31;
	s1 =	sadd.s32 s1, s30  }
0xbc: {  	s0 =	sor.u32 s3, s0;
	s1 =	sshll.u32 s1, $0x11  }
0xbd: {  	s0 =	sor.u32 s1, s0  }
0xbe: {  	s0 =	sadd.s32 $0x8F2B, s0  }
0xbf: {  	[sflag:s0] =	ssyncadd.remote.s32 $0x1  }
0xc0: {  	_ =	sfence.sel $0xFFFF  }
0xc1: {  	[dreg:$0x0] =	wrdreg $0xFFFFFFFF;
	(pc) =	sbr.abs _section_cstart, $3  }
0xc2: {  	[dreg:$0x1] =	wrdreg $0xFFFFFFFF  }
0xc3: {  	_ =	task.clear_ibuf [dreg:s8], $0x2FFFF;
	_ =	strace $0x9FFFFFFF  }
0xc4: {  	(tm) =	ssettm $0x7FFFFFFF  }
0xc5: {  	_ =	shalt  }
tec
execute0_lowered:
.L_overlay_start_1:
0x0: {  	(tag) =	ssettag $0x1  }
0x1: {  	s7 =	rddreg [dreg:$0x0]  }
0x2: {  	s2 =	rddreg [dreg:$0x1]  }
0x3: {  	s1 =	srdreg.scid;
	s0 =	stileid.u32  }
0x4: {  	s3 =	rddreg [dreg:$0x2];
	s4 =	simm.s32 $0x0;
	s13 =	simm.s32 $0x5  }
0x5: {  	s14 =	simm.s32 $0x80;
	s15 =	simm.s32 $0x200;
	s16 =	simm.s32 $0x4200  }
0x6: {  	s17 =	simm.s32 $0x100;
	s18 =	simm.s32 $0x180;
	s19 =	simm.s32 $0x8200  }
0x7: {  	s20 =	simm.s32 $0xC200;
	s21 =	simm.s32 $0x1;
	s22 =	simm.s32 $0x2  }
0x8: {  	s23 =	simm.s32 $0x3;
	s24 =	simm.s32 $0x4;
	s25 =	simm.s32 $0x0  }
0x9: {  	s5 =	sand.u32 $0x1, s1;
	s6 =	sshll.u32 s0, $0x1;
	[smem:$0x7FF] =	sst s4  }
.Ltmp0:
0xa: {  	s10 =	sor.u32 s5, s6;
	s8 =	ssub.s32 $0x2, s5;
	(pc) =	sbr.rel .LBB2_1-.Ltmp0, $4  }
0xb: {  	_ =	strace $0x80000047;
	s6 =	sadd.s32 $0x400, s7;
	s5 =	smul.u32 $0x6400, s10  }
0xc: {  	s7 =	sadd.s32 $0x410, s7;
	s9 =	sshrl.u32 s8, $0x1;
	s10 =	smul.u32 $0x320000, s10  }
0xd: {  	s12 =	ssub.s32 s8, s9;
	s31 =	sshrl.u32 s5, $0x3;
	s11 =	sor.u32 $0x200, s5  }
0xe: {  	s12 =	smax.u32 s12, $0x1;
	s8 =	sadd.s32 s6, s31;
	s9 =	sadd.s32 s31, s7  }
.LBB2_10:
0xf: {  	s25 =	sadd.s32 $0x1, s25  }
0x10: {  	_ =	swait.ge [sflag:s23], $0x8000;
	p0 =	sne.s32 s25, s12  }
.Ltmp1:
0x11: {  	[sflag:s23] =	ssyncset.done $0x0;
	(pc) =	sbr.rel @!p0 .LBB2_11-.Ltmp1, $4  }
0x12: {  	[sflag:s23] =	ssyncadd.s32 $0xFFFF8000  }
0x13: {  	_ =	swait.ge [sflag:s24], $0x8000  }
0x14: {  	[sflag:s24] =	ssyncset.done $0x0  }
0x15: {  	[sflag:s24] =	ssyncadd.s32 $0xFFFF8000  }
.LBB2_1:
0x16: {  	[tilespmem:s4], [sflag:$0x5] =	stream.linear.gather [hbm4b:s8+s4], $0x80, $0x38;
	[tilespmem:$0x10200] =	vst v63  }
0x17: {  	_ =	swait.ge [sflag:s13], $0x80  }
0x18: {  	[sflag:s13] =	ssyncset.done $0x0  }
0x19: {  	[sflag:s13] =	ssyncadd.s32 $0xFFFFFF80  }
0x1a: {  	[tilespmem:s14], [sflag:$0x5] =	stream.linear.gather [hbm4b:s9+s4], $0x80, $0x38;
	[tilespmem:$0x10200] =	vst v63  }
0x1b: {  	_ =	swait.ge [sflag:s13], $0x80  }
.Ltmp2:
0x1c: {  	[sflag:s13] =	ssyncset.done $0x0;
	(pc) =	sbr.rel .LBB2_2-.Ltmp2, $4  }
0x1d: {  	[sflag:s13] =	ssyncadd.s32 $0xFFFFFF80  }
0x1e: {  	[tilespmem:s15], [sflag:$0x1] =	stream.indirect.gather [hbm4b:s2+s14], $0x80, s4, s14, $0xb8;
	[tilespmem:$0x10200] =	vst v63  }
0x1f: {  	s26 =	simm.s32 $0x0  }
0x20: {  	[tilespmem:s16], [sflag:$0x1] =	stream.indirect.gather [hbm4b:s2+s14], $0x80, s14, s14, $0xb8;
	[tilespmem:$0x10200] =	vst v63  }
.LBB2_9:
0x21: {  	s26 =	sadd.s32 $0x1, s26  }
0x22: {  	p0 =	sne.s32 s26, $0x32  }
.Ltmp3:
0x23: {  	s0 =	sshll.u32 s28, $0xF;
	(pc) =	sbr.rel @!p0 .LBB2_10-.Ltmp3, $4  }
0x24: {  	s0 =	sadd.s32 s10, s0  }
0x25: {  	s0 =	sshrl.u32 s0, $0x3  }
0x26: {  	s0 =	sadd.s32 s3, s0  }
0x27: {  	[hbm4b:s0+s4] =	stream.linear.scatter [tilespmem:s19], [sflag:$0x4], $0x8000, $0x38;
	[tilespmem:$0x10200] =	vst v63  }
.LBB2_2:
0x28: {  	s28 =	sshllo.u32 s26, $0x1;
	p0 =	seq.s32 s26, $0x0  }
0x29: {  	s29 =	simm.s32 @!p0 $0x4;
	s30 =	sshll.u32 s28, $0x8  }
0x2a: {  	_ =	swait.ge @!p0 [sflag:s29], $0x8000;
	s30 =	sadd.s32 s5, s30  }
0x2b: {  	[sflag:s29] =	ssyncset.done @!p0 $0x0;
	s30 =	sshrl.u32 s30, $0x3  }
0x2c: {  	[sflag:s29] =	ssyncadd.s32 @!p0 $0xFFFF8000;
	s31 =	sadd.s32 s6, s30;
	s29 =	simm.s32 $0x0  }
0x2d: {  	[tilespmem:s17], [sflag:$0x5] =	stream.linear.gather [hbm4b:s31+s29], $0x80, $0x38;
	[tilespmem:$0x10200] =	vst v63  }
0x2e: {  	_ =	swait.ge [sflag:s13], $0x80  }
0x2f: {  	[sflag:s13] =	ssyncset.done $0x0  }
0x30: {  	s30 =	sadd.s32 s30, s7;
	[sflag:s13] =	ssyncadd.s32 $0xFFFFFF80  }
0x31: {  	[tilespmem:s18], [sflag:$0x5] =	stream.linear.gather [hbm4b:s30+s29], $0x80, $0x38;
	[tilespmem:$0x10200] =	vst v63  }
0x32: {  	_ =	swait.ge [sflag:s13], $0x80  }
0x33: {  	[sflag:s13] =	ssyncset.done $0x0  }
0x34: {  	[sflag:s13] =	ssyncadd.s32 $0xFFFFFF80  }
0x35: {  	[tilespmem:s19], [sflag:$0x2] =	stream.indirect.gather [hbm4b:s2+s14], $0x80, s17, s14, $0xb8;
	[tilespmem:$0x10200] =	vst v63  }
0x36: {  	_ = 	snop  }
0x37: {  	[tilespmem:s20], [sflag:$0x2] =	stream.indirect.gather [hbm4b:s2+s14], $0x80, s18, s14, $0xb8;
	[tilespmem:$0x10200] =	vst v63  }
0x38: {  	_ =	swait.ge [sflag:s21], $0x4000  }
0x39: {  	[sflag:s21] =	ssyncset.done $0x0  }
0x3a: {  	[sflag:s21] =	ssyncadd.s32 $0xFFFFC000  }
0x3b: {  	_ =	swait.ge [sflag:s21], $0x4000  }
0x3c: {  	[sflag:s21] =	ssyncset.done $0x0  }
0x3d: {  	[sflag:s21] =	ssyncadd.s32 $0xFFFFC000  }
0x3e: {  	v0 =	vld [tilespmem:$0x0]  }
0x3f: {  	v1 =	vld [tilespmem:$0x10];
	_ =	sdelay $0x1  }
0x40: {  	v2 =	vld [tilespmem:$0x20];
	_ =	sdelay $0x1  }
0x41: {  	v3 =	vld [tilespmem:$0x30]  }
0x42: {  	vm0 =	vlt.s32 v0, v1  }
0x43: {  	v52 =	vld [tilespmem:$0x40];
	v0 =	vsel vm0, v0, v1  }
0x44: {  	vm0 =	vlt.s32 v0, v2  }
0x45: {  	v53 =	vld [tilespmem:$0x50];
	v0 =	vsel vm0, v0, v2  }
0x46: {  	vm0 =	vlt.s32 v0, v3  }
0x47: {  	v54 =	vld [tilespmem:$0x60];
	v0 =	vsel vm0, v0, v3  }
0x48: {  	vm0 =	vlt.s32 v0, v52  }
0x49: {  	v55 =	vld [tilespmem:$0x70];
	v0 =	vsel vm0, v0, v52  }
0x4a: {  	vm0 =	vlt.s32 v0, v53  }
0x4b: {  	v56 =	vld [tilespmem:$0x80];
	v0 =	vsel vm0, v0, v53  }
0x4c: {  	vm0 =	vlt.s32 v0, v54  }
0x4d: {  	v57 =	vld [tilespmem:$0x90];
	v0 =	vsel vm0, v0, v54  }
0x4e: {  	vm0 =	vlt.s32 v0, v55  }
0x4f: {  	v58 =	vld [tilespmem:$0xA0];
	v0 =	vsel vm0, v0, v55  }
0x50: {  	vm0 =	vlt.s32 v0, v56  }
0x51: {  	v59 =	vld [tilespmem:$0xB0];
	v0 =	vsel vm0, v0, v56  }
0x52: {  	vm0 =	vlt.s32 v0, v57  }
0x53: {  	v60 =	vld [tilespmem:$0xC0];
	v0 =	vsel vm0, v0, v57  }
0x54: {  	vm0 =	vlt.s32 v0, v58  }
0x55: {  	v61 =	vld [tilespmem:$0xD0];
	v0 =	vsel vm0, v0, v58  }
0x56: {  	vm0 =	vlt.s32 v0, v59  }
0x57: {  	v62 =	vld [tilespmem:$0xE0];
	v0 =	vsel vm0, v0, v59  }
0x58: {  	vm0 =	vlt.s32 v0, v60  }
0x59: {  	v63 =	vld [tilespmem:$0xF0];
	v0 =	vsel vm0, v0, v60  }
0x5a: {  	vm0 =	vlt.s32 v0, v61  }
0x5b: {  	v0 =	vsel vm0, v0, v61  }
0x5c: {  	vm0 =	vlt.s32 v0, v62  }
0x5d: {  	v0 =	vsel vm0, v0, v62  }
0x5e: {  	vm0 =	vlt.s32 v0, v63  }
0x5f: {  	v0 =	vsel vm0, v0, v63  }
0x60: {  	(v2sf) =	vpush v0, $0x0  }
0x61: {  	(v2sf) =	vpush v0, $0x1;
	_ =	sdelay $0x1  }
0x62: {  	(v2sf) =	vpush v0, $0x2;
	_ =	sdelay $0x1  }
0x63: {  	(v2sf) =	vpush v0, $0x3;
	_ =	sdelay $0x1  }
0x64: {  	(v2sf) =	vpush v0, $0x4;
	_ =	sdelay $0x1  }
0x65: {  	(v2sf) =	vpush v0, $0x5;
	_ =	sdelay $0x1  }
0x66: {  	(v2sf) =	vpush v0, $0x6;
	_ =	sdelay $0x1  }
0x67: {  	(v2sf) =	vpush v0, $0x7;
	_ =	sdelay $0x1  }
0x68: {  	s30 =	spop (v2sf);
	(v2sf) =	vpush v0, $0x8  }
0x69: {  	s31 =	spop (v2sf)  }
0x6a: {  	(v2sf) =	vpush v0, $0x9;
	p0 =	slt.s32 s30, s31  }
0x6b: {  	s31 =	smov.u32 @p0 s30;
	s30 =	spop (v2sf)  }
0x6c: {  	(v2sf) =	vpush v0, $0xA;
	p0 =	slt.s32 s31, s30  }
0x6d: {  	s30 =	smov.u32 @p0 s31;
	s31 =	spop (v2sf)  }
0x6e: {  	(v2sf) =	vpush v0, $0xB;
	p0 =	slt.s32 s30, s31  }
0x6f: {  	s31 =	smov.u32 @p0 s30;
	s30 =	spop (v2sf)  }
0x70: {  	(v2sf) =	vpush v0, $0xC;
	p0 =	slt.s32 s31, s30  }
0x71: {  	s30 =	smov.u32 @p0 s31;
	s31 =	spop (v2sf)  }
0x72: {  	(v2sf) =	vpush v0, $0xD;
	p0 =	slt.s32 s30, s31  }
0x73: {  	s31 =	smov.u32 @p0 s30;
	s30 =	spop (v2sf)  }
0x74: {  	(v2sf) =	vpush v0, $0xE;
	p0 =	slt.s32 s31, s30  }
0x75: {  	s30 =	smov.u32 @p0 s31;
	s31 =	spop (v2sf)  }
0x76: {  	(v2sf) =	vpush v0, $0xF;
	p0 =	slt.s32 s30, s31  }
0x77: {  	s31 =	smov.u32 @p0 s30;
	s30 =	spop (v2sf)  }
0x78: {  	p0 =	slt.s32 s31, s30  }
0x79: {  	s30 =	smov.u32 @p0 s31;
	s31 =	spop (v2sf)  }
0x7a: {  	p0 =	slt.s32 s30, s31  }
0x7b: {  	s31 =	smov.u32 @p0 s30;
	s30 =	spop (v2sf)  }
0x7c: {  	p0 =	slt.s32 s31, s30  }
0x7d: {  	s30 =	smov.u32 @p0 s31;
	s31 =	spop (v2sf)  }
0x7e: {  	p0 =	slt.s32 s30, s31  }
0x7f: {  	s31 =	smov.u32 @p0 s30;
	s30 =	spop (v2sf)  }
0x80: {  	p0 =	slt.s32 s31, s30  }
0x81: {  	s30 =	smov.u32 @p0 s31;
	s31 =	spop (v2sf)  }
0x82: {  	p0 =	slt.s32 s30, s31  }
0x83: {  	s31 =	smov.u32 @p0 s30;
	s30 =	spop (v2sf)  }
0x84: {  	p0 =	slt.s32 s31, s30  }
0x85: {  	s30 =	smov.u32 @p0 s31;
	s31 =	spop (v2sf)  }
0x86: {  	p0 =	slt.s32 s30, s31  }
0x87: {  	s31 =	smov.u32 @p0 s30  }
0x88: {  	p0 =	sne.s32 s31, $0x0  }
.Ltmp4:
0x89: {  	_ = 	snop;
	(pc) =	sbr.rel @p0 .LBB2_6-.Ltmp4, $1  }
0x8a: {  	_ =	sdelay $0x3  }
0x8b: {  	s30 =	sand.u32 $0x200, s29  }
0x8c: {  	s31 =	sand.u32 $0x70, s29;
	s30 =	sshrl.u32 s30, $0x2  }
0x8d: {  	s30 =	sor.u32 s31, s30  }
0x8e: {  	v0 =	vld [tilespmem:s30+$0x0];
	_ =	sdelay $0x4  }
0x8f: {  	(v2sf) =	vpush v0, $0x0;
	_ =	sdelay $0x7  }
0x90: {  	(v2sf) =	vpush v0, $0x1;
	_ =	sdelay $0x6  }
0x91: {  	s30 =	spop (v2sf)  }
0x92: {  	(v2sf) =	vpush v0, $0x2;
	p1 =	sne.s32 s30, $0x0  }
0x93: {  	s30 =	simm.s32 $0x600;
	v1 =	vimm.f32 @!p1 $0.0e+00  }
0x94: {  	[tilespmem:s30+$0xFFFFFC00] =	vst @!p1 v1  }
0x95: {  	[tilespmem:s30+$0xFFFFFC10] =	vst @!p1 v1  }
0x96: {  	[tilespmem:s30+$0xFFFFFC20] =	vst @!p1 v1  }
0x97: {  	[tilespmem:s30+$0xFFFFFC30] =	vst @!p1 v1  }
0x98: {  	[tilespmem:s30+$0xFFFFFC40] =	vst @!p1 v1  }
0x99: {  	s31 =	spop (v2sf);
	[tilespmem:s30+$0xFFFFFC50] =	vst @!p1 v1  }
0x9a: {  	(v2sf) =	vpush v0, $0x3;
	p0 =	sne.s32 s31, $0x0;
	[tilespmem:s30+$0xFFFFFC60] =	vst @!p1 v1  }
0x9b: {  	v2 =	vimm.f32 @!p0 $0.0e+00;
	[tilespmem:s30+$0xFFFFFC70] =	vst @!p1 v1  }
0x9c: {  	[tilespmem:s30+$0xFFFFFC80] =	vst @!p0 v2  }
0x9d: {  	[tilespmem:s30+$0xFFFFFC90] =	vst @!p0 v2  }
0x9e: {  	[tilespmem:s30+$0xFFFFFCA0] =	vst @!p0 v2  }
0x9f: {  	[tilespmem:s30+$0xFFFFFCB0] =	vst @!p0 v2  }
0xa0: {  	[tilespmem:s30+$0xFFFFFCC0] =	vst @!p0 v2  }
0xa1: {  	[tilespmem:s30+$0xFFFFFCD0] =	vst @!p0 v2;
	s31 =	spop (v2sf)  }
0xa2: {  	[tilespmem:s30+$0xFFFFFCE0] =	vst @!p0 v2;
	(v2sf) =	vpush v0, $0x4;
	p1 =	sne.s32 s31, $0x0  }
0xa3: {  	[tilespmem:s30+$0xFFFFFCF0] =	vst @!p0 v2;
	v1 =	vimm.f32 @!p1 $0.0e+00  }
0xa4: {  	[tilespmem:s30+$0xFFFFFD00] =	vst @!p1 v1  }
0xa5: {  	[tilespmem:s30+$0xFFFFFD10] =	vst @!p1 v1  }
0xa6: {  	[tilespmem:s30+$0xFFFFFD20] =	vst @!p1 v1  }
0xa7: {  	[tilespmem:s30+$0xFFFFFD30] =	vst @!p1 v1  }
0xa8: {  	[tilespmem:s30+$0xFFFFFD40] =	vst @!p1 v1  }
0xa9: {  	s31 =	spop (v2sf);
	[tilespmem:s30+$0xFFFFFD50] =	vst @!p1 v1  }
0xaa: {  	(v2sf) =	vpush v0, $0x5;
	p0 =	sne.s32 s31, $0x0;
	[tilespmem:s30+$0xFFFFFD60] =	vst @!p1 v1  }
0xab: {  	v2 =	vimm.f32 @!p0 $0.0e+00;
	[tilespmem:s30+$0xFFFFFD70] =	vst @!p1 v1  }
0xac: {  	[tilespmem:s30+$0xFFFFFD80] =	vst @!p0 v2  }
0xad: {  	[tilespmem:s30+$0xFFFFFD90] =	vst @!p0 v2  }
0xae: {  	[tilespmem:s30+$0xFFFFFDA0] =	vst @!p0 v2  }
0xaf: {  	[tilespmem:s30+$0xFFFFFDB0] =	vst @!p0 v2  }
0xb0: {  	[tilespmem:s30+$0xFFFFFDC0] =	vst @!p0 v2  }
0xb1: {  	[tilespmem:s30+$0xFFFFFDD0] =	vst @!p0 v2;
	s31 =	spop (v2sf)  }
0xb2: {  	[tilespmem:s30+$0xFFFFFDE0] =	vst @!p0 v2;
	(v2sf) =	vpush v0, $0x6;
	p1 =	sne.s32 s31, $0x0  }
0xb3: {  	[tilespmem:s30+$0xFFFFFDF0] =	vst @!p0 v2;
	v1 =	vimm.f32 @!p1 $0.0e+00  }
0xb4: {  	[tilespmem:s30+$0xFFFFFE00] =	vst @!p1 v1  }
0xb5: {  	[tilespmem:s30+$0xFFFFFE10] =	vst @!p1 v1  }
0xb6: {  	[tilespmem:s30+$0xFFFFFE20] =	vst @!p1 v1  }
0xb7: {  	[tilespmem:s30+$0xFFFFFE30] =	vst @!p1 v1  }
0xb8: {  	[tilespmem:s30+$0xFFFFFE40] =	vst @!p1 v1  }
0xb9: {  	s31 =	spop (v2sf);
	[tilespmem:s30+$0xFFFFFE50] =	vst @!p1 v1  }
0xba: {  	(v2sf) =	vpush v0, $0x7;
	p0 =	sne.s32 s31, $0x0;
	[tilespmem:s30+$0xFFFFFE60] =	vst @!p1 v1  }
0xbb: {  	v2 =	vimm.f32 @!p0 $0.0e+00;
	[tilespmem:s30+$0xFFFFFE70] =	vst @!p1 v1  }
0xbc: {  	[tilespmem:s30+$0xFFFFFE80] =	vst @!p0 v2  }
0xbd: {  	[tilespmem:s30+$0xFFFFFE90] =	vst @!p0 v2  }
0xbe: {  	[tilespmem:s30+$0xFFFFFEA0] =	vst @!p0 v2  }
0xbf: {  	[tilespmem:s30+$0xFFFFFEB0] =	vst @!p0 v2  }
0xc0: {  	[tilespmem:s30+$0xFFFFFEC0] =	vst @!p0 v2  }
0xc1: {  	[tilespmem:s30+$0xFFFFFED0] =	vst @!p0 v2;
	s31 =	spop (v2sf)  }
0xc2: {  	[tilespmem:s30+$0xFFFFFEE0] =	vst @!p0 v2;
	(v2sf) =	vpush v0, $0x8;
	p1 =	sne.s32 s31, $0x0  }
0xc3: {  	[tilespmem:s30+$0xFFFFFEF0] =	vst @!p0 v2;
	v1 =	vimm.f32 @!p1 $0.0e+00  }
0xc4: {  	[tilespmem:s30+$0xFFFFFF00] =	vst @!p1 v1  }
0xc5: {  	[tilespmem:s30+$0xFFFFFF10] =	vst @!p1 v1  }
0xc6: {  	[tilespmem:s30+$0xFFFFFF20] =	vst @!p1 v1  }
0xc7: {  	[tilespmem:s30+$0xFFFFFF30] =	vst @!p1 v1  }
0xc8: {  	[tilespmem:s30+$0xFFFFFF40] =	vst @!p1 v1  }
0xc9: {  	s31 =	spop (v2sf);
	[tilespmem:s30+$0xFFFFFF50] =	vst @!p1 v1  }
0xca: {  	(v2sf) =	vpush v0, $0x9;
	p0 =	sne.s32 s31, $0x0;
	[tilespmem:s30+$0xFFFFFF60] =	vst @!p1 v1  }
0xcb: {  	v2 =	vimm.f32 @!p0 $0.0e+00;
	[tilespmem:s30+$0xFFFFFF70] =	vst @!p1 v1  }
0xcc: {  	[tilespmem:s30+$0xFFFFFF80] =	vst @!p0 v2  }
0xcd: {  	[tilespmem:s30+$0xFFFFFF90] =	vst @!p0 v2  }
0xce: {  	[tilespmem:s30+$0xFFFFFFA0] =	vst @!p0 v2  }
0xcf: {  	[tilespmem:s30+$0xFFFFFFB0] =	vst @!p0 v2  }
0xd0: {  	[tilespmem:s30+$0xFFFFFFC0] =	vst @!p0 v2  }
0xd1: {  	[tilespmem:s30+$0xFFFFFFD0] =	vst @!p0 v2;
	s31 =	spop (v2sf)  }
0xd2: {  	[tilespmem:s30+$0xFFFFFFE0] =	vst @!p0 v2;
	(v2sf) =	vpush v0, $0xA;
	p1 =	sne.s32 s31, $0x0  }
0xd3: {  	[tilespmem:s30+$0xFFFFFFF0] =	vst @!p0 v2;
	v1 =	vimm.f32 @!p1 $0.0e+00  }
0xd4: {  	[tilespmem:s30+$0x0] =	vst @!p1 v1  }
0xd5: {  	[tilespmem:s30+$0x10] =	vst @!p1 v1  }
0xd6: {  	[tilespmem:s30+$0x20] =	vst @!p1 v1  }
0xd7: {  	[tilespmem:s30+$0x30] =	vst @!p1 v1  }
0xd8: {  	[tilespmem:s30+$0x40] =	vst @!p1 v1  }
0xd9: {  	s31 =	spop (v2sf);
	[tilespmem:s30+$0x50] =	vst @!p1 v1  }
0xda: {  	(v2sf) =	vpush v0, $0xB;
	p0 =	sne.s32 s31, $0x0;
	[tilespmem:s30+$0x60] =	vst @!p1 v1  }
0xdb: {  	v2 =	vimm.f32 @!p0 $0.0e+00;
	[tilespmem:s30+$0x70] =	vst @!p1 v1  }
0xdc: {  	[tilespmem:s30+$0x80] =	vst @!p0 v2  }
0xdd: {  	[tilespmem:s30+$0x90] =	vst @!p0 v2  }
0xde: {  	[tilespmem:s30+$0xA0] =	vst @!p0 v2  }
0xdf: {  	[tilespmem:s30+$0xB0] =	vst @!p0 v2  }
0xe0: {  	[tilespmem:s30+$0xC0] =	vst @!p0 v2  }
0xe1: {  	[tilespmem:s30+$0xD0] =	vst @!p0 v2;
	s31 =	spop (v2sf)  }
0xe2: {  	[tilespmem:s30+$0xE0] =	vst @!p0 v2;
	(v2sf) =	vpush v0, $0xC;
	p1 =	sne.s32 s31, $0x0  }
0xe3: {  	[tilespmem:s30+$0xF0] =	vst @!p0 v2;
	v1 =	vimm.f32 @!p1 $0.0e+00  }
0xe4: {  	[tilespmem:s30+$0x100] =	vst @!p1 v1  }
0xe5: {  	[tilespmem:s30+$0x110] =	vst @!p1 v1  }
0xe6: {  	[tilespmem:s30+$0x120] =	vst @!p1 v1  }
0xe7: {  	[tilespmem:s30+$0x130] =	vst @!p1 v1  }
0xe8: {  	[tilespmem:s30+$0x140] =	vst @!p1 v1  }
0xe9: {  	s31 =	spop (v2sf);
	[tilespmem:s30+$0x150] =	vst @!p1 v1  }
0xea: {  	(v2sf) =	vpush v0, $0xD;
	p0 =	sne.s32 s31, $0x0;
	[tilespmem:s30+$0x160] =	vst @!p1 v1  }
0xeb: {  	v2 =	vimm.f32 @!p0 $0.0e+00;
	[tilespmem:s30+$0x170] =	vst @!p1 v1  }
0xec: {  	[tilespmem:s30+$0x180] =	vst @!p0 v2  }
0xed: {  	[tilespmem:s30+$0x190] =	vst @!p0 v2  }
0xee: {  	[tilespmem:s30+$0x1A0] =	vst @!p0 v2  }
0xef: {  	[tilespmem:s30+$0x1B0] =	vst @!p0 v2  }
0xf0: {  	[tilespmem:s30+$0x1C0] =	vst @!p0 v2  }
0xf1: {  	[tilespmem:s30+$0x1D0] =	vst @!p0 v2;
	s31 =	spop (v2sf)  }
0xf2: {  	[tilespmem:s30+$0x1E0] =	vst @!p0 v2;
	(v2sf) =	vpush v0, $0xE;
	p1 =	sne.s32 s31, $0x0  }
0xf3: {  	[tilespmem:s30+$0x1F0] =	vst @!p0 v2;
	v1 =	vimm.f32 @!p1 $0.0e+00  }
0xf4: {  	[tilespmem:s30+$0x200] =	vst @!p1 v1  }
0xf5: {  	[tilespmem:s30+$0x210] =	vst @!p1 v1  }
0xf6: {  	[tilespmem:s30+$0x220] =	vst @!p1 v1  }
0xf7: {  	[tilespmem:s30+$0x230] =	vst @!p1 v1  }
0xf8: {  	[tilespmem:s30+$0x240] =	vst @!p1 v1  }
0xf9: {  	s31 =	spop (v2sf);
	[tilespmem:s30+$0x250] =	vst @!p1 v1  }
0xfa: {  	(v2sf) =	vpush v0, $0xF;
	p0 =	sne.s32 s31, $0x0;
	[tilespmem:s30+$0x260] =	vst @!p1 v1  }
0xfb: {  	v0 =	vimm.f32 @!p0 $0.0e+00;
	[tilespmem:s30+$0x270] =	vst @!p1 v1  }
0xfc: {  	[tilespmem:s30+$0x280] =	vst @!p0 v0  }
0xfd: {  	[tilespmem:s30+$0x290] =	vst @!p0 v0  }
0xfe: {  	[tilespmem:s30+$0x2A0] =	vst @!p0 v0  }
0xff: {  	[tilespmem:s30+$0x2B0] =	vst @!p0 v0  }
0x100: {  	[tilespmem:s30+$0x2C0] =	vst @!p0 v0  }
0x101: {  	[tilespmem:s30+$0x2D0] =	vst @!p0 v0;
	s31 =	spop (v2sf)  }
0x102: {  	[tilespmem:s30+$0x2E0] =	vst @!p0 v0;
	p1 =	sne.s32 s31, $0x0  }
0x103: {  	[tilespmem:s30+$0x2F0] =	vst @!p0 v0;
	v1 =	vimm.f32 @!p1 $0.0e+00  }
0x104: {  	[tilespmem:s30+$0x300] =	vst @!p1 v1  }
0x105: {  	[tilespmem:s30+$0x310] =	vst @!p1 v1  }
0x106: {  	[tilespmem:s30+$0x320] =	vst @!p1 v1  }
0x107: {  	[tilespmem:s30+$0x330] =	vst @!p1 v1  }
0x108: {  	[tilespmem:s30+$0x340] =	vst @!p1 v1  }
0x109: {  	s31 =	spop (v2sf);
	[tilespmem:s30+$0x350] =	vst @!p1 v1  }
0x10a: {  	p2 =	sne.s32 s31, $0x0;
	[tilespmem:s30+$0x360] =	vst @!p1 v1  }
0x10b: {  	[tilespmem:s30+$0x370] =	vst @!p1 v1;
	v0 =	vimm.f32 @!p2 $0.0e+00  }
0x10c: {  	[tilespmem:s30+$0x380] =	vst @!p2 v0  }
0x10d: {  	[tilespmem:s30+$0x390] =	vst @!p2 v0  }
0x10e: {  	[tilespmem:s30+$0x3A0] =	vst @!p2 v0  }
0x10f: {  	[tilespmem:s30+$0x3B0] =	vst @!p2 v0  }
0x110: {  	s31 =	simm.s32 $0x40;
	[tilespmem:s30+$0x3C0] =	vst @!p2 v0  }
.LBB2_4:
0x111: {  	s1 =	sand.u32 $0x200, s31;
	s31 =	sadd.s32 $0x40, s31  }
0x112: {  	p0 =	sne.s32 s31, $0x400  }
0x113: {  	[tilespmem:s30+$0x3D0] =	vst @!p2 v0;
	[smem:$0x7F4] =	sst s2;
	s2 =	simm.s32 @!p0 $0x0  }
0x114: {  	s2 =	simm.s32 @p0 $0x1  }
0x115: {  	s29 =	sadd.s32 $0x10, s29;
	[smem:$0x7FD] =	sst s2  }
0x116: {  	s0 =	sand.u32 $0x70, s29;
	s1 =	sshrl.u32 s1, $0x2;
	s2 =	sld [smem:$0x7F4];
	[tilespmem:s30+$0x3E0] =	vst @!p2 v0  }
0x117: {  	s0 =	sor.u32 s0, s1;
	[tilespmem:s30+$0x3F0] =	vst @!p2 v0  }
0x118: {  	v0 =	vld [tilespmem:s0+$0x0];
	_ =	sdelay $0x4  }
0x119: {  	(v2sf) =	vpush v0, $0x0;
	_ =	sdelay $0x2  }
0x11a: {  	(v2sf) =	vpush v0, $0x1  }
0x11b: {  	(v2sf) =	vpush v0, $0x2  }
0x11c: {  	(v2sf) =	vpush v0, $0x3  }
0x11d: {  	(v2sf) =	vpush v0, $0x4  }
0x11e: {  	(v2sf) =	vpush v0, $0x5  }
0x11f: {  	(v2sf) =	vpush v0, $0x6  }
0x120: {  	(v2sf) =	vpush v0, $0x7  }
0x121: {  	(v2sf) =	vpush v0, $0x8  }
0x122: {  	(v2sf) =	vpush v0, $0x9  }
0x123: {  	(v2sf) =	vpush v0, $0xA  }
0x124: {  	(v2sf) =	vpush v0, $0xB  }
0x125: {  	(v2sf) =	vpush v0, $0xC  }
0x126: {  	(v2sf) =	vpush v0, $0xD;
	s1 =	spop (v2sf)  }
0x127: {  	(v2sf) =	vpush v0, $0xE;
	p0 =	sne.s32 s1, $0x0  }
0x128: {  	s30 =	sadd.s32 $0x800, s30;
	(v2sf) =	vpush v0, $0xF;
	v0 =	vimm.f32 @!p0 $0.0e+00  }
0x129: {  	[tilespmem:s30+$0xFFFFFC00] =	vst @!p0 v0  }
0x12a: {  	[tilespmem:s30+$0xFFFFFC10] =	vst @!p0 v0  }
0x12b: {  	[tilespmem:s30+$0xFFFFFC20] =	vst @!p0 v0  }
0x12c: {  	[tilespmem:s30+$0xFFFFFC30] =	vst @!p0 v0  }
0x12d: {  	[tilespmem:s30+$0xFFFFFC40] =	vst @!p0 v0  }
0x12e: {  	s1 =	spop (v2sf);
	[tilespmem:s30+$0xFFFFFC50] =	vst @!p0 v0  }
0x12f: {  	p2 =	sne.s32 s1, $0x0;
	[tilespmem:s30+$0xFFFFFC60] =	vst @!p0 v0  }
0x130: {  	v9 =	vimm.f32 @!p2 $0.0e+00;
	[tilespmem:s30+$0xFFFFFC70] =	vst @!p0 v0  }
0x131: {  	[tilespmem:s30+$0xFFFFFC80] =	vst @!p2 v9  }
0x132: {  	[tilespmem:s30+$0xFFFFFC90] =	vst @!p2 v9  }
0x133: {  	[tilespmem:s30+$0xFFFFFCA0] =	vst @!p2 v9  }
0x134: {  	[tilespmem:s30+$0xFFFFFCB0] =	vst @!p2 v9  }
0x135: {  	[tilespmem:s30+$0xFFFFFCC0] =	vst @!p2 v9  }
0x136: {  	s1 =	spop (v2sf);
	[tilespmem:s30+$0xFFFFFCD0] =	vst @!p2 v9  }
0x137: {  	p3 =	sne.s32 s1, $0x0;
	[tilespmem:s30+$0xFFFFFCE0] =	vst @!p2 v9  }
0x138: {  	v10 =	vimm.f32 @!p3 $0.0e+00;
	[tilespmem:s30+$0xFFFFFCF0] =	vst @!p2 v9  }
0x139: {  	[tilespmem:s30+$0xFFFFFD00] =	vst @!p3 v10  }
0x13a: {  	[tilespmem:s30+$0xFFFFFD10] =	vst @!p3 v10  }
0x13b: {  	[tilespmem:s30+$0xFFFFFD20] =	vst @!p3 v10  }
0x13c: {  	[tilespmem:s30+$0xFFFFFD30] =	vst @!p3 v10  }
0x13d: {  	[tilespmem:s30+$0xFFFFFD40] =	vst @!p3 v10  }
0x13e: {  	s1 =	spop (v2sf);
	[tilespmem:s30+$0xFFFFFD50] =	vst @!p3 v10  }
0x13f: {  	p4 =	sne.s32 s1, $0x0;
	[tilespmem:s30+$0xFFFFFD60] =	vst @!p3 v10  }
0x140: {  	v11 =	vimm.f32 @!p4 $0.0e+00;
	[tilespmem:s30+$0xFFFFFD70] =	vst @!p3 v10  }
0x141: {  	[tilespmem:s30+$0xFFFFFD80] =	vst @!p4 v11  }
0x142: {  	[tilespmem:s30+$0xFFFFFD90] =	vst @!p4 v11  }
0x143: {  	[tilespmem:s30+$0xFFFFFDA0] =	vst @!p4 v11  }
0x144: {  	[tilespmem:s30+$0xFFFFFDB0] =	vst @!p4 v11  }
0x145: {  	[tilespmem:s30+$0xFFFFFDC0] =	vst @!p4 v11  }
0x146: {  	s1 =	spop (v2sf);
	[tilespmem:s30+$0xFFFFFDD0] =	vst @!p4 v11  }
0x147: {  	p5 =	sne.s32 s1, $0x0;
	[tilespmem:s30+$0xFFFFFDE0] =	vst @!p4 v11  }
0x148: {  	v12 =	vimm.f32 @!p5 $0.0e+00;
	[tilespmem:s30+$0xFFFFFDF0] =	vst @!p4 v11  }
0x149: {  	[tilespmem:s30+$0xFFFFFE00] =	vst @!p5 v12  }
0x14a: {  	s1 =	spop (v2sf);
	[tilespmem:s30+$0xFFFFFE10] =	vst @!p5 v12  }
0x14b: {  	p6 =	sne.s32 s1, $0x0;
	s1 =	spop (v2sf);
	[tilespmem:s30+$0xFFFFFE20] =	vst @!p5 v12  }
0x14c: {  	p1 =	sne.s32 s1, $0x0;
	[tilespmem:s30+$0xFFFFFE30] =	vst @!p5 v12  }
0x14d: {  	s1 =	spop (v2sf);
	[tilespmem:s30+$0xFFFFFE40] =	vst @!p5 v12;
	s0 =	simm.s32 @!p1 $0x0  }
0x14e: {  	[tilespmem:s30+$0xFFFFFE50] =	vst @!p5 v12;
	v14 =	vimm.f32 @!p1 $0.0e+00;
	s0 =	simm.s32 @p1 $0x1;
	p1 =	sne.s32 s1, $0x0  }
0x14f: {  	[tilespmem:s30+$0xFFFFFE60] =	vst @!p5 v12;
	s1 =	spop (v2sf);
	[smem:$0x7F5] =	sst s0;
	s0 =	simm.s32 @!p1 $0x0  }
0x150: {  	v13 =	vimm.f32 @!p6 $0.0e+00;
	[tilespmem:s30+$0xFFFFFE70] =	vst @!p5 v12;
	v8 =	vimm.f32 @!p1 $0.0e+00;
	s0 =	simm.s32 @p1 $0x1;
	p1 =	sne.s32 s1, $0x0;
	s1 =	spop (v2sf)  }
0x151: {  	[tilespmem:s30+$0xFFFFFE80] =	vst @!p6 v13;
	p0 =	sne.s32 s1, $0x0  }
0x152: {  	[tilespmem:s30+$0xFFFFFE90] =	vst @!p6 v13;
	[smem:$0x7F6] =	sst s0;
	s1 =	spop (v2sf);
	s0 =	simm.s32 @!p0 $0x0  }
0x153: {  	[tilespmem:s30+$0xFFFFFEA0] =	vst @!p6 v13;
	v6 =	vimm.f32 @!p0 $0.0e+00;
	s0 =	simm.s32 @p0 $0x1;
	p0 =	sne.s32 s1, $0x0  }
0x154: {  	[tilespmem:s30+$0xFFFFFEB0] =	vst @!p6 v13;
	s1 =	spop (v2sf);
	[smem:$0x7F7] =	sst s0;
	s0 =	simm.s32 @!p0 $0x0  }
0x155: {  	[tilespmem:s30+$0xFFFFFEC0] =	vst @!p6 v13;
	v5 =	vimm.f32 @!p0 $0.0e+00;
	s0 =	simm.s32 @p0 $0x1;
	p0 =	sne.s32 s1, $0x0  }
0x156: {  	[tilespmem:s30+$0xFFFFFED0] =	vst @!p6 v13;
	s1 =	spop (v2sf);
	[smem:$0x7F8] =	sst s0;
	s0 =	simm.s32 @!p0 $0x0  }
0x157: {  	[tilespmem:s30+$0xFFFFFEE0] =	vst @!p6 v13;
	v4 =	vimm.f32 @!p0 $0.0e+00;
	s0 =	simm.s32 @p0 $0x1;
	p0 =	sne.s32 s1, $0x0  }
0x158: {  	[tilespmem:s30+$0xFFFFFEF0] =	vst @!p6 v13;
	v7 =	vimm.f32 @!p1 $0.0e+00;
	s1 =	spop (v2sf);
	[smem:$0x7F9] =	sst s0;
	s0 =	simm.s32 @!p0 $0x0  }
0x159: {  	[tilespmem:s30+$0x0] =	vst @!p1 v7;
	v3 =	vimm.f32 @!p0 $0.0e+00;
	s0 =	simm.s32 @p0 $0x1;
	p0 =	sne.s32 s1, $0x0  }
0x15a: {  	[tilespmem:s30+$0x10] =	vst @!p1 v7;
	s1 =	spop (v2sf);
	[smem:$0x7FA] =	sst s0;
	s0 =	simm.s32 @!p0 $0x0  }
0x15b: {  	[tilespmem:s30+$0x20] =	vst @!p1 v7;
	v2 =	vimm.f32 @!p0 $0.0e+00;
	s0 =	simm.s32 @p0 $0x1;
	p0 =	sne.s32 s1, $0x0  }
0x15c: {  	[tilespmem:s30+$0x30] =	vst @!p1 v7;
	s1 =	spop (v2sf);
	[smem:$0x7FB] =	sst s0;
	s0 =	simm.s32 @!p0 $0x0  }
0x15d: {  	[tilespmem:s30+$0x40] =	vst @!p1 v7;
	v1 =	vimm.f32 @!p0 $0.0e+00;
	s0 =	simm.s32 @p0 $0x1;
	p0 =	sne.s32 s1, $0x0;
	s1 =	sld [smem:$0x7F5]  }
0x15e: {  	[tilespmem:s30+$0x50] =	vst @!p1 v7  }
0x15f: {  	[tilespmem:s30+$0x60] =	vst @!p1 v7  }
0x160: {  	[tilespmem:s30+$0x70] =	vst @!p1 v7;
	v0 =	vimm.f32 @!p0 $0.0e+00;
	p2 =	por p0, p0;
	p0 =	seq.s32 s1, $0x1  }
0x161: {  	[tilespmem:s30+$0xFFFFFF00] =	vst @!p0 v14  }
0x162: {  	[tilespmem:s30+$0xFFFFFF10] =	vst @!p0 v14  }
0x163: {  	[tilespmem:s30+$0xFFFFFF20] =	vst @!p0 v14  }
0x164: {  	[tilespmem:s30+$0xFFFFFF30] =	vst @!p0 v14  }
0x165: {  	s1 =	sld [smem:$0x7F6];
	[tilespmem:s30+$0xFFFFFF40] =	vst @!p0 v14  }
0x166: {  	[tilespmem:s30+$0xFFFFFF50] =	vst @!p0 v14  }
0x167: {  	[tilespmem:s30+$0xFFFFFF60] =	vst @!p0 v14  }
0x168: {  	[tilespmem:s30+$0xFFFFFF70] =	vst @!p0 v14;
	p0 =	seq.s32 s1, $0x1  }
0x169: {  	[tilespmem:s30+$0xFFFFFF80] =	vst @!p0 v8  }
0x16a: {  	[tilespmem:s30+$0xFFFFFF90] =	vst @!p0 v8  }
0x16b: {  	[tilespmem:s30+$0xFFFFFFA0] =	vst @!p0 v8  }
0x16c: {  	[tilespmem:s30+$0xFFFFFFB0] =	vst @!p0 v8  }
0x16d: {  	s1 =	sld [smem:$0x7F7];
	[tilespmem:s30+$0xFFFFFFC0] =	vst @!p0 v8  }
0x16e: {  	[tilespmem:s30+$0xFFFFFFD0] =	vst @!p0 v8  }
0x16f: {  	[tilespmem:s30+$0xFFFFFFE0] =	vst @!p0 v8  }
0x170: {  	[tilespmem:s30+$0xFFFFFFF0] =	vst @!p0 v8;
	p0 =	seq.s32 s1, $0x1  }
0x171: {  	[tilespmem:s30+$0x80] =	vst @!p0 v6  }
0x172: {  	[tilespmem:s30+$0x90] =	vst @!p0 v6  }
0x173: {  	[tilespmem:s30+$0xA0] =	vst @!p0 v6  }
0x174: {  	[tilespmem:s30+$0xB0] =	vst @!p0 v6  }
0x175: {  	s1 =	sld [smem:$0x7F8];
	[tilespmem:s30+$0xC0] =	vst @!p0 v6  }
0x176: {  	[tilespmem:s30+$0xD0] =	vst @!p0 v6  }
0x177: {  	[tilespmem:s30+$0xE0] =	vst @!p0 v6  }
0x178: {  	[tilespmem:s30+$0xF0] =	vst @!p0 v6;
	p0 =	seq.s32 s1, $0x1  }
0x179: {  	[tilespmem:s30+$0x100] =	vst @!p0 v5  }
0x17a: {  	[tilespmem:s30+$0x110] =	vst @!p0 v5  }
0x17b: {  	[tilespmem:s30+$0x120] =	vst @!p0 v5  }
0x17c: {  	[tilespmem:s30+$0x130] =	vst @!p0 v5  }
0x17d: {  	s1 =	sld [smem:$0x7F9];
	[tilespmem:s30+$0x140] =	vst @!p0 v5  }
0x17e: {  	[tilespmem:s30+$0x150] =	vst @!p0 v5  }
0x17f: {  	[tilespmem:s30+$0x160] =	vst @!p0 v5  }
0x180: {  	[tilespmem:s30+$0x170] =	vst @!p0 v5;
	p0 =	seq.s32 s1, $0x1  }
0x181: {  	[tilespmem:s30+$0x180] =	vst @!p0 v4  }
0x182: {  	[tilespmem:s30+$0x190] =	vst @!p0 v4  }
0x183: {  	[tilespmem:s30+$0x1A0] =	vst @!p0 v4  }
0x184: {  	[tilespmem:s30+$0x1B0] =	vst @!p0 v4  }
0x185: {  	s1 =	sld [smem:$0x7FA];
	[tilespmem:s30+$0x1C0] =	vst @!p0 v4  }
0x186: {  	[tilespmem:s30+$0x1D0] =	vst @!p0 v4  }
0x187: {  	[tilespmem:s30+$0x1E0] =	vst @!p0 v4  }
0x188: {  	[tilespmem:s30+$0x1F0] =	vst @!p0 v4;
	p0 =	seq.s32 s1, $0x1  }
0x189: {  	[tilespmem:s30+$0x200] =	vst @!p0 v3  }
0x18a: {  	[tilespmem:s30+$0x210] =	vst @!p0 v3  }
0x18b: {  	[tilespmem:s30+$0x220] =	vst @!p0 v3  }
0x18c: {  	[tilespmem:s30+$0x230] =	vst @!p0 v3  }
0x18d: {  	s1 =	sld [smem:$0x7FB];
	[tilespmem:s30+$0x240] =	vst @!p0 v3  }
0x18e: {  	[tilespmem:s30+$0x250] =	vst @!p0 v3  }
0x18f: {  	[tilespmem:s30+$0x260] =	vst @!p0 v3  }
0x190: {  	[tilespmem:s30+$0x270] =	vst @!p0 v3;
	p0 =	seq.s32 s1, $0x1  }
0x191: {  	[tilespmem:s30+$0x280] =	vst @!p0 v2  }
0x192: {  	[tilespmem:s30+$0x290] =	vst @!p0 v2  }
0x193: {  	[tilespmem:s30+$0x2A0] =	vst @!p0 v2  }
0x194: {  	[smem:$0x7FC] =	sst s0;
	[tilespmem:s30+$0x2B0] =	vst @!p0 v2  }
0x195: {  	s1 =	sld [smem:$0x7FC];
	[tilespmem:s30+$0x2C0] =	vst @!p0 v2  }
0x196: {  	[tilespmem:s30+$0x2D0] =	vst @!p0 v2  }
0x197: {  	[tilespmem:s30+$0x2E0] =	vst @!p0 v2  }
0x198: {  	[tilespmem:s30+$0x2F0] =	vst @!p0 v2;
	p0 =	seq.s32 s1, $0x1  }
0x199: {  	[tilespmem:s30+$0x300] =	vst @!p0 v1  }
0x19a: {  	[tilespmem:s30+$0x310] =	vst @!p0 v1  }
0x19b: {  	[tilespmem:s30+$0x320] =	vst @!p0 v1  }
0x19c: {  	[tilespmem:s30+$0x330] =	vst @!p0 v1  }
0x19d: {  	s1 =	sld [smem:$0x7FD];
	[tilespmem:s30+$0x340] =	vst @!p0 v1  }
0x19e: {  	[tilespmem:s30+$0x350] =	vst @!p0 v1  }
0x19f: {  	[tilespmem:s30+$0x360] =	vst @!p0 v1  }
0x1a0: {  	[tilespmem:s30+$0x370] =	vst @!p0 v1;
	p0 =	seq.s32 s1, $0x1  }
.Ltmp5:
0x1a1: {  	[tilespmem:s30+$0x380] =	vst @!p2 v0;
	(pc) =	sbr.rel @p0 .LBB2_4-.Ltmp5, $4  }
0x1a2: {  	[tilespmem:s30+$0x390] =	vst @!p2 v0  }
0x1a3: {  	[tilespmem:s30+$0x3A0] =	vst @!p2 v0  }
0x1a4: {  	[tilespmem:s30+$0x3B0] =	vst @!p2 v0  }
0x1a5: {  	[tilespmem:s30+$0x3C0] =	vst @!p2 v0  }
0x1a6: {  	[tilespmem:s30+$0x3D0] =	vst @!p2 v0  }
0x1a7: {  	[tilespmem:s30+$0x3E0] =	vst @!p2 v0  }
0x1a8: {  	[tilespmem:s30+$0x3F0] =	vst @!p2 v0  }
.LBB2_6:
0x1a9: {  	s0 =	sshll.u32 s26, $0x10  }
0x1aa: {  	s0 =	sadd.s32 s10, s0  }
0x1ab: {  	s0 =	sshrl.u32 s0, $0x3  }
0x1ac: {  	p0 =	seq.s32 s26, $0x31;
	s0 =	sadd.s32 s3, s0  }
0x1ad: {  	[hbm4b:s0+s4] =	stream.linear.scatter [tilespmem:s15], [sflag:$0x3], $0x8000, $0x38;
	[tilespmem:$0x10200] =	vst v63  }
0x1ae: {  	s1 =	sshll.u32 @!p0 s26, $0x9;
	s0 =	simm.s32 @!p0 $0x3  }
0x1af: {  	s1 =	sadd.s32 @!p0 s1, s11;
	_ =	swait.ge @!p0 [sflag:s0], $0x8000  }
0x1b0: {  	s1 =	sshrl.u32 @!p0 s1, $0x3;
	[sflag:s0] =	ssyncset.done @!p0 $0x0  }
0x1b1: {  	s29 =	simm.s32 @!p0 $0x0;
	[sflag:s0] =	ssyncadd.s32 @!p0 $0xFFFF8000;
	s0 =	sadd.s32 @!p0 s6, s1  }
0x1b2: {  	[tilespmem:s29], [sflag:$0x5] =	stream.linear.gather @!p0 [hbm4b:s0+s29], $0x80, $0x38;
	[tilespmem:$0x10200] =	vst v63  }
0x1b3: {  	s0 =	simm.s32 @!p0 $0x5  }
0x1b4: {  	_ =	swait.ge @!p0 [sflag:s0], $0x80  }
0x1b5: {  	[sflag:s0] =	ssyncset.done @!p0 $0x0  }
0x1b6: {  	s30 =	simm.s32 @!p0 $0x80;
	s1 =	sadd.s32 @!p0 s1, s7;
	[sflag:s0] =	ssyncadd.s32 @!p0 $0xFFFFFF80  }
0x1b7: {  	[tilespmem:s30], [sflag:$0x5] =	stream.linear.gather @!p0 [hbm4b:s1+s29], $0x80, $0x38;
	[tilespmem:$0x10200] =	vst v63  }
0x1b8: {  	_ =	swait.ge @!p0 [sflag:s0], $0x80  }
0x1b9: {  	[sflag:s0] =	ssyncset.done @!p0 $0x0  }
0x1ba: {  	[sflag:s0] =	ssyncadd.s32 @!p0 $0xFFFFFF80;
	s0 =	simm.s32 @!p0 $0x200  }
0x1bb: {  	[tilespmem:s0], [sflag:$0x1] =	stream.indirect.gather @!p0 [hbm4b:s2+s30], $0x80, s29, s30, $0xb8;
	[tilespmem:$0x10200] =	vst v63  }
0x1bc: {  	s0 =	simm.s32 @!p0 $0x4200  }
0x1bd: {  	[tilespmem:s0], [sflag:$0x1] =	stream.indirect.gather @!p0 [hbm4b:s2+s30], $0x80, s30, s30, $0xb8;
	[tilespmem:$0x10200] =	vst v63  }
0x1be: {  	_ =	swait.ge [sflag:s22], $0x4000  }
0x1bf: {  	[sflag:s22] =	ssyncset.done $0x0  }
0x1c0: {  	[sflag:s22] =	ssyncadd.s32 $0xFFFFC000  }
0x1c1: {  	_ =	swait.ge [sflag:s22], $0x4000  }
0x1c2: {  	[sflag:s22] =	ssyncset.done $0x0  }
0x1c3: {  	[sflag:s22] =	ssyncadd.s32 $0xFFFFC000  }
0x1c4: {  	v0 =	vld [tilespmem:$0x100]  }
0x1c5: {  	v1 =	vld [tilespmem:$0x110];
	_ =	sdelay $0x1  }
0x1c6: {  	v2 =	vld [tilespmem:$0x120];
	_ =	sdelay $0x1  }
0x1c7: {  	v3 =	vld [tilespmem:$0x130]  }
0x1c8: {  	vm0 =	vlt.s32 v0, v1  }
0x1c9: {  	v52 =	vld [tilespmem:$0x140];
	v0 =	vsel vm0, v0, v1  }
0x1ca: {  	vm0 =	vlt.s32 v0, v2  }
0x1cb: {  	v53 =	vld [tilespmem:$0x150];
	v0 =	vsel vm0, v0, v2  }
0x1cc: {  	vm0 =	vlt.s32 v0, v3  }
0x1cd: {  	v54 =	vld [tilespmem:$0x160];
	v0 =	vsel vm0, v0, v3  }
0x1ce: {  	vm0 =	vlt.s32 v0, v52  }
0x1cf: {  	v55 =	vld [tilespmem:$0x170];
	v0 =	vsel vm0, v0, v52  }
0x1d0: {  	vm0 =	vlt.s32 v0, v53  }
0x1d1: {  	v56 =	vld [tilespmem:$0x180];
	v0 =	vsel vm0, v0, v53  }
0x1d2: {  	vm0 =	vlt.s32 v0, v54  }
0x1d3: {  	v57 =	vld [tilespmem:$0x190];
	v0 =	vsel vm0, v0, v54  }
0x1d4: {  	vm0 =	vlt.s32 v0, v55  }
0x1d5: {  	v58 =	vld [tilespmem:$0x1A0];
	v0 =	vsel vm0, v0, v55  }
0x1d6: {  	vm0 =	vlt.s32 v0, v56  }
0x1d7: {  	v59 =	vld [tilespmem:$0x1B0];
	v0 =	vsel vm0, v0, v56  }
0x1d8: {  	vm0 =	vlt.s32 v0, v57  }
0x1d9: {  	v60 =	vld [tilespmem:$0x1C0];
	v0 =	vsel vm0, v0, v57  }
0x1da: {  	vm0 =	vlt.s32 v0, v58  }
0x1db: {  	v61 =	vld [tilespmem:$0x1D0];
	v0 =	vsel vm0, v0, v58  }
0x1dc: {  	vm0 =	vlt.s32 v0, v59  }
0x1dd: {  	v62 =	vld [tilespmem:$0x1E0];
	v0 =	vsel vm0, v0, v59  }
0x1de: {  	vm0 =	vlt.s32 v0, v60  }
0x1df: {  	v63 =	vld [tilespmem:$0x1F0];
	v0 =	vsel vm0, v0, v60  }
0x1e0: {  	vm0 =	vlt.s32 v0, v61  }
0x1e1: {  	v0 =	vsel vm0, v0, v61  }
0x1e2: {  	vm0 =	vlt.s32 v0, v62  }
0x1e3: {  	v0 =	vsel vm0, v0, v62  }
0x1e4: {  	vm0 =	vlt.s32 v0, v63  }
0x1e5: {  	v0 =	vsel vm0, v0, v63  }
0x1e6: {  	(v2sf) =	vpush v0, $0x0  }
0x1e7: {  	(v2sf) =	vpush v0, $0x1;
	_ =	sdelay $0x1  }
0x1e8: {  	(v2sf) =	vpush v0, $0x2;
	_ =	sdelay $0x1  }
0x1e9: {  	(v2sf) =	vpush v0, $0x3;
	_ =	sdelay $0x1  }
0x1ea: {  	(v2sf) =	vpush v0, $0x4;
	_ =	sdelay $0x1  }
0x1eb: {  	(v2sf) =	vpush v0, $0x5;
	_ =	sdelay $0x1  }
0x1ec: {  	(v2sf) =	vpush v0, $0x6;
	_ =	sdelay $0x1  }
0x1ed: {  	(v2sf) =	vpush v0, $0x7;
	_ =	sdelay $0x1  }
0x1ee: {  	s0 =	spop (v2sf);
	(v2sf) =	vpush v0, $0x8  }
0x1ef: {  	s1 =	spop (v2sf)  }
0x1f0: {  	(v2sf) =	vpush v0, $0x9;
	p0 =	slt.s32 s0, s1  }
0x1f1: {  	s1 =	smov.u32 @p0 s0;
	s0 =	spop (v2sf)  }
0x1f2: {  	(v2sf) =	vpush v0, $0xA;
	p0 =	slt.s32 s1, s0  }
0x1f3: {  	s0 =	smov.u32 @p0 s1;
	s1 =	spop (v2sf)  }
0x1f4: {  	(v2sf) =	vpush v0, $0xB;
	p0 =	slt.s32 s0, s1  }
0x1f5: {  	s1 =	smov.u32 @p0 s0;
	s0 =	spop (v2sf)  }
0x1f6: {  	(v2sf) =	vpush v0, $0xC;
	p0 =	slt.s32 s1, s0  }
0x1f7: {  	s0 =	smov.u32 @p0 s1;
	s1 =	spop (v2sf)  }
0x1f8: {  	(v2sf) =	vpush v0, $0xD;
	p0 =	slt.s32 s0, s1  }
0x1f9: {  	s1 =	smov.u32 @p0 s0;
	s0 =	spop (v2sf)  }
0x1fa: {  	(v2sf) =	vpush v0, $0xE;
	p0 =	slt.s32 s1, s0  }
0x1fb: {  	s0 =	smov.u32 @p0 s1;
	s1 =	spop (v2sf)  }
0x1fc: {  	(v2sf) =	vpush v0, $0xF;
	p0 =	slt.s32 s0, s1  }
0x1fd: {  	s29 =	spop (v2sf);
	s1 =	smov.u32 @p0 s0  }
0x1fe: {  	p0 =	slt.s32 s1, s29  }
0x1ff: {  	s0 =	spop (v2sf);
	s29 =	smov.u32 @p0 s1  }
0x200: {  	p0 =	slt.s32 s29, s0  }
0x201: {  	s1 =	spop (v2sf);
	s0 =	smov.u32 @p0 s29  }
0x202: {  	p0 =	slt.s32 s0, s1  }
0x203: {  	s29 =	spop (v2sf);
	s1 =	smov.u32 @p0 s0  }
0x204: {  	p0 =	slt.s32 s1, s29  }
0x205: {  	s0 =	spop (v2sf);
	s29 =	smov.u32 @p0 s1  }
0x206: {  	p0 =	slt.s32 s29, s0  }
0x207: {  	s1 =	spop (v2sf);
	s0 =	smov.u32 @p0 s29  }
0x208: {  	p0 =	slt.s32 s0, s1  }
0x209: {  	s29 =	spop (v2sf);
	s1 =	smov.u32 @p0 s0  }
0x20a: {  	p0 =	slt.s32 s1, s29  }
0x20b: {  	s0 =	spop (v2sf);
	s29 =	smov.u32 @p0 s1  }
0x20c: {  	p0 =	slt.s32 s29, s0  }
0x20d: {  	s0 =	smov.u32 @p0 s29  }
0x20e: {  	p0 =	sne.s32 s0, $0x0  }
.Ltmp6:
0x20f: {  	_ = 	snop;
	(pc) =	sbr.rel @p0 .LBB2_9-.Ltmp6, $1  }
0x210: {  	_ =	sdelay $0x3  }
0x211: {  	s29 =	simm.s32 $0x0;
	s30 =	simm.s32 $0x0;
	s31 =	simm.s32 $0x0  }
.LBB2_8:
0x212: {  	s0 =	sand.u32 $0x200, s29  }
0x213: {  	s1 =	sand.u32 $0x70, s30;
	s0 =	sshrl.u32 s0, $0x2  }
0x214: {  	s0 =	sor.u32 s1, s0  }
0x215: {  	v0 =	vld [tilespmem:s0+$0x100];
	_ =	sdelay $0x4  }
0x216: {  	(v2sf) =	vpush v0, $0x0;
	_ =	sdelay $0x7  }
0x217: {  	(v2sf) =	vpush v0, $0x1;
	_ =	sdelay $0x6  }
0x218: {  	s1 =	spop (v2sf)  }
0x219: {  	(v2sf) =	vpush v0, $0x2;
	p1 =	sne.s32 s1, $0x0  }
0x21a: {  	s0 =	sshra.s32 @!p1 s31, $0x2;
	v1 =	vimm.f32 @!p1 $0.0e+00  }
0x21b: {  	[tilespmem:s0+$0x8200] =	vst @!p1 v1  }
0x21c: {  	[tilespmem:s0+$0x8210] =	vst @!p1 v1  }
0x21d: {  	[tilespmem:s0+$0x8220] =	vst @!p1 v1  }
0x21e: {  	[tilespmem:s0+$0x8230] =	vst @!p1 v1  }
0x21f: {  	[tilespmem:s0+$0x8240] =	vst @!p1 v1  }
0x220: {  	s1 =	spop (v2sf);
	[tilespmem:s0+$0x8250] =	vst @!p1 v1  }
0x221: {  	(v2sf) =	vpush v0, $0x3;
	p0 =	sne.s32 s1, $0x0;
	[tilespmem:s0+$0x8260] =	vst @!p1 v1  }
0x222: {  	[tilespmem:s0+$0x8270] =	vst @!p1 v1;
	s0 =	sshra.s32 @!p0 s31, $0x2;
	v1 =	vimm.f32 @!p0 $0.0e+00  }
0x223: {  	[tilespmem:s0+$0x8280] =	vst @!p0 v1  }
0x224: {  	[tilespmem:s0+$0x8290] =	vst @!p0 v1  }
0x225: {  	[tilespmem:s0+$0x82A0] =	vst @!p0 v1  }
0x226: {  	[tilespmem:s0+$0x82B0] =	vst @!p0 v1  }
0x227: {  	[tilespmem:s0+$0x82C0] =	vst @!p0 v1  }
0x228: {  	[tilespmem:s0+$0x82D0] =	vst @!p0 v1;
	s1 =	spop (v2sf)  }
0x229: {  	[tilespmem:s0+$0x82E0] =	vst @!p0 v1;
	(v2sf) =	vpush v0, $0x4;
	p1 =	sne.s32 s1, $0x0  }
0x22a: {  	[tilespmem:s0+$0x82F0] =	vst @!p0 v1;
	s0 =	sshra.s32 @!p1 s31, $0x2;
	v1 =	vimm.f32 @!p1 $0.0e+00  }
0x22b: {  	[tilespmem:s0+$0x8300] =	vst @!p1 v1  }
0x22c: {  	[tilespmem:s0+$0x8310] =	vst @!p1 v1  }
0x22d: {  	[tilespmem:s0+$0x8320] =	vst @!p1 v1  }
0x22e: {  	[tilespmem:s0+$0x8330] =	vst @!p1 v1  }
0x22f: {  	[tilespmem:s0+$0x8340] =	vst @!p1 v1  }
0x230: {  	s1 =	spop (v2sf);
	[tilespmem:s0+$0x8350] =	vst @!p1 v1  }
0x231: {  	(v2sf) =	vpush v0, $0x5;
	p0 =	sne.s32 s1, $0x0;
	[tilespmem:s0+$0x8360] =	vst @!p1 v1  }
0x232: {  	[tilespmem:s0+$0x8370] =	vst @!p1 v1;
	s0 =	sshra.s32 @!p0 s31, $0x2;
	v1 =	vimm.f32 @!p0 $0.0e+00  }
0x233: {  	[tilespmem:s0+$0x8380] =	vst @!p0 v1  }
0x234: {  	[tilespmem:s0+$0x8390] =	vst @!p0 v1  }
0x235: {  	[tilespmem:s0+$0x83A0] =	vst @!p0 v1  }
0x236: {  	[tilespmem:s0+$0x83B0] =	vst @!p0 v1  }
0x237: {  	[tilespmem:s0+$0x83C0] =	vst @!p0 v1  }
0x238: {  	[tilespmem:s0+$0x83D0] =	vst @!p0 v1;
	s1 =	spop (v2sf)  }
0x239: {  	[tilespmem:s0+$0x83E0] =	vst @!p0 v1;
	(v2sf) =	vpush v0, $0x6;
	p1 =	sne.s32 s1, $0x0  }
0x23a: {  	[tilespmem:s0+$0x83F0] =	vst @!p0 v1;
	s0 =	sshra.s32 @!p1 s31, $0x2;
	v1 =	vimm.f32 @!p1 $0.0e+00  }
0x23b: {  	[tilespmem:s0+$0x8400] =	vst @!p1 v1  }
0x23c: {  	[tilespmem:s0+$0x8410] =	vst @!p1 v1  }
0x23d: {  	[tilespmem:s0+$0x8420] =	vst @!p1 v1  }
0x23e: {  	[tilespmem:s0+$0x8430] =	vst @!p1 v1  }
0x23f: {  	[tilespmem:s0+$0x8440] =	vst @!p1 v1  }
0x240: {  	s1 =	spop (v2sf);
	[tilespmem:s0+$0x8450] =	vst @!p1 v1  }
0x241: {  	(v2sf) =	vpush v0, $0x7;
	p0 =	sne.s32 s1, $0x0;
	[tilespmem:s0+$0x8460] =	vst @!p1 v1  }
0x242: {  	[tilespmem:s0+$0x8470] =	vst @!p1 v1;
	s0 =	sshra.s32 @!p0 s31, $0x2;
	v1 =	vimm.f32 @!p0 $0.0e+00  }
0x243: {  	[tilespmem:s0+$0x8480] =	vst @!p0 v1  }
0x244: {  	[tilespmem:s0+$0x8490] =	vst @!p0 v1  }
0x245: {  	[tilespmem:s0+$0x84A0] =	vst @!p0 v1  }
0x246: {  	[tilespmem:s0+$0x84B0] =	vst @!p0 v1  }
0x247: {  	[tilespmem:s0+$0x84C0] =	vst @!p0 v1  }
0x248: {  	[tilespmem:s0+$0x84D0] =	vst @!p0 v1;
	s1 =	spop (v2sf)  }
0x249: {  	[tilespmem:s0+$0x84E0] =	vst @!p0 v1;
	(v2sf) =	vpush v0, $0x8;
	p1 =	sne.s32 s1, $0x0  }
0x24a: {  	[tilespmem:s0+$0x84F0] =	vst @!p0 v1;
	s0 =	sshra.s32 @!p1 s31, $0x2;
	v1 =	vimm.f32 @!p1 $0.0e+00  }
0x24b: {  	[tilespmem:s0+$0x8500] =	vst @!p1 v1  }
0x24c: {  	[tilespmem:s0+$0x8510] =	vst @!p1 v1  }
0x24d: {  	[tilespmem:s0+$0x8520] =	vst @!p1 v1  }
0x24e: {  	[tilespmem:s0+$0x8530] =	vst @!p1 v1  }
0x24f: {  	[tilespmem:s0+$0x8540] =	vst @!p1 v1  }
0x250: {  	s1 =	spop (v2sf);
	[tilespmem:s0+$0x8550] =	vst @!p1 v1  }
0x251: {  	(v2sf) =	vpush v0, $0x9;
	p0 =	sne.s32 s1, $0x0;
	[tilespmem:s0+$0x8560] =	vst @!p1 v1  }
0x252: {  	[tilespmem:s0+$0x8570] =	vst @!p1 v1;
	s0 =	sshra.s32 @!p0 s31, $0x2;
	v1 =	vimm.f32 @!p0 $0.0e+00  }
0x253: {  	[tilespmem:s0+$0x8580] =	vst @!p0 v1  }
0x254: {  	[tilespmem:s0+$0x8590] =	vst @!p0 v1  }
0x255: {  	[tilespmem:s0+$0x85A0] =	vst @!p0 v1  }
0x256: {  	[tilespmem:s0+$0x85B0] =	vst @!p0 v1  }
0x257: {  	[tilespmem:s0+$0x85C0] =	vst @!p0 v1  }
0x258: {  	[tilespmem:s0+$0x85D0] =	vst @!p0 v1;
	s1 =	spop (v2sf)  }
0x259: {  	[tilespmem:s0+$0x85E0] =	vst @!p0 v1;
	(v2sf) =	vpush v0, $0xA;
	p1 =	sne.s32 s1, $0x0  }
0x25a: {  	[tilespmem:s0+$0x85F0] =	vst @!p0 v1;
	s0 =	sshra.s32 @!p1 s31, $0x2;
	v1 =	vimm.f32 @!p1 $0.0e+00  }
0x25b: {  	[tilespmem:s0+$0x8600] =	vst @!p1 v1  }
0x25c: {  	[tilespmem:s0+$0x8610] =	vst @!p1 v1  }
0x25d: {  	[tilespmem:s0+$0x8620] =	vst @!p1 v1  }
0x25e: {  	[tilespmem:s0+$0x8630] =	vst @!p1 v1  }
0x25f: {  	[tilespmem:s0+$0x8640] =	vst @!p1 v1  }
0x260: {  	s1 =	spop (v2sf);
	[tilespmem:s0+$0x8650] =	vst @!p1 v1  }
0x261: {  	(v2sf) =	vpush v0, $0xB;
	p0 =	sne.s32 s1, $0x0;
	[tilespmem:s0+$0x8660] =	vst @!p1 v1  }
0x262: {  	[tilespmem:s0+$0x8670] =	vst @!p1 v1;
	s0 =	sshra.s32 @!p0 s31, $0x2;
	v1 =	vimm.f32 @!p0 $0.0e+00  }
0x263: {  	[tilespmem:s0+$0x8680] =	vst @!p0 v1  }
0x264: {  	[tilespmem:s0+$0x8690] =	vst @!p0 v1  }
0x265: {  	[tilespmem:s0+$0x86A0] =	vst @!p0 v1  }
0x266: {  	[tilespmem:s0+$0x86B0] =	vst @!p0 v1  }
0x267: {  	[tilespmem:s0+$0x86C0] =	vst @!p0 v1  }
0x268: {  	[tilespmem:s0+$0x86D0] =	vst @!p0 v1;
	s1 =	spop (v2sf)  }
0x269: {  	[tilespmem:s0+$0x86E0] =	vst @!p0 v1;
	(v2sf) =	vpush v0, $0xC;
	p1 =	sne.s32 s1, $0x0  }
0x26a: {  	[tilespmem:s0+$0x86F0] =	vst @!p0 v1;
	s0 =	sshra.s32 @!p1 s31, $0x2;
	v1 =	vimm.f32 @!p1 $0.0e+00  }
0x26b: {  	[tilespmem:s0+$0x8700] =	vst @!p1 v1  }
0x26c: {  	[tilespmem:s0+$0x8710] =	vst @!p1 v1  }
0x26d: {  	[tilespmem:s0+$0x8720] =	vst @!p1 v1  }
0x26e: {  	[tilespmem:s0+$0x8730] =	vst @!p1 v1  }
0x26f: {  	[tilespmem:s0+$0x8740] =	vst @!p1 v1  }
0x270: {  	s1 =	spop (v2sf);
	[tilespmem:s0+$0x8750] =	vst @!p1 v1  }
0x271: {  	(v2sf) =	vpush v0, $0xD;
	p0 =	sne.s32 s1, $0x0;
	[tilespmem:s0+$0x8760] =	vst @!p1 v1  }
0x272: {  	[tilespmem:s0+$0x8770] =	vst @!p1 v1;
	s0 =	sshra.s32 @!p0 s31, $0x2;
	v1 =	vimm.f32 @!p0 $0.0e+00  }
0x273: {  	[tilespmem:s0+$0x8780] =	vst @!p0 v1  }
0x274: {  	[tilespmem:s0+$0x8790] =	vst @!p0 v1  }
0x275: {  	[tilespmem:s0+$0x87A0] =	vst @!p0 v1  }
0x276: {  	[tilespmem:s0+$0x87B0] =	vst @!p0 v1  }
0x277: {  	[tilespmem:s0+$0x87C0] =	vst @!p0 v1  }
0x278: {  	[tilespmem:s0+$0x87D0] =	vst @!p0 v1;
	s1 =	spop (v2sf)  }
0x279: {  	[tilespmem:s0+$0x87E0] =	vst @!p0 v1;
	(v2sf) =	vpush v0, $0xE;
	p1 =	sne.s32 s1, $0x0  }
0x27a: {  	[tilespmem:s0+$0x87F0] =	vst @!p0 v1;
	s0 =	sshra.s32 @!p1 s31, $0x2;
	v1 =	vimm.f32 @!p1 $0.0e+00  }
0x27b: {  	[tilespmem:s0+$0x8800] =	vst @!p1 v1  }
0x27c: {  	[tilespmem:s0+$0x8810] =	vst @!p1 v1  }
0x27d: {  	[tilespmem:s0+$0x8820] =	vst @!p1 v1  }
0x27e: {  	[tilespmem:s0+$0x8830] =	vst @!p1 v1  }
0x27f: {  	[tilespmem:s0+$0x8840] =	vst @!p1 v1  }
0x280: {  	s1 =	spop (v2sf);
	[tilespmem:s0+$0x8850] =	vst @!p1 v1  }
0x281: {  	(v2sf) =	vpush v0, $0xF;
	p0 =	sne.s32 s1, $0x0;
	[tilespmem:s0+$0x8860] =	vst @!p1 v1  }
0x282: {  	[tilespmem:s0+$0x8870] =	vst @!p1 v1;
	s0 =	sshra.s32 @!p0 s31, $0x2;
	v0 =	vimm.f32 @!p0 $0.0e+00  }
0x283: {  	[tilespmem:s0+$0x8880] =	vst @!p0 v0  }
0x284: {  	[tilespmem:s0+$0x8890] =	vst @!p0 v0  }
0x285: {  	[tilespmem:s0+$0x88A0] =	vst @!p0 v0  }
0x286: {  	[tilespmem:s0+$0x88B0] =	vst @!p0 v0  }
0x287: {  	[tilespmem:s0+$0x88C0] =	vst @!p0 v0  }
0x288: {  	[tilespmem:s0+$0x88D0] =	vst @!p0 v0;
	s1 =	spop (v2sf)  }
0x289: {  	[tilespmem:s0+$0x88E0] =	vst @!p0 v0;
	p1 =	sne.s32 s1, $0x0  }
0x28a: {  	[tilespmem:s0+$0x88F0] =	vst @!p0 v0;
	s0 =	sshra.s32 @!p1 s31, $0x2;
	v0 =	vimm.f32 @!p1 $0.0e+00  }
0x28b: {  	[tilespmem:s0+$0x8900] =	vst @!p1 v0  }
0x28c: {  	[tilespmem:s0+$0x8910] =	vst @!p1 v0  }
0x28d: {  	[tilespmem:s0+$0x8920] =	vst @!p1 v0  }
0x28e: {  	[tilespmem:s0+$0x8930] =	vst @!p1 v0  }
0x28f: {  	[tilespmem:s0+$0x8940] =	vst @!p1 v0  }
0x290: {  	s1 =	spop (v2sf);
	[tilespmem:s0+$0x8950] =	vst @!p1 v0  }
0x291: {  	p0 =	sne.s32 s1, $0x0;
	[tilespmem:s0+$0x8960] =	vst @!p1 v0  }
0x292: {  	[tilespmem:s0+$0x8970] =	vst @!p1 v0;
	s0 =	sshra.s32 @!p0 s31, $0x2;
	v0 =	vimm.f32 @!p0 $0.0e+00  }
0x293: {  	[tilespmem:s0+$0x8980] =	vst @!p0 v0  }
0x294: {  	s31 =	sadd.s32 $0x2000, s31;
	[tilespmem:s0+$0x8990] =	vst @!p0 v0  }
0x295: {  	[tilespmem:s0+$0x89A0] =	vst @!p0 v0;
	p1 =	sne.s32 s31, $0x20000  }
.Ltmp7:
0x296: {  	[tilespmem:s0+$0x89B0] =	vst @!p0 v0;
	(pc) =	sbr.rel @p1 .LBB2_8-.Ltmp7, $4  }
0x297: {  	[tilespmem:s0+$0x89C0] =	vst @!p0 v0  }
0x298: {  	[tilespmem:s0+$0x89D0] =	vst @!p0 v0  }
0x299: {  	[tilespmem:s0+$0x89E0] =	vst @!p0 v0  }
0x29a: {  	s30 =	sadd.s32 $0x10, s30;
	s29 =	sadd.s32 $0x40, s29;
	[tilespmem:s0+$0x89F0] =	vst @!p0 v0  }
.Ltmp8:
0x29b: {  	_ = 	snop;
	(pc) =	sbr.rel .LBB2_9-.Ltmp8, $1  }
0x29c: {  	_ =	sdelay $0x3  }
.LBB2_11:
0x29d: {  	_ =	sfence.sel $0x180000  }
0x29e: {  	[bflag:$0x0] =	sbarrier.arrive $0xFFFF  }
0x29f: {  	_ =	strace $0x90000047  }
0x2a0: {  	s0 =	stileid.u32;
	[bflag:$0x2] =	sbarrier.arrive $0xFFFF  }
0x2a1: {  	p0 =	sne.s32 s0, $0x0;
	s0 =	rddreg [dreg:$0x3]  }
0x2a2: {  	s0 =	sadd.s32 @!p0 $0x100000, s0  }
0x2a3: {  	[sflag:s0] =	ssyncadd.tile.s32 @!p0 $0x1;
	_ =	shalt  }
.Lfunc_end2:
_tile_overlayer_lowered:
.L_overlay_start_2:
0x2a4: {  	(tag) =	ssettag $0x2  }
0x2a5: {  	s0 =	rddreg [dreg:$0x0];
	s2 =	stileid.u32  }
0x2a6: {  	s1 =	rddreg [dreg:$0x1];
	p0 =	sne.s32 s2, $0x0  }
0x2a7: {  	s3 =	rddreg [dreg:$0x2];
	[bflag:$0x3] =	sbarrier.arrive $0xFFFF;
	s2 =	simm.s32 @!p0 $0x1C05  }
0x2a8: {  	[timem:s3], [sflag:s2] =	dma.local @!p0 [hbm:s0], s1  }
0x2a9: {  	s0 =	simm.s32 @!p0 $0x5  }
0x2aa: {  	_ =	swait.ge @!p0 [sflag:s0], s1  }
0x2ab: {  	s1 =	ssub.s32 @!p0 $0x0, s1;
	[sflag:s0] =	ssyncset.done @!p0 $0x0  }
0x2ac: {  	[sflag:s0] =	ssyncadd.s32 @!p0 s1  }
0x2ad: {  	[bflag:$0x3] =	sbarrier.arrive $0xFFFF  }
0x2ae: {  	_ =	shalt  }

</sc_bundles>
